<compile_context>
chip_gen: v7x
topology: tpu7x:2x2x1
jax: 0.10.2.dev20260603
libtpu: 0.0.44.dev20260713+nightly
codegen_flags: <defaults>
</compile_context>

<pallas_src>
import functools

import jax
import jax.numpy as jnp
from jax import lax
from jax.experimental import pallas as pl
from jax.experimental.pallas import tpu as pltpu
from jax.experimental.pallas import tpu_sc as plsc

_NC = 2
_NS = 16
_NBUF = 2


def _sc_body(n_runs, topk, cb, sbs, kv_dim, rope_dim, ftab_cols, stab_cols,
             topk_hbm, ftab_hbm, stab_hbm, seq_hbm, kv_hbm, rope_hbm,
             out_rope, out_kv,
             topk_v, ftab_v, stab_v, seq_v, buf_kv, buf_rope,
             skv_b, srope_b, zkv_v, zrope_v, sem_i, sem_o):
    nw = _NC * _NS
    runs_per_w = n_runs // nw
    wid = lax.axis_index("s") * _NC + lax.axis_index("c")

    skv = [skv_b.at[pl.ds(i * sbs, sbs), :] for i in range(_NBUF)]
    srope = [srope_b.at[pl.ds(i * sbs, sbs), :] for i in range(_NBUF)]
    sem_in = [sem_i.at[i] for i in range(_NBUF)]
    sem_out = [sem_o.at[i] for i in range(_NBUF)]

    stage = [(topk_hbm, topk_v), (ftab_hbm, ftab_v), (stab_hbm, stab_v),
             (seq_hbm, seq_v)]
    for src_ref, dst_ref in stage:
        pltpu.async_copy(src_ref, dst_ref.at[pl.ds(0, src_ref.shape[0])],
                         sem_i.at[_NBUF])
    for src_ref, dst_ref in stage:
        pltpu.make_async_copy(src_ref,
                              dst_ref.at[pl.ds(0, src_ref.shape[0])],
                              sem_i.at[_NBUF]).wait()

    runs_per_cb = cb // sbs
    runs = []

    for k in range(runs_per_w):
        r = k * nw + wid
        b = r // topk
        t = r % topk
        idx = topk_v[pl.ds(r, 16)][0]
        src_blk = ftab_v[pl.ds(b * ftab_cols + idx // runs_per_cb, 16)][0]
        src = src_blk * cb + (idx % runs_per_cb) * sbs
        dst_blk = stab_v[pl.ds(b * stab_cols + t // runs_per_cb, 16)][0]
        dst = dst_blk * cb + (t % runs_per_cb) * sbs
        nv = jnp.clip(seq_v[pl.ds(b, 16)][0] - idx * sbs, 0, sbs)
        runs.append((src, dst, nv))

    def issue_in(k):
        src, dst, nv = runs[k]
        p = k % _NBUF

        @pl.when(nv > 0)
        def _():
            pltpu.async_copy(kv_hbm.at[pl.ds(src, sbs), :], skv[p], sem_in[p])
            pltpu.async_copy(rope_hbm.at[pl.ds(src, sbs), :], srope[p],
                             sem_in[p])

    def wait_in(k):
        src, dst, nv = runs[k]
        p = k % _NBUF

        @pl.when(nv > 0)
        def _():
            pltpu.make_async_copy(kv_hbm.at[pl.ds(0, sbs), :], skv[p],
                                  sem_in[p]).wait()
            pltpu.make_async_copy(rope_hbm.at[pl.ds(0, sbs), :], srope[p],
                                  sem_in[p]).wait()

    def issue_out(k):
        src, dst, nv = runs[k]
        p = k % _NBUF

        @pl.when(nv > 0)
        def _():
            pltpu.async_copy(skv[p], out_kv.at[pl.ds(dst, sbs), :],
                             sem_out[p])
            pltpu.async_copy(srope[p], out_rope.at[pl.ds(dst, sbs), :],
                             sem_out[p])

        @pl.when(nv <= 0)
        def _():
            pltpu.async_copy(zkv_v, out_kv.at[pl.ds(dst, sbs), :], sem_out[p])
            pltpu.async_copy(zrope_v, out_rope.at[pl.ds(dst, sbs), :],
                             sem_out[p])

    def wait_out(k):
        src, dst, nv = runs[k]
        p = k % _NBUF
        pltpu.make_async_copy(zkv_v, out_kv.at[pl.ds(dst, sbs), :],
                              sem_out[p]).wait()
        pltpu.make_async_copy(zrope_v, out_rope.at[pl.ds(dst, sbs), :],
                              sem_out[p]).wait()

    for k in range(min(_NBUF, runs_per_w)):
        issue_in(k)

    zeros16 = jnp.zeros((16,), jnp.float32)

    def zbody(j, carry):
        for c in range(kv_dim // 16):
            zkv_v[j, pl.ds(c * 16, 16)] = zeros16
        for c in range(rope_dim // 16):
            zrope_v[j, pl.ds(c * 16, 16)] = zeros16
        return carry

    lax.fori_loop(0, sbs, zbody, 0)

    def fixup(k):
        src, dst, nv = runs[k]

        @pl.when((nv > 0) & (nv < sbs))
        def _():
            nv8 = (nv // 8) * 8
            s = nv - nv8
            zstart = nv8 + jnp.where(s > 0, 8, 0)

            zlen = sbs - zstart
            off = zstart
            c = sbs // 2
            while c >= 8:
                bit = (zlen // c) % 2
                cc = c

                @pl.when(bit == 1)
                def _():
                    pltpu.sync_copy(zkv_v.at[pl.ds(0, cc), :],
                                    out_kv.at[pl.ds(dst + off, cc), :])
                    pltpu.sync_copy(zrope_v.at[pl.ds(0, cc), :],
                                    out_rope.at[pl.ds(dst + off, cc), :])

                off = off + bit * c
                c //= 2

            @pl.when(s > 0)
            def _():
                pltpu.sync_copy(kv_hbm.at[pl.ds(src + nv8, 8), :], buf_kv)
                pltpu.sync_copy(rope_hbm.at[pl.ds(src + nv8, 8), :], buf_rope)

                def zrow(j, carry):
                    for c in range(kv_dim // 16):
                        buf_kv[j, pl.ds(c * 16, 16)] = zeros16
                    for c in range(rope_dim // 16):
                        buf_rope[j, pl.ds(c * 16, 16)] = zeros16
                    return carry

                lax.fori_loop(s, 8, zrow, 0)
                pltpu.sync_copy(buf_kv, out_kv.at[pl.ds(dst + nv8, 8), :])
                pltpu.sync_copy(buf_rope, out_rope.at[pl.ds(dst + nv8, 8), :])

    for k in range(runs_per_w):
        wait_in(k)
        issue_out(k)
        j = k + 1
        if j < runs_per_w and j >= _NBUF:
            wait_out(j - _NBUF)
            issue_in(j)
            fixup(j - _NBUF)
    for k in range(max(0, runs_per_w - _NBUF), runs_per_w):
        wait_out(k)
        fixup(k)


def kernel(selection_k_rope, selection_kv_cache, selection_kv_block_table,
           selection_kv_block_status, selection_topk_indices, full_k_rope,
           full_kv_cache, full_kv_block_table, full_kv_actual_seq,
           full_q_actual_seq, selection_topk_block_size):
    B, TOPK = selection_topk_indices.shape
    NFB, CB, KV_DIM = full_kv_cache.shape
    ROPE = full_k_rope.shape[-1]
    NSB = selection_kv_cache.shape[0]
    SBS = (NSB // B) * CB // TOPK
    N_RUNS = B * TOPK

    kv_flat = full_kv_cache.reshape(NFB * CB, KV_DIM)
    rope_flat = full_k_rope.reshape(NFB * CB, ROPE)
    topk_flat = selection_topk_indices.reshape(-1).astype(jnp.int32)
    ftab_flat = full_kv_block_table.reshape(-1).astype(jnp.int32)
    stab_flat = selection_kv_block_table.reshape(-1).astype(jnp.int32)
    seq = full_kv_actual_seq.reshape(-1).astype(jnp.int32)

    mesh = plsc.VectorSubcoreMesh(core_axis_name="c", subcore_axis_name="s",
                                  num_cores=_NC, num_subcores=_NS)
    body = functools.partial(_sc_body, N_RUNS, TOPK, CB, SBS, KV_DIM, ROPE,
                             full_kv_block_table.shape[1],
                             selection_kv_block_table.shape[1])
    pad16 = lambda n: (n + 16 + 7) // 8 * 8
    out_rope, out_kv = pl.kernel(
        body,
        out_type=[
            jax.ShapeDtypeStruct((NSB * CB, ROPE), jnp.float32),
            jax.ShapeDtypeStruct((NSB * CB, KV_DIM), jnp.float32),
        ],
        mesh=mesh,
        scratch_types=[
            pltpu.VMEM((pad16(topk_flat.shape[0]),), jnp.int32),
            pltpu.VMEM((pad16(ftab_flat.shape[0]),), jnp.int32),
            pltpu.VMEM((pad16(stab_flat.shape[0]),), jnp.int32),
            pltpu.VMEM((pad16(seq.shape[0]),), jnp.int32),
            pltpu.VMEM((8, KV_DIM), jnp.float32),
            pltpu.VMEM((8, ROPE), jnp.float32),
            pltpu.VMEM((_NBUF * SBS, KV_DIM), jnp.float32),
            pltpu.VMEM((_NBUF * SBS, ROPE), jnp.float32),
            pltpu.VMEM((SBS, KV_DIM), jnp.float32),
            pltpu.VMEM((SBS, ROPE), jnp.float32),
            pltpu.SemaphoreType.DMA((_NBUF + 1,)),
            pltpu.SemaphoreType.DMA((_NBUF,)),
        ],
    )(topk_flat, ftab_flat, stab_flat, seq, kv_flat, rope_flat)

    return (out_rope.reshape(NSB, CB, ROPE), out_kv.reshape(NSB, CB, KV_DIM))

# --- scband reference (transcript-rebuilt; emitter-appended) ---
"""Pipeline reference for scband-net-87823491269255 (READ-ONLY COPY).

The authoritative reference and input builder live on the scoring server;
editing this copy changes nothing except your own understanding.
"""

import jax, jax.numpy as jnp
import numpy as np


def setup_inputs(seed: int = 0) -> dict:
    key = jax.random.key(seed)
    ks = jax.random.split(key, 4)
    B = 8; KV_LEN = 4096; CB = 128; KV_DIM = 512; ROPE = 64; TOPK = 16; SEL_BS = 64
    NFB = B * (KV_LEN // CB)            # 256 full cache blocks
    SEL_TOK = TOPK * SEL_BS             # 1024 selected tokens per seq
    NSBPS = SEL_TOK // CB               # 8 selection blocks per seq
    NSB = B * NSBPS                     # 64 selection cache blocks
    return {
        "selection_k_rope": jnp.zeros((NSB, CB, ROPE), jnp.float32),
        "selection_kv_cache": jnp.zeros((NSB, CB, KV_DIM), jnp.float32),
        "selection_kv_block_table": jnp.arange(B * NSBPS, dtype=jnp.int32).reshape(B, NSBPS),
        "selection_kv_block_status": jnp.zeros((B,), jnp.int32),
        "selection_topk_indices": jnp.sort(jax.random.randint(ks[0], (B, TOPK), 0, KV_LEN // SEL_BS, dtype=jnp.int32), axis=-1),
        "full_k_rope": jax.random.normal(ks[1], (NFB, CB, ROPE), jnp.float32),
        "full_kv_cache": jax.random.normal(ks[2], (NFB, CB, KV_DIM), jnp.float32),
        "full_kv_block_table": jnp.arange(B * (KV_LEN // CB), dtype=jnp.int32).reshape(B, KV_LEN // CB),
        "full_kv_actual_seq": jax.random.randint(ks[3], (B,), 0, KV_LEN, dtype=jnp.int32),
        "full_q_actual_seq": jnp.ones((B,), jnp.int32),
        "selection_topk_block_size": 64,
    }


def reference(selection_k_rope, selection_kv_cache, selection_kv_block_table,
              selection_kv_block_status, selection_topk_indices, full_k_rope,
              full_kv_cache, full_kv_block_table, full_kv_actual_seq,
              full_q_actual_seq, selection_topk_block_size):
    B, TOPK = selection_topk_indices.shape
    NFB, CB, KV_DIM = full_kv_cache.shape
    ROPE = full_k_rope.shape[-1]
    SBS = (selection_kv_cache.shape[0] // B) * CB // TOPK
    sbs_val = jnp.asarray(selection_topk_block_size, jnp.int32)
    T = TOPK * SBS
    # source token positions (per sequence) of the selected token-blocks
    pos = (selection_topk_indices.astype(jnp.int32)[:, :, None] * sbs_val
           + jnp.arange(SBS, dtype=jnp.int32)[None, None, :]).reshape(B, T)
    valid = pos < full_kv_actual_seq[:, None]
    pos_c = jnp.clip(pos, 0, full_kv_block_table.shape[1] * CB - 1)
    # paged lookup into the full KV cache
    src_blk = jnp.take_along_axis(full_kv_block_table, pos_c // CB, axis=1)
    src_row = src_blk.astype(jnp.int32) * CB + (pos_c % CB)
    kv_flat = full_kv_cache.reshape(NFB * CB, KV_DIM)
    rope_flat = full_k_rope.reshape(NFB * CB, ROPE)
    g_kv = jnp.take(kv_flat, src_row.reshape(-1), axis=0).reshape(B, T, KV_DIM)
    g_rope = jnp.take(rope_flat, src_row.reshape(-1), axis=0).reshape(B, T, ROPE)
    g_kv = jnp.where(valid[..., None], g_kv, 0.0)
    g_rope = jnp.where(valid[..., None], g_rope, 0.0)
    # destination: contiguous positions in the selection cache pages
    d = jnp.arange(T, dtype=jnp.int32)
    dst_blk = jnp.take_along_axis(selection_kv_block_table,
                                  jnp.broadcast_to(d[None, :] // CB, (B, T)), axis=1)
    dst_row = (dst_blk.astype(jnp.int32) * CB + (d[None, :] % CB)).reshape(-1)
    NSB = selection_kv_cache.shape[0]
    new_kv = selection_kv_cache.reshape(NSB * CB, KV_DIM).at[dst_row].set(
        g_kv.reshape(-1, KV_DIM)).reshape(NSB, CB, KV_DIM)
    new_rope = selection_k_rope.reshape(NSB * CB, ROPE).at[dst_row].set(
        g_rope.reshape(-1, ROPE)).reshape(NSB, CB, ROPE)
    return (new_rope, new_kv)

if __name__ == "__main__":
    import jax
    _d = setup_inputs()
    print(jax.jit(kernel)(*tuple(_d.values())))

</pallas_src>

<mosaic_0001>
#map = affine_map<(d0, d1) -> (0)>
#map1 = affine_map<(d0, d1) -> (0, 0)>
module attributes {stable_mosaic.version = 14 : i64} {
  func.func @_sc_body(%arg0: i32, %arg1: i32, %arg2: memref<128xi32, #tpu.memory_space<hbm>>, %arg3: memref<256xi32, #tpu.memory_space<hbm>>, %arg4: memref<64xi32, #tpu.memory_space<hbm>>, %arg5: memref<8xi32, #tpu.memory_space<hbm>>, %arg6: memref<32768x512xf32, #tpu.memory_space<hbm>>, %arg7: memref<32768x64xf32, #tpu.memory_space<hbm>>, %arg8: memref<8192x64xf32, #tpu.memory_space<hbm>>, %arg9: memref<8192x512xf32, #tpu.memory_space<hbm>>, %arg10: memref<144xi32, #tpu.memory_space<vmem>>, %arg11: memref<272xi32, #tpu.memory_space<vmem>>, %arg12: memref<80xi32, #tpu.memory_space<vmem>>, %arg13: memref<24xi32, #tpu.memory_space<vmem>>, %arg14: memref<8x512xf32, #tpu.memory_space<vmem>>, %arg15: memref<8x64xf32, #tpu.memory_space<vmem>>, %arg16: memref<128x512xf32, #tpu.memory_space<vmem>>, %arg17: memref<128x64xf32, #tpu.memory_space<vmem>>, %arg18: memref<64x512xf32, #tpu.memory_space<vmem>>, %arg19: memref<64x64xf32, #tpu.memory_space<vmem>>, %arg20: memref<3x!tpu.dma_semaphore, #tpu.memory_space<semaphore_mem>>, %arg21: memref<2x!tpu.dma_semaphore, #tpu.memory_space<semaphore_mem>>) attributes {dimension_semantics = [#tpu.dimension_semantics<core_parallel>, #tpu.dimension_semantics<subcore_parallel>], iteration_bounds = array<i64: 2, 16>, scalar_prefetch = 0 : i64, scratch_operands = 12 : i64, tpu.core_type = #tpu.core_type<sc_vector_subcore>, window_params = [{transform_indices = #map}, {transform_indices = #map}, {transform_indices = #map}, {transform_indices = #map}, {transform_indices = #map1}, {transform_indices = #map1}, {transform_indices = #map1}, {transform_indices = #map1}]} {
    %mul3A = arith.constant 2 : i32
    %mul3A_0 = arith.muli %arg1, %mul3A : i32
    %add3A = arith.addi %mul3A_0, %arg0 : i32
    %dma_start3A = arith.constant 2 : i32
    %dma_start3A_1 = arith.constant 0 : i32
    %dma_start3A_2 = tpu.memref_slice %arg10[%dma_start3A_1] : memref<144xi32, #tpu.memory_space<vmem>> -> memref<128xi32, #tpu.memory_space<vmem>>
    %dma_start3A_3 = tpu.memref_slice %arg20[%dma_start3A] : memref<3x!tpu.dma_semaphore, #tpu.memory_space<semaphore_mem>> -> memref<1x!tpu.dma_semaphore, #tpu.memory_space<semaphore_mem>>
    %dma_start3A_4 = tpu.memref_squeeze %dma_start3A_3 : memref<1x!tpu.dma_semaphore, #tpu.memory_space<semaphore_mem>> -> memref<!tpu.dma_semaphore, #tpu.memory_space<semaphore_mem>>
    %dma_start3A_5 = arith.constant 0 : i32
    %dma_start3A_6 = tpu.memref_slice %arg10[%dma_start3A_5] : memref<144xi32, #tpu.memory_space<vmem>> -> memref<128xi32, #tpu.memory_space<vmem>>
    tpu.enqueue_dma source(%arg2 : memref<128xi32, #tpu.memory_space<hbm>>) target(%dma_start3A_6 : memref<128xi32, #tpu.memory_space<vmem>>) target_semaphore(%dma_start3A_4 : memref<!tpu.dma_semaphore, #tpu.memory_space<semaphore_mem>>)
    %dma_start3A_7 = arith.constant 2 : i32
    %dma_start3A_8 = arith.constant 0 : i32
    %dma_start3A_9 = tpu.memref_slice %arg11[%dma_start3A_8] : memref<272xi32, #tpu.memory_space<vmem>> -> memref<256xi32, #tpu.memory_space<vmem>>
    %dma_start3A_10 = tpu.memref_slice %arg20[%dma_start3A_7] : memref<3x!tpu.dma_semaphore, #tpu.memory_space<semaphore_mem>> -> memref<1x!tpu.dma_semaphore, #tpu.memory_space<semaphore_mem>>
    %dma_start3A_11 = tpu.memref_squeeze %dma_start3A_10 : memref<1x!tpu.dma_semaphore, #tpu.memory_space<semaphore_mem>> -> memref<!tpu.dma_semaphore, #tpu.memory_space<semaphore_mem>>
    %dma_start3A_12 = arith.constant 0 : i32
    %dma_start3A_13 = tpu.memref_slice %arg11[%dma_start3A_12] : memref<272xi32, #tpu.memory_space<vmem>> -> memref<256xi32, #tpu.memory_space<vmem>>
    tpu.enqueue_dma source(%arg3 : memref<256xi32, #tpu.memory_space<hbm>>) target(%dma_start3A_13 : memref<256xi32, #tpu.memory_space<vmem>>) target_semaphore(%dma_start3A_11 : memref<!tpu.dma_semaphore, #tpu.memory_space<semaphore_mem>>)
    %dma_start3A_14 = arith.constant 2 : i32
    %dma_start3A_15 = arith.constant 0 : i32
    %dma_start3A_16 = tpu.memref_slice %arg12[%dma_start3A_15] : memref<80xi32, #tpu.memory_space<vmem>> -> memref<64xi32, #tpu.memory_space<vmem>>
    %dma_start3A_17 = tpu.memref_slice %arg20[%dma_start3A_14] : memref<3x!tpu.dma_semaphore, #tpu.memory_space<semaphore_mem>> -> memref<1x!tpu.dma_semaphore, #tpu.memory_space<semaphore_mem>>
    %dma_start3A_18 = tpu.memref_squeeze %dma_start3A_17 : memref<1x!tpu.dma_semaphore, #tpu.memory_space<semaphore_mem>> -> memref<!tpu.dma_semaphore, #tpu.memory_space<semaphore_mem>>
    %dma_start3A_19 = arith.constant 0 : i32
    %dma_start3A_20 = tpu.memref_slice %arg12[%dma_start3A_19] : memref<80xi32, #tpu.memory_space<vmem>> -> memref<64xi32, #tpu.memory_space<vmem>>
    tpu.enqueue_dma source(%arg4 : memref<64xi32, #tpu.memory_space<hbm>>) target(%dma_start3A_20 : memref<64xi32, #tpu.memory_space<vmem>>) target_semaphore(%dma_start3A_18 : memref<!tpu.dma_semaphore, #tpu.memory_space<semaphore_mem>>)
    %dma_start3A_21 = arith.constant 2 : i32
    %dma_start3A_22 = arith.constant 0 : i32
    %dma_start3A_23 = tpu.memref_slice %arg13[%dma_start3A_22] : memref<24xi32, #tpu.memory_space<vmem>> -> memref<8xi32, #tpu.memory_space<vmem>>
    %dma_start3A_24 = tpu.memref_slice %arg20[%dma_start3A_21] : memref<3x!tpu.dma_semaphore, #tpu.memory_space<semaphore_mem>> -> memref<1x!tpu.dma_semaphore, #tpu.memory_space<semaphore_mem>>
    %dma_start3A_25 = tpu.memref_squeeze %dma_start3A_24 : memref<1x!tpu.dma_semaphore, #tpu.memory_space<semaphore_mem>> -> memref<!tpu.dma_semaphore, #tpu.memory_space<semaphore_mem>>
    %dma_start3A_26 = arith.constant 0 : i32
    %dma_start3A_27 = tpu.memref_slice %arg13[%dma_start3A_26] : memref<24xi32, #tpu.memory_space<vmem>> -> memref<8xi32, #tpu.memory_space<vmem>>
    tpu.enqueue_dma source(%arg5 : memref<8xi32, #tpu.memory_space<hbm>>) target(%dma_start3A_27 : memref<8xi32, #tpu.memory_space<vmem>>) target_semaphore(%dma_start3A_25 : memref<!tpu.dma_semaphore, #tpu.memory_space<semaphore_mem>>)
    %dma_wait3A = arith.constant 2 : i32
    %dma_wait3A_28 = arith.constant 0 : i32
    %dma_wait3A_29 = tpu.memref_slice %arg10[%dma_wait3A_28] : memref<144xi32, #tpu.memory_space<vmem>> -> memref<128xi32, #tpu.memory_space<vmem>>
    %dma_wait3A_30 = tpu.memref_slice %arg20[%dma_wait3A] : memref<3x!tpu.dma_semaphore, #tpu.memory_space<semaphore_mem>> -> memref<1x!tpu.dma_semaphore, #tpu.memory_space<semaphore_mem>>
    %dma_wait3A_31 = tpu.memref_squeeze %dma_wait3A_30 : memref<1x!tpu.dma_semaphore, #tpu.memory_space<semaphore_mem>> -> memref<!tpu.dma_semaphore, #tpu.memory_space<semaphore_mem>>
    %dma_wait3A_32 = arith.constant 0 : i32
    %dma_wait3A_33 = tpu.memref_slice %arg10[%dma_wait3A_32] : memref<144xi32, #tpu.memory_space<vmem>> -> memref<128xi32, #tpu.memory_space<vmem>>
    tpu.wait_dma2 semaphore(%dma_wait3A_31 : memref<!tpu.dma_semaphore, #tpu.memory_space<semaphore_mem>>) src(%arg2 : memref<128xi32, #tpu.memory_space<hbm>>) dst(%dma_wait3A_33 : memref<128xi32, #tpu.memory_space<vmem>>)
    %dma_wait3A_34 = arith.constant 2 : i32
    %dma_wait3A_35 = arith.constant 0 : i32
    %dma_wait3A_36 = tpu.memref_slice %arg11[%dma_wait3A_35] : memref<272xi32, #tpu.memory_space<vmem>> -> memref<256xi32, #tpu.memory_space<vmem>>
    %dma_wait3A_37 = tpu.memref_slice %arg20[%dma_wait3A_34] : memref<3x!tpu.dma_semaphore, #tpu.memory_space<semaphore_mem>> -> memref<1x!tpu.dma_semaphore, #tpu.memory_space<semaphore_mem>>
    %dma_wait3A_38 = tpu.memref_squeeze %dma_wait3A_37 : memref<1x!tpu.dma_semaphore, #tpu.memory_space<semaphore_mem>> -> memref<!tpu.dma_semaphore, #tpu.memory_space<semaphore_mem>>
    %dma_wait3A_39 = arith.constant 0 : i32
    %dma_wait3A_40 = tpu.memref_slice %arg11[%dma_wait3A_39] : memref<272xi32, #tpu.memory_space<vmem>> -> memref<256xi32, #tpu.memory_space<vmem>>
    tpu.wait_dma2 semaphore(%dma_wait3A_38 : memref<!tpu.dma_semaphore, #tpu.memory_space<semaphore_mem>>) src(%arg3 : memref<256xi32, #tpu.memory_space<hbm>>) dst(%dma_wait3A_40 : memref<256xi32, #tpu.memory_space<vmem>>)
    %dma_wait3A_41 = arith.constant 2 : i32
    %dma_wait3A_42 = arith.constant 0 : i32
    %dma_wait3A_43 = tpu.memref_slice %arg12[%dma_wait3A_42] : memref<80xi32, #tpu.memory_space<vmem>> -> memref<64xi32, #tpu.memory_space<vmem>>
    %dma_wait3A_44 = tpu.memref_slice %arg20[%dma_wait3A_41] : memref<3x!tpu.dma_semaphore, #tpu.memory_space<semaphore_mem>> -> memref<1x!tpu.dma_semaphore, #tpu.memory_space<semaphore_mem>>
    %dma_wait3A_45 = tpu.memref_squeeze %dma_wait3A_44 : memref<1x!tpu.dma_semaphore, #tpu.memory_space<semaphore_mem>> -> memref<!tpu.dma_semaphore, #tpu.memory_space<semaphore_mem>>
    %dma_wait3A_46 = arith.constant 0 : i32
    %dma_wait3A_47 = tpu.memref_slice %arg12[%dma_wait3A_46] : memref<80xi32, #tpu.memory_space<vmem>> -> memref<64xi32, #tpu.memory_space<vmem>>
    tpu.wait_dma2 semaphore(%dma_wait3A_45 : memref<!tpu.dma_semaphore, #tpu.memory_space<semaphore_mem>>) src(%arg4 : memref<64xi32, #tpu.memory_space<hbm>>) dst(%dma_wait3A_47 : memref<64xi32, #tpu.memory_space<vmem>>)
    %dma_wait3A_48 = arith.constant 2 : i32
    %dma_wait3A_49 = arith.constant 0 : i32
    %dma_wait3A_50 = tpu.memref_slice %arg13[%dma_wait3A_49] : memref<24xi32, #tpu.memory_space<vmem>> -> memref<8xi32, #tpu.memory_space<vmem>>
    %dma_wait3A_51 = tpu.memref_slice %arg20[%dma_wait3A_48] : memref<3x!tpu.dma_semaphore, #tpu.memory_space<semaphore_mem>> -> memref<1x!tpu.dma_semaphore, #tpu.memory_space<semaphore_mem>>
    %dma_wait3A_52 = tpu.memref_squeeze %dma_wait3A_51 : memref<1x!tpu.dma_semaphore, #tpu.memory_space<semaphore_mem>> -> memref<!tpu.dma_semaphore, #tpu.memory_space<semaphore_mem>>
    %dma_wait3A_53 = arith.constant 0 : i32
    %dma_wait3A_54 = tpu.memref_slice %arg13[%dma_wait3A_53] : memref<24xi32, #tpu.memory_space<vmem>> -> memref<8xi32, #tpu.memory_space<vmem>>
    tpu.wait_dma2 semaphore(%dma_wait3A_52 : memref<!tpu.dma_semaphore, #tpu.memory_space<semaphore_mem>>) src(%arg5 : memref<8xi32, #tpu.memory_space<hbm>>) dst(%dma_wait3A_54 : memref<8xi32, #tpu.memory_space<vmem>>)
    %add3A_55 = arith.constant 0 : i32
    %add3A_56 = arith.addi %add3A_55, %add3A : i32
    %jit3A = arith.constant 16 : i32
    %div3A = arith.divsi %add3A_56, %jit3A : i32
    %sign3A = arith.constant 0 : i32
    %sign3A_57 = arith.cmpi sgt, %add3A_56, %sign3A : i32
    %sign3A_58 = arith.extui %sign3A_57 : i1 to i32
    %sign3A_59 = arith.constant 0 : i32
    %sign3A_60 = arith.cmpi slt, %add3A_56, %sign3A_59 : i32
    %sign3A_61 = arith.extui %sign3A_60 : i1 to i32
    %sign3A_62 = arith.subi %sign3A_58, %sign3A_61 : i32
    %sign3A_63 = arith.constant 0 : i32
    %sign3A_64 = arith.cmpi sgt, %jit3A, %sign3A_63 : i32
    %sign3A_65 = arith.extui %sign3A_64 : i1 to i32
    %sign3A_66 = arith.constant 0 : i32
    %sign3A_67 = arith.cmpi slt, %jit3A, %sign3A_66 : i32
    %sign3A_68 = arith.extui %sign3A_67 : i1 to i32
    %sign3A_69 = arith.subi %sign3A_65, %sign3A_68 : i32
    %ne3A = arith.cmpi ne, %sign3A_62, %sign3A_69 : i32
    %rem3A = arith.remsi %add3A_56, %jit3A : i32
    %ne3A_70 = arith.constant 0 : i32
    %ne3A_71 = arith.cmpi ne, %rem3A, %ne3A_70 : i32
    %and3A = arith.andi %ne3A, %ne3A_71 : i1
    %sub3A = arith.constant 1 : i32
    %sub3A_72 = arith.subi %div3A, %sub3A : i32
    %select_n3A = arith.select %and3A, %sub3A_72, %div3A : i32
    %jit3A_73 = arith.constant 16 : i32
    %eq3A = arith.constant 0 : i32
    %eq3A_74 = arith.cmpi eq, %jit3A_73, %eq3A : i32
    %jit3A_75 = arith.constant 1 : i32
    %select_n3A_76 = arith.select %eq3A_74, %jit3A_75, %jit3A_73 : i32
    %rem3A_77 = arith.remsi %add3A_56, %select_n3A_76 : i32
    %ne3A_78 = arith.constant 0 : i32
    %ne3A_79 = arith.cmpi ne, %rem3A_77, %ne3A_78 : i32
    %lt3A = arith.constant 0 : i32
    %lt3A_80 = arith.cmpi slt, %rem3A_77, %lt3A : i32
    %lt3A_81 = arith.constant 0 : i32
    %lt3A_82 = arith.cmpi slt, %select_n3A_76, %lt3A_81 : i32
    %ne3A_83 = arith.xori %lt3A_80, %lt3A_82 : i1
    %and3A_84 = arith.andi %ne3A_83, %ne3A_79 : i1
    %add3A_85 = arith.addi %rem3A_77, %select_n3A_76 : i32
    %select_n3A_86 = arith.select %and3A_84, %add3A_85, %rem3A_77 : i32
    %get3A = arith.index_cast %add3A_56 : i32 to index
    %get3A_87 = tpu.vector_load %arg10[%get3A] {strides = array<i32>} : memref<144xi32, #tpu.memory_space<vmem>>, vector<16xi32>,
    %get3A_88 = vector.shape_cast %get3A_87 : vector<16xi32> to vector<16xi32>
    %slice3A = vector.extract_strided_slice %get3A_88 {offsets = [0], sizes = [1], strides = [1]} : vector<16xi32> to vector<1xi32>
    %squeeze3A = vector.extract %slice3A[0] : i32 from vector<1xi32>
    %mul3A_89 = arith.constant 32 : i32
    %mul3A_90 = arith.muli %select_n3A, %mul3A_89 : i32
    %jit3A_91 = arith.constant 2 : i32
    %div3A_92 = arith.divsi %squeeze3A, %jit3A_91 : i32
    %sign3A_93 = arith.constant 0 : i32
    %sign3A_94 = arith.cmpi sgt, %squeeze3A, %sign3A_93 : i32
    %sign3A_95 = arith.extui %sign3A_94 : i1 to i32
    %sign3A_96 = arith.constant 0 : i32
    %sign3A_97 = arith.cmpi slt, %squeeze3A, %sign3A_96 : i32
    %sign3A_98 = arith.extui %sign3A_97 : i1 to i32
    %sign3A_99 = arith.subi %sign3A_95, %sign3A_98 : i32
    %sign3A_100 = arith.constant 0 : i32
    %sign3A_101 = arith.cmpi sgt, %jit3A_91, %sign3A_100 : i32
    %sign3A_102 = arith.extui %sign3A_101 : i1 to i32
    %sign3A_103 = arith.constant 0 : i32
    %sign3A_104 = arith.cmpi slt, %jit3A_91, %sign3A_103 : i32
    %sign3A_105 = arith.extui %sign3A_104 : i1 to i32
    %sign3A_106 = arith.subi %sign3A_102, %sign3A_105 : i32
    %ne3A_107 = arith.cmpi ne, %sign3A_99, %sign3A_106 : i32
    %rem3A_108 = arith.remsi %squeeze3A, %jit3A_91 : i32
    %ne3A_109 = arith.constant 0 : i32
    %ne3A_110 = arith.cmpi ne, %rem3A_108, %ne3A_109 : i32
    %and3A_111 = arith.andi %ne3A_107, %ne3A_110 : i1
    %sub3A_112 = arith.constant 1 : i32
    %sub3A_113 = arith.subi %div3A_92, %sub3A_112 : i32
    %select_n3A_114 = arith.select %and3A_111, %sub3A_113, %div3A_92 : i32
    %add3A_115 = arith.addi %mul3A_90, %select_n3A_114 : i32
    %get3A_116 = arith.index_cast %add3A_115 : i32 to index
    %get3A_117 = tpu.vector_load %arg11[%get3A_116] {strides = array<i32>} : memref<272xi32, #tpu.memory_space<vmem>>, vector<16xi32>,
    %get3A_118 = vector.shape_cast %get3A_117 : vector<16xi32> to vector<16xi32>
    %slice3A_119 = vector.extract_strided_slice %get3A_118 {offsets = [0], sizes = [1], strides = [1]} : vector<16xi32> to vector<1xi32>
    %squeeze3A_120 = vector.extract %slice3A_119[0] : i32 from vector<1xi32>
    %mul3A_121 = arith.constant 128 : i32
    %mul3A_122 = arith.muli %squeeze3A_120, %mul3A_121 : i32
    %jit3A_123 = arith.constant 2 : i32
    %eq3A_124 = arith.constant 0 : i32
    %eq3A_125 = arith.cmpi eq, %jit3A_123, %eq3A_124 : i32
    %jit3A_126 = arith.constant 1 : i32
    %select_n3A_127 = arith.select %eq3A_125, %jit3A_126, %jit3A_123 : i32
    %rem3A_128 = arith.remsi %squeeze3A, %select_n3A_127 : i32
    %ne3A_129 = arith.constant 0 : i32
    %ne3A_130 = arith.cmpi ne, %rem3A_128, %ne3A_129 : i32
    %lt3A_131 = arith.constant 0 : i32
    %lt3A_132 = arith.cmpi slt, %rem3A_128, %lt3A_131 : i32
    %lt3A_133 = arith.constant 0 : i32
    %lt3A_134 = arith.cmpi slt, %select_n3A_127, %lt3A_133 : i32
    %ne3A_135 = arith.xori %lt3A_132, %lt3A_134 : i1
    %and3A_136 = arith.andi %ne3A_135, %ne3A_130 : i1
    %add3A_137 = arith.addi %rem3A_128, %select_n3A_127 : i32
    %select_n3A_138 = arith.select %and3A_136, %add3A_137, %rem3A_128 : i32
    %mul3A_139 = arith.constant 64 : i32
    %mul3A_140 = arith.muli %select_n3A_138, %mul3A_139 : i32
    %add3A_141 = arith.addi %mul3A_122, %mul3A_140 : i32
    %mul3A_142 = arith.constant 8 : i32
    %mul3A_143 = arith.muli %select_n3A, %mul3A_142 : i32
    %jit3A_144 = arith.constant 2 : i32
    %div3A_145 = arith.divsi %select_n3A_86, %jit3A_144 : i32
    %sign3A_146 = arith.constant 0 : i32
    %sign3A_147 = arith.cmpi sgt, %select_n3A_86, %sign3A_146 : i32
    %sign3A_148 = arith.extui %sign3A_147 : i1 to i32
    %sign3A_149 = arith.constant 0 : i32
    %sign3A_150 = arith.cmpi slt, %select_n3A_86, %sign3A_149 : i32
    %sign3A_151 = arith.extui %sign3A_150 : i1 to i32
    %sign3A_152 = arith.subi %sign3A_148, %sign3A_151 : i32
    %sign3A_153 = arith.constant 0 : i32
    %sign3A_154 = arith.cmpi sgt, %jit3A_144, %sign3A_153 : i32
    %sign3A_155 = arith.extui %sign3A_154 : i1 to i32
    %sign3A_156 = arith.constant 0 : i32
    %sign3A_157 = arith.cmpi slt, %jit3A_144, %sign3A_156 : i32
    %sign3A_158 = arith.extui %sign3A_157 : i1 to i32
    %sign3A_159 = arith.subi %sign3A_155, %sign3A_158 : i32
    %ne3A_160 = arith.cmpi ne, %sign3A_152, %sign3A_159 : i32
    %rem3A_161 = arith.remsi %select_n3A_86, %jit3A_144 : i32
    %ne3A_162 = arith.constant 0 : i32
    %ne3A_163 = arith.cmpi ne, %rem3A_161, %ne3A_162 : i32
    %and3A_164 = arith.andi %ne3A_160, %ne3A_163 : i1
    %sub3A_165 = arith.constant 1 : i32
    %sub3A_166 = arith.subi %div3A_145, %sub3A_165 : i32
    %select_n3A_167 = arith.select %and3A_164, %sub3A_166, %div3A_145 : i32
    %add3A_168 = arith.addi %mul3A_143, %select_n3A_167 : i32
    %get3A_169 = arith.index_cast %add3A_168 : i32 to index
    %get3A_170 = tpu.vector_load %arg12[%get3A_169] {strides = array<i32>} : memref<80xi32, #tpu.memory_space<vmem>>, vector<16xi32>,
    %get3A_171 = vector.shape_cast %get3A_170 : vector<16xi32> to vector<16xi32>
    %slice3A_172 = vector.extract_strided_slice %get3A_171 {offsets = [0], sizes = [1], strides = [1]} : vector<16xi32> to vector<1xi32>
    %squeeze3A_173 = vector.extract %slice3A_172[0] : i32 from vector<1xi32>
    %mul3A_174 = arith.constant 128 : i32
    %mul3A_175 = arith.muli %squeeze3A_173, %mul3A_174 : i32
    %jit3A_176 = arith.constant 2 : i32
    %eq3A_177 = arith.constant 0 : i32
    %eq3A_178 = arith.cmpi eq, %jit3A_176, %eq3A_177 : i32
    %jit3A_179 = arith.constant 1 : i32
    %select_n3A_180 = arith.select %eq3A_178, %jit3A_179, %jit3A_176 : i32
    %rem3A_181 = arith.remsi %select_n3A_86, %select_n3A_180 : i32
    %ne3A_182 = arith.constant 0 : i32
    %ne3A_183 = arith.cmpi ne, %rem3A_181, %ne3A_182 : i32
    %lt3A_184 = arith.constant 0 : i32
    %lt3A_185 = arith.cmpi slt, %rem3A_181, %lt3A_184 : i32
    %lt3A_186 = arith.constant 0 : i32
    %lt3A_187 = arith.cmpi slt, %select_n3A_180, %lt3A_186 : i32
    %ne3A_188 = arith.xori %lt3A_185, %lt3A_187 : i1
    %and3A_189 = arith.andi %ne3A_188, %ne3A_183 : i1
    %add3A_190 = arith.addi %rem3A_181, %select_n3A_180 : i32
    %select_n3A_191 = arith.select %and3A_189, %add3A_190, %rem3A_181 : i32
    %mul3A_192 = arith.constant 64 : i32
    %mul3A_193 = arith.muli %select_n3A_191, %mul3A_192 : i32
    %add3A_194 = arith.addi %mul3A_175, %mul3A_193 : i32
    %get3A_195 = arith.index_cast %select_n3A : i32 to index
    %get3A_196 = tpu.vector_load %arg13[%get3A_195] {strides = array<i32>} : memref<24xi32, #tpu.memory_space<vmem>>, vector<16xi32>,
    %get3A_197 = vector.shape_cast %get3A_196 : vector<16xi32> to vector<16xi32>
    %slice3A_198 = vector.extract_strided_slice %get3A_197 {offsets = [0], sizes = [1], strides = [1]} : vector<16xi32> to vector<1xi32>
    %squeeze3A_199 = vector.extract %slice3A_198[0] : i32 from vector<1xi32>
    %mul3A_200 = arith.constant 64 : i32
    %mul3A_201 = arith.muli %squeeze3A, %mul3A_200 : i32
    %sub3A_202 = arith.subi %squeeze3A_199, %mul3A_201 : i32
    %jit3A_203 = arith.constant 0 : i32
    %jit3A_204 = arith.constant 64 : i32
    %max3A = arith.maxsi %jit3A_203, %sub3A_202 : i32
    %min3A = arith.minsi %jit3A_204, %max3A : i32
    %add3A_205 = arith.constant 32 : i32
    %add3A_206 = arith.addi %add3A_205, %add3A : i32
    %jit3A_207 = arith.constant 16 : i32
    %div3A_208 = arith.divsi %add3A_206, %jit3A_207 : i32
    %sign3A_209 = arith.constant 0 : i32
    %sign3A_210 = arith.cmpi sgt, %add3A_206, %sign3A_209 : i32
    %sign3A_211 = arith.extui %sign3A_210 : i1 to i32
    %sign3A_212 = arith.constant 0 : i32
    %sign3A_213 = arith.cmpi slt, %add3A_206, %sign3A_212 : i32
    %sign3A_214 = arith.extui %sign3A_213 : i1 to i32
    %sign3A_215 = arith.subi %sign3A_211, %sign3A_214 : i32
    %sign3A_216 = arith.constant 0 : i32
    %sign3A_217 = arith.cmpi sgt, %jit3A_207, %sign3A_216 : i32
    %sign3A_218 = arith.extui %sign3A_217 : i1 to i32
    %sign3A_219 = arith.constant 0 : i32
    %sign3A_220 = arith.cmpi slt, %jit3A_207, %sign3A_219 : i32
    %sign3A_221 = arith.extui %sign3A_220 : i1 to i32
    %sign3A_222 = arith.subi %sign3A_218, %sign3A_221 : i32
    %ne3A_223 = arith.cmpi ne, %sign3A_215, %sign3A_222 : i32
    %rem3A_224 = arith.remsi %add3A_206, %jit3A_207 : i32
    %ne3A_225 = arith.constant 0 : i32
    %ne3A_226 = arith.cmpi ne, %rem3A_224, %ne3A_225 : i32
    %and3A_227 = arith.andi %ne3A_223, %ne3A_226 : i1
    %sub3A_228 = arith.constant 1 : i32
    %sub3A_229 = arith.subi %div3A_208, %sub3A_228 : i32
    %select_n3A_230 = arith.select %and3A_227, %sub3A_229, %div3A_208 : i32
    %jit3A_231 = arith.constant 16 : i32
    %eq3A_232 = arith.constant 0 : i32
    %eq3A_233 = arith.cmpi eq, %jit3A_231, %eq3A_232 : i32
    %jit3A_234 = arith.constant 1 : i32
    %select_n3A_235 = arith.select %eq3A_233, %jit3A_234, %jit3A_231 : i32
    %rem3A_236 = arith.remsi %add3A_206, %select_n3A_235 : i32
    %ne3A_237 = arith.constant 0 : i32
    %ne3A_238 = arith.cmpi ne, %rem3A_236, %ne3A_237 : i32
    %lt3A_239 = arith.constant 0 : i32
    %lt3A_240 = arith.cmpi slt, %rem3A_236, %lt3A_239 : i32
    %lt3A_241 = arith.constant 0 : i32
    %lt3A_242 = arith.cmpi slt, %select_n3A_235, %lt3A_241 : i32
    %ne3A_243 = arith.xori %lt3A_240, %lt3A_242 : i1
    %and3A_244 = arith.andi %ne3A_243, %ne3A_238 : i1
    %add3A_245 = arith.addi %rem3A_236, %select_n3A_235 : i32
    %select_n3A_246 = arith.select %and3A_244, %add3A_245, %rem3A_236 : i32
    %get3A_247 = arith.index_cast %add3A_206 : i32 to index
    %get3A_248 = tpu.vector_load %arg10[%get3A_247] {strides = array<i32>} : memref<144xi32, #tpu.memory_space<vmem>>, vector<16xi32>,
    %get3A_249 = vector.shape_cast %get3A_248 : vector<16xi32> to vector<16xi32>
    %slice3A_250 = vector.extract_strided_slice %get3A_249 {offsets = [0], sizes = [1], strides = [1]} : vector<16xi32> to vector<1xi32>
    %squeeze3A_251 = vector.extract %slice3A_250[0] : i32 from vector<1xi32>
    %mul3A_252 = arith.constant 32 : i32
    %mul3A_253 = arith.muli %select_n3A_230, %mul3A_252 : i32
    %jit3A_254 = arith.constant 2 : i32
    %div3A_255 = arith.divsi %squeeze3A_251, %jit3A_254 : i32
    %sign3A_256 = arith.constant 0 : i32
    %sign3A_257 = arith.cmpi sgt, %squeeze3A_251, %sign3A_256 : i32
    %sign3A_258 = arith.extui %sign3A_257 : i1 to i32
    %sign3A_259 = arith.constant 0 : i32
    %sign3A_260 = arith.cmpi slt, %squeeze3A_251, %sign3A_259 : i32
    %sign3A_261 = arith.extui %sign3A_260 : i1 to i32
    %sign3A_262 = arith.subi %sign3A_258, %sign3A_261 : i32
    %sign3A_263 = arith.constant 0 : i32
    %sign3A_264 = arith.cmpi sgt, %jit3A_254, %sign3A_263 : i32
    %sign3A_265 = arith.extui %sign3A_264 : i1 to i32
    %sign3A_266 = arith.constant 0 : i32
    %sign3A_267 = arith.cmpi slt, %jit3A_254, %sign3A_266 : i32
    %sign3A_268 = arith.extui %sign3A_267 : i1 to i32
    %sign3A_269 = arith.subi %sign3A_265, %sign3A_268 : i32
    %ne3A_270 = arith.cmpi ne, %sign3A_262, %sign3A_269 : i32
    %rem3A_271 = arith.remsi %squeeze3A_251, %jit3A_254 : i32
    %ne3A_272 = arith.constant 0 : i32
    %ne3A_273 = arith.cmpi ne, %rem3A_271, %ne3A_272 : i32
    %and3A_274 = arith.andi %ne3A_270, %ne3A_273 : i1
    %sub3A_275 = arith.constant 1 : i32
    %sub3A_276 = arith.subi %div3A_255, %sub3A_275 : i32
    %select_n3A_277 = arith.select %and3A_274, %sub3A_276, %div3A_255 : i32
    %add3A_278 = arith.addi %mul3A_253, %select_n3A_277 : i32
    %get3A_279 = arith.index_cast %add3A_278 : i32 to index
    %get3A_280 = tpu.vector_load %arg11[%get3A_279] {strides = array<i32>} : memref<272xi32, #tpu.memory_space<vmem>>, vector<16xi32>,
    %get3A_281 = vector.shape_cast %get3A_280 : vector<16xi32> to vector<16xi32>
    %slice3A_282 = vector.extract_strided_slice %get3A_281 {offsets = [0], sizes = [1], strides = [1]} : vector<16xi32> to vector<1xi32>
    %squeeze3A_283 = vector.extract %slice3A_282[0] : i32 from vector<1xi32>
    %mul3A_284 = arith.constant 128 : i32
    %mul3A_285 = arith.muli %squeeze3A_283, %mul3A_284 : i32
    %jit3A_286 = arith.constant 2 : i32
    %eq3A_287 = arith.constant 0 : i32
    %eq3A_288 = arith.cmpi eq, %jit3A_286, %eq3A_287 : i32
    %jit3A_289 = arith.constant 1 : i32
    %select_n3A_290 = arith.select %eq3A_288, %jit3A_289, %jit3A_286 : i32
    %rem3A_291 = arith.remsi %squeeze3A_251, %select_n3A_290 : i32
    %ne3A_292 = arith.constant 0 : i32
    %ne3A_293 = arith.cmpi ne, %rem3A_291, %ne3A_292 : i32
    %lt3A_294 = arith.constant 0 : i32
    %lt3A_295 = arith.cmpi slt, %rem3A_291, %lt3A_294 : i32
    %lt3A_296 = arith.constant 0 : i32
    %lt3A_297 = arith.cmpi slt, %select_n3A_290, %lt3A_296 : i32
    %ne3A_298 = arith.xori %lt3A_295, %lt3A_297 : i1
    %and3A_299 = arith.andi %ne3A_298, %ne3A_293 : i1
    %add3A_300 = arith.addi %rem3A_291, %select_n3A_290 : i32
    %select_n3A_301 = arith.select %and3A_299, %add3A_300, %rem3A_291 : i32
    %mul3A_302 = arith.constant 64 : i32
    %mul3A_303 = arith.muli %select_n3A_301, %mul3A_302 : i32
    %add3A_304 = arith.addi %mul3A_285, %mul3A_303 : i32
    %mul3A_305 = arith.constant 8 : i32
    %mul3A_306 = arith.muli %select_n3A_230, %mul3A_305 : i32
    %jit3A_307 = arith.constant 2 : i32
    %div3A_308 = arith.divsi %select_n3A_246, %jit3A_307 : i32
    %sign3A_309 = arith.constant 0 : i32
    %sign3A_310 = arith.cmpi sgt, %select_n3A_246, %sign3A_309 : i32
    %sign3A_311 = arith.extui %sign3A_310 : i1 to i32
    %sign3A_312 = arith.constant 0 : i32
    %sign3A_313 = arith.cmpi slt, %select_n3A_246, %sign3A_312 : i32
    %sign3A_314 = arith.extui %sign3A_313 : i1 to i32
    %sign3A_315 = arith.subi %sign3A_311, %sign3A_314 : i32
    %sign3A_316 = arith.constant 0 : i32
    %sign3A_317 = arith.cmpi sgt, %jit3A_307, %sign3A_316 : i32
    %sign3A_318 = arith.extui %sign3A_317 : i1 to i32
    %sign3A_319 = arith.constant 0 : i32
    %sign3A_320 = arith.cmpi slt, %jit3A_307, %sign3A_319 : i32
    %sign3A_321 = arith.extui %sign3A_320 : i1 to i32
    %sign3A_322 = arith.subi %sign3A_318, %sign3A_321 : i32
    %ne3A_323 = arith.cmpi ne, %sign3A_315, %sign3A_322 : i32
    %rem3A_324 = arith.remsi %select_n3A_246, %jit3A_307 : i32
    %ne3A_325 = arith.constant 0 : i32
    %ne3A_326 = arith.cmpi ne, %rem3A_324, %ne3A_325 : i32
    %and3A_327 = arith.andi %ne3A_323, %ne3A_326 : i1
    %sub3A_328 = arith.constant 1 : i32
    %sub3A_329 = arith.subi %div3A_308, %sub3A_328 : i32
    %select_n3A_330 = arith.select %and3A_327, %sub3A_329, %div3A_308 : i32
    %add3A_331 = arith.addi %mul3A_306, %select_n3A_330 : i32
    %get3A_332 = arith.index_cast %add3A_331 : i32 to index
    %get3A_333 = tpu.vector_load %arg12[%get3A_332] {strides = array<i32>} : memref<80xi32, #tpu.memory_space<vmem>>, vector<16xi32>,
    %get3A_334 = vector.shape_cast %get3A_333 : vector<16xi32> to vector<16xi32>
    %slice3A_335 = vector.extract_strided_slice %get3A_334 {offsets = [0], sizes = [1], strides = [1]} : vector<16xi32> to vector<1xi32>
    %squeeze3A_336 = vector.extract %slice3A_335[0] : i32 from vector<1xi32>
    %mul3A_337 = arith.constant 128 : i32
    %mul3A_338 = arith.muli %squeeze3A_336, %mul3A_337 : i32
    %jit3A_339 = arith.constant 2 : i32
    %eq3A_340 = arith.constant 0 : i32
    %eq3A_341 = arith.cmpi eq, %jit3A_339, %eq3A_340 : i32
    %jit3A_342 = arith.constant 1 : i32
    %select_n3A_343 = arith.select %eq3A_341, %jit3A_342, %jit3A_339 : i32
    %rem3A_344 = arith.remsi %select_n3A_246, %select_n3A_343 : i32
    %ne3A_345 = arith.constant 0 : i32
    %ne3A_346 = arith.cmpi ne, %rem3A_344, %ne3A_345 : i32
    %lt3A_347 = arith.constant 0 : i32
    %lt3A_348 = arith.cmpi slt, %rem3A_344, %lt3A_347 : i32
    %lt3A_349 = arith.constant 0 : i32
    %lt3A_350 = arith.cmpi slt, %select_n3A_343, %lt3A_349 : i32
    %ne3A_351 = arith.xori %lt3A_348, %lt3A_350 : i1
    %and3A_352 = arith.andi %ne3A_351, %ne3A_346 : i1
    %add3A_353 = arith.addi %rem3A_344, %select_n3A_343 : i32
    %select_n3A_354 = arith.select %and3A_352, %add3A_353, %rem3A_344 : i32
    %mul3A_355 = arith.constant 64 : i32
    %mul3A_356 = arith.muli %select_n3A_354, %mul3A_355 : i32
    %add3A_357 = arith.addi %mul3A_338, %mul3A_356 : i32
    %get3A_358 = arith.index_cast %select_n3A_230 : i32 to index
    %get3A_359 = tpu.vector_load %arg13[%get3A_358] {strides = array<i32>} : memref<24xi32, #tpu.memory_space<vmem>>, vector<16xi32>,
    %get3A_360 = vector.shape_cast %get3A_359 : vector<16xi32> to vector<16xi32>
    %slice3A_361 = vector.extract_strided_slice %get3A_360 {offsets = [0], sizes = [1], strides = [1]} : vector<16xi32> to vector<1xi32>
    %squeeze3A_362 = vector.extract %slice3A_361[0] : i32 from vector<1xi32>
    %mul3A_363 = arith.constant 64 : i32
    %mul3A_364 = arith.muli %squeeze3A_251, %mul3A_363 : i32
    %sub3A_365 = arith.subi %squeeze3A_362, %mul3A_364 : i32
    %jit3A_366 = arith.constant 0 : i32
    %jit3A_367 = arith.constant 64 : i32
    %max3A_368 = arith.maxsi %jit3A_366, %sub3A_365 : i32
    %min3A_369 = arith.minsi %jit3A_367, %max3A_368 : i32
    %add3A_370 = arith.constant 64 : i32
    %add3A_371 = arith.addi %add3A_370, %add3A : i32
    %jit3A_372 = arith.constant 16 : i32
    %div3A_373 = arith.divsi %add3A_371, %jit3A_372 : i32
    %sign3A_374 = arith.constant 0 : i32
    %sign3A_375 = arith.cmpi sgt, %add3A_371, %sign3A_374 : i32
    %sign3A_376 = arith.extui %sign3A_375 : i1 to i32
    %sign3A_377 = arith.constant 0 : i32
    %sign3A_378 = arith.cmpi slt, %add3A_371, %sign3A_377 : i32
    %sign3A_379 = arith.extui %sign3A_378 : i1 to i32
    %sign3A_380 = arith.subi %sign3A_376, %sign3A_379 : i32
    %sign3A_381 = arith.constant 0 : i32
    %sign3A_382 = arith.cmpi sgt, %jit3A_372, %sign3A_381 : i32
    %sign3A_383 = arith.extui %sign3A_382 : i1 to i32
    %sign3A_384 = arith.constant 0 : i32
    %sign3A_385 = arith.cmpi slt, %jit3A_372, %sign3A_384 : i32
    %sign3A_386 = arith.extui %sign3A_385 : i1 to i32
    %sign3A_387 = arith.subi %sign3A_383, %sign3A_386 : i32
    %ne3A_388 = arith.cmpi ne, %sign3A_380, %sign3A_387 : i32
    %rem3A_389 = arith.remsi %add3A_371, %jit3A_372 : i32
    %ne3A_390 = arith.constant 0 : i32
    %ne3A_391 = arith.cmpi ne, %rem3A_389, %ne3A_390 : i32
    %and3A_392 = arith.andi %ne3A_388, %ne3A_391 : i1
    %sub3A_393 = arith.constant 1 : i32
    %sub3A_394 = arith.subi %div3A_373, %sub3A_393 : i32
    %select_n3A_395 = arith.select %and3A_392, %sub3A_394, %div3A_373 : i32
    %jit3A_396 = arith.constant 16 : i32
    %eq3A_397 = arith.constant 0 : i32
    %eq3A_398 = arith.cmpi eq, %jit3A_396, %eq3A_397 : i32
    %jit3A_399 = arith.constant 1 : i32
    %select_n3A_400 = arith.select %eq3A_398, %jit3A_399, %jit3A_396 : i32
    %rem3A_401 = arith.remsi %add3A_371, %select_n3A_400 : i32
    %ne3A_402 = arith.constant 0 : i32
    %ne3A_403 = arith.cmpi ne, %rem3A_401, %ne3A_402 : i32
    %lt3A_404 = arith.constant 0 : i32
    %lt3A_405 = arith.cmpi slt, %rem3A_401, %lt3A_404 : i32
    %lt3A_406 = arith.constant 0 : i32
    %lt3A_407 = arith.cmpi slt, %select_n3A_400, %lt3A_406 : i32
    %ne3A_408 = arith.xori %lt3A_405, %lt3A_407 : i1
    %and3A_409 = arith.andi %ne3A_408, %ne3A_403 : i1
    %add3A_410 = arith.addi %rem3A_401, %select_n3A_400 : i32
    %select_n3A_411 = arith.select %and3A_409, %add3A_410, %rem3A_401 : i32
    %get3A_412 = arith.index_cast %add3A_371 : i32 to index
    %get3A_413 = tpu.vector_load %arg10[%get3A_412] {strides = array<i32>} : memref<144xi32, #tpu.memory_space<vmem>>, vector<16xi32>,
    %get3A_414 = vector.shape_cast %get3A_413 : vector<16xi32> to vector<16xi32>
    %slice3A_415 = vector.extract_strided_slice %get3A_414 {offsets = [0], sizes = [1], strides = [1]} : vector<16xi32> to vector<1xi32>
    %squeeze3A_416 = vector.extract %slice3A_415[0] : i32 from vector<1xi32>
    %mul3A_417 = arith.constant 32 : i32
    %mul3A_418 = arith.muli %select_n3A_395, %mul3A_417 : i32
    %jit3A_419 = arith.constant 2 : i32
    %div3A_420 = arith.divsi %squeeze3A_416, %jit3A_419 : i32
    %sign3A_421 = arith.constant 0 : i32
    %sign3A_422 = arith.cmpi sgt, %squeeze3A_416, %sign3A_421 : i32
    %sign3A_423 = arith.extui %sign3A_422 : i1 to i32
    %sign3A_424 = arith.constant 0 : i32
    %sign3A_425 = arith.cmpi slt, %squeeze3A_416, %sign3A_424 : i32
    %sign3A_426 = arith.extui %sign3A_425 : i1 to i32
    %sign3A_427 = arith.subi %sign3A_423, %sign3A_426 : i32
    %sign3A_428 = arith.constant 0 : i32
    %sign3A_429 = arith.cmpi sgt, %jit3A_419, %sign3A_428 : i32
    %sign3A_430 = arith.extui %sign3A_429 : i1 to i32
    %sign3A_431 = arith.constant 0 : i32
    %sign3A_432 = arith.cmpi slt, %jit3A_419, %sign3A_431 : i32
    %sign3A_433 = arith.extui %sign3A_432 : i1 to i32
    %sign3A_434 = arith.subi %sign3A_430, %sign3A_433 : i32
    %ne3A_435 = arith.cmpi ne, %sign3A_427, %sign3A_434 : i32
    %rem3A_436 = arith.remsi %squeeze3A_416, %jit3A_419 : i32
    %ne3A_437 = arith.constant 0 : i32
    %ne3A_438 = arith.cmpi ne, %rem3A_436, %ne3A_437 : i32
    %and3A_439 = arith.andi %ne3A_435, %ne3A_438 : i1
    %sub3A_440 = arith.constant 1 : i32
    %sub3A_441 = arith.subi %div3A_420, %sub3A_440 : i32
    %select_n3A_442 = arith.select %and3A_439, %sub3A_441, %div3A_420 : i32
    %add3A_443 = arith.addi %mul3A_418, %select_n3A_442 : i32
    %get3A_444 = arith.index_cast %add3A_443 : i32 to index
    %get3A_445 = tpu.vector_load %arg11[%get3A_444] {strides = array<i32>} : memref<272xi32, #tpu.memory_space<vmem>>, vector<16xi32>,
    %get3A_446 = vector.shape_cast %get3A_445 : vector<16xi32> to vector<16xi32>
    %slice3A_447 = vector.extract_strided_slice %get3A_446 {offsets = [0], sizes = [1], strides = [1]} : vector<16xi32> to vector<1xi32>
    %squeeze3A_448 = vector.extract %slice3A_447[0] : i32 from vector<1xi32>
    %mul3A_449 = arith.constant 128 : i32
    %mul3A_450 = arith.muli %squeeze3A_448, %mul3A_449 : i32
    %jit3A_451 = arith.constant 2 : i32
    %eq3A_452 = arith.constant 0 : i32
    %eq3A_453 = arith.cmpi eq, %jit3A_451, %eq3A_452 : i32
    %jit3A_454 = arith.constant 1 : i32
    %select_n3A_455 = arith.select %eq3A_453, %jit3A_454, %jit3A_451 : i32
    %rem3A_456 = arith.remsi %squeeze3A_416, %select_n3A_455 : i32
    %ne3A_457 = arith.constant 0 : i32
    %ne3A_458 = arith.cmpi ne, %rem3A_456, %ne3A_457 : i32
    %lt3A_459 = arith.constant 0 : i32
    %lt3A_460 = arith.cmpi slt, %rem3A_456, %lt3A_459 : i32
    %lt3A_461 = arith.constant 0 : i32
    %lt3A_462 = arith.cmpi slt, %select_n3A_455, %lt3A_461 : i32
    %ne3A_463 = arith.xori %lt3A_460, %lt3A_462 : i1
    %and3A_464 = arith.andi %ne3A_463, %ne3A_458 : i1
    %add3A_465 = arith.addi %rem3A_456, %select_n3A_455 : i32
    %select_n3A_466 = arith.select %and3A_464, %add3A_465, %rem3A_456 : i32
    %mul3A_467 = arith.constant 64 : i32
    %mul3A_468 = arith.muli %select_n3A_466, %mul3A_467 : i32
    %add3A_469 = arith.addi %mul3A_450, %mul3A_468 : i32
    %mul3A_470 = arith.constant 8 : i32
    %mul3A_471 = arith.muli %select_n3A_395, %mul3A_470 : i32
    %jit3A_472 = arith.constant 2 : i32
    %div3A_473 = arith.divsi %select_n3A_411, %jit3A_472 : i32
    %sign3A_474 = arith.constant 0 : i32
    %sign3A_475 = arith.cmpi sgt, %select_n3A_411, %sign3A_474 : i32
    %sign3A_476 = arith.extui %sign3A_475 : i1 to i32
    %sign3A_477 = arith.constant 0 : i32
    %sign3A_478 = arith.cmpi slt, %select_n3A_411, %sign3A_477 : i32
    %sign3A_479 = arith.extui %sign3A_478 : i1 to i32
    %sign3A_480 = arith.subi %sign3A_476, %sign3A_479 : i32
    %sign3A_481 = arith.constant 0 : i32
    %sign3A_482 = arith.cmpi sgt, %jit3A_472, %sign3A_481 : i32
    %sign3A_483 = arith.extui %sign3A_482 : i1 to i32
    %sign3A_484 = arith.constant 0 : i32
    %sign3A_485 = arith.cmpi slt, %jit3A_472, %sign3A_484 : i32
    %sign3A_486 = arith.extui %sign3A_485 : i1 to i32
    %sign3A_487 = arith.subi %sign3A_483, %sign3A_486 : i32
    %ne3A_488 = arith.cmpi ne, %sign3A_480, %sign3A_487 : i32
    %rem3A_489 = arith.remsi %select_n3A_411, %jit3A_472 : i32
    %ne3A_490 = arith.constant 0 : i32
    %ne3A_491 = arith.cmpi ne, %rem3A_489, %ne3A_490 : i32
    %and3A_492 = arith.andi %ne3A_488, %ne3A_491 : i1
    %sub3A_493 = arith.constant 1 : i32
    %sub3A_494 = arith.subi %div3A_473, %sub3A_493 : i32
    %select_n3A_495 = arith.select %and3A_492, %sub3A_494, %div3A_473 : i32
    %add3A_496 = arith.addi %mul3A_471, %select_n3A_495 : i32
    %get3A_497 = arith.index_cast %add3A_496 : i32 to index
    %get3A_498 = tpu.vector_load %arg12[%get3A_497] {strides = array<i32>} : memref<80xi32, #tpu.memory_space<vmem>>, vector<16xi32>,
    %get3A_499 = vector.shape_cast %get3A_498 : vector<16xi32> to vector<16xi32>
    %slice3A_500 = vector.extract_strided_slice %get3A_499 {offsets = [0], sizes = [1], strides = [1]} : vector<16xi32> to vector<1xi32>
    %squeeze3A_501 = vector.extract %slice3A_500[0] : i32 from vector<1xi32>
    %mul3A_502 = arith.constant 128 : i32
    %mul3A_503 = arith.muli %squeeze3A_501, %mul3A_502 : i32
    %jit3A_504 = arith.constant 2 : i32
    %eq3A_505 = arith.constant 0 : i32
    %eq3A_506 = arith.cmpi eq, %jit3A_504, %eq3A_505 : i32
    %jit3A_507 = arith.constant 1 : i32
    %select_n3A_508 = arith.select %eq3A_506, %jit3A_507, %jit3A_504 : i32
    %rem3A_509 = arith.remsi %select_n3A_411, %select_n3A_508 : i32
    %ne3A_510 = arith.constant 0 : i32
    %ne3A_511 = arith.cmpi ne, %rem3A_509, %ne3A_510 : i32
    %lt3A_512 = arith.constant 0 : i32
    %lt3A_513 = arith.cmpi slt, %rem3A_509, %lt3A_512 : i32
    %lt3A_514 = arith.constant 0 : i32
    %lt3A_515 = arith.cmpi slt, %select_n3A_508, %lt3A_514 : i32
    %ne3A_516 = arith.xori %lt3A_513, %lt3A_515 : i1
    %and3A_517 = arith.andi %ne3A_516, %ne3A_511 : i1
    %add3A_518 = arith.addi %rem3A_509, %select_n3A_508 : i32
    %select_n3A_519 = arith.select %and3A_517, %add3A_518, %rem3A_509 : i32
    %mul3A_520 = arith.constant 64 : i32
    %mul3A_521 = arith.muli %select_n3A_519, %mul3A_520 : i32
    %add3A_522 = arith.addi %mul3A_503, %mul3A_521 : i32
    %get3A_523 = arith.index_cast %select_n3A_395 : i32 to index
    %get3A_524 = tpu.vector_load %arg13[%get3A_523] {strides = array<i32>} : memref<24xi32, #tpu.memory_space<vmem>>, vector<16xi32>,
    %get3A_525 = vector.shape_cast %get3A_524 : vector<16xi32> to vector<16xi32>
    %slice3A_526 = vector.extract_strided_slice %get3A_525 {offsets = [0], sizes = [1], strides = [1]} : vector<16xi32> to vector<1xi32>
    %squeeze3A_527 = vector.extract %slice3A_526[0] : i32 from vector<1xi32>
    %mul3A_528 = arith.constant 64 : i32
    %mul3A_529 = arith.muli %squeeze3A_416, %mul3A_528 : i32
    %sub3A_530 = arith.subi %squeeze3A_527, %mul3A_529 : i32
    %jit3A_531 = arith.constant 0 : i32
    %jit3A_532 = arith.constant 64 : i32
    %max3A_533 = arith.maxsi %jit3A_531, %sub3A_530 : i32
    %min3A_534 = arith.minsi %jit3A_532, %max3A_533 : i32
    %add3A_535 = arith.constant 96 : i32
    %add3A_536 = arith.addi %add3A_535, %add3A : i32
    %jit3A_537 = arith.constant 16 : i32
    %div3A_538 = arith.divsi %add3A_536, %jit3A_537 : i32
    %sign3A_539 = arith.constant 0 : i32
    %sign3A_540 = arith.cmpi sgt, %add3A_536, %sign3A_539 : i32
    %sign3A_541 = arith.extui %sign3A_540 : i1 to i32
    %sign3A_542 = arith.constant 0 : i32
    %sign3A_543 = arith.cmpi slt, %add3A_536, %sign3A_542 : i32
    %sign3A_544 = arith.extui %sign3A_543 : i1 to i32
    %sign3A_545 = arith.subi %sign3A_541, %sign3A_544 : i32
    %sign3A_546 = arith.constant 0 : i32
    %sign3A_547 = arith.cmpi sgt, %jit3A_537, %sign3A_546 : i32
    %sign3A_548 = arith.extui %sign3A_547 : i1 to i32
    %sign3A_549 = arith.constant 0 : i32
    %sign3A_550 = arith.cmpi slt, %jit3A_537, %sign3A_549 : i32
    %sign3A_551 = arith.extui %sign3A_550 : i1 to i32
    %sign3A_552 = arith.subi %sign3A_548, %sign3A_551 : i32
    %ne3A_553 = arith.cmpi ne, %sign3A_545, %sign3A_552 : i32
    %rem3A_554 = arith.remsi %add3A_536, %jit3A_537 : i32
    %ne3A_555 = arith.constant 0 : i32
    %ne3A_556 = arith.cmpi ne, %rem3A_554, %ne3A_555 : i32
    %and3A_557 = arith.andi %ne3A_553, %ne3A_556 : i1
    %sub3A_558 = arith.constant 1 : i32
    %sub3A_559 = arith.subi %div3A_538, %sub3A_558 : i32
    %select_n3A_560 = arith.select %and3A_557, %sub3A_559, %div3A_538 : i32
    %jit3A_561 = arith.constant 16 : i32
    %eq3A_562 = arith.constant 0 : i32
    %eq3A_563 = arith.cmpi eq, %jit3A_561, %eq3A_562 : i32
    %jit3A_564 = arith.constant 1 : i32
    %select_n3A_565 = arith.select %eq3A_563, %jit3A_564, %jit3A_561 : i32
    %rem3A_566 = arith.remsi %add3A_536, %select_n3A_565 : i32
    %ne3A_567 = arith.constant 0 : i32
    %ne3A_568 = arith.cmpi ne, %rem3A_566, %ne3A_567 : i32
    %lt3A_569 = arith.constant 0 : i32
    %lt3A_570 = arith.cmpi slt, %rem3A_566, %lt3A_569 : i32
    %lt3A_571 = arith.constant 0 : i32
    %lt3A_572 = arith.cmpi slt, %select_n3A_565, %lt3A_571 : i32
    %ne3A_573 = arith.xori %lt3A_570, %lt3A_572 : i1
    %and3A_574 = arith.andi %ne3A_573, %ne3A_568 : i1
    %add3A_575 = arith.addi %rem3A_566, %select_n3A_565 : i32
    %select_n3A_576 = arith.select %and3A_574, %add3A_575, %rem3A_566 : i32
    %get3A_577 = arith.index_cast %add3A_536 : i32 to index
    %get3A_578 = tpu.vector_load %arg10[%get3A_577] {strides = array<i32>} : memref<144xi32, #tpu.memory_space<vmem>>, vector<16xi32>,
    %get3A_579 = vector.shape_cast %get3A_578 : vector<16xi32> to vector<16xi32>
    %slice3A_580 = vector.extract_strided_slice %get3A_579 {offsets = [0], sizes = [1], strides = [1]} : vector<16xi32> to vector<1xi32>
    %squeeze3A_581 = vector.extract %slice3A_580[0] : i32 from vector<1xi32>
    %mul3A_582 = arith.constant 32 : i32
    %mul3A_583 = arith.muli %select_n3A_560, %mul3A_582 : i32
    %jit3A_584 = arith.constant 2 : i32
    %div3A_585 = arith.divsi %squeeze3A_581, %jit3A_584 : i32
    %sign3A_586 = arith.constant 0 : i32
    %sign3A_587 = arith.cmpi sgt, %squeeze3A_581, %sign3A_586 : i32
    %sign3A_588 = arith.extui %sign3A_587 : i1 to i32
    %sign3A_589 = arith.constant 0 : i32
    %sign3A_590 = arith.cmpi slt, %squeeze3A_581, %sign3A_589 : i32
    %sign3A_591 = arith.extui %sign3A_590 : i1 to i32
    %sign3A_592 = arith.subi %sign3A_588, %sign3A_591 : i32
    %sign3A_593 = arith.constant 0 : i32
    %sign3A_594 = arith.cmpi sgt, %jit3A_584, %sign3A_593 : i32
    %sign3A_595 = arith.extui %sign3A_594 : i1 to i32
    %sign3A_596 = arith.constant 0 : i32
    %sign3A_597 = arith.cmpi slt, %jit3A_584, %sign3A_596 : i32
    %sign3A_598 = arith.extui %sign3A_597 : i1 to i32
    %sign3A_599 = arith.subi %sign3A_595, %sign3A_598 : i32
    %ne3A_600 = arith.cmpi ne, %sign3A_592, %sign3A_599 : i32
    %rem3A_601 = arith.remsi %squeeze3A_581, %jit3A_584 : i32
    %ne3A_602 = arith.constant 0 : i32
    %ne3A_603 = arith.cmpi ne, %rem3A_601, %ne3A_602 : i32
    %and3A_604 = arith.andi %ne3A_600, %ne3A_603 : i1
    %sub3A_605 = arith.constant 1 : i32
    %sub3A_606 = arith.subi %div3A_585, %sub3A_605 : i32
    %select_n3A_607 = arith.select %and3A_604, %sub3A_606, %div3A_585 : i32
    %add3A_608 = arith.addi %mul3A_583, %select_n3A_607 : i32
    %get3A_609 = arith.index_cast %add3A_608 : i32 to index
    %get3A_610 = tpu.vector_load %arg11[%get3A_609] {strides = array<i32>} : memref<272xi32, #tpu.memory_space<vmem>>, vector<16xi32>,
    %get3A_611 = vector.shape_cast %get3A_610 : vector<16xi32> to vector<16xi32>
    %slice3A_612 = vector.extract_strided_slice %get3A_611 {offsets = [0], sizes = [1], strides = [1]} : vector<16xi32> to vector<1xi32>
    %squeeze3A_613 = vector.extract %slice3A_612[0] : i32 from vector<1xi32>
    %mul3A_614 = arith.constant 128 : i32
    %mul3A_615 = arith.muli %squeeze3A_613, %mul3A_614 : i32
    %jit3A_616 = arith.constant 2 : i32
    %eq3A_617 = arith.constant 0 : i32
    %eq3A_618 = arith.cmpi eq, %jit3A_616, %eq3A_617 : i32
    %jit3A_619 = arith.constant 1 : i32
    %select_n3A_620 = arith.select %eq3A_618, %jit3A_619, %jit3A_616 : i32
    %rem3A_621 = arith.remsi %squeeze3A_581, %select_n3A_620 : i32
    %ne3A_622 = arith.constant 0 : i32
    %ne3A_623 = arith.cmpi ne, %rem3A_621, %ne3A_622 : i32
    %lt3A_624 = arith.constant 0 : i32
    %lt3A_625 = arith.cmpi slt, %rem3A_621, %lt3A_624 : i32
    %lt3A_626 = arith.constant 0 : i32
    %lt3A_627 = arith.cmpi slt, %select_n3A_620, %lt3A_626 : i32
    %ne3A_628 = arith.xori %lt3A_625, %lt3A_627 : i1
    %and3A_629 = arith.andi %ne3A_628, %ne3A_623 : i1
    %add3A_630 = arith.addi %rem3A_621, %select_n3A_620 : i32
    %select_n3A_631 = arith.select %and3A_629, %add3A_630, %rem3A_621 : i32
    %mul3A_632 = arith.constant 64 : i32
    %mul3A_633 = arith.muli %select_n3A_631, %mul3A_632 : i32
    %add3A_634 = arith.addi %mul3A_615, %mul3A_633 : i32
    %mul3A_635 = arith.constant 8 : i32
    %mul3A_636 = arith.muli %select_n3A_560, %mul3A_635 : i32
    %jit3A_637 = arith.constant 2 : i32
    %div3A_638 = arith.divsi %select_n3A_576, %jit3A_637 : i32
    %sign3A_639 = arith.constant 0 : i32
    %sign3A_640 = arith.cmpi sgt, %select_n3A_576, %sign3A_639 : i32
    %sign3A_641 = arith.extui %sign3A_640 : i1 to i32
    %sign3A_642 = arith.constant 0 : i32
    %sign3A_643 = arith.cmpi slt, %select_n3A_576, %sign3A_642 : i32
    %sign3A_644 = arith.extui %sign3A_643 : i1 to i32
    %sign3A_645 = arith.subi %sign3A_641, %sign3A_644 : i32
    %sign3A_646 = arith.constant 0 : i32
    %sign3A_647 = arith.cmpi sgt, %jit3A_637, %sign3A_646 : i32
    %sign3A_648 = arith.extui %sign3A_647 : i1 to i32
    %sign3A_649 = arith.constant 0 : i32
    %sign3A_650 = arith.cmpi slt, %jit3A_637, %sign3A_649 : i32
    %sign3A_651 = arith.extui %sign3A_650 : i1 to i32
    %sign3A_652 = arith.subi %sign3A_648, %sign3A_651 : i32
    %ne3A_653 = arith.cmpi ne, %sign3A_645, %sign3A_652 : i32
    %rem3A_654 = arith.remsi %select_n3A_576, %jit3A_637 : i32
    %ne3A_655 = arith.constant 0 : i32
    %ne3A_656 = arith.cmpi ne, %rem3A_654, %ne3A_655 : i32
    %and3A_657 = arith.andi %ne3A_653, %ne3A_656 : i1
    %sub3A_658 = arith.constant 1 : i32
    %sub3A_659 = arith.subi %div3A_638, %sub3A_658 : i32
    %select_n3A_660 = arith.select %and3A_657, %sub3A_659, %div3A_638 : i32
    %add3A_661 = arith.addi %mul3A_636, %select_n3A_660 : i32
    %get3A_662 = arith.index_cast %add3A_661 : i32 to index
    %get3A_663 = tpu.vector_load %arg12[%get3A_662] {strides = array<i32>} : memref<80xi32, #tpu.memory_space<vmem>>, vector<16xi32>,
    %get3A_664 = vector.shape_cast %get3A_663 : vector<16xi32> to vector<16xi32>
    %slice3A_665 = vector.extract_strided_slice %get3A_664 {offsets = [0], sizes = [1], strides = [1]} : vector<16xi32> to vector<1xi32>
    %squeeze3A_666 = vector.extract %slice3A_665[0] : i32 from vector<1xi32>
    %mul3A_667 = arith.constant 128 : i32
    %mul3A_668 = arith.muli %squeeze3A_666, %mul3A_667 : i32
    %jit3A_669 = arith.constant 2 : i32
    %eq3A_670 = arith.constant 0 : i32
    %eq3A_671 = arith.cmpi eq, %jit3A_669, %eq3A_670 : i32
    %jit3A_672 = arith.constant 1 : i32
    %select_n3A_673 = arith.select %eq3A_671, %jit3A_672, %jit3A_669 : i32
    %rem3A_674 = arith.remsi %select_n3A_576, %select_n3A_673 : i32
    %ne3A_675 = arith.constant 0 : i32
    %ne3A_676 = arith.cmpi ne, %rem3A_674, %ne3A_675 : i32
    %lt3A_677 = arith.constant 0 : i32
    %lt3A_678 = arith.cmpi slt, %rem3A_674, %lt3A_677 : i32
    %lt3A_679 = arith.constant 0 : i32
    %lt3A_680 = arith.cmpi slt, %select_n3A_673, %lt3A_679 : i32
    %ne3A_681 = arith.xori %lt3A_678, %lt3A_680 : i1
    %and3A_682 = arith.andi %ne3A_681, %ne3A_676 : i1
    %add3A_683 = arith.addi %rem3A_674, %select_n3A_673 : i32
    %select_n3A_684 = arith.select %and3A_682, %add3A_683, %rem3A_674 : i32
    %mul3A_685 = arith.constant 64 : i32
    %mul3A_686 = arith.muli %select_n3A_684, %mul3A_685 : i32
    %add3A_687 = arith.addi %mul3A_668, %mul3A_686 : i32
    %get3A_688 = arith.index_cast %select_n3A_560 : i32 to index
    %get3A_689 = tpu.vector_load %arg13[%get3A_688] {strides = array<i32>} : memref<24xi32, #tpu.memory_space<vmem>>, vector<16xi32>,
    %get3A_690 = vector.shape_cast %get3A_689 : vector<16xi32> to vector<16xi32>
    %slice3A_691 = vector.extract_strided_slice %get3A_690 {offsets = [0], sizes = [1], strides = [1]} : vector<16xi32> to vector<1xi32>
    %squeeze3A_692 = vector.extract %slice3A_691[0] : i32 from vector<1xi32>
    %mul3A_693 = arith.constant 64 : i32
    %mul3A_694 = arith.muli %squeeze3A_581, %mul3A_693 : i32
    %sub3A_695 = arith.subi %squeeze3A_692, %mul3A_694 : i32
    %jit3A_696 = arith.constant 0 : i32
    %jit3A_697 = arith.constant 64 : i32
    %max3A_698 = arith.maxsi %jit3A_696, %sub3A_695 : i32
    %min3A_699 = arith.minsi %jit3A_697, %max3A_698 : i32
    %gt3A = arith.constant 0 : i32
    %gt3A_700 = arith.cmpi sgt, %min3A, %gt3A : i32
    %convert_element_type3A = arith.extui %gt3A_700 : i1 to i32
    %cond3A = arith.constant 0 : i32
    %cond3A_701 = arith.constant 0 : i32
    %cond3A_702 = arith.cmpi ne, %convert_element_type3A, %cond3A_701 : i32
    scf.if %cond3A_702 {
      %dma_start3A_886 = arith.constant 0 : i32
      %dma_start3A_887 = arith.constant 0 : i32
      %dma_start3A_888 = tpu.memref_slice %arg16[%dma_start3A_886, %dma_start3A_887] : memref<128x512xf32, #tpu.memory_space<vmem>> -> memref<64x512xf32, #tpu.memory_space<vmem>>
      %dma_start3A_889 = arith.constant 0 : i32
      %dma_start3A_890 = tpu.memref_slice %arg6[%add3A_141, %dma_start3A_889] : memref<32768x512xf32, #tpu.memory_space<hbm>> -> memref<64x512xf32, #tpu.memory_space<hbm>>
      %dma_start3A_891 = tpu.memref_slice %arg20[%cond3A] : memref<3x!tpu.dma_semaphore, #tpu.memory_space<semaphore_mem>> -> memref<1x!tpu.dma_semaphore, #tpu.memory_space<semaphore_mem>>
      %dma_start3A_892 = tpu.memref_squeeze %dma_start3A_891 : memref<1x!tpu.dma_semaphore, #tpu.memory_space<semaphore_mem>> -> memref<!tpu.dma_semaphore, #tpu.memory_space<semaphore_mem>>
      %dma_start3A_893 = arith.constant 0 : i32
      %dma_start3A_894 = arith.constant 0 : i32
      %dma_start3A_895 = tpu.memref_slice %arg16[%dma_start3A_893, %dma_start3A_894] : memref<128x512xf32, #tpu.memory_space<vmem>> -> memref<64x512xf32, #tpu.memory_space<vmem>>
      %dma_start3A_896 = arith.constant 0 : i32
      %dma_start3A_897 = tpu.memref_slice %arg6[%add3A_141, %dma_start3A_896] : memref<32768x512xf32, #tpu.memory_space<hbm>> -> memref<64x512xf32, #tpu.memory_space<hbm>>
      tpu.enqueue_dma source(%dma_start3A_897 : memref<64x512xf32, #tpu.memory_space<hbm>>) target(%dma_start3A_895 : memref<64x512xf32, #tpu.memory_space<vmem>>) target_semaphore(%dma_start3A_892 : memref<!tpu.dma_semaphore, #tpu.memory_space<semaphore_mem>>)
      %dma_start3A_898 = arith.constant 0 : i32
      %dma_start3A_899 = arith.constant 0 : i32
      %dma_start3A_900 = tpu.memref_slice %arg17[%dma_start3A_898, %dma_start3A_899] : memref<128x64xf32, #tpu.memory_space<vmem>> -> memref<64x64xf32, #tpu.memory_space<vmem>>
      %dma_start3A_901 = arith.constant 0 : i32
      %dma_start3A_902 = tpu.memref_slice %arg7[%add3A_141, %dma_start3A_901] : memref<32768x64xf32, #tpu.memory_space<hbm>> -> memref<64x64xf32, #tpu.memory_space<hbm>>
      %dma_start3A_903 = tpu.memref_slice %arg20[%cond3A] : memref<3x!tpu.dma_semaphore, #tpu.memory_space<semaphore_mem>> -> memref<1x!tpu.dma_semaphore, #tpu.memory_space<semaphore_mem>>
      %dma_start3A_904 = tpu.memref_squeeze %dma_start3A_903 : memref<1x!tpu.dma_semaphore, #tpu.memory_space<semaphore_mem>> -> memref<!tpu.dma_semaphore, #tpu.memory_space<semaphore_mem>>
      %dma_start3A_905 = arith.constant 0 : i32
      %dma_start3A_906 = arith.constant 0 : i32
      %dma_start3A_907 = tpu.memref_slice %arg17[%dma_start3A_905, %dma_start3A_906] : memref<128x64xf32, #tpu.memory_space<vmem>> -> memref<64x64xf32, #tpu.memory_space<vmem>>
      %dma_start3A_908 = arith.constant 0 : i32
      %dma_start3A_909 = tpu.memref_slice %arg7[%add3A_141, %dma_start3A_908] : memref<32768x64xf32, #tpu.memory_space<hbm>> -> memref<64x64xf32, #tpu.memory_space<hbm>>
      tpu.enqueue_dma source(%dma_start3A_909 : memref<64x64xf32, #tpu.memory_space<hbm>>) target(%dma_start3A_907 : memref<64x64xf32, #tpu.memory_space<vmem>>) target_semaphore(%dma_start3A_904 : memref<!tpu.dma_semaphore, #tpu.memory_space<semaphore_mem>>)
    } else {
    }
    %gt3A_703 = arith.constant 0 : i32
    %gt3A_704 = arith.cmpi sgt, %min3A_369, %gt3A_703 : i32
    %convert_element_type3A_705 = arith.extui %gt3A_704 : i1 to i32
    %cond3A_706 = arith.constant 1 : i32
    %cond3A_707 = arith.constant 0 : i32
    %cond3A_708 = arith.cmpi ne, %convert_element_type3A_705, %cond3A_707 : i32
    scf.if %cond3A_708 {
      %dma_start3A_886 = arith.constant 64 : i32
      %dma_start3A_887 = arith.constant 0 : i32
      %dma_start3A_888 = tpu.memref_slice %arg16[%dma_start3A_886, %dma_start3A_887] : memref<128x512xf32, #tpu.memory_space<vmem>> -> memref<64x512xf32, #tpu.memory_space<vmem>>
      %dma_start3A_889 = arith.constant 0 : i32
      %dma_start3A_890 = tpu.memref_slice %arg6[%add3A_304, %dma_start3A_889] : memref<32768x512xf32, #tpu.memory_space<hbm>> -> memref<64x512xf32, #tpu.memory_space<hbm>>
      %dma_start3A_891 = tpu.memref_slice %arg20[%cond3A_706] : memref<3x!tpu.dma_semaphore, #tpu.memory_space<semaphore_mem>> -> memref<1x!tpu.dma_semaphore, #tpu.memory_space<semaphore_mem>>
      %dma_start3A_892 = tpu.memref_squeeze %dma_start3A_891 : memref<1x!tpu.dma_semaphore, #tpu.memory_space<semaphore_mem>> -> memref<!tpu.dma_semaphore, #tpu.memory_space<semaphore_mem>>
      %dma_start3A_893 = arith.constant 64 : i32
      %dma_start3A_894 = arith.constant 0 : i32
      %dma_start3A_895 = tpu.memref_slice %arg16[%dma_start3A_893, %dma_start3A_894] : memref<128x512xf32, #tpu.memory_space<vmem>> -> memref<64x512xf32, #tpu.memory_space<vmem>>
      %dma_start3A_896 = arith.constant 0 : i32
      %dma_start3A_897 = tpu.memref_slice %arg6[%add3A_304, %dma_start3A_896] : memref<32768x512xf32, #tpu.memory_space<hbm>> -> memref<64x512xf32, #tpu.memory_space<hbm>>
      tpu.enqueue_dma source(%dma_start3A_897 : memref<64x512xf32, #tpu.memory_space<hbm>>) target(%dma_start3A_895 : memref<64x512xf32, #tpu.memory_space<vmem>>) target_semaphore(%dma_start3A_892 : memref<!tpu.dma_semaphore, #tpu.memory_space<semaphore_mem>>)
      %dma_start3A_898 = arith.constant 64 : i32
      %dma_start3A_899 = arith.constant 0 : i32
      %dma_start3A_900 = tpu.memref_slice %arg17[%dma_start3A_898, %dma_start3A_899] : memref<128x64xf32, #tpu.memory_space<vmem>> -> memref<64x64xf32, #tpu.memory_space<vmem>>
      %dma_start3A_901 = arith.constant 0 : i32
      %dma_start3A_902 = tpu.memref_slice %arg7[%add3A_304, %dma_start3A_901] : memref<32768x64xf32, #tpu.memory_space<hbm>> -> memref<64x64xf32, #tpu.memory_space<hbm>>
      %dma_start3A_903 = tpu.memref_slice %arg20[%cond3A_706] : memref<3x!tpu.dma_semaphore, #tpu.memory_space<semaphore_mem>> -> memref<1x!tpu.dma_semaphore, #tpu.memory_space<semaphore_mem>>
      %dma_start3A_904 = tpu.memref_squeeze %dma_start3A_903 : memref<1x!tpu.dma_semaphore, #tpu.memory_space<semaphore_mem>> -> memref<!tpu.dma_semaphore, #tpu.memory_space<semaphore_mem>>
      %dma_start3A_905 = arith.constant 64 : i32
      %dma_start3A_906 = arith.constant 0 : i32
      %dma_start3A_907 = tpu.memref_slice %arg17[%dma_start3A_905, %dma_start3A_906] : memref<128x64xf32, #tpu.memory_space<vmem>> -> memref<64x64xf32, #tpu.memory_space<vmem>>
      %dma_start3A_908 = arith.constant 0 : i32
      %dma_start3A_909 = tpu.memref_slice %arg7[%add3A_304, %dma_start3A_908] : memref<32768x64xf32, #tpu.memory_space<hbm>> -> memref<64x64xf32, #tpu.memory_space<hbm>>
      tpu.enqueue_dma source(%dma_start3A_909 : memref<64x64xf32, #tpu.memory_space<hbm>>) target(%dma_start3A_907 : memref<64x64xf32, #tpu.memory_space<vmem>>) target_semaphore(%dma_start3A_904 : memref<!tpu.dma_semaphore, #tpu.memory_space<semaphore_mem>>)
    } else {
    }
    %broadcast_in_dim3A = arith.constant 0.000000e+00 : f32
    %broadcast_in_dim3A_709 = vector.broadcast %broadcast_in_dim3A : f32 to vector<16xf32>
    %scan3A = arith.constant 0 : i32
    %scan3A_710 = arith.constant 0 : i32
    %scan3A_711 = arith.constant 64 : i32
    %scan3A_712 = arith.addi %scan3A_710, %scan3A_711 : i32
    %scan3A_713 = arith.constant 1 : i32
    scf.for %scan3A_886 = %scan3A_710 to %scan3A_712 step %scan3A_713  : i32 {
      %swap3A = arith.index_cast %scan3A_886 : i32 to index
      %swap3A_887 = arith.constant 0 : index
      %swap3A_888 = tpu.vector_load %arg18[%swap3A, %swap3A_887] {strides = array<i32>} : memref<64x512xf32, #tpu.memory_space<vmem>>, vector<1x16xf32>,
      %swap3A_889 = vector.shape_cast %swap3A_888 : vector<1x16xf32> to vector<16xf32>
      %swap3A_890 = vector.shape_cast %broadcast_in_dim3A_709 : vector<16xf32> to vector<1x16xf32>
      tpu.vector_store %arg18[%swap3A, %swap3A_887], %swap3A_890 {strides = array<i32>} : memref<64x512xf32, #tpu.memory_space<vmem>>, vector<1x16xf32>,
      %swap3A_891 = arith.index_cast %scan3A_886 : i32 to index
      %swap3A_892 = arith.constant 16 : index
      %swap3A_893 = tpu.vector_load %arg18[%swap3A_891, %swap3A_892] {strides = array<i32>} : memref<64x512xf32, #tpu.memory_space<vmem>>, vector<1x16xf32>,
      %swap3A_894 = vector.shape_cast %swap3A_893 : vector<1x16xf32> to vector<16xf32>
      %swap3A_895 = vector.shape_cast %broadcast_in_dim3A_709 : vector<16xf32> to vector<1x16xf32>
      tpu.vector_store %arg18[%swap3A_891, %swap3A_892], %swap3A_895 {strides = array<i32>} : memref<64x512xf32, #tpu.memory_space<vmem>>, vector<1x16xf32>,
      %swap3A_896 = arith.index_cast %scan3A_886 : i32 to index
      %swap3A_897 = arith.constant 32 : index
      %swap3A_898 = tpu.vector_load %arg18[%swap3A_896, %swap3A_897] {strides = array<i32>} : memref<64x512xf32, #tpu.memory_space<vmem>>, vector<1x16xf32>,
      %swap3A_899 = vector.shape_cast %swap3A_898 : vector<1x16xf32> to vector<16xf32>
      %swap3A_900 = vector.shape_cast %broadcast_in_dim3A_709 : vector<16xf32> to vector<1x16xf32>
      tpu.vector_store %arg18[%swap3A_896, %swap3A_897], %swap3A_900 {strides = array<i32>} : memref<64x512xf32, #tpu.memory_space<vmem>>, vector<1x16xf32>,
      %swap3A_901 = arith.index_cast %scan3A_886 : i32 to index
      %swap3A_902 = arith.constant 48 : index
      %swap3A_903 = tpu.vector_load %arg18[%swap3A_901, %swap3A_902] {strides = array<i32>} : memref<64x512xf32, #tpu.memory_space<vmem>>, vector<1x16xf32>,
      %swap3A_904 = vector.shape_cast %swap3A_903 : vector<1x16xf32> to vector<16xf32>
      %swap3A_905 = vector.shape_cast %broadcast_in_dim3A_709 : vector<16xf32> to vector<1x16xf32>
      tpu.vector_store %arg18[%swap3A_901, %swap3A_902], %swap3A_905 {strides = array<i32>} : memref<64x512xf32, #tpu.memory_space<vmem>>, vector<1x16xf32>,
      %swap3A_906 = arith.index_cast %scan3A_886 : i32 to index
      %swap3A_907 = arith.constant 64 : index
      %swap3A_908 = tpu.vector_load %arg18[%swap3A_906, %swap3A_907] {strides = array<i32>} : memref<64x512xf32, #tpu.memory_space<vmem>>, vector<1x16xf32>,
      %swap3A_909 = vector.shape_cast %swap3A_908 : vector<1x16xf32> to vector<16xf32>
      %swap3A_910 = vector.shape_cast %broadcast_in_dim3A_709 : vector<16xf32> to vector<1x16xf32>
      tpu.vector_store %arg18[%swap3A_906, %swap3A_907], %swap3A_910 {strides = array<i32>} : memref<64x512xf32, #tpu.memory_space<vmem>>, vector<1x16xf32>,
      %swap3A_911 = arith.index_cast %scan3A_886 : i32 to index
      %swap3A_912 = arith.constant 80 : index
      %swap3A_913 = tpu.vector_load %arg18[%swap3A_911, %swap3A_912] {strides = array<i32>} : memref<64x512xf32, #tpu.memory_space<vmem>>, vector<1x16xf32>,
      %swap3A_914 = vector.shape_cast %swap3A_913 : vector<1x16xf32> to vector<16xf32>
      %swap3A_915 = vector.shape_cast %broadcast_in_dim3A_709 : vector<16xf32> to vector<1x16xf32>
      tpu.vector_store %arg18[%swap3A_911, %swap3A_912], %swap3A_915 {strides = array<i32>} : memref<64x512xf32, #tpu.memory_space<vmem>>, vector<1x16xf32>,
      %swap3A_916 = arith.index_cast %scan3A_886 : i32 to index
      %swap3A_917 = arith.constant 96 : index
      %swap3A_918 = tpu.vector_load %arg18[%swap3A_916, %swap3A_917] {strides = array<i32>} : memref<64x512xf32, #tpu.memory_space<vmem>>, vector<1x16xf32>,
      %swap3A_919 = vector.shape_cast %swap3A_918 : vector<1x16xf32> to vector<16xf32>
      %swap3A_920 = vector.shape_cast %broadcast_in_dim3A_709 : vector<16xf32> to vector<1x16xf32>
      tpu.vector_store %arg18[%swap3A_916, %swap3A_917], %swap3A_920 {strides = array<i32>} : memref<64x512xf32, #tpu.memory_space<vmem>>, vector<1x16xf32>,
      %swap3A_921 = arith.index_cast %scan3A_886 : i32 to index
      %swap3A_922 = arith.constant 112 : index
      %swap3A_923 = tpu.vector_load %arg18[%swap3A_921, %swap3A_922] {strides = array<i32>} : memref<64x512xf32, #tpu.memory_space<vmem>>, vector<1x16xf32>,
      %swap3A_924 = vector.shape_cast %swap3A_923 : vector<1x16xf32> to vector<16xf32>
      %swap3A_925 = vector.shape_cast %broadcast_in_dim3A_709 : vector<16xf32> to vector<1x16xf32>
      tpu.vector_store %arg18[%swap3A_921, %swap3A_922], %swap3A_925 {strides = array<i32>} : memref<64x512xf32, #tpu.memory_space<vmem>>, vector<1x16xf32>,
      %swap3A_926 = arith.index_cast %scan3A_886 : i32 to index
      %swap3A_927 = arith.constant 128 : index
      %swap3A_928 = tpu.vector_load %arg18[%swap3A_926, %swap3A_927] {strides = array<i32>} : memref<64x512xf32, #tpu.memory_space<vmem>>, vector<1x16xf32>,
      %swap3A_929 = vector.shape_cast %swap3A_928 : vector<1x16xf32> to vector<16xf32>
      %swap3A_930 = vector.shape_cast %broadcast_in_dim3A_709 : vector<16xf32> to vector<1x16xf32>
      tpu.vector_store %arg18[%swap3A_926, %swap3A_927], %swap3A_930 {strides = array<i32>} : memref<64x512xf32, #tpu.memory_space<vmem>>, vector<1x16xf32>,
      %swap3A_931 = arith.index_cast %scan3A_886 : i32 to index
      %swap3A_932 = arith.constant 144 : index
      %swap3A_933 = tpu.vector_load %arg18[%swap3A_931, %swap3A_932] {strides = array<i32>} : memref<64x512xf32, #tpu.memory_space<vmem>>, vector<1x16xf32>,
      %swap3A_934 = vector.shape_cast %swap3A_933 : vector<1x16xf32> to vector<16xf32>
      %swap3A_935 = vector.shape_cast %broadcast_in_dim3A_709 : vector<16xf32> to vector<1x16xf32>
      tpu.vector_store %arg18[%swap3A_931, %swap3A_932], %swap3A_935 {strides = array<i32>} : memref<64x512xf32, #tpu.memory_space<vmem>>, vector<1x16xf32>,
      %swap3A_936 = arith.index_cast %scan3A_886 : i32 to index
      %swap3A_937 = arith.constant 160 : index
      %swap3A_938 = tpu.vector_load %arg18[%swap3A_936, %swap3A_937] {strides = array<i32>} : memref<64x512xf32, #tpu.memory_space<vmem>>, vector<1x16xf32>,
      %swap3A_939 = vector.shape_cast %swap3A_938 : vector<1x16xf32> to vector<16xf32>
      %swap3A_940 = vector.shape_cast %broadcast_in_dim3A_709 : vector<16xf32> to vector<1x16xf32>
      tpu.vector_store %arg18[%swap3A_936, %swap3A_937], %swap3A_940 {strides = array<i32>} : memref<64x512xf32, #tpu.memory_space<vmem>>, vector<1x16xf32>,
      %swap3A_941 = arith.index_cast %scan3A_886 : i32 to index
      %swap3A_942 = arith.constant 176 : index
      %swap3A_943 = tpu.vector_load %arg18[%swap3A_941, %swap3A_942] {strides = array<i32>} : memref<64x512xf32, #tpu.memory_space<vmem>>, vector<1x16xf32>,
      %swap3A_944 = vector.shape_cast %swap3A_943 : vector<1x16xf32> to vector<16xf32>
      %swap3A_945 = vector.shape_cast %broadcast_in_dim3A_709 : vector<16xf32> to vector<1x16xf32>
      tpu.vector_store %arg18[%swap3A_941, %swap3A_942], %swap3A_945 {strides = array<i32>} : memref<64x512xf32, #tpu.memory_space<vmem>>, vector<1x16xf32>,
      %swap3A_946 = arith.index_cast %scan3A_886 : i32 to index
      %swap3A_947 = arith.constant 192 : index
      %swap3A_948 = tpu.vector_load %arg18[%swap3A_946, %swap3A_947] {strides = array<i32>} : memref<64x512xf32, #tpu.memory_space<vmem>>, vector<1x16xf32>,
      %swap3A_949 = vector.shape_cast %swap3A_948 : vector<1x16xf32> to vector<16xf32>
      %swap3A_950 = vector.shape_cast %broadcast_in_dim3A_709 : vector<16xf32> to vector<1x16xf32>
      tpu.vector_store %arg18[%swap3A_946, %swap3A_947], %swap3A_950 {strides = array<i32>} : memref<64x512xf32, #tpu.memory_space<vmem>>, vector<1x16xf32>,
      %swap3A_951 = arith.index_cast %scan3A_886 : i32 to index
      %swap3A_952 = arith.constant 208 : index
      %swap3A_953 = tpu.vector_load %arg18[%swap3A_951, %swap3A_952] {strides = array<i32>} : memref<64x512xf32, #tpu.memory_space<vmem>>, vector<1x16xf32>,
      %swap3A_954 = vector.shape_cast %swap3A_953 : vector<1x16xf32> to vector<16xf32>
      %swap3A_955 = vector.shape_cast %broadcast_in_dim3A_709 : vector<16xf32> to vector<1x16xf32>
      tpu.vector_store %arg18[%swap3A_951, %swap3A_952], %swap3A_955 {strides = array<i32>} : memref<64x512xf32, #tpu.memory_space<vmem>>, vector<1x16xf32>,
      %swap3A_956 = arith.index_cast %scan3A_886 : i32 to index
      %swap3A_957 = arith.constant 224 : index
      %swap3A_958 = tpu.vector_load %arg18[%swap3A_956, %swap3A_957] {strides = array<i32>} : memref<64x512xf32, #tpu.memory_space<vmem>>, vector<1x16xf32>,
      %swap3A_959 = vector.shape_cast %swap3A_958 : vector<1x16xf32> to vector<16xf32>
      %swap3A_960 = vector.shape_cast %broadcast_in_dim3A_709 : vector<16xf32> to vector<1x16xf32>
      tpu.vector_store %arg18[%swap3A_956, %swap3A_957], %swap3A_960 {strides = array<i32>} : memref<64x512xf32, #tpu.memory_space<vmem>>, vector<1x16xf32>,
      %swap3A_961 = arith.index_cast %scan3A_886 : i32 to index
      %swap3A_962 = arith.constant 240 : index
      %swap3A_963 = tpu.vector_load %arg18[%swap3A_961, %swap3A_962] {strides = array<i32>} : memref<64x512xf32, #tpu.memory_space<vmem>>, vector<1x16xf32>,
      %swap3A_964 = vector.shape_cast %swap3A_963 : vector<1x16xf32> to vector<16xf32>
      %swap3A_965 = vector.shape_cast %broadcast_in_dim3A_709 : vector<16xf32> to vector<1x16xf32>
      tpu.vector_store %arg18[%swap3A_961, %swap3A_962], %swap3A_965 {strides = array<i32>} : memref<64x512xf32, #tpu.memory_space<vmem>>, vector<1x16xf32>,
      %swap3A_966 = arith.index_cast %scan3A_886 : i32 to index
      %swap3A_967 = arith.constant 256 : index
      %swap3A_968 = tpu.vector_load %arg18[%swap3A_966, %swap3A_967] {strides = array<i32>} : memref<64x512xf32, #tpu.memory_space<vmem>>, vector<1x16xf32>,
      %swap3A_969 = vector.shape_cast %swap3A_968 : vector<1x16xf32> to vector<16xf32>
      %swap3A_970 = vector.shape_cast %broadcast_in_dim3A_709 : vector<16xf32> to vector<1x16xf32>
      tpu.vector_store %arg18[%swap3A_966, %swap3A_967], %swap3A_970 {strides = array<i32>} : memref<64x512xf32, #tpu.memory_space<vmem>>, vector<1x16xf32>,
      %swap3A_971 = arith.index_cast %scan3A_886 : i32 to index
      %swap3A_972 = arith.constant 272 : index
      %swap3A_973 = tpu.vector_load %arg18[%swap3A_971, %swap3A_972] {strides = array<i32>} : memref<64x512xf32, #tpu.memory_space<vmem>>, vector<1x16xf32>,
      %swap3A_974 = vector.shape_cast %swap3A_973 : vector<1x16xf32> to vector<16xf32>
      %swap3A_975 = vector.shape_cast %broadcast_in_dim3A_709 : vector<16xf32> to vector<1x16xf32>
      tpu.vector_store %arg18[%swap3A_971, %swap3A_972], %swap3A_975 {strides = array<i32>} : memref<64x512xf32, #tpu.memory_space<vmem>>, vector<1x16xf32>,
      %swap3A_976 = arith.index_cast %scan3A_886 : i32 to index
      %swap3A_977 = arith.constant 288 : index
      %swap3A_978 = tpu.vector_load %arg18[%swap3A_976, %swap3A_977] {strides = array<i32>} : memref<64x512xf32, #tpu.memory_space<vmem>>, vector<1x16xf32>,
      %swap3A_979 = vector.shape_cast %swap3A_978 : vector<1x16xf32> to vector<16xf32>
      %swap3A_980 = vector.shape_cast %broadcast_in_dim3A_709 : vector<16xf32> to vector<1x16xf32>
      tpu.vector_store %arg18[%swap3A_976, %swap3A_977], %swap3A_980 {strides = array<i32>} : memref<64x512xf32, #tpu.memory_space<vmem>>, vector<1x16xf32>,
      %swap3A_981 = arith.index_cast %scan3A_886 : i32 to index
      %swap3A_982 = arith.constant 304 : index
      %swap3A_983 = tpu.vector_load %arg18[%swap3A_981, %swap3A_982] {strides = array<i32>} : memref<64x512xf32, #tpu.memory_space<vmem>>, vector<1x16xf32>,
      %swap3A_984 = vector.shape_cast %swap3A_983 : vector<1x16xf32> to vector<16xf32>
      %swap3A_985 = vector.shape_cast %broadcast_in_dim3A_709 : vector<16xf32> to vector<1x16xf32>
      tpu.vector_store %arg18[%swap3A_981, %swap3A_982], %swap3A_985 {strides = array<i32>} : memref<64x512xf32, #tpu.memory_space<vmem>>, vector<1x16xf32>,
      %swap3A_986 = arith.index_cast %scan3A_886 : i32 to index
      %swap3A_987 = arith.constant 320 : index
      %swap3A_988 = tpu.vector_load %arg18[%swap3A_986, %swap3A_987] {strides = array<i32>} : memref<64x512xf32, #tpu.memory_space<vmem>>, vector<1x16xf32>,
      %swap3A_989 = vector.shape_cast %swap3A_988 : vector<1x16xf32> to vector<16xf32>
      %swap3A_990 = vector.shape_cast %broadcast_in_dim3A_709 : vector<16xf32> to vector<1x16xf32>
      tpu.vector_store %arg18[%swap3A_986, %swap3A_987], %swap3A_990 {strides = array<i32>} : memref<64x512xf32, #tpu.memory_space<vmem>>, vector<1x16xf32>,
      %swap3A_991 = arith.index_cast %scan3A_886 : i32 to index
      %swap3A_992 = arith.constant 336 : index
      %swap3A_993 = tpu.vector_load %arg18[%swap3A_991, %swap3A_992] {strides = array<i32>} : memref<64x512xf32, #tpu.memory_space<vmem>>, vector<1x16xf32>,
      %swap3A_994 = vector.shape_cast %swap3A_993 : vector<1x16xf32> to vector<16xf32>
      %swap3A_995 = vector.shape_cast %broadcast_in_dim3A_709 : vector<16xf32> to vector<1x16xf32>
      tpu.vector_store %arg18[%swap3A_991, %swap3A_992], %swap3A_995 {strides = array<i32>} : memref<64x512xf32, #tpu.memory_space<vmem>>, vector<1x16xf32>,
      %swap3A_996 = arith.index_cast %scan3A_886 : i32 to index
      %swap3A_997 = arith.constant 352 : index
      %swap3A_998 = tpu.vector_load %arg18[%swap3A_996, %swap3A_997] {strides = array<i32>} : memref<64x512xf32, #tpu.memory_space<vmem>>, vector<1x16xf32>,
      %swap3A_999 = vector.shape_cast %swap3A_998 : vector<1x16xf32> to vector<16xf32>
      %swap3A_1000 = vector.shape_cast %broadcast_in_dim3A_709 : vector<16xf32> to vector<1x16xf32>
      tpu.vector_store %arg18[%swap3A_996, %swap3A_997], %swap3A_1000 {strides = array<i32>} : memref<64x512xf32, #tpu.memory_space<vmem>>, vector<1x16xf32>,
      %swap3A_1001 = arith.index_cast %scan3A_886 : i32 to index
      %swap3A_1002 = arith.constant 368 : index
      %swap3A_1003 = tpu.vector_load %arg18[%swap3A_1001, %swap3A_1002] {strides = array<i32>} : memref<64x512xf32, #tpu.memory_space<vmem>>, vector<1x16xf32>,
      %swap3A_1004 = vector.shape_cast %swap3A_1003 : vector<1x16xf32> to vector<16xf32>
      %swap3A_1005 = vector.shape_cast %broadcast_in_dim3A_709 : vector<16xf32> to vector<1x16xf32>
      tpu.vector_store %arg18[%swap3A_1001, %swap3A_1002], %swap3A_1005 {strides = array<i32>} : memref<64x512xf32, #tpu.memory_space<vmem>>, vector<1x16xf32>,
      %swap3A_1006 = arith.index_cast %scan3A_886 : i32 to index
      %swap3A_1007 = arith.constant 384 : index
      %swap3A_1008 = tpu.vector_load %arg18[%swap3A_1006, %swap3A_1007] {strides = array<i32>} : memref<64x512xf32, #tpu.memory_space<vmem>>, vector<1x16xf32>,
      %swap3A_1009 = vector.shape_cast %swap3A_1008 : vector<1x16xf32> to vector<16xf32>
      %swap3A_1010 = vector.shape_cast %broadcast_in_dim3A_709 : vector<16xf32> to vector<1x16xf32>
      tpu.vector_store %arg18[%swap3A_1006, %swap3A_1007], %swap3A_1010 {strides = array<i32>} : memref<64x512xf32, #tpu.memory_space<vmem>>, vector<1x16xf32>,
      %swap3A_1011 = arith.index_cast %scan3A_886 : i32 to index
      %swap3A_1012 = arith.constant 400 : index
      %swap3A_1013 = tpu.vector_load %arg18[%swap3A_1011, %swap3A_1012] {strides = array<i32>} : memref<64x512xf32, #tpu.memory_space<vmem>>, vector<1x16xf32>,
      %swap3A_1014 = vector.shape_cast %swap3A_1013 : vector<1x16xf32> to vector<16xf32>
      %swap3A_1015 = vector.shape_cast %broadcast_in_dim3A_709 : vector<16xf32> to vector<1x16xf32>
      tpu.vector_store %arg18[%swap3A_1011, %swap3A_1012], %swap3A_1015 {strides = array<i32>} : memref<64x512xf32, #tpu.memory_space<vmem>>, vector<1x16xf32>,
      %swap3A_1016 = arith.index_cast %scan3A_886 : i32 to index
      %swap3A_1017 = arith.constant 416 : index
      %swap3A_1018 = tpu.vector_load %arg18[%swap3A_1016, %swap3A_1017] {strides = array<i32>} : memref<64x512xf32, #tpu.memory_space<vmem>>, vector<1x16xf32>,
      %swap3A_1019 = vector.shape_cast %swap3A_1018 : vector<1x16xf32> to vector<16xf32>
      %swap3A_1020 = vector.shape_cast %broadcast_in_dim3A_709 : vector<16xf32> to vector<1x16xf32>
      tpu.vector_store %arg18[%swap3A_1016, %swap3A_1017], %swap3A_1020 {strides = array<i32>} : memref<64x512xf32, #tpu.memory_space<vmem>>, vector<1x16xf32>,
      %swap3A_1021 = arith.index_cast %scan3A_886 : i32 to index
      %swap3A_1022 = arith.constant 432 : index
      %swap3A_1023 = tpu.vector_load %arg18[%swap3A_1021, %swap3A_1022] {strides = array<i32>} : memref<64x512xf32, #tpu.memory_space<vmem>>, vector<1x16xf32>,
      %swap3A_1024 = vector.shape_cast %swap3A_1023 : vector<1x16xf32> to vector<16xf32>
      %swap3A_1025 = vector.shape_cast %broadcast_in_dim3A_709 : vector<16xf32> to vector<1x16xf32>
      tpu.vector_store %arg18[%swap3A_1021, %swap3A_1022], %swap3A_1025 {strides = array<i32>} : memref<64x512xf32, #tpu.memory_space<vmem>>, vector<1x16xf32>,
      %swap3A_1026 = arith.index_cast %scan3A_886 : i32 to index
      %swap3A_1027 = arith.constant 448 : index
      %swap3A_1028 = tpu.vector_load %arg18[%swap3A_1026, %swap3A_1027] {strides = array<i32>} : memref<64x512xf32, #tpu.memory_space<vmem>>, vector<1x16xf32>,
      %swap3A_1029 = vector.shape_cast %swap3A_1028 : vector<1x16xf32> to vector<16xf32>
      %swap3A_1030 = vector.shape_cast %broadcast_in_dim3A_709 : vector<16xf32> to vector<1x16xf32>
      tpu.vector_store %arg18[%swap3A_1026, %swap3A_1027], %swap3A_1030 {strides = array<i32>} : memref<64x512xf32, #tpu.memory_space<vmem>>, vector<1x16xf32>,
      %swap3A_1031 = arith.index_cast %scan3A_886 : i32 to index
      %swap3A_1032 = arith.constant 464 : index
      %swap3A_1033 = tpu.vector_load %arg18[%swap3A_1031, %swap3A_1032] {strides = array<i32>} : memref<64x512xf32, #tpu.memory_space<vmem>>, vector<1x16xf32>,
      %swap3A_1034 = vector.shape_cast %swap3A_1033 : vector<1x16xf32> to vector<16xf32>
      %swap3A_1035 = vector.shape_cast %broadcast_in_dim3A_709 : vector<16xf32> to vector<1x16xf32>
      tpu.vector_store %arg18[%swap3A_1031, %swap3A_1032], %swap3A_1035 {strides = array<i32>} : memref<64x512xf32, #tpu.memory_space<vmem>>, vector<1x16xf32>,
      %swap3A_1036 = arith.index_cast %scan3A_886 : i32 to index
      %swap3A_1037 = arith.constant 480 : index
      %swap3A_1038 = tpu.vector_load %arg18[%swap3A_1036, %swap3A_1037] {strides = array<i32>} : memref<64x512xf32, #tpu.memory_space<vmem>>, vector<1x16xf32>,
      %swap3A_1039 = vector.shape_cast %swap3A_1038 : vector<1x16xf32> to vector<16xf32>
      %swap3A_1040 = vector.shape_cast %broadcast_in_dim3A_709 : vector<16xf32> to vector<1x16xf32>
      tpu.vector_store %arg18[%swap3A_1036, %swap3A_1037], %swap3A_1040 {strides = array<i32>} : memref<64x512xf32, #tpu.memory_space<vmem>>, vector<1x16xf32>,
      %swap3A_1041 = arith.index_cast %scan3A_886 : i32 to index
      %swap3A_1042 = arith.constant 496 : index
      %swap3A_1043 = tpu.vector_load %arg18[%swap3A_1041, %swap3A_1042] {strides = array<i32>} : memref<64x512xf32, #tpu.memory_space<vmem>>, vector<1x16xf32>,
      %swap3A_1044 = vector.shape_cast %swap3A_1043 : vector<1x16xf32> to vector<16xf32>
      %swap3A_1045 = vector.shape_cast %broadcast_in_dim3A_709 : vector<16xf32> to vector<1x16xf32>
      tpu.vector_store %arg18[%swap3A_1041, %swap3A_1042], %swap3A_1045 {strides = array<i32>} : memref<64x512xf32, #tpu.memory_space<vmem>>, vector<1x16xf32>,
      %swap3A_1046 = arith.index_cast %scan3A_886 : i32 to index
      %swap3A_1047 = arith.constant 0 : index
      %swap3A_1048 = tpu.vector_load %arg19[%swap3A_1046, %swap3A_1047] {strides = array<i32>} : memref<64x64xf32, #tpu.memory_space<vmem>>, vector<1x16xf32>,
      %swap3A_1049 = vector.shape_cast %swap3A_1048 : vector<1x16xf32> to vector<16xf32>
      %swap3A_1050 = vector.shape_cast %broadcast_in_dim3A_709 : vector<16xf32> to vector<1x16xf32>
      tpu.vector_store %arg19[%swap3A_1046, %swap3A_1047], %swap3A_1050 {strides = array<i32>} : memref<64x64xf32, #tpu.memory_space<vmem>>, vector<1x16xf32>,
      %swap3A_1051 = arith.index_cast %scan3A_886 : i32 to index
      %swap3A_1052 = arith.constant 16 : index
      %swap3A_1053 = tpu.vector_load %arg19[%swap3A_1051, %swap3A_1052] {strides = array<i32>} : memref<64x64xf32, #tpu.memory_space<vmem>>, vector<1x16xf32>,
      %swap3A_1054 = vector.shape_cast %swap3A_1053 : vector<1x16xf32> to vector<16xf32>
      %swap3A_1055 = vector.shape_cast %broadcast_in_dim3A_709 : vector<16xf32> to vector<1x16xf32>
      tpu.vector_store %arg19[%swap3A_1051, %swap3A_1052], %swap3A_1055 {strides = array<i32>} : memref<64x64xf32, #tpu.memory_space<vmem>>, vector<1x16xf32>,
      %swap3A_1056 = arith.index_cast %scan3A_886 : i32 to index
      %swap3A_1057 = arith.constant 32 : index
      %swap3A_1058 = tpu.vector_load %arg19[%swap3A_1056, %swap3A_1057] {strides = array<i32>} : memref<64x64xf32, #tpu.memory_space<vmem>>, vector<1x16xf32>,
      %swap3A_1059 = vector.shape_cast %swap3A_1058 : vector<1x16xf32> to vector<16xf32>
      %swap3A_1060 = vector.shape_cast %broadcast_in_dim3A_709 : vector<16xf32> to vector<1x16xf32>
      tpu.vector_store %arg19[%swap3A_1056, %swap3A_1057], %swap3A_1060 {strides = array<i32>} : memref<64x64xf32, #tpu.memory_space<vmem>>, vector<1x16xf32>,
      %swap3A_1061 = arith.index_cast %scan3A_886 : i32 to index
      %swap3A_1062 = arith.constant 48 : index
      %swap3A_1063 = tpu.vector_load %arg19[%swap3A_1061, %swap3A_1062] {strides = array<i32>} : memref<64x64xf32, #tpu.memory_space<vmem>>, vector<1x16xf32>,
      %swap3A_1064 = vector.shape_cast %swap3A_1063 : vector<1x16xf32> to vector<16xf32>
      %swap3A_1065 = vector.shape_cast %broadcast_in_dim3A_709 : vector<16xf32> to vector<1x16xf32>
      tpu.vector_store %arg19[%swap3A_1061, %swap3A_1062], %swap3A_1065 {strides = array<i32>} : memref<64x64xf32, #tpu.memory_space<vmem>>, vector<1x16xf32>,
    }
    %scan3A_714 = arith.constant 64 : i32
    %gt3A_715 = arith.constant 0 : i32
    %gt3A_716 = arith.cmpi sgt, %min3A, %gt3A_715 : i32
    %convert_element_type3A_717 = arith.extui %gt3A_716 : i1 to i32
    %cond3A_718 = arith.constant 0 : i32
    %cond3A_719 = arith.constant 0 : i32
    %cond3A_720 = arith.cmpi ne, %convert_element_type3A_717, %cond3A_719 : i32
    scf.if %cond3A_720 {
      %dma_wait3A_886 = arith.constant 0 : i32
      %dma_wait3A_887 = arith.constant 0 : i32
      %dma_wait3A_888 = tpu.memref_slice %arg16[%dma_wait3A_886, %dma_wait3A_887] : memref<128x512xf32, #tpu.memory_space<vmem>> -> memref<64x512xf32, #tpu.memory_space<vmem>>
      %dma_wait3A_889 = arith.constant 0 : i32
      %dma_wait3A_890 = arith.constant 0 : i32
      %dma_wait3A_891 = tpu.memref_slice %arg6[%dma_wait3A_889, %dma_wait3A_890] : memref<32768x512xf32, #tpu.memory_space<hbm>> -> memref<64x512xf32, #tpu.memory_space<hbm>>
      %dma_wait3A_892 = tpu.memref_slice %arg20[%cond3A_718] : memref<3x!tpu.dma_semaphore, #tpu.memory_space<semaphore_mem>> -> memref<1x!tpu.dma_semaphore, #tpu.memory_space<semaphore_mem>>
      %dma_wait3A_893 = tpu.memref_squeeze %dma_wait3A_892 : memref<1x!tpu.dma_semaphore, #tpu.memory_space<semaphore_mem>> -> memref<!tpu.dma_semaphore, #tpu.memory_space<semaphore_mem>>
      %dma_wait3A_894 = arith.constant 0 : i32
      %dma_wait3A_895 = arith.constant 0 : i32
      %dma_wait3A_896 = tpu.memref_slice %arg16[%dma_wait3A_894, %dma_wait3A_895] : memref<128x512xf32, #tpu.memory_space<vmem>> -> memref<64x512xf32, #tpu.memory_space<vmem>>
      %dma_wait3A_897 = arith.constant 0 : i32
      %dma_wait3A_898 = arith.constant 0 : i32
      %dma_wait3A_899 = tpu.memref_slice %arg6[%dma_wait3A_897, %dma_wait3A_898] : memref<32768x512xf32, #tpu.memory_space<hbm>> -> memref<64x512xf32, #tpu.memory_space<hbm>>
      tpu.wait_dma2 semaphore(%dma_wait3A_893 : memref<!tpu.dma_semaphore, #tpu.memory_space<semaphore_mem>>) src(%dma_wait3A_899 : memref<64x512xf32, #tpu.memory_space<hbm>>) dst(%dma_wait3A_896 : memref<64x512xf32, #tpu.memory_space<vmem>>)
      %dma_wait3A_900 = arith.constant 0 : i32
      %dma_wait3A_901 = arith.constant 0 : i32
      %dma_wait3A_902 = tpu.memref_slice %arg17[%dma_wait3A_900, %dma_wait3A_901] : memref<128x64xf32, #tpu.memory_space<vmem>> -> memref<64x64xf32, #tpu.memory_space<vmem>>
      %dma_wait3A_903 = arith.constant 0 : i32
      %dma_wait3A_904 = arith.constant 0 : i32
      %dma_wait3A_905 = tpu.memref_slice %arg7[%dma_wait3A_903, %dma_wait3A_904] : memref<32768x64xf32, #tpu.memory_space<hbm>> -> memref<64x64xf32, #tpu.memory_space<hbm>>
      %dma_wait3A_906 = tpu.memref_slice %arg20[%cond3A_718] : memref<3x!tpu.dma_semaphore, #tpu.memory_space<semaphore_mem>> -> memref<1x!tpu.dma_semaphore, #tpu.memory_space<semaphore_mem>>
      %dma_wait3A_907 = tpu.memref_squeeze %dma_wait3A_906 : memref<1x!tpu.dma_semaphore, #tpu.memory_space<semaphore_mem>> -> memref<!tpu.dma_semaphore, #tpu.memory_space<semaphore_mem>>
      %dma_wait3A_908 = arith.constant 0 : i32
      %dma_wait3A_909 = arith.constant 0 : i32
      %dma_wait3A_910 = tpu.memref_slice %arg17[%dma_wait3A_908, %dma_wait3A_909] : memref<128x64xf32, #tpu.memory_space<vmem>> -> memref<64x64xf32, #tpu.memory_space<vmem>>
      %dma_wait3A_911 = arith.constant 0 : i32
      %dma_wait3A_912 = arith.constant 0 : i32
      %dma_wait3A_913 = tpu.memref_slice %arg7[%dma_wait3A_911, %dma_wait3A_912] : memref<32768x64xf32, #tpu.memory_space<hbm>> -> memref<64x64xf32, #tpu.memory_space<hbm>>
      tpu.wait_dma2 semaphore(%dma_wait3A_907 : memref<!tpu.dma_semaphore, #tpu.memory_space<semaphore_mem>>) src(%dma_wait3A_913 : memref<64x64xf32, #tpu.memory_space<hbm>>) dst(%dma_wait3A_910 : memref<64x64xf32, #tpu.memory_space<vmem>>)
    } else {
    }
    %gt3A_721 = arith.constant 0 : i32
    %gt3A_722 = arith.cmpi sgt, %min3A, %gt3A_721 : i32
    %convert_element_type3A_723 = arith.extui %gt3A_722 : i1 to i32
    %cond3A_724 = arith.constant 0 : i32
    %cond3A_725 = arith.constant 0 : i32
    %cond3A_726 = arith.cmpi ne, %convert_element_type3A_723, %cond3A_725 : i32
    scf.if %cond3A_726 {
      %dma_start3A_886 = arith.constant 0 : i32
      %dma_start3A_887 = arith.constant 0 : i32
      %dma_start3A_888 = tpu.memref_slice %arg16[%dma_start3A_886, %dma_start3A_887] : memref<128x512xf32, #tpu.memory_space<vmem>> -> memref<64x512xf32, #tpu.memory_space<vmem>>
      %dma_start3A_889 = arith.constant 0 : i32
      %dma_start3A_890 = tpu.memref_slice %arg9[%add3A_194, %dma_start3A_889] : memref<8192x512xf32, #tpu.memory_space<hbm>> -> memref<64x512xf32, #tpu.memory_space<hbm>>
      %dma_start3A_891 = tpu.memref_slice %arg21[%cond3A_724] : memref<2x!tpu.dma_semaphore, #tpu.memory_space<semaphore_mem>> -> memref<1x!tpu.dma_semaphore, #tpu.memory_space<semaphore_mem>>
      %dma_start3A_892 = tpu.memref_squeeze %dma_start3A_891 : memref<1x!tpu.dma_semaphore, #tpu.memory_space<semaphore_mem>> -> memref<!tpu.dma_semaphore, #tpu.memory_space<semaphore_mem>>
      %dma_start3A_893 = arith.constant 0 : i32
      %dma_start3A_894 = tpu.memref_slice %arg9[%add3A_194, %dma_start3A_893] : memref<8192x512xf32, #tpu.memory_space<hbm>> -> memref<64x512xf32, #tpu.memory_space<hbm>>
      %dma_start3A_895 = arith.constant 0 : i32
      %dma_start3A_896 = arith.constant 0 : i32
      %dma_start3A_897 = tpu.memref_slice %arg16[%dma_start3A_895, %dma_start3A_896] : memref<128x512xf32, #tpu.memory_space<vmem>> -> memref<64x512xf32, #tpu.memory_space<vmem>>
      tpu.enqueue_dma source(%dma_start3A_897 : memref<64x512xf32, #tpu.memory_space<vmem>>) target(%dma_start3A_894 : memref<64x512xf32, #tpu.memory_space<hbm>>) target_semaphore(%dma_start3A_892 : memref<!tpu.dma_semaphore, #tpu.memory_space<semaphore_mem>>)
      %dma_start3A_898 = arith.constant 0 : i32
      %dma_start3A_899 = arith.constant 0 : i32
      %dma_start3A_900 = tpu.memref_slice %arg17[%dma_start3A_898, %dma_start3A_899] : memref<128x64xf32, #tpu.memory_space<vmem>> -> memref<64x64xf32, #tpu.memory_space<vmem>>
      %dma_start3A_901 = arith.constant 0 : i32
      %dma_start3A_902 = tpu.memref_slice %arg8[%add3A_194, %dma_start3A_901] : memref<8192x64xf32, #tpu.memory_space<hbm>> -> memref<64x64xf32, #tpu.memory_space<hbm>>
      %dma_start3A_903 = tpu.memref_slice %arg21[%cond3A_724] : memref<2x!tpu.dma_semaphore, #tpu.memory_space<semaphore_mem>> -> memref<1x!tpu.dma_semaphore, #tpu.memory_space<semaphore_mem>>
      %dma_start3A_904 = tpu.memref_squeeze %dma_start3A_903 : memref<1x!tpu.dma_semaphore, #tpu.memory_space<semaphore_mem>> -> memref<!tpu.dma_semaphore, #tpu.memory_space<semaphore_mem>>
      %dma_start3A_905 = arith.constant 0 : i32
      %dma_start3A_906 = tpu.memref_slice %arg8[%add3A_194, %dma_start3A_905] : memref<8192x64xf32, #tpu.memory_space<hbm>> -> memref<64x64xf32, #tpu.memory_space<hbm>>
      %dma_start3A_907 = arith.constant 0 : i32
      %dma_start3A_908 = arith.constant 0 : i32
      %dma_start3A_909 = tpu.memref_slice %arg17[%dma_start3A_907, %dma_start3A_908] : memref<128x64xf32, #tpu.memory_space<vmem>> -> memref<64x64xf32, #tpu.memory_space<vmem>>
      tpu.enqueue_dma source(%dma_start3A_909 : memref<64x64xf32, #tpu.memory_space<vmem>>) target(%dma_start3A_906 : memref<64x64xf32, #tpu.memory_space<hbm>>) target_semaphore(%dma_start3A_904 : memref<!tpu.dma_semaphore, #tpu.memory_space<semaphore_mem>>)
    } else {
    }
    %le3A = arith.constant 0 : i32
    %le3A_727 = arith.cmpi sle, %min3A, %le3A : i32
    %convert_element_type3A_728 = arith.extui %le3A_727 : i1 to i32
    %cond3A_729 = arith.constant 0 : i32
    %cond3A_730 = arith.constant 0 : i32
    %cond3A_731 = arith.cmpi ne, %convert_element_type3A_728, %cond3A_730 : i32
    scf.if %cond3A_731 {
      %dma_start3A_886 = arith.constant 0 : i32
      %dma_start3A_887 = tpu.memref_slice %arg9[%add3A_194, %dma_start3A_886] : memref<8192x512xf32, #tpu.memory_space<hbm>> -> memref<64x512xf32, #tpu.memory_space<hbm>>
      %dma_start3A_888 = tpu.memref_slice %arg21[%cond3A_729] : memref<2x!tpu.dma_semaphore, #tpu.memory_space<semaphore_mem>> -> memref<1x!tpu.dma_semaphore, #tpu.memory_space<semaphore_mem>>
      %dma_start3A_889 = tpu.memref_squeeze %dma_start3A_888 : memref<1x!tpu.dma_semaphore, #tpu.memory_space<semaphore_mem>> -> memref<!tpu.dma_semaphore, #tpu.memory_space<semaphore_mem>>
      %dma_start3A_890 = arith.constant 0 : i32
      %dma_start3A_891 = tpu.memref_slice %arg9[%add3A_194, %dma_start3A_890] : memref<8192x512xf32, #tpu.memory_space<hbm>> -> memref<64x512xf32, #tpu.memory_space<hbm>>
      tpu.enqueue_dma source(%arg18 : memref<64x512xf32, #tpu.memory_space<vmem>>) target(%dma_start3A_891 : memref<64x512xf32, #tpu.memory_space<hbm>>) target_semaphore(%dma_start3A_889 : memref<!tpu.dma_semaphore, #tpu.memory_space<semaphore_mem>>)
      %dma_start3A_892 = arith.constant 0 : i32
      %dma_start3A_893 = tpu.memref_slice %arg8[%add3A_194, %dma_start3A_892] : memref<8192x64xf32, #tpu.memory_space<hbm>> -> memref<64x64xf32, #tpu.memory_space<hbm>>
      %dma_start3A_894 = tpu.memref_slice %arg21[%cond3A_729] : memref<2x!tpu.dma_semaphore, #tpu.memory_space<semaphore_mem>> -> memref<1x!tpu.dma_semaphore, #tpu.memory_space<semaphore_mem>>
      %dma_start3A_895 = tpu.memref_squeeze %dma_start3A_894 : memref<1x!tpu.dma_semaphore, #tpu.memory_space<semaphore_mem>> -> memref<!tpu.dma_semaphore, #tpu.memory_space<semaphore_mem>>
      %dma_start3A_896 = arith.constant 0 : i32
      %dma_start3A_897 = tpu.memref_slice %arg8[%add3A_194, %dma_start3A_896] : memref<8192x64xf32, #tpu.memory_space<hbm>> -> memref<64x64xf32, #tpu.memory_space<hbm>>
      tpu.enqueue_dma source(%arg19 : memref<64x64xf32, #tpu.memory_space<vmem>>) target(%dma_start3A_897 : memref<64x64xf32, #tpu.memory_space<hbm>>) target_semaphore(%dma_start3A_895 : memref<!tpu.dma_semaphore, #tpu.memory_space<semaphore_mem>>)
    } else {
    }
    %gt3A_732 = arith.constant 0 : i32
    %gt3A_733 = arith.cmpi sgt, %min3A_369, %gt3A_732 : i32
    %convert_element_type3A_734 = arith.extui %gt3A_733 : i1 to i32
    %cond3A_735 = arith.constant 1 : i32
    %cond3A_736 = arith.constant 0 : i32
    %cond3A_737 = arith.cmpi ne, %convert_element_type3A_734, %cond3A_736 : i32
    scf.if %cond3A_737 {
      %dma_wait3A_886 = arith.constant 64 : i32
      %dma_wait3A_887 = arith.constant 0 : i32
      %dma_wait3A_888 = tpu.memref_slice %arg16[%dma_wait3A_886, %dma_wait3A_887] : memref<128x512xf32, #tpu.memory_space<vmem>> -> memref<64x512xf32, #tpu.memory_space<vmem>>
      %dma_wait3A_889 = arith.constant 0 : i32
      %dma_wait3A_890 = arith.constant 0 : i32
      %dma_wait3A_891 = tpu.memref_slice %arg6[%dma_wait3A_889, %dma_wait3A_890] : memref<32768x512xf32, #tpu.memory_space<hbm>> -> memref<64x512xf32, #tpu.memory_space<hbm>>
      %dma_wait3A_892 = tpu.memref_slice %arg20[%cond3A_735] : memref<3x!tpu.dma_semaphore, #tpu.memory_space<semaphore_mem>> -> memref<1x!tpu.dma_semaphore, #tpu.memory_space<semaphore_mem>>
      %dma_wait3A_893 = tpu.memref_squeeze %dma_wait3A_892 : memref<1x!tpu.dma_semaphore, #tpu.memory_space<semaphore_mem>> -> memref<!tpu.dma_semaphore, #tpu.memory_space<semaphore_mem>>
      %dma_wait3A_894 = arith.constant 64 : i32
      %dma_wait3A_895 = arith.constant 0 : i32
      %dma_wait3A_896 = tpu.memref_slice %arg16[%dma_wait3A_894, %dma_wait3A_895] : memref<128x512xf32, #tpu.memory_space<vmem>> -> memref<64x512xf32, #tpu.memory_space<vmem>>
      %dma_wait3A_897 = arith.constant 0 : i32
      %dma_wait3A_898 = arith.constant 0 : i32
      %dma_wait3A_899 = tpu.memref_slice %arg6[%dma_wait3A_897, %dma_wait3A_898] : memref<32768x512xf32, #tpu.memory_space<hbm>> -> memref<64x512xf32, #tpu.memory_space<hbm>>
      tpu.wait_dma2 semaphore(%dma_wait3A_893 : memref<!tpu.dma_semaphore, #tpu.memory_space<semaphore_mem>>) src(%dma_wait3A_899 : memref<64x512xf32, #tpu.memory_space<hbm>>) dst(%dma_wait3A_896 : memref<64x512xf32, #tpu.memory_space<vmem>>)
      %dma_wait3A_900 = arith.constant 64 : i32
      %dma_wait3A_901 = arith.constant 0 : i32
      %dma_wait3A_902 = tpu.memref_slice %arg17[%dma_wait3A_900, %dma_wait3A_901] : memref<128x64xf32, #tpu.memory_space<vmem>> -> memref<64x64xf32, #tpu.memory_space<vmem>>
      %dma_wait3A_903 = arith.constant 0 : i32
      %dma_wait3A_904 = arith.constant 0 : i32
      %dma_wait3A_905 = tpu.memref_slice %arg7[%dma_wait3A_903, %dma_wait3A_904] : memref<32768x64xf32, #tpu.memory_space<hbm>> -> memref<64x64xf32, #tpu.memory_space<hbm>>
      %dma_wait3A_906 = tpu.memref_slice %arg20[%cond3A_735] : memref<3x!tpu.dma_semaphore, #tpu.memory_space<semaphore_mem>> -> memref<1x!tpu.dma_semaphore, #tpu.memory_space<semaphore_mem>>
      %dma_wait3A_907 = tpu.memref_squeeze %dma_wait3A_906 : memref<1x!tpu.dma_semaphore, #tpu.memory_space<semaphore_mem>> -> memref<!tpu.dma_semaphore, #tpu.memory_space<semaphore_mem>>
      %dma_wait3A_908 = arith.constant 64 : i32
      %dma_wait3A_909 = arith.constant 0 : i32
      %dma_wait3A_910 = tpu.memref_slice %arg17[%dma_wait3A_908, %dma_wait3A_909] : memref<128x64xf32, #tpu.memory_space<vmem>> -> memref<64x64xf32, #tpu.memory_space<vmem>>
      %dma_wait3A_911 = arith.constant 0 : i32
      %dma_wait3A_912 = arith.constant 0 : i32
      %dma_wait3A_913 = tpu.memref_slice %arg7[%dma_wait3A_911, %dma_wait3A_912] : memref<32768x64xf32, #tpu.memory_space<hbm>> -> memref<64x64xf32, #tpu.memory_space<hbm>>
      tpu.wait_dma2 semaphore(%dma_wait3A_907 : memref<!tpu.dma_semaphore, #tpu.memory_space<semaphore_mem>>) src(%dma_wait3A_913 : memref<64x64xf32, #tpu.memory_space<hbm>>) dst(%dma_wait3A_910 : memref<64x64xf32, #tpu.memory_space<vmem>>)
    } else {
    }
    %gt3A_738 = arith.constant 0 : i32
    %gt3A_739 = arith.cmpi sgt, %min3A_369, %gt3A_738 : i32
    %convert_element_type3A_740 = arith.extui %gt3A_739 : i1 to i32
    %cond3A_741 = arith.constant 1 : i32
    %cond3A_742 = arith.constant 0 : i32
    %cond3A_743 = arith.cmpi ne, %convert_element_type3A_740, %cond3A_742 : i32
    scf.if %cond3A_743 {
      %dma_start3A_886 = arith.constant 64 : i32
      %dma_start3A_887 = arith.constant 0 : i32
      %dma_start3A_888 = tpu.memref_slice %arg16[%dma_start3A_886, %dma_start3A_887] : memref<128x512xf32, #tpu.memory_space<vmem>> -> memref<64x512xf32, #tpu.memory_space<vmem>>
      %dma_start3A_889 = arith.constant 0 : i32
      %dma_start3A_890 = tpu.memref_slice %arg9[%add3A_357, %dma_start3A_889] : memref<8192x512xf32, #tpu.memory_space<hbm>> -> memref<64x512xf32, #tpu.memory_space<hbm>>
      %dma_start3A_891 = tpu.memref_slice %arg21[%cond3A_741] : memref<2x!tpu.dma_semaphore, #tpu.memory_space<semaphore_mem>> -> memref<1x!tpu.dma_semaphore, #tpu.memory_space<semaphore_mem>>
      %dma_start3A_892 = tpu.memref_squeeze %dma_start3A_891 : memref<1x!tpu.dma_semaphore, #tpu.memory_space<semaphore_mem>> -> memref<!tpu.dma_semaphore, #tpu.memory_space<semaphore_mem>>
      %dma_start3A_893 = arith.constant 0 : i32
      %dma_start3A_894 = tpu.memref_slice %arg9[%add3A_357, %dma_start3A_893] : memref<8192x512xf32, #tpu.memory_space<hbm>> -> memref<64x512xf32, #tpu.memory_space<hbm>>
      %dma_start3A_895 = arith.constant 64 : i32
      %dma_start3A_896 = arith.constant 0 : i32
      %dma_start3A_897 = tpu.memref_slice %arg16[%dma_start3A_895, %dma_start3A_896] : memref<128x512xf32, #tpu.memory_space<vmem>> -> memref<64x512xf32, #tpu.memory_space<vmem>>
      tpu.enqueue_dma source(%dma_start3A_897 : memref<64x512xf32, #tpu.memory_space<vmem>>) target(%dma_start3A_894 : memref<64x512xf32, #tpu.memory_space<hbm>>) target_semaphore(%dma_start3A_892 : memref<!tpu.dma_semaphore, #tpu.memory_space<semaphore_mem>>)
      %dma_start3A_898 = arith.constant 64 : i32
      %dma_start3A_899 = arith.constant 0 : i32
      %dma_start3A_900 = tpu.memref_slice %arg17[%dma_start3A_898, %dma_start3A_899] : memref<128x64xf32, #tpu.memory_space<vmem>> -> memref<64x64xf32, #tpu.memory_space<vmem>>
      %dma_start3A_901 = arith.constant 0 : i32
      %dma_start3A_902 = tpu.memref_slice %arg8[%add3A_357, %dma_start3A_901] : memref<8192x64xf32, #tpu.memory_space<hbm>> -> memref<64x64xf32, #tpu.memory_space<hbm>>
      %dma_start3A_903 = tpu.memref_slice %arg21[%cond3A_741] : memref<2x!tpu.dma_semaphore, #tpu.memory_space<semaphore_mem>> -> memref<1x!tpu.dma_semaphore, #tpu.memory_space<semaphore_mem>>
      %dma_start3A_904 = tpu.memref_squeeze %dma_start3A_903 : memref<1x!tpu.dma_semaphore, #tpu.memory_space<semaphore_mem>> -> memref<!tpu.dma_semaphore, #tpu.memory_space<semaphore_mem>>
      %dma_start3A_905 = arith.constant 0 : i32
      %dma_start3A_906 = tpu.memref_slice %arg8[%add3A_357, %dma_start3A_905] : memref<8192x64xf32, #tpu.memory_space<hbm>> -> memref<64x64xf32, #tpu.memory_space<hbm>>
      %dma_start3A_907 = arith.constant 64 : i32
      %dma_start3A_908 = arith.constant 0 : i32
      %dma_start3A_909 = tpu.memref_slice %arg17[%dma_start3A_907, %dma_start3A_908] : memref<128x64xf32, #tpu.memory_space<vmem>> -> memref<64x64xf32, #tpu.memory_space<vmem>>
      tpu.enqueue_dma source(%dma_start3A_909 : memref<64x64xf32, #tpu.memory_space<vmem>>) target(%dma_start3A_906 : memref<64x64xf32, #tpu.memory_space<hbm>>) target_semaphore(%dma_start3A_904 : memref<!tpu.dma_semaphore, #tpu.memory_space<semaphore_mem>>)
    } else {
    }
    %le3A_744 = arith.constant 0 : i32
    %le3A_745 = arith.cmpi sle, %min3A_369, %le3A_744 : i32
    %convert_element_type3A_746 = arith.extui %le3A_745 : i1 to i32
    %cond3A_747 = arith.constant 1 : i32
    %cond3A_748 = arith.constant 0 : i32
    %cond3A_749 = arith.cmpi ne, %convert_element_type3A_746, %cond3A_748 : i32
    scf.if %cond3A_749 {
      %dma_start3A_886 = arith.constant 0 : i32
      %dma_start3A_887 = tpu.memref_slice %arg9[%add3A_357, %dma_start3A_886] : memref<8192x512xf32, #tpu.memory_space<hbm>> -> memref<64x512xf32, #tpu.memory_space<hbm>>
      %dma_start3A_888 = tpu.memref_slice %arg21[%cond3A_747] : memref<2x!tpu.dma_semaphore, #tpu.memory_space<semaphore_mem>> -> memref<1x!tpu.dma_semaphore, #tpu.memory_space<semaphore_mem>>
      %dma_start3A_889 = tpu.memref_squeeze %dma_start3A_888 : memref<1x!tpu.dma_semaphore, #tpu.memory_space<semaphore_mem>> -> memref<!tpu.dma_semaphore, #tpu.memory_space<semaphore_mem>>
      %dma_start3A_890 = arith.constant 0 : i32
      %dma_start3A_891 = tpu.memref_slice %arg9[%add3A_357, %dma_start3A_890] : memref<8192x512xf32, #tpu.memory_space<hbm>> -> memref<64x512xf32, #tpu.memory_space<hbm>>
      tpu.enqueue_dma source(%arg18 : memref<64x512xf32, #tpu.memory_space<vmem>>) target(%dma_start3A_891 : memref<64x512xf32, #tpu.memory_space<hbm>>) target_semaphore(%dma_start3A_889 : memref<!tpu.dma_semaphore, #tpu.memory_space<semaphore_mem>>)
      %dma_start3A_892 = arith.constant 0 : i32
      %dma_start3A_893 = tpu.memref_slice %arg8[%add3A_357, %dma_start3A_892] : memref<8192x64xf32, #tpu.memory_space<hbm>> -> memref<64x64xf32, #tpu.memory_space<hbm>>
      %dma_start3A_894 = tpu.memref_slice %arg21[%cond3A_747] : memref<2x!tpu.dma_semaphore, #tpu.memory_space<semaphore_mem>> -> memref<1x!tpu.dma_semaphore, #tpu.memory_space<semaphore_mem>>
      %dma_start3A_895 = tpu.memref_squeeze %dma_start3A_894 : memref<1x!tpu.dma_semaphore, #tpu.memory_space<semaphore_mem>> -> memref<!tpu.dma_semaphore, #tpu.memory_space<semaphore_mem>>
      %dma_start3A_896 = arith.constant 0 : i32
      %dma_start3A_897 = tpu.memref_slice %arg8[%add3A_357, %dma_start3A_896] : memref<8192x64xf32, #tpu.memory_space<hbm>> -> memref<64x64xf32, #tpu.memory_space<hbm>>
      tpu.enqueue_dma source(%arg19 : memref<64x64xf32, #tpu.memory_space<vmem>>) target(%dma_start3A_897 : memref<64x64xf32, #tpu.memory_space<hbm>>) target_semaphore(%dma_start3A_895 : memref<!tpu.dma_semaphore, #tpu.memory_space<semaphore_mem>>)
    } else {
    }
    %dma_wait3A_750 = arith.constant 0 : i32
    %dma_wait3A_751 = arith.constant 0 : i32
    %dma_wait3A_752 = tpu.memref_slice %arg9[%add3A_194, %dma_wait3A_751] : memref<8192x512xf32, #tpu.memory_space<hbm>> -> memref<64x512xf32, #tpu.memory_space<hbm>>
    %dma_wait3A_753 = tpu.memref_slice %arg21[%dma_wait3A_750] : memref<2x!tpu.dma_semaphore, #tpu.memory_space<semaphore_mem>> -> memref<1x!tpu.dma_semaphore, #tpu.memory_space<semaphore_mem>>
    %dma_wait3A_754 = tpu.memref_squeeze %dma_wait3A_753 : memref<1x!tpu.dma_semaphore, #tpu.memory_space<semaphore_mem>> -> memref<!tpu.dma_semaphore, #tpu.memory_space<semaphore_mem>>
    %dma_wait3A_755 = arith.constant 0 : i32
    %dma_wait3A_756 = tpu.memref_slice %arg9[%add3A_194, %dma_wait3A_755] : memref<8192x512xf32, #tpu.memory_space<hbm>> -> memref<64x512xf32, #tpu.memory_space<hbm>>
    tpu.wait_dma2 semaphore(%dma_wait3A_754 : memref<!tpu.dma_semaphore, #tpu.memory_space<semaphore_mem>>) src(%arg18 : memref<64x512xf32, #tpu.memory_space<vmem>>) dst(%dma_wait3A_756 : memref<64x512xf32, #tpu.memory_space<hbm>>)
    %dma_wait3A_757 = arith.constant 0 : i32
    %dma_wait3A_758 = arith.constant 0 : i32
    %dma_wait3A_759 = tpu.memref_slice %arg8[%add3A_194, %dma_wait3A_758] : memref<8192x64xf32, #tpu.memory_space<hbm>> -> memref<64x64xf32, #tpu.memory_space<hbm>>
    %dma_wait3A_760 = tpu.memref_slice %arg21[%dma_wait3A_757] : memref<2x!tpu.dma_semaphore, #tpu.memory_space<semaphore_mem>> -> memref<1x!tpu.dma_semaphore, #tpu.memory_space<semaphore_mem>>
    %dma_wait3A_761 = tpu.memref_squeeze %dma_wait3A_760 : memref<1x!tpu.dma_semaphore, #tpu.memory_space<semaphore_mem>> -> memref<!tpu.dma_semaphore, #tpu.memory_space<semaphore_mem>>
    %dma_wait3A_762 = arith.constant 0 : i32
    %dma_wait3A_763 = tpu.memref_slice %arg8[%add3A_194, %dma_wait3A_762] : memref<8192x64xf32, #tpu.memory_space<hbm>> -> memref<64x64xf32, #tpu.memory_space<hbm>>
    tpu.wait_dma2 semaphore(%dma_wait3A_761 : memref<!tpu.dma_semaphore, #tpu.memory_space<semaphore_mem>>) src(%arg19 : memref<64x64xf32, #tpu.memory_space<vmem>>) dst(%dma_wait3A_763 : memref<64x64xf32, #tpu.memory_space<hbm>>)
    %gt3A_764 = arith.constant 0 : i32
    %gt3A_765 = arith.cmpi sgt, %min3A_534, %gt3A_764 : i32
    %convert_element_type3A_766 = arith.extui %gt3A_765 : i1 to i32
    %cond3A_767 = arith.constant 0 : i32
    %cond3A_768 = arith.constant 0 : i32
    %cond3A_769 = arith.cmpi ne, %convert_element_type3A_766, %cond3A_768 : i32
    scf.if %cond3A_769 {
      %dma_start3A_886 = arith.constant 0 : i32
      %dma_start3A_887 = arith.constant 0 : i32
      %dma_start3A_888 = tpu.memref_slice %arg16[%dma_start3A_886, %dma_start3A_887] : memref<128x512xf32, #tpu.memory_space<vmem>> -> memref<64x512xf32, #tpu.memory_space<vmem>>
      %dma_start3A_889 = arith.constant 0 : i32
      %dma_start3A_890 = tpu.memref_slice %arg6[%add3A_469, %dma_start3A_889] : memref<32768x512xf32, #tpu.memory_space<hbm>> -> memref<64x512xf32, #tpu.memory_space<hbm>>
      %dma_start3A_891 = tpu.memref_slice %arg20[%cond3A_767] : memref<3x!tpu.dma_semaphore, #tpu.memory_space<semaphore_mem>> -> memref<1x!tpu.dma_semaphore, #tpu.memory_space<semaphore_mem>>
      %dma_start3A_892 = tpu.memref_squeeze %dma_start3A_891 : memref<1x!tpu.dma_semaphore, #tpu.memory_space<semaphore_mem>> -> memref<!tpu.dma_semaphore, #tpu.memory_space<semaphore_mem>>
      %dma_start3A_893 = arith.constant 0 : i32
      %dma_start3A_894 = arith.constant 0 : i32
      %dma_start3A_895 = tpu.memref_slice %arg16[%dma_start3A_893, %dma_start3A_894] : memref<128x512xf32, #tpu.memory_space<vmem>> -> memref<64x512xf32, #tpu.memory_space<vmem>>
      %dma_start3A_896 = arith.constant 0 : i32
      %dma_start3A_897 = tpu.memref_slice %arg6[%add3A_469, %dma_start3A_896] : memref<32768x512xf32, #tpu.memory_space<hbm>> -> memref<64x512xf32, #tpu.memory_space<hbm>>
      tpu.enqueue_dma source(%dma_start3A_897 : memref<64x512xf32, #tpu.memory_space<hbm>>) target(%dma_start3A_895 : memref<64x512xf32, #tpu.memory_space<vmem>>) target_semaphore(%dma_start3A_892 : memref<!tpu.dma_semaphore, #tpu.memory_space<semaphore_mem>>)
      %dma_start3A_898 = arith.constant 0 : i32
      %dma_start3A_899 = arith.constant 0 : i32
      %dma_start3A_900 = tpu.memref_slice %arg17[%dma_start3A_898, %dma_start3A_899] : memref<128x64xf32, #tpu.memory_space<vmem>> -> memref<64x64xf32, #tpu.memory_space<vmem>>
      %dma_start3A_901 = arith.constant 0 : i32
      %dma_start3A_902 = tpu.memref_slice %arg7[%add3A_469, %dma_start3A_901] : memref<32768x64xf32, #tpu.memory_space<hbm>> -> memref<64x64xf32, #tpu.memory_space<hbm>>
      %dma_start3A_903 = tpu.memref_slice %arg20[%cond3A_767] : memref<3x!tpu.dma_semaphore, #tpu.memory_space<semaphore_mem>> -> memref<1x!tpu.dma_semaphore, #tpu.memory_space<semaphore_mem>>
      %dma_start3A_904 = tpu.memref_squeeze %dma_start3A_903 : memref<1x!tpu.dma_semaphore, #tpu.memory_space<semaphore_mem>> -> memref<!tpu.dma_semaphore, #tpu.memory_space<semaphore_mem>>
      %dma_start3A_905 = arith.constant 0 : i32
      %dma_start3A_906 = arith.constant 0 : i32
      %dma_start3A_907 = tpu.memref_slice %arg17[%dma_start3A_905, %dma_start3A_906] : memref<128x64xf32, #tpu.memory_space<vmem>> -> memref<64x64xf32, #tpu.memory_space<vmem>>
      %dma_start3A_908 = arith.constant 0 : i32
      %dma_start3A_909 = tpu.memref_slice %arg7[%add3A_469, %dma_start3A_908] : memref<32768x64xf32, #tpu.memory_space<hbm>> -> memref<64x64xf32, #tpu.memory_space<hbm>>
      tpu.enqueue_dma source(%dma_start3A_909 : memref<64x64xf32, #tpu.memory_space<hbm>>) target(%dma_start3A_907 : memref<64x64xf32, #tpu.memory_space<vmem>>) target_semaphore(%dma_start3A_904 : memref<!tpu.dma_semaphore, #tpu.memory_space<semaphore_mem>>)
    } else {
    }
    %gt3A_770 = arith.constant 0 : i32
    %gt3A_771 = arith.cmpi sgt, %min3A, %gt3A_770 : i32
    %lt3A_772 = arith.constant 64 : i32
    %lt3A_773 = arith.cmpi slt, %min3A, %lt3A_772 : i32
    %and3A_774 = arith.andi %gt3A_771, %lt3A_773 : i1
    %convert_element_type3A_775 = arith.extui %and3A_774 : i1 to i32
    %cond3A_776 = arith.constant 0 : i32
    %cond3A_777 = arith.cmpi ne, %convert_element_type3A_775, %cond3A_776 : i32
    scf.if %cond3A_777 {
      %jit3A_886 = arith.constant 8 : i32
      %div3A_887 = arith.divsi %min3A, %jit3A_886 : i32
      %sign3A_888 = arith.constant 0 : i32
      %sign3A_889 = arith.cmpi sgt, %min3A, %sign3A_888 : i32
      %sign3A_890 = arith.extui %sign3A_889 : i1 to i32
      %sign3A_891 = arith.constant 0 : i32
      %sign3A_892 = arith.cmpi slt, %min3A, %sign3A_891 : i32
      %sign3A_893 = arith.extui %sign3A_892 : i1 to i32
      %sign3A_894 = arith.subi %sign3A_890, %sign3A_893 : i32
      %sign3A_895 = arith.constant 0 : i32
      %sign3A_896 = arith.cmpi sgt, %jit3A_886, %sign3A_895 : i32
      %sign3A_897 = arith.extui %sign3A_896 : i1 to i32
      %sign3A_898 = arith.constant 0 : i32
      %sign3A_899 = arith.cmpi slt, %jit3A_886, %sign3A_898 : i32
      %sign3A_900 = arith.extui %sign3A_899 : i1 to i32
      %sign3A_901 = arith.subi %sign3A_897, %sign3A_900 : i32
      %ne3A_902 = arith.cmpi ne, %sign3A_894, %sign3A_901 : i32
      %rem3A_903 = arith.remsi %min3A, %jit3A_886 : i32
      %ne3A_904 = arith.constant 0 : i32
      %ne3A_905 = arith.cmpi ne, %rem3A_903, %ne3A_904 : i32
      %and3A_906 = arith.andi %ne3A_902, %ne3A_905 : i1
      %sub3A_907 = arith.constant 1 : i32
      %sub3A_908 = arith.subi %div3A_887, %sub3A_907 : i32
      %select_n3A_909 = arith.select %and3A_906, %sub3A_908, %div3A_887 : i32
      %mul3A_910 = arith.constant 8 : i32
      %mul3A_911 = arith.muli %select_n3A_909, %mul3A_910 : i32
      %sub3A_912 = arith.subi %min3A, %mul3A_911 : i32
      %gt3A_913 = arith.constant 0 : i32
      %gt3A_914 = arith.cmpi sgt, %sub3A_912, %gt3A_913 : i32
      %jit3A_915 = arith.constant 8 : i32
      %jit3A_916 = arith.constant 0 : i32
      %select_n3A_917 = arith.select %gt3A_914, %jit3A_915, %jit3A_916 : i32
      %add3A_918 = arith.addi %mul3A_911, %select_n3A_917 : i32
      %sub3A_919 = arith.constant 64 : i32
      %sub3A_920 = arith.subi %sub3A_919, %add3A_918 : i32
      %jit3A_921 = arith.constant 32 : i32
      %div3A_922 = arith.divsi %sub3A_920, %jit3A_921 : i32
      %sign3A_923 = arith.constant 0 : i32
      %sign3A_924 = arith.cmpi sgt, %sub3A_920, %sign3A_923 : i32
      %sign3A_925 = arith.extui %sign3A_924 : i1 to i32
      %sign3A_926 = arith.constant 0 : i32
      %sign3A_927 = arith.cmpi slt, %sub3A_920, %sign3A_926 : i32
      %sign3A_928 = arith.extui %sign3A_927 : i1 to i32
      %sign3A_929 = arith.subi %sign3A_925, %sign3A_928 : i32
      %sign3A_930 = arith.constant 0 : i32
      %sign3A_931 = arith.cmpi sgt, %jit3A_921, %sign3A_930 : i32
      %sign3A_932 = arith.extui %sign3A_931 : i1 to i32
      %sign3A_933 = arith.constant 0 : i32
      %sign3A_934 = arith.cmpi slt, %jit3A_921, %sign3A_933 : i32
      %sign3A_935 = arith.extui %sign3A_934 : i1 to i32
      %sign3A_936 = arith.subi %sign3A_932, %sign3A_935 : i32
      %ne3A_937 = arith.cmpi ne, %sign3A_929, %sign3A_936 : i32
      %rem3A_938 = arith.remsi %sub3A_920, %jit3A_921 : i32
      %ne3A_939 = arith.constant 0 : i32
      %ne3A_940 = arith.cmpi ne, %rem3A_938, %ne3A_939 : i32
      %and3A_941 = arith.andi %ne3A_937, %ne3A_940 : i1
      %sub3A_942 = arith.constant 1 : i32
      %sub3A_943 = arith.subi %div3A_922, %sub3A_942 : i32
      %select_n3A_944 = arith.select %and3A_941, %sub3A_943, %div3A_922 : i32
      %jit3A_945 = arith.constant 2 : i32
      %eq3A_946 = arith.constant 0 : i32
      %eq3A_947 = arith.cmpi eq, %jit3A_945, %eq3A_946 : i32
      %jit3A_948 = arith.constant 1 : i32
      %select_n3A_949 = arith.select %eq3A_947, %jit3A_948, %jit3A_945 : i32
      %rem3A_950 = arith.remsi %select_n3A_944, %select_n3A_949 : i32
      %ne3A_951 = arith.constant 0 : i32
      %ne3A_952 = arith.cmpi ne, %rem3A_950, %ne3A_951 : i32
      %lt3A_953 = arith.constant 0 : i32
      %lt3A_954 = arith.cmpi slt, %rem3A_950, %lt3A_953 : i32
      %lt3A_955 = arith.constant 0 : i32
      %lt3A_956 = arith.cmpi slt, %select_n3A_949, %lt3A_955 : i32
      %ne3A_957 = arith.xori %lt3A_954, %lt3A_956 : i1
      %and3A_958 = arith.andi %ne3A_957, %ne3A_952 : i1
      %add3A_959 = arith.addi %rem3A_950, %select_n3A_949 : i32
      %select_n3A_960 = arith.select %and3A_958, %add3A_959, %rem3A_950 : i32
      %eq3A_961 = arith.constant 1 : i32
      %eq3A_962 = arith.cmpi eq, %select_n3A_960, %eq3A_961 : i32
      %convert_element_type3A_963 = arith.extui %eq3A_962 : i1 to i32
      %cond3A_964 = arith.constant 0 : i32
      %cond3A_965 = arith.cmpi ne, %convert_element_type3A_963, %cond3A_964 : i32
      scf.if %cond3A_965 {
        %add3A_1070 = arith.addi %add3A_194, %add3A_918 : i32
        "tpu.region"() ({
          %run_scoped3A = tpu.sem_alloc : memref<!tpu.dma_semaphore, #tpu.memory_space<semaphore_mem>>
          %dma_start3A_1072 = arith.constant 0 : i32
          %dma_start3A_1073 = arith.constant 0 : i32
          %dma_start3A_1074 = tpu.memref_slice %arg18[%dma_start3A_1072, %dma_start3A_1073] : memref<64x512xf32, #tpu.memory_space<vmem>> -> memref<32x512xf32, #tpu.memory_space<vmem>>
          %dma_start3A_1075 = arith.constant 0 : i32
          %dma_start3A_1076 = tpu.memref_slice %arg9[%add3A_1070, %dma_start3A_1075] : memref<8192x512xf32, #tpu.memory_space<hbm>> -> memref<32x512xf32, #tpu.memory_space<hbm>>
          %dma_start3A_1077 = arith.constant 0 : i32
          %dma_start3A_1078 = tpu.memref_slice %arg9[%add3A_1070, %dma_start3A_1077] : memref<8192x512xf32, #tpu.memory_space<hbm>> -> memref<32x512xf32, #tpu.memory_space<hbm>>
          %dma_start3A_1079 = arith.constant 0 : i32
          %dma_start3A_1080 = arith.constant 0 : i32
          %dma_start3A_1081 = tpu.memref_slice %arg18[%dma_start3A_1079, %dma_start3A_1080] : memref<64x512xf32, #tpu.memory_space<vmem>> -> memref<32x512xf32, #tpu.memory_space<vmem>>
          tpu.enqueue_dma source(%dma_start3A_1081 : memref<32x512xf32, #tpu.memory_space<vmem>>) target(%dma_start3A_1078 : memref<32x512xf32, #tpu.memory_space<hbm>>) target_semaphore(%run_scoped3A : memref<!tpu.dma_semaphore, #tpu.memory_space<semaphore_mem>>)
          %dma_wait3A_1082 = arith.constant 0 : i32
          %dma_wait3A_1083 = arith.constant 0 : i32
          %dma_wait3A_1084 = tpu.memref_slice %arg18[%dma_wait3A_1082, %dma_wait3A_1083] : memref<64x512xf32, #tpu.memory_space<vmem>> -> memref<32x512xf32, #tpu.memory_space<vmem>>
          %dma_wait3A_1085 = arith.constant 0 : i32
          %dma_wait3A_1086 = tpu.memref_slice %arg9[%add3A_1070, %dma_wait3A_1085] : memref<8192x512xf32, #tpu.memory_space<hbm>> -> memref<32x512xf32, #tpu.memory_space<hbm>>
          %dma_wait3A_1087 = arith.constant 0 : i32
          %dma_wait3A_1088 = tpu.memref_slice %arg9[%add3A_1070, %dma_wait3A_1087] : memref<8192x512xf32, #tpu.memory_space<hbm>> -> memref<32x512xf32, #tpu.memory_space<hbm>>
          %dma_wait3A_1089 = arith.constant 0 : i32
          %dma_wait3A_1090 = arith.constant 0 : i32
          %dma_wait3A_1091 = tpu.memref_slice %arg18[%dma_wait3A_1089, %dma_wait3A_1090] : memref<64x512xf32, #tpu.memory_space<vmem>> -> memref<32x512xf32, #tpu.memory_space<vmem>>
          tpu.wait_dma2 semaphore(%run_scoped3A : memref<!tpu.dma_semaphore, #tpu.memory_space<semaphore_mem>>) src(%dma_wait3A_1091 : memref<32x512xf32, #tpu.memory_space<vmem>>) dst(%dma_wait3A_1088 : memref<32x512xf32, #tpu.memory_space<hbm>>)
          tpu.yield
        }) : () -> ()
        %add3A_1071 = arith.addi %add3A_194, %add3A_918 : i32
        "tpu.region"() ({
          %run_scoped3A = tpu.sem_alloc : memref<!tpu.dma_semaphore, #tpu.memory_space<semaphore_mem>>
          %dma_start3A_1072 = arith.constant 0 : i32
          %dma_start3A_1073 = arith.constant 0 : i32
          %dma_start3A_1074 = tpu.memref_slice %arg19[%dma_start3A_1072, %dma_start3A_1073] : memref<64x64xf32, #tpu.memory_space<vmem>> -> memref<32x64xf32, #tpu.memory_space<vmem>>
          %dma_start3A_1075 = arith.constant 0 : i32
          %dma_start3A_1076 = tpu.memref_slice %arg8[%add3A_1071, %dma_start3A_1075] : memref<8192x64xf32, #tpu.memory_space<hbm>> -> memref<32x64xf32, #tpu.memory_space<hbm>>
          %dma_start3A_1077 = arith.constant 0 : i32
          %dma_start3A_1078 = tpu.memref_slice %arg8[%add3A_1071, %dma_start3A_1077] : memref<8192x64xf32, #tpu.memory_space<hbm>> -> memref<32x64xf32, #tpu.memory_space<hbm>>
          %dma_start3A_1079 = arith.constant 0 : i32
          %dma_start3A_1080 = arith.constant 0 : i32
          %dma_start3A_1081 = tpu.memref_slice %arg19[%dma_start3A_1079, %dma_start3A_1080] : memref<64x64xf32, #tpu.memory_space<vmem>> -> memref<32x64xf32, #tpu.memory_space<vmem>>
          tpu.enqueue_dma source(%dma_start3A_1081 : memref<32x64xf32, #tpu.memory_space<vmem>>) target(%dma_start3A_1078 : memref<32x64xf32, #tpu.memory_space<hbm>>) target_semaphore(%run_scoped3A : memref<!tpu.dma_semaphore, #tpu.memory_space<semaphore_mem>>)
          %dma_wait3A_1082 = arith.constant 0 : i32
          %dma_wait3A_1083 = arith.constant 0 : i32
          %dma_wait3A_1084 = tpu.memref_slice %arg19[%dma_wait3A_1082, %dma_wait3A_1083] : memref<64x64xf32, #tpu.memory_space<vmem>> -> memref<32x64xf32, #tpu.memory_space<vmem>>
          %dma_wait3A_1085 = arith.constant 0 : i32
          %dma_wait3A_1086 = tpu.memref_slice %arg8[%add3A_1071, %dma_wait3A_1085] : memref<8192x64xf32, #tpu.memory_space<hbm>> -> memref<32x64xf32, #tpu.memory_space<hbm>>
          %dma_wait3A_1087 = arith.constant 0 : i32
          %dma_wait3A_1088 = tpu.memref_slice %arg8[%add3A_1071, %dma_wait3A_1087] : memref<8192x64xf32, #tpu.memory_space<hbm>> -> memref<32x64xf32, #tpu.memory_space<hbm>>
          %dma_wait3A_1089 = arith.constant 0 : i32
          %dma_wait3A_1090 = arith.constant 0 : i32
          %dma_wait3A_1091 = tpu.memref_slice %arg19[%dma_wait3A_1089, %dma_wait3A_1090] : memref<64x64xf32, #tpu.memory_space<vmem>> -> memref<32x64xf32, #tpu.memory_space<vmem>>
          tpu.wait_dma2 semaphore(%run_scoped3A : memref<!tpu.dma_semaphore, #tpu.memory_space<semaphore_mem>>) src(%dma_wait3A_1091 : memref<32x64xf32, #tpu.memory_space<vmem>>) dst(%dma_wait3A_1088 : memref<32x64xf32, #tpu.memory_space<hbm>>)
          tpu.yield
        }) : () -> ()
      } else {
      }
      %mul3A_966 = arith.constant 32 : i32
      %mul3A_967 = arith.muli %select_n3A_960, %mul3A_966 : i32
      %add3A_968 = arith.addi %add3A_918, %mul3A_967 : i32
      %jit3A_969 = arith.constant 16 : i32
      %div3A_970 = arith.divsi %sub3A_920, %jit3A_969 : i32
      %sign3A_971 = arith.constant 0 : i32
      %sign3A_972 = arith.cmpi sgt, %sub3A_920, %sign3A_971 : i32
      %sign3A_973 = arith.extui %sign3A_972 : i1 to i32
      %sign3A_974 = arith.constant 0 : i32
      %sign3A_975 = arith.cmpi slt, %sub3A_920, %sign3A_974 : i32
      %sign3A_976 = arith.extui %sign3A_975 : i1 to i32
      %sign3A_977 = arith.subi %sign3A_973, %sign3A_976 : i32
      %sign3A_978 = arith.constant 0 : i32
      %sign3A_979 = arith.cmpi sgt, %jit3A_969, %sign3A_978 : i32
      %sign3A_980 = arith.extui %sign3A_979 : i1 to i32
      %sign3A_981 = arith.constant 0 : i32
      %sign3A_982 = arith.cmpi slt, %jit3A_969, %sign3A_981 : i32
      %sign3A_983 = arith.extui %sign3A_982 : i1 to i32
      %sign3A_984 = arith.subi %sign3A_980, %sign3A_983 : i32
      %ne3A_985 = arith.cmpi ne, %sign3A_977, %sign3A_984 : i32
      %rem3A_986 = arith.remsi %sub3A_920, %jit3A_969 : i32
      %ne3A_987 = arith.constant 0 : i32
      %ne3A_988 = arith.cmpi ne, %rem3A_986, %ne3A_987 : i32
      %and3A_989 = arith.andi %ne3A_985, %ne3A_988 : i1
      %sub3A_990 = arith.constant 1 : i32
      %sub3A_991 = arith.subi %div3A_970, %sub3A_990 : i32
      %select_n3A_992 = arith.select %and3A_989, %sub3A_991, %div3A_970 : i32
      %jit3A_993 = arith.constant 2 : i32
      %eq3A_994 = arith.constant 0 : i32
      %eq3A_995 = arith.cmpi eq, %jit3A_993, %eq3A_994 : i32
      %jit3A_996 = arith.constant 1 : i32
      %select_n3A_997 = arith.select %eq3A_995, %jit3A_996, %jit3A_993 : i32
      %rem3A_998 = arith.remsi %select_n3A_992, %select_n3A_997 : i32
      %ne3A_999 = arith.constant 0 : i32
      %ne3A_1000 = arith.cmpi ne, %rem3A_998, %ne3A_999 : i32
      %lt3A_1001 = arith.constant 0 : i32
      %lt3A_1002 = arith.cmpi slt, %rem3A_998, %lt3A_1001 : i32
      %lt3A_1003 = arith.constant 0 : i32
      %lt3A_1004 = arith.cmpi slt, %select_n3A_997, %lt3A_1003 : i32
      %ne3A_1005 = arith.xori %lt3A_1002, %lt3A_1004 : i1
      %and3A_1006 = arith.andi %ne3A_1005, %ne3A_1000 : i1
      %add3A_1007 = arith.addi %rem3A_998, %select_n3A_997 : i32
      %select_n3A_1008 = arith.select %and3A_1006, %add3A_1007, %rem3A_998 : i32
      %eq3A_1009 = arith.constant 1 : i32
      %eq3A_1010 = arith.cmpi eq, %select_n3A_1008, %eq3A_1009 : i32
      %convert_element_type3A_1011 = arith.extui %eq3A_1010 : i1 to i32
      %cond3A_1012 = arith.constant 0 : i32
      %cond3A_1013 = arith.cmpi ne, %convert_element_type3A_1011, %cond3A_1012 : i32
      scf.if %cond3A_1013 {
        %add3A_1070 = arith.addi %add3A_194, %add3A_968 : i32
        "tpu.region"() ({
          %run_scoped3A = tpu.sem_alloc : memref<!tpu.dma_semaphore, #tpu.memory_space<semaphore_mem>>
          %dma_start3A_1072 = arith.constant 0 : i32
          %dma_start3A_1073 = arith.constant 0 : i32
          %dma_start3A_1074 = tpu.memref_slice %arg18[%dma_start3A_1072, %dma_start3A_1073] : memref<64x512xf32, #tpu.memory_space<vmem>> -> memref<16x512xf32, #tpu.memory_space<vmem>>
          %dma_start3A_1075 = arith.constant 0 : i32
          %dma_start3A_1076 = tpu.memref_slice %arg9[%add3A_1070, %dma_start3A_1075] : memref<8192x512xf32, #tpu.memory_space<hbm>> -> memref<16x512xf32, #tpu.memory_space<hbm>>
          %dma_start3A_1077 = arith.constant 0 : i32
          %dma_start3A_1078 = tpu.memref_slice %arg9[%add3A_1070, %dma_start3A_1077] : memref<8192x512xf32, #tpu.memory_space<hbm>> -> memref<16x512xf32, #tpu.memory_space<hbm>>
          %dma_start3A_1079 = arith.constant 0 : i32
          %dma_start3A_1080 = arith.constant 0 : i32
          %dma_start3A_1081 = tpu.memref_slice %arg18[%dma_start3A_1079, %dma_start3A_1080] : memref<64x512xf32, #tpu.memory_space<vmem>> -> memref<16x512xf32, #tpu.memory_space<vmem>>
          tpu.enqueue_dma source(%dma_start3A_1081 : memref<16x512xf32, #tpu.memory_space<vmem>>) target(%dma_start3A_1078 : memref<16x512xf32, #tpu.memory_space<hbm>>) target_semaphore(%run_scoped3A : memref<!tpu.dma_semaphore, #tpu.memory_space<semaphore_mem>>)
          %dma_wait3A_1082 = arith.constant 0 : i32
          %dma_wait3A_1083 = arith.constant 0 : i32
          %dma_wait3A_1084 = tpu.memref_slice %arg18[%dma_wait3A_1082, %dma_wait3A_1083] : memref<64x512xf32, #tpu.memory_space<vmem>> -> memref<16x512xf32, #tpu.memory_space<vmem>>
          %dma_wait3A_1085 = arith.constant 0 : i32
          %dma_wait3A_1086 = tpu.memref_slice %arg9[%add3A_1070, %dma_wait3A_1085] : memref<8192x512xf32, #tpu.memory_space<hbm>> -> memref<16x512xf32, #tpu.memory_space<hbm>>
          %dma_wait3A_1087 = arith.constant 0 : i32
          %dma_wait3A_1088 = tpu.memref_slice %arg9[%add3A_1070, %dma_wait3A_1087] : memref<8192x512xf32, #tpu.memory_space<hbm>> -> memref<16x512xf32, #tpu.memory_space<hbm>>
          %dma_wait3A_1089 = arith.constant 0 : i32
          %dma_wait3A_1090 = arith.constant 0 : i32
          %dma_wait3A_1091 = tpu.memref_slice %arg18[%dma_wait3A_1089, %dma_wait3A_1090] : memref<64x512xf32, #tpu.memory_space<vmem>> -> memref<16x512xf32, #tpu.memory_space<vmem>>
          tpu.wait_dma2 semaphore(%run_scoped3A : memref<!tpu.dma_semaphore, #tpu.memory_space<semaphore_mem>>) src(%dma_wait3A_1091 : memref<16x512xf32, #tpu.memory_space<vmem>>) dst(%dma_wait3A_1088 : memref<16x512xf32, #tpu.memory_space<hbm>>)
          tpu.yield
        }) : () -> ()
        %add3A_1071 = arith.addi %add3A_194, %add3A_968 : i32
        "tpu.region"() ({
          %run_scoped3A = tpu.sem_alloc : memref<!tpu.dma_semaphore, #tpu.memory_space<semaphore_mem>>
          %dma_start3A_1072 = arith.constant 0 : i32
          %dma_start3A_1073 = arith.constant 0 : i32
          %dma_start3A_1074 = tpu.memref_slice %arg19[%dma_start3A_1072, %dma_start3A_1073] : memref<64x64xf32, #tpu.memory_space<vmem>> -> memref<16x64xf32, #tpu.memory_space<vmem>>
          %dma_start3A_1075 = arith.constant 0 : i32
          %dma_start3A_1076 = tpu.memref_slice %arg8[%add3A_1071, %dma_start3A_1075] : memref<8192x64xf32, #tpu.memory_space<hbm>> -> memref<16x64xf32, #tpu.memory_space<hbm>>
          %dma_start3A_1077 = arith.constant 0 : i32
          %dma_start3A_1078 = tpu.memref_slice %arg8[%add3A_1071, %dma_start3A_1077] : memref<8192x64xf32, #tpu.memory_space<hbm>> -> memref<16x64xf32, #tpu.memory_space<hbm>>
          %dma_start3A_1079 = arith.constant 0 : i32
          %dma_start3A_1080 = arith.constant 0 : i32
          %dma_start3A_1081 = tpu.memref_slice %arg19[%dma_start3A_1079, %dma_start3A_1080] : memref<64x64xf32, #tpu.memory_space<vmem>> -> memref<16x64xf32, #tpu.memory_space<vmem>>
          tpu.enqueue_dma source(%dma_start3A_1081 : memref<16x64xf32, #tpu.memory_space<vmem>>) target(%dma_start3A_1078 : memref<16x64xf32, #tpu.memory_space<hbm>>) target_semaphore(%run_scoped3A : memref<!tpu.dma_semaphore, #tpu.memory_space<semaphore_mem>>)
          %dma_wait3A_1082 = arith.constant 0 : i32
          %dma_wait3A_1083 = arith.constant 0 : i32
          %dma_wait3A_1084 = tpu.memref_slice %arg19[%dma_wait3A_1082, %dma_wait3A_1083] : memref<64x64xf32, #tpu.memory_space<vmem>> -> memref<16x64xf32, #tpu.memory_space<vmem>>
          %dma_wait3A_1085 = arith.constant 0 : i32
          %dma_wait3A_1086 = tpu.memref_slice %arg8[%add3A_1071, %dma_wait3A_1085] : memref<8192x64xf32, #tpu.memory_space<hbm>> -> memref<16x64xf32, #tpu.memory_space<hbm>>
          %dma_wait3A_1087 = arith.constant 0 : i32
          %dma_wait3A_1088 = tpu.memref_slice %arg8[%add3A_1071, %dma_wait3A_1087] : memref<8192x64xf32, #tpu.memory_space<hbm>> -> memref<16x64xf32, #tpu.memory_space<hbm>>
          %dma_wait3A_1089 = arith.constant 0 : i32
          %dma_wait3A_1090 = arith.constant 0 : i32
          %dma_wait3A_1091 = tpu.memref_slice %arg19[%dma_wait3A_1089, %dma_wait3A_1090] : memref<64x64xf32, #tpu.memory_space<vmem>> -> memref<16x64xf32, #tpu.memory_space<vmem>>
          tpu.wait_dma2 semaphore(%run_scoped3A : memref<!tpu.dma_semaphore, #tpu.memory_space<semaphore_mem>>) src(%dma_wait3A_1091 : memref<16x64xf32, #tpu.memory_space<vmem>>) dst(%dma_wait3A_1088 : memref<16x64xf32, #tpu.memory_space<hbm>>)
          tpu.yield
        }) : () -> ()
      } else {
      }
      %mul3A_1014 = arith.constant 16 : i32
      %mul3A_1015 = arith.muli %select_n3A_1008, %mul3A_1014 : i32
      %add3A_1016 = arith.addi %add3A_968, %mul3A_1015 : i32
      %jit3A_1017 = arith.constant 8 : i32
      %div3A_1018 = arith.divsi %sub3A_920, %jit3A_1017 : i32
      %sign3A_1019 = arith.constant 0 : i32
      %sign3A_1020 = arith.cmpi sgt, %sub3A_920, %sign3A_1019 : i32
      %sign3A_1021 = arith.extui %sign3A_1020 : i1 to i32
      %sign3A_1022 = arith.constant 0 : i32
      %sign3A_1023 = arith.cmpi slt, %sub3A_920, %sign3A_1022 : i32
      %sign3A_1024 = arith.extui %sign3A_1023 : i1 to i32
      %sign3A_1025 = arith.subi %sign3A_1021, %sign3A_1024 : i32
      %sign3A_1026 = arith.constant 0 : i32
      %sign3A_1027 = arith.cmpi sgt, %jit3A_1017, %sign3A_1026 : i32
      %sign3A_1028 = arith.extui %sign3A_1027 : i1 to i32
      %sign3A_1029 = arith.constant 0 : i32
      %sign3A_1030 = arith.cmpi slt, %jit3A_1017, %sign3A_1029 : i32
      %sign3A_1031 = arith.extui %sign3A_1030 : i1 to i32
      %sign3A_1032 = arith.subi %sign3A_1028, %sign3A_1031 : i32
      %ne3A_1033 = arith.cmpi ne, %sign3A_1025, %sign3A_1032 : i32
      %rem3A_1034 = arith.remsi %sub3A_920, %jit3A_1017 : i32
      %ne3A_1035 = arith.constant 0 : i32
      %ne3A_1036 = arith.cmpi ne, %rem3A_1034, %ne3A_1035 : i32
      %and3A_1037 = arith.andi %ne3A_1033, %ne3A_1036 : i1
      %sub3A_1038 = arith.constant 1 : i32
      %sub3A_1039 = arith.subi %div3A_1018, %sub3A_1038 : i32
      %select_n3A_1040 = arith.select %and3A_1037, %sub3A_1039, %div3A_1018 : i32
      %jit3A_1041 = arith.constant 2 : i32
      %eq3A_1042 = arith.constant 0 : i32
      %eq3A_1043 = arith.cmpi eq, %jit3A_1041, %eq3A_1042 : i32
      %jit3A_1044 = arith.constant 1 : i32
      %select_n3A_1045 = arith.select %eq3A_1043, %jit3A_1044, %jit3A_1041 : i32
      %rem3A_1046 = arith.remsi %select_n3A_1040, %select_n3A_1045 : i32
      %ne3A_1047 = arith.constant 0 : i32
      %ne3A_1048 = arith.cmpi ne, %rem3A_1046, %ne3A_1047 : i32
      %lt3A_1049 = arith.constant 0 : i32
      %lt3A_1050 = arith.cmpi slt, %rem3A_1046, %lt3A_1049 : i32
      %lt3A_1051 = arith.constant 0 : i32
      %lt3A_1052 = arith.cmpi slt, %select_n3A_1045, %lt3A_1051 : i32
      %ne3A_1053 = arith.xori %lt3A_1050, %lt3A_1052 : i1
      %and3A_1054 = arith.andi %ne3A_1053, %ne3A_1048 : i1
      %add3A_1055 = arith.addi %rem3A_1046, %select_n3A_1045 : i32
      %select_n3A_1056 = arith.select %and3A_1054, %add3A_1055, %rem3A_1046 : i32
      %eq3A_1057 = arith.constant 1 : i32
      %eq3A_1058 = arith.cmpi eq, %select_n3A_1056, %eq3A_1057 : i32
      %convert_element_type3A_1059 = arith.extui %eq3A_1058 : i1 to i32
      %cond3A_1060 = arith.constant 0 : i32
      %cond3A_1061 = arith.cmpi ne, %convert_element_type3A_1059, %cond3A_1060 : i32
      scf.if %cond3A_1061 {
        %add3A_1070 = arith.addi %add3A_194, %add3A_1016 : i32
        "tpu.region"() ({
          %run_scoped3A = tpu.sem_alloc : memref<!tpu.dma_semaphore, #tpu.memory_space<semaphore_mem>>
          %dma_start3A_1072 = arith.constant 0 : i32
          %dma_start3A_1073 = arith.constant 0 : i32
          %dma_start3A_1074 = tpu.memref_slice %arg18[%dma_start3A_1072, %dma_start3A_1073] : memref<64x512xf32, #tpu.memory_space<vmem>> -> memref<8x512xf32, #tpu.memory_space<vmem>>
          %dma_start3A_1075 = arith.constant 0 : i32
          %dma_start3A_1076 = tpu.memref_slice %arg9[%add3A_1070, %dma_start3A_1075] : memref<8192x512xf32, #tpu.memory_space<hbm>> -> memref<8x512xf32, #tpu.memory_space<hbm>>
          %dma_start3A_1077 = arith.constant 0 : i32
          %dma_start3A_1078 = tpu.memref_slice %arg9[%add3A_1070, %dma_start3A_1077] : memref<8192x512xf32, #tpu.memory_space<hbm>> -> memref<8x512xf32, #tpu.memory_space<hbm>>
          %dma_start3A_1079 = arith.constant 0 : i32
          %dma_start3A_1080 = arith.constant 0 : i32
          %dma_start3A_1081 = tpu.memref_slice %arg18[%dma_start3A_1079, %dma_start3A_1080] : memref<64x512xf32, #tpu.memory_space<vmem>> -> memref<8x512xf32, #tpu.memory_space<vmem>>
          tpu.enqueue_dma source(%dma_start3A_1081 : memref<8x512xf32, #tpu.memory_space<vmem>>) target(%dma_start3A_1078 : memref<8x512xf32, #tpu.memory_space<hbm>>) target_semaphore(%run_scoped3A : memref<!tpu.dma_semaphore, #tpu.memory_space<semaphore_mem>>)
          %dma_wait3A_1082 = arith.constant 0 : i32
          %dma_wait3A_1083 = arith.constant 0 : i32
          %dma_wait3A_1084 = tpu.memref_slice %arg18[%dma_wait3A_1082, %dma_wait3A_1083] : memref<64x512xf32, #tpu.memory_space<vmem>> -> memref<8x512xf32, #tpu.memory_space<vmem>>
          %dma_wait3A_1085 = arith.constant 0 : i32
          %dma_wait3A_1086 = tpu.memref_slice %arg9[%add3A_1070, %dma_wait3A_1085] : memref<8192x512xf32, #tpu.memory_space<hbm>> -> memref<8x512xf32, #tpu.memory_space<hbm>>
          %dma_wait3A_1087 = arith.constant 0 : i32
          %dma_wait3A_1088 = tpu.memref_slice %arg9[%add3A_1070, %dma_wait3A_1087] : memref<8192x512xf32, #tpu.memory_space<hbm>> -> memref<8x512xf32, #tpu.memory_space<hbm>>
          %dma_wait3A_1089 = arith.constant 0 : i32
          %dma_wait3A_1090 = arith.constant 0 : i32
          %dma_wait3A_1091 = tpu.memref_slice %arg18[%dma_wait3A_1089, %dma_wait3A_1090] : memref<64x512xf32, #tpu.memory_space<vmem>> -> memref<8x512xf32, #tpu.memory_space<vmem>>
          tpu.wait_dma2 semaphore(%run_scoped3A : memref<!tpu.dma_semaphore, #tpu.memory_space<semaphore_mem>>) src(%dma_wait3A_1091 : memref<8x512xf32, #tpu.memory_space<vmem>>) dst(%dma_wait3A_1088 : memref<8x512xf32, #tpu.memory_space<hbm>>)
          tpu.yield
        }) : () -> ()
        %add3A_1071 = arith.addi %add3A_194, %add3A_1016 : i32
        "tpu.region"() ({
          %run_scoped3A = tpu.sem_alloc : memref<!tpu.dma_semaphore, #tpu.memory_space<semaphore_mem>>
          %dma_start3A_1072 = arith.constant 0 : i32
          %dma_start3A_1073 = arith.constant 0 : i32
          %dma_start3A_1074 = tpu.memref_slice %arg19[%dma_start3A_1072, %dma_start3A_1073] : memref<64x64xf32, #tpu.memory_space<vmem>> -> memref<8x64xf32, #tpu.memory_space<vmem>>
          %dma_start3A_1075 = arith.constant 0 : i32
          %dma_start3A_1076 = tpu.memref_slice %arg8[%add3A_1071, %dma_start3A_1075] : memref<8192x64xf32, #tpu.memory_space<hbm>> -> memref<8x64xf32, #tpu.memory_space<hbm>>
          %dma_start3A_1077 = arith.constant 0 : i32
          %dma_start3A_1078 = tpu.memref_slice %arg8[%add3A_1071, %dma_start3A_1077] : memref<8192x64xf32, #tpu.memory_space<hbm>> -> memref<8x64xf32, #tpu.memory_space<hbm>>
          %dma_start3A_1079 = arith.constant 0 : i32
          %dma_start3A_1080 = arith.constant 0 : i32
          %dma_start3A_1081 = tpu.memref_slice %arg19[%dma_start3A_1079, %dma_start3A_1080] : memref<64x64xf32, #tpu.memory_space<vmem>> -> memref<8x64xf32, #tpu.memory_space<vmem>>
          tpu.enqueue_dma source(%dma_start3A_1081 : memref<8x64xf32, #tpu.memory_space<vmem>>) target(%dma_start3A_1078 : memref<8x64xf32, #tpu.memory_space<hbm>>) target_semaphore(%run_scoped3A : memref<!tpu.dma_semaphore, #tpu.memory_space<semaphore_mem>>)
          %dma_wait3A_1082 = arith.constant 0 : i32
          %dma_wait3A_1083 = arith.constant 0 : i32
          %dma_wait3A_1084 = tpu.memref_slice %arg19[%dma_wait3A_1082, %dma_wait3A_1083] : memref<64x64xf32, #tpu.memory_space<vmem>> -> memref<8x64xf32, #tpu.memory_space<vmem>>
          %dma_wait3A_1085 = arith.constant 0 : i32
          %dma_wait3A_1086 = tpu.memref_slice %arg8[%add3A_1071, %dma_wait3A_1085] : memref<8192x64xf32, #tpu.memory_space<hbm>> -> memref<8x64xf32, #tpu.memory_space<hbm>>
          %dma_wait3A_1087 = arith.constant 0 : i32
          %dma_wait3A_1088 = tpu.memref_slice %arg8[%add3A_1071, %dma_wait3A_1087] : memref<8192x64xf32, #tpu.memory_space<hbm>> -> memref<8x64xf32, #tpu.memory_space<hbm>>
          %dma_wait3A_1089 = arith.constant 0 : i32
          %dma_wait3A_1090 = arith.constant 0 : i32
          %dma_wait3A_1091 = tpu.memref_slice %arg19[%dma_wait3A_1089, %dma_wait3A_1090] : memref<64x64xf32, #tpu.memory_space<vmem>> -> memref<8x64xf32, #tpu.memory_space<vmem>>
          tpu.wait_dma2 semaphore(%run_scoped3A : memref<!tpu.dma_semaphore, #tpu.memory_space<semaphore_mem>>) src(%dma_wait3A_1091 : memref<8x64xf32, #tpu.memory_space<vmem>>) dst(%dma_wait3A_1088 : memref<8x64xf32, #tpu.memory_space<hbm>>)
          tpu.yield
        }) : () -> ()
      } else {
      }
      %mul3A_1062 = arith.constant 8 : i32
      %mul3A_1063 = arith.muli %select_n3A_1056, %mul3A_1062 : i32
      %add3A_1064 = arith.addi %add3A_1016, %mul3A_1063 : i32
      %gt3A_1065 = arith.constant 0 : i32
      %gt3A_1066 = arith.cmpi sgt, %sub3A_912, %gt3A_1065 : i32
      %convert_element_type3A_1067 = arith.extui %gt3A_1066 : i1 to i32
      %cond3A_1068 = arith.constant 0 : i32
      %cond3A_1069 = arith.cmpi ne, %convert_element_type3A_1067, %cond3A_1068 : i32
      scf.if %cond3A_1069 {
        %add3A_1070 = arith.addi %add3A_141, %mul3A_911 : i32
        "tpu.region"() ({
          %run_scoped3A = tpu.sem_alloc : memref<!tpu.dma_semaphore, #tpu.memory_space<semaphore_mem>>
          %dma_start3A_1083 = arith.constant 0 : i32
          %dma_start3A_1084 = tpu.memref_slice %arg6[%add3A_1070, %dma_start3A_1083] : memref<32768x512xf32, #tpu.memory_space<hbm>> -> memref<8x512xf32, #tpu.memory_space<hbm>>
          %dma_start3A_1085 = arith.constant 0 : i32
          %dma_start3A_1086 = tpu.memref_slice %arg6[%add3A_1070, %dma_start3A_1085] : memref<32768x512xf32, #tpu.memory_space<hbm>> -> memref<8x512xf32, #tpu.memory_space<hbm>>
          tpu.enqueue_dma source(%dma_start3A_1086 : memref<8x512xf32, #tpu.memory_space<hbm>>) target(%arg14 : memref<8x512xf32, #tpu.memory_space<vmem>>) target_semaphore(%run_scoped3A : memref<!tpu.dma_semaphore, #tpu.memory_space<semaphore_mem>>)
          %dma_wait3A_1087 = arith.constant 0 : i32
          %dma_wait3A_1088 = tpu.memref_slice %arg6[%add3A_1070, %dma_wait3A_1087] : memref<32768x512xf32, #tpu.memory_space<hbm>> -> memref<8x512xf32, #tpu.memory_space<hbm>>
          %dma_wait3A_1089 = arith.constant 0 : i32
          %dma_wait3A_1090 = tpu.memref_slice %arg6[%add3A_1070, %dma_wait3A_1089] : memref<32768x512xf32, #tpu.memory_space<hbm>> -> memref<8x512xf32, #tpu.memory_space<hbm>>
          tpu.wait_dma2 semaphore(%run_scoped3A : memref<!tpu.dma_semaphore, #tpu.memory_space<semaphore_mem>>) src(%dma_wait3A_1090 : memref<8x512xf32, #tpu.memory_space<hbm>>) dst(%arg14 : memref<8x512xf32, #tpu.memory_space<vmem>>)
          tpu.yield
        }) : () -> ()
        %add3A_1071 = arith.addi %add3A_141, %mul3A_911 : i32
        "tpu.region"() ({
          %run_scoped3A = tpu.sem_alloc : memref<!tpu.dma_semaphore, #tpu.memory_space<semaphore_mem>>
          %dma_start3A_1083 = arith.constant 0 : i32
          %dma_start3A_1084 = tpu.memref_slice %arg7[%add3A_1071, %dma_start3A_1083] : memref<32768x64xf32, #tpu.memory_space<hbm>> -> memref<8x64xf32, #tpu.memory_space<hbm>>
          %dma_start3A_1085 = arith.constant 0 : i32
          %dma_start3A_1086 = tpu.memref_slice %arg7[%add3A_1071, %dma_start3A_1085] : memref<32768x64xf32, #tpu.memory_space<hbm>> -> memref<8x64xf32, #tpu.memory_space<hbm>>
          tpu.enqueue_dma source(%dma_start3A_1086 : memref<8x64xf32, #tpu.memory_space<hbm>>) target(%arg15 : memref<8x64xf32, #tpu.memory_space<vmem>>) target_semaphore(%run_scoped3A : memref<!tpu.dma_semaphore, #tpu.memory_space<semaphore_mem>>)
          %dma_wait3A_1087 = arith.constant 0 : i32
          %dma_wait3A_1088 = tpu.memref_slice %arg7[%add3A_1071, %dma_wait3A_1087] : memref<32768x64xf32, #tpu.memory_space<hbm>> -> memref<8x64xf32, #tpu.memory_space<hbm>>
          %dma_wait3A_1089 = arith.constant 0 : i32
          %dma_wait3A_1090 = tpu.memref_slice %arg7[%add3A_1071, %dma_wait3A_1089] : memref<32768x64xf32, #tpu.memory_space<hbm>> -> memref<8x64xf32, #tpu.memory_space<hbm>>
          tpu.wait_dma2 semaphore(%run_scoped3A : memref<!tpu.dma_semaphore, #tpu.memory_space<semaphore_mem>>) src(%dma_wait3A_1090 : memref<8x64xf32, #tpu.memory_space<hbm>>) dst(%arg15 : memref<8x64xf32, #tpu.memory_space<vmem>>)
          tpu.yield
        }) : () -> ()
        %while3A = arith.constant 0 : i32
        %while3A_1072 = arith.constant 8 : i32
        %while3A_1073 = arith.subi %while3A_1072, %sub3A_912 : i32
        %while3A_1074 = arith.addi %sub3A_912, %while3A_1073 : i32
        %while3A_1075 = arith.constant 1 : i32
        %while3A_1076 = arith.divsi %while3A_1073, %while3A_1075 : i32
        %while3A_1077 = arith.muli %while3A_1076, %while3A_1075 : i32
        %while3A_1078 = arith.addi %sub3A_912, %while3A_1077 : i32
        %while3A_1079 = arith.constant 1 : i32
        scf.for %while3A_1083 = %sub3A_912 to %while3A_1078 step %while3A_1079  : i32 {
          %swap3A = arith.index_cast %while3A_1083 : i32 to index
          %swap3A_1084 = arith.constant 0 : index
          %swap3A_1085 = tpu.vector_load %arg14[%swap3A, %swap3A_1084] {strides = array<i32>} : memref<8x512xf32, #tpu.memory_space<vmem>>, vector<1x16xf32>,
          %swap3A_1086 = vector.shape_cast %swap3A_1085 : vector<1x16xf32> to vector<16xf32>
          %swap3A_1087 = vector.shape_cast %broadcast_in_dim3A_709 : vector<16xf32> to vector<1x16xf32>
          tpu.vector_store %arg14[%swap3A, %swap3A_1084], %swap3A_1087 {strides = array<i32>} : memref<8x512xf32, #tpu.memory_space<vmem>>, vector<1x16xf32>,
          %swap3A_1088 = arith.index_cast %while3A_1083 : i32 to index
          %swap3A_1089 = arith.constant 16 : index
          %swap3A_1090 = tpu.vector_load %arg14[%swap3A_1088, %swap3A_1089] {strides = array<i32>} : memref<8x512xf32, #tpu.memory_space<vmem>>, vector<1x16xf32>,
          %swap3A_1091 = vector.shape_cast %swap3A_1090 : vector<1x16xf32> to vector<16xf32>
          %swap3A_1092 = vector.shape_cast %broadcast_in_dim3A_709 : vector<16xf32> to vector<1x16xf32>
          tpu.vector_store %arg14[%swap3A_1088, %swap3A_1089], %swap3A_1092 {strides = array<i32>} : memref<8x512xf32, #tpu.memory_space<vmem>>, vector<1x16xf32>,
          %swap3A_1093 = arith.index_cast %while3A_1083 : i32 to index
          %swap3A_1094 = arith.constant 32 : index
          %swap3A_1095 = tpu.vector_load %arg14[%swap3A_1093, %swap3A_1094] {strides = array<i32>} : memref<8x512xf32, #tpu.memory_space<vmem>>, vector<1x16xf32>,
          %swap3A_1096 = vector.shape_cast %swap3A_1095 : vector<1x16xf32> to vector<16xf32>
          %swap3A_1097 = vector.shape_cast %broadcast_in_dim3A_709 : vector<16xf32> to vector<1x16xf32>
          tpu.vector_store %arg14[%swap3A_1093, %swap3A_1094], %swap3A_1097 {strides = array<i32>} : memref<8x512xf32, #tpu.memory_space<vmem>>, vector<1x16xf32>,
          %swap3A_1098 = arith.index_cast %while3A_1083 : i32 to index
          %swap3A_1099 = arith.constant 48 : index
          %swap3A_1100 = tpu.vector_load %arg14[%swap3A_1098, %swap3A_1099] {strides = array<i32>} : memref<8x512xf32, #tpu.memory_space<vmem>>, vector<1x16xf32>,
          %swap3A_1101 = vector.shape_cast %swap3A_1100 : vector<1x16xf32> to vector<16xf32>
          %swap3A_1102 = vector.shape_cast %broadcast_in_dim3A_709 : vector<16xf32> to vector<1x16xf32>
          tpu.vector_store %arg14[%swap3A_1098, %swap3A_1099], %swap3A_1102 {strides = array<i32>} : memref<8x512xf32, #tpu.memory_space<vmem>>, vector<1x16xf32>,
          %swap3A_1103 = arith.index_cast %while3A_1083 : i32 to index
          %swap3A_1104 = arith.constant 64 : index
          %swap3A_1105 = tpu.vector_load %arg14[%swap3A_1103, %swap3A_1104] {strides = array<i32>} : memref<8x512xf32, #tpu.memory_space<vmem>>, vector<1x16xf32>,
          %swap3A_1106 = vector.shape_cast %swap3A_1105 : vector<1x16xf32> to vector<16xf32>
          %swap3A_1107 = vector.shape_cast %broadcast_in_dim3A_709 : vector<16xf32> to vector<1x16xf32>
          tpu.vector_store %arg14[%swap3A_1103, %swap3A_1104], %swap3A_1107 {strides = array<i32>} : memref<8x512xf32, #tpu.memory_space<vmem>>, vector<1x16xf32>,
          %swap3A_1108 = arith.index_cast %while3A_1083 : i32 to index
          %swap3A_1109 = arith.constant 80 : index
          %swap3A_1110 = tpu.vector_load %arg14[%swap3A_1108, %swap3A_1109] {strides = array<i32>} : memref<8x512xf32, #tpu.memory_space<vmem>>, vector<1x16xf32>,
          %swap3A_1111 = vector.shape_cast %swap3A_1110 : vector<1x16xf32> to vector<16xf32>
          %swap3A_1112 = vector.shape_cast %broadcast_in_dim3A_709 : vector<16xf32> to vector<1x16xf32>
          tpu.vector_store %arg14[%swap3A_1108, %swap3A_1109], %swap3A_1112 {strides = array<i32>} : memref<8x512xf32, #tpu.memory_space<vmem>>, vector<1x16xf32>,
          %swap3A_1113 = arith.index_cast %while3A_1083 : i32 to index
          %swap3A_1114 = arith.constant 96 : index
          %swap3A_1115 = tpu.vector_load %arg14[%swap3A_1113, %swap3A_1114] {strides = array<i32>} : memref<8x512xf32, #tpu.memory_space<vmem>>, vector<1x16xf32>,
          %swap3A_1116 = vector.shape_cast %swap3A_1115 : vector<1x16xf32> to vector<16xf32>
          %swap3A_1117 = vector.shape_cast %broadcast_in_dim3A_709 : vector<16xf32> to vector<1x16xf32>
          tpu.vector_store %arg14[%swap3A_1113, %swap3A_1114], %swap3A_1117 {strides = array<i32>} : memref<8x512xf32, #tpu.memory_space<vmem>>, vector<1x16xf32>,
          %swap3A_1118 = arith.index_cast %while3A_1083 : i32 to index
          %swap3A_1119 = arith.constant 112 : index
          %swap3A_1120 = tpu.vector_load %arg14[%swap3A_1118, %swap3A_1119] {strides = array<i32>} : memref<8x512xf32, #tpu.memory_space<vmem>>, vector<1x16xf32>,
          %swap3A_1121 = vector.shape_cast %swap3A_1120 : vector<1x16xf32> to vector<16xf32>
          %swap3A_1122 = vector.shape_cast %broadcast_in_dim3A_709 : vector<16xf32> to vector<1x16xf32>
          tpu.vector_store %arg14[%swap3A_1118, %swap3A_1119], %swap3A_1122 {strides = array<i32>} : memref<8x512xf32, #tpu.memory_space<vmem>>, vector<1x16xf32>,
          %swap3A_1123 = arith.index_cast %while3A_1083 : i32 to index
          %swap3A_1124 = arith.constant 128 : index
          %swap3A_1125 = tpu.vector_load %arg14[%swap3A_1123, %swap3A_1124] {strides = array<i32>} : memref<8x512xf32, #tpu.memory_space<vmem>>, vector<1x16xf32>,
          %swap3A_1126 = vector.shape_cast %swap3A_1125 : vector<1x16xf32> to vector<16xf32>
          %swap3A_1127 = vector.shape_cast %broadcast_in_dim3A_709 : vector<16xf32> to vector<1x16xf32>
          tpu.vector_store %arg14[%swap3A_1123, %swap3A_1124], %swap3A_1127 {strides = array<i32>} : memref<8x512xf32, #tpu.memory_space<vmem>>, vector<1x16xf32>,
          %swap3A_1128 = arith.index_cast %while3A_1083 : i32 to index
          %swap3A_1129 = arith.constant 144 : index
          %swap3A_1130 = tpu.vector_load %arg14[%swap3A_1128, %swap3A_1129] {strides = array<i32>} : memref<8x512xf32, #tpu.memory_space<vmem>>, vector<1x16xf32>,
          %swap3A_1131 = vector.shape_cast %swap3A_1130 : vector<1x16xf32> to vector<16xf32>
          %swap3A_1132 = vector.shape_cast %broadcast_in_dim3A_709 : vector<16xf32> to vector<1x16xf32>
          tpu.vector_store %arg14[%swap3A_1128, %swap3A_1129], %swap3A_1132 {strides = array<i32>} : memref<8x512xf32, #tpu.memory_space<vmem>>, vector<1x16xf32>,
          %swap3A_1133 = arith.index_cast %while3A_1083 : i32 to index
          %swap3A_1134 = arith.constant 160 : index
          %swap3A_1135 = tpu.vector_load %arg14[%swap3A_1133, %swap3A_1134] {strides = array<i32>} : memref<8x512xf32, #tpu.memory_space<vmem>>, vector<1x16xf32>,
          %swap3A_1136 = vector.shape_cast %swap3A_1135 : vector<1x16xf32> to vector<16xf32>
          %swap3A_1137 = vector.shape_cast %broadcast_in_dim3A_709 : vector<16xf32> to vector<1x16xf32>
          tpu.vector_store %arg14[%swap3A_1133, %swap3A_1134], %swap3A_1137 {strides = array<i32>} : memref<8x512xf32, #tpu.memory_space<vmem>>, vector<1x16xf32>,
          %swap3A_1138 = arith.index_cast %while3A_1083 : i32 to index
          %swap3A_1139 = arith.constant 176 : index
          %swap3A_1140 = tpu.vector_load %arg14[%swap3A_1138, %swap3A_1139] {strides = array<i32>} : memref<8x512xf32, #tpu.memory_space<vmem>>, vector<1x16xf32>,
          %swap3A_1141 = vector.shape_cast %swap3A_1140 : vector<1x16xf32> to vector<16xf32>
          %swap3A_1142 = vector.shape_cast %broadcast_in_dim3A_709 : vector<16xf32> to vector<1x16xf32>
          tpu.vector_store %arg14[%swap3A_1138, %swap3A_1139], %swap3A_1142 {strides = array<i32>} : memref<8x512xf32, #tpu.memory_space<vmem>>, vector<1x16xf32>,
          %swap3A_1143 = arith.index_cast %while3A_1083 : i32 to index
          %swap3A_1144 = arith.constant 192 : index
          %swap3A_1145 = tpu.vector_load %arg14[%swap3A_1143, %swap3A_1144] {strides = array<i32>} : memref<8x512xf32, #tpu.memory_space<vmem>>, vector<1x16xf32>,
          %swap3A_1146 = vector.shape_cast %swap3A_1145 : vector<1x16xf32> to vector<16xf32>
          %swap3A_1147 = vector.shape_cast %broadcast_in_dim3A_709 : vector<16xf32> to vector<1x16xf32>
          tpu.vector_store %arg14[%swap3A_1143, %swap3A_1144], %swap3A_1147 {strides = array<i32>} : memref<8x512xf32, #tpu.memory_space<vmem>>, vector<1x16xf32>,
          %swap3A_1148 = arith.index_cast %while3A_1083 : i32 to index
          %swap3A_1149 = arith.constant 208 : index
          %swap3A_1150 = tpu.vector_load %arg14[%swap3A_1148, %swap3A_1149] {strides = array<i32>} : memref<8x512xf32, #tpu.memory_space<vmem>>, vector<1x16xf32>,
          %swap3A_1151 = vector.shape_cast %swap3A_1150 : vector<1x16xf32> to vector<16xf32>
          %swap3A_1152 = vector.shape_cast %broadcast_in_dim3A_709 : vector<16xf32> to vector<1x16xf32>
          tpu.vector_store %arg14[%swap3A_1148, %swap3A_1149], %swap3A_1152 {strides = array<i32>} : memref<8x512xf32, #tpu.memory_space<vmem>>, vector<1x16xf32>,
          %swap3A_1153 = arith.index_cast %while3A_1083 : i32 to index
          %swap3A_1154 = arith.constant 224 : index
          %swap3A_1155 = tpu.vector_load %arg14[%swap3A_1153, %swap3A_1154] {strides = array<i32>} : memref<8x512xf32, #tpu.memory_space<vmem>>, vector<1x16xf32>,
          %swap3A_1156 = vector.shape_cast %swap3A_1155 : vector<1x16xf32> to vector<16xf32>
          %swap3A_1157 = vector.shape_cast %broadcast_in_dim3A_709 : vector<16xf32> to vector<1x16xf32>
          tpu.vector_store %arg14[%swap3A_1153, %swap3A_1154], %swap3A_1157 {strides = array<i32>} : memref<8x512xf32, #tpu.memory_space<vmem>>, vector<1x16xf32>,
          %swap3A_1158 = arith.index_cast %while3A_1083 : i32 to index
          %swap3A_1159 = arith.constant 240 : index
          %swap3A_1160 = tpu.vector_load %arg14[%swap3A_1158, %swap3A_1159] {strides = array<i32>} : memref<8x512xf32, #tpu.memory_space<vmem>>, vector<1x16xf32>,
          %swap3A_1161 = vector.shape_cast %swap3A_1160 : vector<1x16xf32> to vector<16xf32>
          %swap3A_1162 = vector.shape_cast %broadcast_in_dim3A_709 : vector<16xf32> to vector<1x16xf32>
          tpu.vector_store %arg14[%swap3A_1158, %swap3A_1159], %swap3A_1162 {strides = array<i32>} : memref<8x512xf32, #tpu.memory_space<vmem>>, vector<1x16xf32>,
          %swap3A_1163 = arith.index_cast %while3A_1083 : i32 to index
          %swap3A_1164 = arith.constant 256 : index
          %swap3A_1165 = tpu.vector_load %arg14[%swap3A_1163, %swap3A_1164] {strides = array<i32>} : memref<8x512xf32, #tpu.memory_space<vmem>>, vector<1x16xf32>,
          %swap3A_1166 = vector.shape_cast %swap3A_1165 : vector<1x16xf32> to vector<16xf32>
          %swap3A_1167 = vector.shape_cast %broadcast_in_dim3A_709 : vector<16xf32> to vector<1x16xf32>
          tpu.vector_store %arg14[%swap3A_1163, %swap3A_1164], %swap3A_1167 {strides = array<i32>} : memref<8x512xf32, #tpu.memory_space<vmem>>, vector<1x16xf32>,
          %swap3A_1168 = arith.index_cast %while3A_1083 : i32 to index
          %swap3A_1169 = arith.constant 272 : index
          %swap3A_1170 = tpu.vector_load %arg14[%swap3A_1168, %swap3A_1169] {strides = array<i32>} : memref<8x512xf32, #tpu.memory_space<vmem>>, vector<1x16xf32>,
          %swap3A_1171 = vector.shape_cast %swap3A_1170 : vector<1x16xf32> to vector<16xf32>
          %swap3A_1172 = vector.shape_cast %broadcast_in_dim3A_709 : vector<16xf32> to vector<1x16xf32>
          tpu.vector_store %arg14[%swap3A_1168, %swap3A_1169], %swap3A_1172 {strides = array<i32>} : memref<8x512xf32, #tpu.memory_space<vmem>>, vector<1x16xf32>,
          %swap3A_1173 = arith.index_cast %while3A_1083 : i32 to index
          %swap3A_1174 = arith.constant 288 : index
          %swap3A_1175 = tpu.vector_load %arg14[%swap3A_1173, %swap3A_1174] {strides = array<i32>} : memref<8x512xf32, #tpu.memory_space<vmem>>, vector<1x16xf32>,
          %swap3A_1176 = vector.shape_cast %swap3A_1175 : vector<1x16xf32> to vector<16xf32>
          %swap3A_1177 = vector.shape_cast %broadcast_in_dim3A_709 : vector<16xf32> to vector<1x16xf32>
          tpu.vector_store %arg14[%swap3A_1173, %swap3A_1174], %swap3A_1177 {strides = array<i32>} : memref<8x512xf32, #tpu.memory_space<vmem>>, vector<1x16xf32>,
          %swap3A_1178 = arith.index_cast %while3A_1083 : i32 to index
          %swap3A_1179 = arith.constant 304 : index
          %swap3A_1180 = tpu.vector_load %arg14[%swap3A_1178, %swap3A_1179] {strides = array<i32>} : memref<8x512xf32, #tpu.memory_space<vmem>>, vector<1x16xf32>,
          %swap3A_1181 = vector.shape_cast %swap3A_1180 : vector<1x16xf32> to vector<16xf32>
          %swap3A_1182 = vector.shape_cast %broadcast_in_dim3A_709 : vector<16xf32> to vector<1x16xf32>
          tpu.vector_store %arg14[%swap3A_1178, %swap3A_1179], %swap3A_1182 {strides = array<i32>} : memref<8x512xf32, #tpu.memory_space<vmem>>, vector<1x16xf32>,
          %swap3A_1183 = arith.index_cast %while3A_1083 : i32 to index
          %swap3A_1184 = arith.constant 320 : index
          %swap3A_1185 = tpu.vector_load %arg14[%swap3A_1183, %swap3A_1184] {strides = array<i32>} : memref<8x512xf32, #tpu.memory_space<vmem>>, vector<1x16xf32>,
          %swap3A_1186 = vector.shape_cast %swap3A_1185 : vector<1x16xf32> to vector<16xf32>
          %swap3A_1187 = vector.shape_cast %broadcast_in_dim3A_709 : vector<16xf32> to vector<1x16xf32>
          tpu.vector_store %arg14[%swap3A_1183, %swap3A_1184], %swap3A_1187 {strides = array<i32>} : memref<8x512xf32, #tpu.memory_space<vmem>>, vector<1x16xf32>,
          %swap3A_1188 = arith.index_cast %while3A_1083 : i32 to index
          %swap3A_1189 = arith.constant 336 : index
          %swap3A_1190 = tpu.vector_load %arg14[%swap3A_1188, %swap3A_1189] {strides = array<i32>} : memref<8x512xf32, #tpu.memory_space<vmem>>, vector<1x16xf32>,
          %swap3A_1191 = vector.shape_cast %swap3A_1190 : vector<1x16xf32> to vector<16xf32>
          %swap3A_1192 = vector.shape_cast %broadcast_in_dim3A_709 : vector<16xf32> to vector<1x16xf32>
          tpu.vector_store %arg14[%swap3A_1188, %swap3A_1189], %swap3A_1192 {strides = array<i32>} : memref<8x512xf32, #tpu.memory_space<vmem>>, vector<1x16xf32>,
          %swap3A_1193 = arith.index_cast %while3A_1083 : i32 to index
          %swap3A_1194 = arith.constant 352 : index
          %swap3A_1195 = tpu.vector_load %arg14[%swap3A_1193, %swap3A_1194] {strides = array<i32>} : memref<8x512xf32, #tpu.memory_space<vmem>>, vector<1x16xf32>,
          %swap3A_1196 = vector.shape_cast %swap3A_1195 : vector<1x16xf32> to vector<16xf32>
          %swap3A_1197 = vector.shape_cast %broadcast_in_dim3A_709 : vector<16xf32> to vector<1x16xf32>
          tpu.vector_store %arg14[%swap3A_1193, %swap3A_1194], %swap3A_1197 {strides = array<i32>} : memref<8x512xf32, #tpu.memory_space<vmem>>, vector<1x16xf32>,
          %swap3A_1198 = arith.index_cast %while3A_1083 : i32 to index
          %swap3A_1199 = arith.constant 368 : index
          %swap3A_1200 = tpu.vector_load %arg14[%swap3A_1198, %swap3A_1199] {strides = array<i32>} : memref<8x512xf32, #tpu.memory_space<vmem>>, vector<1x16xf32>,
          %swap3A_1201 = vector.shape_cast %swap3A_1200 : vector<1x16xf32> to vector<16xf32>
          %swap3A_1202 = vector.shape_cast %broadcast_in_dim3A_709 : vector<16xf32> to vector<1x16xf32>
          tpu.vector_store %arg14[%swap3A_1198, %swap3A_1199], %swap3A_1202 {strides = array<i32>} : memref<8x512xf32, #tpu.memory_space<vmem>>, vector<1x16xf32>,
          %swap3A_1203 = arith.index_cast %while3A_1083 : i32 to index
          %swap3A_1204 = arith.constant 384 : index
          %swap3A_1205 = tpu.vector_load %arg14[%swap3A_1203, %swap3A_1204] {strides = array<i32>} : memref<8x512xf32, #tpu.memory_space<vmem>>, vector<1x16xf32>,
          %swap3A_1206 = vector.shape_cast %swap3A_1205 : vector<1x16xf32> to vector<16xf32>
          %swap3A_1207 = vector.shape_cast %broadcast_in_dim3A_709 : vector<16xf32> to vector<1x16xf32>
          tpu.vector_store %arg14[%swap3A_1203, %swap3A_1204], %swap3A_1207 {strides = array<i32>} : memref<8x512xf32, #tpu.memory_space<vmem>>, vector<1x16xf32>,
          %swap3A_1208 = arith.index_cast %while3A_1083 : i32 to index
          %swap3A_1209 = arith.constant 400 : index
          %swap3A_1210 = tpu.vector_load %arg14[%swap3A_1208, %swap3A_1209] {strides = array<i32>} : memref<8x512xf32, #tpu.memory_space<vmem>>, vector<1x16xf32>,
          %swap3A_1211 = vector.shape_cast %swap3A_1210 : vector<1x16xf32> to vector<16xf32>
          %swap3A_1212 = vector.shape_cast %broadcast_in_dim3A_709 : vector<16xf32> to vector<1x16xf32>
          tpu.vector_store %arg14[%swap3A_1208, %swap3A_1209], %swap3A_1212 {strides = array<i32>} : memref<8x512xf32, #tpu.memory_space<vmem>>, vector<1x16xf32>,
          %swap3A_1213 = arith.index_cast %while3A_1083 : i32 to index
          %swap3A_1214 = arith.constant 416 : index
          %swap3A_1215 = tpu.vector_load %arg14[%swap3A_1213, %swap3A_1214] {strides = array<i32>} : memref<8x512xf32, #tpu.memory_space<vmem>>, vector<1x16xf32>,
          %swap3A_1216 = vector.shape_cast %swap3A_1215 : vector<1x16xf32> to vector<16xf32>
          %swap3A_1217 = vector.shape_cast %broadcast_in_dim3A_709 : vector<16xf32> to vector<1x16xf32>
          tpu.vector_store %arg14[%swap3A_1213, %swap3A_1214], %swap3A_1217 {strides = array<i32>} : memref<8x512xf32, #tpu.memory_space<vmem>>, vector<1x16xf32>,
          %swap3A_1218 = arith.index_cast %while3A_1083 : i32 to index
          %swap3A_1219 = arith.constant 432 : index
          %swap3A_1220 = tpu.vector_load %arg14[%swap3A_1218, %swap3A_1219] {strides = array<i32>} : memref<8x512xf32, #tpu.memory_space<vmem>>, vector<1x16xf32>,
          %swap3A_1221 = vector.shape_cast %swap3A_1220 : vector<1x16xf32> to vector<16xf32>
          %swap3A_1222 = vector.shape_cast %broadcast_in_dim3A_709 : vector<16xf32> to vector<1x16xf32>
          tpu.vector_store %arg14[%swap3A_1218, %swap3A_1219], %swap3A_1222 {strides = array<i32>} : memref<8x512xf32, #tpu.memory_space<vmem>>, vector<1x16xf32>,
          %swap3A_1223 = arith.index_cast %while3A_1083 : i32 to index
          %swap3A_1224 = arith.constant 448 : index
          %swap3A_1225 = tpu.vector_load %arg14[%swap3A_1223, %swap3A_1224] {strides = array<i32>} : memref<8x512xf32, #tpu.memory_space<vmem>>, vector<1x16xf32>,
          %swap3A_1226 = vector.shape_cast %swap3A_1225 : vector<1x16xf32> to vector<16xf32>
          %swap3A_1227 = vector.shape_cast %broadcast_in_dim3A_709 : vector<16xf32> to vector<1x16xf32>
          tpu.vector_store %arg14[%swap3A_1223, %swap3A_1224], %swap3A_1227 {strides = array<i32>} : memref<8x512xf32, #tpu.memory_space<vmem>>, vector<1x16xf32>,
          %swap3A_1228 = arith.index_cast %while3A_1083 : i32 to index
          %swap3A_1229 = arith.constant 464 : index
          %swap3A_1230 = tpu.vector_load %arg14[%swap3A_1228, %swap3A_1229] {strides = array<i32>} : memref<8x512xf32, #tpu.memory_space<vmem>>, vector<1x16xf32>,
          %swap3A_1231 = vector.shape_cast %swap3A_1230 : vector<1x16xf32> to vector<16xf32>
          %swap3A_1232 = vector.shape_cast %broadcast_in_dim3A_709 : vector<16xf32> to vector<1x16xf32>
          tpu.vector_store %arg14[%swap3A_1228, %swap3A_1229], %swap3A_1232 {strides = array<i32>} : memref<8x512xf32, #tpu.memory_space<vmem>>, vector<1x16xf32>,
          %swap3A_1233 = arith.index_cast %while3A_1083 : i32 to index
          %swap3A_1234 = arith.constant 480 : index
          %swap3A_1235 = tpu.vector_load %arg14[%swap3A_1233, %swap3A_1234] {strides = array<i32>} : memref<8x512xf32, #tpu.memory_space<vmem>>, vector<1x16xf32>,
          %swap3A_1236 = vector.shape_cast %swap3A_1235 : vector<1x16xf32> to vector<16xf32>
          %swap3A_1237 = vector.shape_cast %broadcast_in_dim3A_709 : vector<16xf32> to vector<1x16xf32>
          tpu.vector_store %arg14[%swap3A_1233, %swap3A_1234], %swap3A_1237 {strides = array<i32>} : memref<8x512xf32, #tpu.memory_space<vmem>>, vector<1x16xf32>,
          %swap3A_1238 = arith.index_cast %while3A_1083 : i32 to index
          %swap3A_1239 = arith.constant 496 : index
          %swap3A_1240 = tpu.vector_load %arg14[%swap3A_1238, %swap3A_1239] {strides = array<i32>} : memref<8x512xf32, #tpu.memory_space<vmem>>, vector<1x16xf32>,
          %swap3A_1241 = vector.shape_cast %swap3A_1240 : vector<1x16xf32> to vector<16xf32>
          %swap3A_1242 = vector.shape_cast %broadcast_in_dim3A_709 : vector<16xf32> to vector<1x16xf32>
          tpu.vector_store %arg14[%swap3A_1238, %swap3A_1239], %swap3A_1242 {strides = array<i32>} : memref<8x512xf32, #tpu.memory_space<vmem>>, vector<1x16xf32>,
          %swap3A_1243 = arith.index_cast %while3A_1083 : i32 to index
          %swap3A_1244 = arith.constant 0 : index
          %swap3A_1245 = tpu.vector_load %arg15[%swap3A_1243, %swap3A_1244] {strides = array<i32>} : memref<8x64xf32, #tpu.memory_space<vmem>>, vector<1x16xf32>,
          %swap3A_1246 = vector.shape_cast %swap3A_1245 : vector<1x16xf32> to vector<16xf32>
          %swap3A_1247 = vector.shape_cast %broadcast_in_dim3A_709 : vector<16xf32> to vector<1x16xf32>
          tpu.vector_store %arg15[%swap3A_1243, %swap3A_1244], %swap3A_1247 {strides = array<i32>} : memref<8x64xf32, #tpu.memory_space<vmem>>, vector<1x16xf32>,
          %swap3A_1248 = arith.index_cast %while3A_1083 : i32 to index
          %swap3A_1249 = arith.constant 16 : index
          %swap3A_1250 = tpu.vector_load %arg15[%swap3A_1248, %swap3A_1249] {strides = array<i32>} : memref<8x64xf32, #tpu.memory_space<vmem>>, vector<1x16xf32>,
          %swap3A_1251 = vector.shape_cast %swap3A_1250 : vector<1x16xf32> to vector<16xf32>
          %swap3A_1252 = vector.shape_cast %broadcast_in_dim3A_709 : vector<16xf32> to vector<1x16xf32>
          tpu.vector_store %arg15[%swap3A_1248, %swap3A_1249], %swap3A_1252 {strides = array<i32>} : memref<8x64xf32, #tpu.memory_space<vmem>>, vector<1x16xf32>,
          %swap3A_1253 = arith.index_cast %while3A_1083 : i32 to index
          %swap3A_1254 = arith.constant 32 : index
          %swap3A_1255 = tpu.vector_load %arg15[%swap3A_1253, %swap3A_1254] {strides = array<i32>} : memref<8x64xf32, #tpu.memory_space<vmem>>, vector<1x16xf32>,
          %swap3A_1256 = vector.shape_cast %swap3A_1255 : vector<1x16xf32> to vector<16xf32>
          %swap3A_1257 = vector.shape_cast %broadcast_in_dim3A_709 : vector<16xf32> to vector<1x16xf32>
          tpu.vector_store %arg15[%swap3A_1253, %swap3A_1254], %swap3A_1257 {strides = array<i32>} : memref<8x64xf32, #tpu.memory_space<vmem>>, vector<1x16xf32>,
          %swap3A_1258 = arith.index_cast %while3A_1083 : i32 to index
          %swap3A_1259 = arith.constant 48 : index
          %swap3A_1260 = tpu.vector_load %arg15[%swap3A_1258, %swap3A_1259] {strides = array<i32>} : memref<8x64xf32, #tpu.memory_space<vmem>>, vector<1x16xf32>,
          %swap3A_1261 = vector.shape_cast %swap3A_1260 : vector<1x16xf32> to vector<16xf32>
          %swap3A_1262 = vector.shape_cast %broadcast_in_dim3A_709 : vector<16xf32> to vector<1x16xf32>
          tpu.vector_store %arg15[%swap3A_1258, %swap3A_1259], %swap3A_1262 {strides = array<i32>} : memref<8x64xf32, #tpu.memory_space<vmem>>, vector<1x16xf32>,
        }
        %while3A_1080 = arith.constant 1 : i32
        scf.for %while3A_1083 = %while3A_1078 to %while3A_1074 step %while3A_1080  : i32 {
          %swap3A = arith.index_cast %while3A_1083 : i32 to index
          %swap3A_1084 = arith.constant 0 : index
          %swap3A_1085 = tpu.vector_load %arg14[%swap3A, %swap3A_1084] {strides = array<i32>} : memref<8x512xf32, #tpu.memory_space<vmem>>, vector<1x16xf32>,
          %swap3A_1086 = vector.shape_cast %swap3A_1085 : vector<1x16xf32> to vector<16xf32>
          %swap3A_1087 = vector.shape_cast %broadcast_in_dim3A_709 : vector<16xf32> to vector<1x16xf32>
          tpu.vector_store %arg14[%swap3A, %swap3A_1084], %swap3A_1087 {strides = array<i32>} : memref<8x512xf32, #tpu.memory_space<vmem>>, vector<1x16xf32>,
          %swap3A_1088 = arith.index_cast %while3A_1083 : i32 to index
          %swap3A_1089 = arith.constant 16 : index
          %swap3A_1090 = tpu.vector_load %arg14[%swap3A_1088, %swap3A_1089] {strides = array<i32>} : memref<8x512xf32, #tpu.memory_space<vmem>>, vector<1x16xf32>,
          %swap3A_1091 = vector.shape_cast %swap3A_1090 : vector<1x16xf32> to vector<16xf32>
          %swap3A_1092 = vector.shape_cast %broadcast_in_dim3A_709 : vector<16xf32> to vector<1x16xf32>
          tpu.vector_store %arg14[%swap3A_1088, %swap3A_1089], %swap3A_1092 {strides = array<i32>} : memref<8x512xf32, #tpu.memory_space<vmem>>, vector<1x16xf32>,
          %swap3A_1093 = arith.index_cast %while3A_1083 : i32 to index
          %swap3A_1094 = arith.constant 32 : index
          %swap3A_1095 = tpu.vector_load %arg14[%swap3A_1093, %swap3A_1094] {strides = array<i32>} : memref<8x512xf32, #tpu.memory_space<vmem>>, vector<1x16xf32>,
          %swap3A_1096 = vector.shape_cast %swap3A_1095 : vector<1x16xf32> to vector<16xf32>
          %swap3A_1097 = vector.shape_cast %broadcast_in_dim3A_709 : vector<16xf32> to vector<1x16xf32>
          tpu.vector_store %arg14[%swap3A_1093, %swap3A_1094], %swap3A_1097 {strides = array<i32>} : memref<8x512xf32, #tpu.memory_space<vmem>>, vector<1x16xf32>,
          %swap3A_1098 = arith.index_cast %while3A_1083 : i32 to index
          %swap3A_1099 = arith.constant 48 : index
          %swap3A_1100 = tpu.vector_load %arg14[%swap3A_1098, %swap3A_1099] {strides = array<i32>} : memref<8x512xf32, #tpu.memory_space<vmem>>, vector<1x16xf32>,
          %swap3A_1101 = vector.shape_cast %swap3A_1100 : vector<1x16xf32> to vector<16xf32>
          %swap3A_1102 = vector.shape_cast %broadcast_in_dim3A_709 : vector<16xf32> to vector<1x16xf32>
          tpu.vector_store %arg14[%swap3A_1098, %swap3A_1099], %swap3A_1102 {strides = array<i32>} : memref<8x512xf32, #tpu.memory_space<vmem>>, vector<1x16xf32>,
          %swap3A_1103 = arith.index_cast %while3A_1083 : i32 to index
          %swap3A_1104 = arith.constant 64 : index
          %swap3A_1105 = tpu.vector_load %arg14[%swap3A_1103, %swap3A_1104] {strides = array<i32>} : memref<8x512xf32, #tpu.memory_space<vmem>>, vector<1x16xf32>,
          %swap3A_1106 = vector.shape_cast %swap3A_1105 : vector<1x16xf32> to vector<16xf32>
          %swap3A_1107 = vector.shape_cast %broadcast_in_dim3A_709 : vector<16xf32> to vector<1x16xf32>
          tpu.vector_store %arg14[%swap3A_1103, %swap3A_1104], %swap3A_1107 {strides = array<i32>} : memref<8x512xf32, #tpu.memory_space<vmem>>, vector<1x16xf32>,
          %swap3A_1108 = arith.index_cast %while3A_1083 : i32 to index
          %swap3A_1109 = arith.constant 80 : index
          %swap3A_1110 = tpu.vector_load %arg14[%swap3A_1108, %swap3A_1109] {strides = array<i32>} : memref<8x512xf32, #tpu.memory_space<vmem>>, vector<1x16xf32>,
          %swap3A_1111 = vector.shape_cast %swap3A_1110 : vector<1x16xf32> to vector<16xf32>
          %swap3A_1112 = vector.shape_cast %broadcast_in_dim3A_709 : vector<16xf32> to vector<1x16xf32>
          tpu.vector_store %arg14[%swap3A_1108, %swap3A_1109], %swap3A_1112 {strides = array<i32>} : memref<8x512xf32, #tpu.memory_space<vmem>>, vector<1x16xf32>,
          %swap3A_1113 = arith.index_cast %while3A_1083 : i32 to index
          %swap3A_1114 = arith.constant 96 : index
          %swap3A_1115 = tpu.vector_load %arg14[%swap3A_1113, %swap3A_1114] {strides = array<i32>} : memref<8x512xf32, #tpu.memory_space<vmem>>, vector<1x16xf32>,
          %swap3A_1116 = vector.shape_cast %swap3A_1115 : vector<1x16xf32> to vector<16xf32>
          %swap3A_1117 = vector.shape_cast %broadcast_in_dim3A_709 : vector<16xf32> to vector<1x16xf32>
          tpu.vector_store %arg14[%swap3A_1113, %swap3A_1114], %swap3A_1117 {strides = array<i32>} : memref<8x512xf32, #tpu.memory_space<vmem>>, vector<1x16xf32>,
          %swap3A_1118 = arith.index_cast %while3A_1083 : i32 to index
          %swap3A_1119 = arith.constant 112 : index
          %swap3A_1120 = tpu.vector_load %arg14[%swap3A_1118, %swap3A_1119] {strides = array<i32>} : memref<8x512xf32, #tpu.memory_space<vmem>>, vector<1x16xf32>,
          %swap3A_1121 = vector.shape_cast %swap3A_1120 : vector<1x16xf32> to vector<16xf32>
          %swap3A_1122 = vector.shape_cast %broadcast_in_dim3A_709 : vector<16xf32> to vector<1x16xf32>
          tpu.vector_store %arg14[%swap3A_1118, %swap3A_1119], %swap3A_1122 {strides = array<i32>} : memref<8x512xf32, #tpu.memory_space<vmem>>, vector<1x16xf32>,
          %swap3A_1123 = arith.index_cast %while3A_1083 : i32 to index
          %swap3A_1124 = arith.constant 128 : index
          %swap3A_1125 = tpu.vector_load %arg14[%swap3A_1123, %swap3A_1124] {strides = array<i32>} : memref<8x512xf32, #tpu.memory_space<vmem>>, vector<1x16xf32>,
          %swap3A_1126 = vector.shape_cast %swap3A_1125 : vector<1x16xf32> to vector<16xf32>
          %swap3A_1127 = vector.shape_cast %broadcast_in_dim3A_709 : vector<16xf32> to vector<1x16xf32>
          tpu.vector_store %arg14[%swap3A_1123, %swap3A_1124], %swap3A_1127 {strides = array<i32>} : memref<8x512xf32, #tpu.memory_space<vmem>>, vector<1x16xf32>,
          %swap3A_1128 = arith.index_cast %while3A_1083 : i32 to index
          %swap3A_1129 = arith.constant 144 : index
          %swap3A_1130 = tpu.vector_load %arg14[%swap3A_1128, %swap3A_1129] {strides = array<i32>} : memref<8x512xf32, #tpu.memory_space<vmem>>, vector<1x16xf32>,
          %swap3A_1131 = vector.shape_cast %swap3A_1130 : vector<1x16xf32> to vector<16xf32>
          %swap3A_1132 = vector.shape_cast %broadcast_in_dim3A_709 : vector<16xf32> to vector<1x16xf32>
          tpu.vector_store %arg14[%swap3A_1128, %swap3A_1129], %swap3A_1132 {strides = array<i32>} : memref<8x512xf32, #tpu.memory_space<vmem>>, vector<1x16xf32>,
          %swap3A_1133 = arith.index_cast %while3A_1083 : i32 to index
          %swap3A_1134 = arith.constant 160 : index
          %swap3A_1135 = tpu.vector_load %arg14[%swap3A_1133, %swap3A_1134] {strides = array<i32>} : memref<8x512xf32, #tpu.memory_space<vmem>>, vector<1x16xf32>,
          %swap3A_1136 = vector.shape_cast %swap3A_1135 : vector<1x16xf32> to vector<16xf32>
          %swap3A_1137 = vector.shape_cast %broadcast_in_dim3A_709 : vector<16xf32> to vector<1x16xf32>
          tpu.vector_store %arg14[%swap3A_1133, %swap3A_1134], %swap3A_1137 {strides = array<i32>} : memref<8x512xf32, #tpu.memory_space<vmem>>, vector<1x16xf32>,
          %swap3A_1138 = arith.index_cast %while3A_1083 : i32 to index
          %swap3A_1139 = arith.constant 176 : index
          %swap3A_1140 = tpu.vector_load %arg14[%swap3A_1138, %swap3A_1139] {strides = array<i32>} : memref<8x512xf32, #tpu.memory_space<vmem>>, vector<1x16xf32>,
          %swap3A_1141 = vector.shape_cast %swap3A_1140 : vector<1x16xf32> to vector<16xf32>
          %swap3A_1142 = vector.shape_cast %broadcast_in_dim3A_709 : vector<16xf32> to vector<1x16xf32>
          tpu.vector_store %arg14[%swap3A_1138, %swap3A_1139], %swap3A_1142 {strides = array<i32>} : memref<8x512xf32, #tpu.memory_space<vmem>>, vector<1x16xf32>,
          %swap3A_1143 = arith.index_cast %while3A_1083 : i32 to index
          %swap3A_1144 = arith.constant 192 : index
          %swap3A_1145 = tpu.vector_load %arg14[%swap3A_1143, %swap3A_1144] {strides = array<i32>} : memref<8x512xf32, #tpu.memory_space<vmem>>, vector<1x16xf32>,
          %swap3A_1146 = vector.shape_cast %swap3A_1145 : vector<1x16xf32> to vector<16xf32>
          %swap3A_1147 = vector.shape_cast %broadcast_in_dim3A_709 : vector<16xf32> to vector<1x16xf32>
          tpu.vector_store %arg14[%swap3A_1143, %swap3A_1144], %swap3A_1147 {strides = array<i32>} : memref<8x512xf32, #tpu.memory_space<vmem>>, vector<1x16xf32>,
          %swap3A_1148 = arith.index_cast %while3A_1083 : i32 to index
          %swap3A_1149 = arith.constant 208 : index
          %swap3A_1150 = tpu.vector_load %arg14[%swap3A_1148, %swap3A_1149] {strides = array<i32>} : memref<8x512xf32, #tpu.memory_space<vmem>>, vector<1x16xf32>,
          %swap3A_1151 = vector.shape_cast %swap3A_1150 : vector<1x16xf32> to vector<16xf32>
          %swap3A_1152 = vector.shape_cast %broadcast_in_dim3A_709 : vector<16xf32> to vector<1x16xf32>
          tpu.vector_store %arg14[%swap3A_1148, %swap3A_1149], %swap3A_1152 {strides = array<i32>} : memref<8x512xf32, #tpu.memory_space<vmem>>, vector<1x16xf32>,
          %swap3A_1153 = arith.index_cast %while3A_1083 : i32 to index
          %swap3A_1154 = arith.constant 224 : index
          %swap3A_1155 = tpu.vector_load %arg14[%swap3A_1153, %swap3A_1154] {strides = array<i32>} : memref<8x512xf32, #tpu.memory_space<vmem>>, vector<1x16xf32>,
          %swap3A_1156 = vector.shape_cast %swap3A_1155 : vector<1x16xf32> to vector<16xf32>
          %swap3A_1157 = vector.shape_cast %broadcast_in_dim3A_709 : vector<16xf32> to vector<1x16xf32>
          tpu.vector_store %arg14[%swap3A_1153, %swap3A_1154], %swap3A_1157 {strides = array<i32>} : memref<8x512xf32, #tpu.memory_space<vmem>>, vector<1x16xf32>,
          %swap3A_1158 = arith.index_cast %while3A_1083 : i32 to index
          %swap3A_1159 = arith.constant 240 : index
          %swap3A_1160 = tpu.vector_load %arg14[%swap3A_1158, %swap3A_1159] {strides = array<i32>} : memref<8x512xf32, #tpu.memory_space<vmem>>, vector<1x16xf32>,
          %swap3A_1161 = vector.shape_cast %swap3A_1160 : vector<1x16xf32> to vector<16xf32>
          %swap3A_1162 = vector.shape_cast %broadcast_in_dim3A_709 : vector<16xf32> to vector<1x16xf32>
          tpu.vector_store %arg14[%swap3A_1158, %swap3A_1159], %swap3A_1162 {strides = array<i32>} : memref<8x512xf32, #tpu.memory_space<vmem>>, vector<1x16xf32>,
          %swap3A_1163 = arith.index_cast %while3A_1083 : i32 to index
          %swap3A_1164 = arith.constant 256 : index
          %swap3A_1165 = tpu.vector_load %arg14[%swap3A_1163, %swap3A_1164] {strides = array<i32>} : memref<8x512xf32, #tpu.memory_space<vmem>>, vector<1x16xf32>,
          %swap3A_1166 = vector.shape_cast %swap3A_1165 : vector<1x16xf32> to vector<16xf32>
          %swap3A_1167 = vector.shape_cast %broadcast_in_dim3A_709 : vector<16xf32> to vector<1x16xf32>
          tpu.vector_store %arg14[%swap3A_1163, %swap3A_1164], %swap3A_1167 {strides = array<i32>} : memref<8x512xf32, #tpu.memory_space<vmem>>, vector<1x16xf32>,
          %swap3A_1168 = arith.index_cast %while3A_1083 : i32 to index
          %swap3A_1169 = arith.constant 272 : index
          %swap3A_1170 = tpu.vector_load %arg14[%swap3A_1168, %swap3A_1169] {strides = array<i32>} : memref<8x512xf32, #tpu.memory_space<vmem>>, vector<1x16xf32>,
          %swap3A_1171 = vector.shape_cast %swap3A_1170 : vector<1x16xf32> to vector<16xf32>
          %swap3A_1172 = vector.shape_cast %broadcast_in_dim3A_709 : vector<16xf32> to vector<1x16xf32>
          tpu.vector_store %arg14[%swap3A_1168, %swap3A_1169], %swap3A_1172 {strides = array<i32>} : memref<8x512xf32, #tpu.memory_space<vmem>>, vector<1x16xf32>,
          %swap3A_1173 = arith.index_cast %while3A_1083 : i32 to index
          %swap3A_1174 = arith.constant 288 : index
          %swap3A_1175 = tpu.vector_load %arg14[%swap3A_1173, %swap3A_1174] {strides = array<i32>} : memref<8x512xf32, #tpu.memory_space<vmem>>, vector<1x16xf32>,
          %swap3A_1176 = vector.shape_cast %swap3A_1175 : vector<1x16xf32> to vector<16xf32>
          %swap3A_1177 = vector.shape_cast %broadcast_in_dim3A_709 : vector<16xf32> to vector<1x16xf32>
          tpu.vector_store %arg14[%swap3A_1173, %swap3A_1174], %swap3A_1177 {strides = array<i32>} : memref<8x512xf32, #tpu.memory_space<vmem>>, vector<1x16xf32>,
          %swap3A_1178 = arith.index_cast %while3A_1083 : i32 to index
          %swap3A_1179 = arith.constant 304 : index
          %swap3A_1180 = tpu.vector_load %arg14[%swap3A_1178, %swap3A_1179] {strides = array<i32>} : memref<8x512xf32, #tpu.memory_space<vmem>>, vector<1x16xf32>,
          %swap3A_1181 = vector.shape_cast %swap3A_1180 : vector<1x16xf32> to vector<16xf32>
          %swap3A_1182 = vector.shape_cast %broadcast_in_dim3A_709 : vector<16xf32> to vector<1x16xf32>
          tpu.vector_store %arg14[%swap3A_1178, %swap3A_1179], %swap3A_1182 {strides = array<i32>} : memref<8x512xf32, #tpu.memory_space<vmem>>, vector<1x16xf32>,
          %swap3A_1183 = arith.index_cast %while3A_1083 : i32 to index
          %swap3A_1184 = arith.constant 320 : index
          %swap3A_1185 = tpu.vector_load %arg14[%swap3A_1183, %swap3A_1184] {strides = array<i32>} : memref<8x512xf32, #tpu.memory_space<vmem>>, vector<1x16xf32>,
          %swap3A_1186 = vector.shape_cast %swap3A_1185 : vector<1x16xf32> to vector<16xf32>
          %swap3A_1187 = vector.shape_cast %broadcast_in_dim3A_709 : vector<16xf32> to vector<1x16xf32>
          tpu.vector_store %arg14[%swap3A_1183, %swap3A_1184], %swap3A_1187 {strides = array<i32>} : memref<8x512xf32, #tpu.memory_space<vmem>>, vector<1x16xf32>,
          %swap3A_1188 = arith.index_cast %while3A_1083 : i32 to index
          %swap3A_1189 = arith.constant 336 : index
          %swap3A_1190 = tpu.vector_load %arg14[%swap3A_1188, %swap3A_1189] {strides = array<i32>} : memref<8x512xf32, #tpu.memory_space<vmem>>, vector<1x16xf32>,
          %swap3A_1191 = vector.shape_cast %swap3A_1190 : vector<1x16xf32> to vector<16xf32>
          %swap3A_1192 = vector.shape_cast %broadcast_in_dim3A_709 : vector<16xf32> to vector<1x16xf32>
          tpu.vector_store %arg14[%swap3A_1188, %swap3A_1189], %swap3A_1192 {strides = array<i32>} : memref<8x512xf32, #tpu.memory_space<vmem>>, vector<1x16xf32>,
          %swap3A_1193 = arith.index_cast %while3A_1083 : i32 to index
          %swap3A_1194 = arith.constant 352 : index
          %swap3A_1195 = tpu.vector_load %arg14[%swap3A_1193, %swap3A_1194] {strides = array<i32>} : memref<8x512xf32, #tpu.memory_space<vmem>>, vector<1x16xf32>,
          %swap3A_1196 = vector.shape_cast %swap3A_1195 : vector<1x16xf32> to vector<16xf32>
          %swap3A_1197 = vector.shape_cast %broadcast_in_dim3A_709 : vector<16xf32> to vector<1x16xf32>
          tpu.vector_store %arg14[%swap3A_1193, %swap3A_1194], %swap3A_1197 {strides = array<i32>} : memref<8x512xf32, #tpu.memory_space<vmem>>, vector<1x16xf32>,
          %swap3A_1198 = arith.index_cast %while3A_1083 : i32 to index
          %swap3A_1199 = arith.constant 368 : index
          %swap3A_1200 = tpu.vector_load %arg14[%swap3A_1198, %swap3A_1199] {strides = array<i32>} : memref<8x512xf32, #tpu.memory_space<vmem>>, vector<1x16xf32>,
          %swap3A_1201 = vector.shape_cast %swap3A_1200 : vector<1x16xf32> to vector<16xf32>
          %swap3A_1202 = vector.shape_cast %broadcast_in_dim3A_709 : vector<16xf32> to vector<1x16xf32>
          tpu.vector_store %arg14[%swap3A_1198, %swap3A_1199], %swap3A_1202 {strides = array<i32>} : memref<8x512xf32, #tpu.memory_space<vmem>>, vector<1x16xf32>,
          %swap3A_1203 = arith.index_cast %while3A_1083 : i32 to index
          %swap3A_1204 = arith.constant 384 : index
          %swap3A_1205 = tpu.vector_load %arg14[%swap3A_1203, %swap3A_1204] {strides = array<i32>} : memref<8x512xf32, #tpu.memory_space<vmem>>, vector<1x16xf32>,
          %swap3A_1206 = vector.shape_cast %swap3A_1205 : vector<1x16xf32> to vector<16xf32>
          %swap3A_1207 = vector.shape_cast %broadcast_in_dim3A_709 : vector<16xf32> to vector<1x16xf32>
          tpu.vector_store %arg14[%swap3A_1203, %swap3A_1204], %swap3A_1207 {strides = array<i32>} : memref<8x512xf32, #tpu.memory_space<vmem>>, vector<1x16xf32>,
          %swap3A_1208 = arith.index_cast %while3A_1083 : i32 to index
          %swap3A_1209 = arith.constant 400 : index
          %swap3A_1210 = tpu.vector_load %arg14[%swap3A_1208, %swap3A_1209] {strides = array<i32>} : memref<8x512xf32, #tpu.memory_space<vmem>>, vector<1x16xf32>,
          %swap3A_1211 = vector.shape_cast %swap3A_1210 : vector<1x16xf32> to vector<16xf32>
          %swap3A_1212 = vector.shape_cast %broadcast_in_dim3A_709 : vector<16xf32> to vector<1x16xf32>
          tpu.vector_store %arg14[%swap3A_1208, %swap3A_1209], %swap3A_1212 {strides = array<i32>} : memref<8x512xf32, #tpu.memory_space<vmem>>, vector<1x16xf32>,
          %swap3A_1213 = arith.index_cast %while3A_1083 : i32 to index
          %swap3A_1214 = arith.constant 416 : index
          %swap3A_1215 = tpu.vector_load %arg14[%swap3A_1213, %swap3A_1214] {strides = array<i32>} : memref<8x512xf32, #tpu.memory_space<vmem>>, vector<1x16xf32>,
          %swap3A_1216 = vector.shape_cast %swap3A_1215 : vector<1x16xf32> to vector<16xf32>
          %swap3A_1217 = vector.shape_cast %broadcast_in_dim3A_709 : vector<16xf32> to vector<1x16xf32>
          tpu.vector_store %arg14[%swap3A_1213, %swap3A_1214], %swap3A_1217 {strides = array<i32>} : memref<8x512xf32, #tpu.memory_space<vmem>>, vector<1x16xf32>,
          %swap3A_1218 = arith.index_cast %while3A_1083 : i32 to index
          %swap3A_1219 = arith.constant 432 : index
          %swap3A_1220 = tpu.vector_load %arg14[%swap3A_1218, %swap3A_1219] {strides = array<i32>} : memref<8x512xf32, #tpu.memory_space<vmem>>, vector<1x16xf32>,
          %swap3A_1221 = vector.shape_cast %swap3A_1220 : vector<1x16xf32> to vector<16xf32>
          %swap3A_1222 = vector.shape_cast %broadcast_in_dim3A_709 : vector<16xf32> to vector<1x16xf32>
          tpu.vector_store %arg14[%swap3A_1218, %swap3A_1219], %swap3A_1222 {strides = array<i32>} : memref<8x512xf32, #tpu.memory_space<vmem>>, vector<1x16xf32>,
          %swap3A_1223 = arith.index_cast %while3A_1083 : i32 to index
          %swap3A_1224 = arith.constant 448 : index
          %swap3A_1225 = tpu.vector_load %arg14[%swap3A_1223, %swap3A_1224] {strides = array<i32>} : memref<8x512xf32, #tpu.memory_space<vmem>>, vector<1x16xf32>,
          %swap3A_1226 = vector.shape_cast %swap3A_1225 : vector<1x16xf32> to vector<16xf32>
          %swap3A_1227 = vector.shape_cast %broadcast_in_dim3A_709 : vector<16xf32> to vector<1x16xf32>
          tpu.vector_store %arg14[%swap3A_1223, %swap3A_1224], %swap3A_1227 {strides = array<i32>} : memref<8x512xf32, #tpu.memory_space<vmem>>, vector<1x16xf32>,
          %swap3A_1228 = arith.index_cast %while3A_1083 : i32 to index
          %swap3A_1229 = arith.constant 464 : index
          %swap3A_1230 = tpu.vector_load %arg14[%swap3A_1228, %swap3A_1229] {strides = array<i32>} : memref<8x512xf32, #tpu.memory_space<vmem>>, vector<1x16xf32>,
          %swap3A_1231 = vector.shape_cast %swap3A_1230 : vector<1x16xf32> to vector<16xf32>
          %swap3A_1232 = vector.shape_cast %broadcast_in_dim3A_709 : vector<16xf32> to vector<1x16xf32>
          tpu.vector_store %arg14[%swap3A_1228, %swap3A_1229], %swap3A_1232 {strides = array<i32>} : memref<8x512xf32, #tpu.memory_space<vmem>>, vector<1x16xf32>,
          %swap3A_1233 = arith.index_cast %while3A_1083 : i32 to index
          %swap3A_1234 = arith.constant 480 : index
          %swap3A_1235 = tpu.vector_load %arg14[%swap3A_1233, %swap3A_1234] {strides = array<i32>} : memref<8x512xf32, #tpu.memory_space<vmem>>, vector<1x16xf32>,
          %swap3A_1236 = vector.shape_cast %swap3A_1235 : vector<1x16xf32> to vector<16xf32>
          %swap3A_1237 = vector.shape_cast %broadcast_in_dim3A_709 : vector<16xf32> to vector<1x16xf32>
          tpu.vector_store %arg14[%swap3A_1233, %swap3A_1234], %swap3A_1237 {strides = array<i32>} : memref<8x512xf32, #tpu.memory_space<vmem>>, vector<1x16xf32>,
          %swap3A_1238 = arith.index_cast %while3A_1083 : i32 to index
          %swap3A_1239 = arith.constant 496 : index
          %swap3A_1240 = tpu.vector_load %arg14[%swap3A_1238, %swap3A_1239] {strides = array<i32>} : memref<8x512xf32, #tpu.memory_space<vmem>>, vector<1x16xf32>,
          %swap3A_1241 = vector.shape_cast %swap3A_1240 : vector<1x16xf32> to vector<16xf32>
          %swap3A_1242 = vector.shape_cast %broadcast_in_dim3A_709 : vector<16xf32> to vector<1x16xf32>
          tpu.vector_store %arg14[%swap3A_1238, %swap3A_1239], %swap3A_1242 {strides = array<i32>} : memref<8x512xf32, #tpu.memory_space<vmem>>, vector<1x16xf32>,
          %swap3A_1243 = arith.index_cast %while3A_1083 : i32 to index
          %swap3A_1244 = arith.constant 0 : index
          %swap3A_1245 = tpu.vector_load %arg15[%swap3A_1243, %swap3A_1244] {strides = array<i32>} : memref<8x64xf32, #tpu.memory_space<vmem>>, vector<1x16xf32>,
          %swap3A_1246 = vector.shape_cast %swap3A_1245 : vector<1x16xf32> to vector<16xf32>
          %swap3A_1247 = vector.shape_cast %broadcast_in_dim3A_709 : vector<16xf32> to vector<1x16xf32>
          tpu.vector_store %arg15[%swap3A_1243, %swap3A_1244], %swap3A_1247 {strides = array<i32>} : memref<8x64xf32, #tpu.memory_space<vmem>>, vector<1x16xf32>,
          %swap3A_1248 = arith.index_cast %while3A_1083 : i32 to index
          %swap3A_1249 = arith.constant 16 : index
          %swap3A_1250 = tpu.vector_load %arg15[%swap3A_1248, %swap3A_1249] {strides = array<i32>} : memref<8x64xf32, #tpu.memory_space<vmem>>, vector<1x16xf32>,
          %swap3A_1251 = vector.shape_cast %swap3A_1250 : vector<1x16xf32> to vector<16xf32>
          %swap3A_1252 = vector.shape_cast %broadcast_in_dim3A_709 : vector<16xf32> to vector<1x16xf32>
          tpu.vector_store %arg15[%swap3A_1248, %swap3A_1249], %swap3A_1252 {strides = array<i32>} : memref<8x64xf32, #tpu.memory_space<vmem>>, vector<1x16xf32>,
          %swap3A_1253 = arith.index_cast %while3A_1083 : i32 to index
          %swap3A_1254 = arith.constant 32 : index
          %swap3A_1255 = tpu.vector_load %arg15[%swap3A_1253, %swap3A_1254] {strides = array<i32>} : memref<8x64xf32, #tpu.memory_space<vmem>>, vector<1x16xf32>,
          %swap3A_1256 = vector.shape_cast %swap3A_1255 : vector<1x16xf32> to vector<16xf32>
          %swap3A_1257 = vector.shape_cast %broadcast_in_dim3A_709 : vector<16xf32> to vector<1x16xf32>
          tpu.vector_store %arg15[%swap3A_1253, %swap3A_1254], %swap3A_1257 {strides = array<i32>} : memref<8x64xf32, #tpu.memory_space<vmem>>, vector<1x16xf32>,
          %swap3A_1258 = arith.index_cast %while3A_1083 : i32 to index
          %swap3A_1259 = arith.constant 48 : index
          %swap3A_1260 = tpu.vector_load %arg15[%swap3A_1258, %swap3A_1259] {strides = array<i32>} : memref<8x64xf32, #tpu.memory_space<vmem>>, vector<1x16xf32>,
          %swap3A_1261 = vector.shape_cast %swap3A_1260 : vector<1x16xf32> to vector<16xf32>
          %swap3A_1262 = vector.shape_cast %broadcast_in_dim3A_709 : vector<16xf32> to vector<1x16xf32>
          tpu.vector_store %arg15[%swap3A_1258, %swap3A_1259], %swap3A_1262 {strides = array<i32>} : memref<8x64xf32, #tpu.memory_space<vmem>>, vector<1x16xf32>,
        }
        %add3A_1081 = arith.addi %add3A_194, %mul3A_911 : i32
        "tpu.region"() ({
          %run_scoped3A = tpu.sem_alloc : memref<!tpu.dma_semaphore, #tpu.memory_space<semaphore_mem>>
          %dma_start3A_1083 = arith.constant 0 : i32
          %dma_start3A_1084 = tpu.memref_slice %arg9[%add3A_1081, %dma_start3A_1083] : memref<8192x512xf32, #tpu.memory_space<hbm>> -> memref<8x512xf32, #tpu.memory_space<hbm>>
          %dma_start3A_1085 = arith.constant 0 : i32
          %dma_start3A_1086 = tpu.memref_slice %arg9[%add3A_1081, %dma_start3A_1085] : memref<8192x512xf32, #tpu.memory_space<hbm>> -> memref<8x512xf32, #tpu.memory_space<hbm>>
          tpu.enqueue_dma source(%arg14 : memref<8x512xf32, #tpu.memory_space<vmem>>) target(%dma_start3A_1086 : memref<8x512xf32, #tpu.memory_space<hbm>>) target_semaphore(%run_scoped3A : memref<!tpu.dma_semaphore, #tpu.memory_space<semaphore_mem>>)
          %dma_wait3A_1087 = arith.constant 0 : i32
          %dma_wait3A_1088 = tpu.memref_slice %arg9[%add3A_1081, %dma_wait3A_1087] : memref<8192x512xf32, #tpu.memory_space<hbm>> -> memref<8x512xf32, #tpu.memory_space<hbm>>
          %dma_wait3A_1089 = arith.constant 0 : i32
          %dma_wait3A_1090 = tpu.memref_slice %arg9[%add3A_1081, %dma_wait3A_1089] : memref<8192x512xf32, #tpu.memory_space<hbm>> -> memref<8x512xf32, #tpu.memory_space<hbm>>
          tpu.wait_dma2 semaphore(%run_scoped3A : memref<!tpu.dma_semaphore, #tpu.memory_space<semaphore_mem>>) src(%arg14 : memref<8x512xf32, #tpu.memory_space<vmem>>) dst(%dma_wait3A_1090 : memref<8x512xf32, #tpu.memory_space<hbm>>)
          tpu.yield
        }) : () -> ()
        %add3A_1082 = arith.addi %add3A_194, %mul3A_911 : i32
        "tpu.region"() ({
          %run_scoped3A = tpu.sem_alloc : memref<!tpu.dma_semaphore, #tpu.memory_space<semaphore_mem>>
          %dma_start3A_1083 = arith.constant 0 : i32
          %dma_start3A_1084 = tpu.memref_slice %arg8[%add3A_1082, %dma_start3A_1083] : memref<8192x64xf32, #tpu.memory_space<hbm>> -> memref<8x64xf32, #tpu.memory_space<hbm>>
          %dma_start3A_1085 = arith.constant 0 : i32
          %dma_start3A_1086 = tpu.memref_slice %arg8[%add3A_1082, %dma_start3A_1085] : memref<8192x64xf32, #tpu.memory_space<hbm>> -> memref<8x64xf32, #tpu.memory_space<hbm>>
          tpu.enqueue_dma source(%arg15 : memref<8x64xf32, #tpu.memory_space<vmem>>) target(%dma_start3A_1086 : memref<8x64xf32, #tpu.memory_space<hbm>>) target_semaphore(%run_scoped3A : memref<!tpu.dma_semaphore, #tpu.memory_space<semaphore_mem>>)
          %dma_wait3A_1087 = arith.constant 0 : i32
          %dma_wait3A_1088 = tpu.memref_slice %arg8[%add3A_1082, %dma_wait3A_1087] : memref<8192x64xf32, #tpu.memory_space<hbm>> -> memref<8x64xf32, #tpu.memory_space<hbm>>
          %dma_wait3A_1089 = arith.constant 0 : i32
          %dma_wait3A_1090 = tpu.memref_slice %arg8[%add3A_1082, %dma_wait3A_1089] : memref<8192x64xf32, #tpu.memory_space<hbm>> -> memref<8x64xf32, #tpu.memory_space<hbm>>
          tpu.wait_dma2 semaphore(%run_scoped3A : memref<!tpu.dma_semaphore, #tpu.memory_space<semaphore_mem>>) src(%arg15 : memref<8x64xf32, #tpu.memory_space<vmem>>) dst(%dma_wait3A_1090 : memref<8x64xf32, #tpu.memory_space<hbm>>)
          tpu.yield
        }) : () -> ()
      } else {
      }
    } else {
    }
    %gt3A_778 = arith.constant 0 : i32
    %gt3A_779 = arith.cmpi sgt, %min3A_534, %gt3A_778 : i32
    %convert_element_type3A_780 = arith.extui %gt3A_779 : i1 to i32
    %cond3A_781 = arith.constant 0 : i32
    %cond3A_782 = arith.constant 0 : i32
    %cond3A_783 = arith.cmpi ne, %convert_element_type3A_780, %cond3A_782 : i32
    scf.if %cond3A_783 {
      %dma_wait3A_886 = arith.constant 0 : i32
      %dma_wait3A_887 = arith.constant 0 : i32
      %dma_wait3A_888 = tpu.memref_slice %arg16[%dma_wait3A_886, %dma_wait3A_887] : memref<128x512xf32, #tpu.memory_space<vmem>> -> memref<64x512xf32, #tpu.memory_space<vmem>>
      %dma_wait3A_889 = arith.constant 0 : i32
      %dma_wait3A_890 = arith.constant 0 : i32
      %dma_wait3A_891 = tpu.memref_slice %arg6[%dma_wait3A_889, %dma_wait3A_890] : memref<32768x512xf32, #tpu.memory_space<hbm>> -> memref<64x512xf32, #tpu.memory_space<hbm>>
      %dma_wait3A_892 = tpu.memref_slice %arg20[%cond3A_781] : memref<3x!tpu.dma_semaphore, #tpu.memory_space<semaphore_mem>> -> memref<1x!tpu.dma_semaphore, #tpu.memory_space<semaphore_mem>>
      %dma_wait3A_893 = tpu.memref_squeeze %dma_wait3A_892 : memref<1x!tpu.dma_semaphore, #tpu.memory_space<semaphore_mem>> -> memref<!tpu.dma_semaphore, #tpu.memory_space<semaphore_mem>>
      %dma_wait3A_894 = arith.constant 0 : i32
      %dma_wait3A_895 = arith.constant 0 : i32
      %dma_wait3A_896 = tpu.memref_slice %arg16[%dma_wait3A_894, %dma_wait3A_895] : memref<128x512xf32, #tpu.memory_space<vmem>> -> memref<64x512xf32, #tpu.memory_space<vmem>>
      %dma_wait3A_897 = arith.constant 0 : i32
      %dma_wait3A_898 = arith.constant 0 : i32
      %dma_wait3A_899 = tpu.memref_slice %arg6[%dma_wait3A_897, %dma_wait3A_898] : memref<32768x512xf32, #tpu.memory_space<hbm>> -> memref<64x512xf32, #tpu.memory_space<hbm>>
      tpu.wait_dma2 semaphore(%dma_wait3A_893 : memref<!tpu.dma_semaphore, #tpu.memory_space<semaphore_mem>>) src(%dma_wait3A_899 : memref<64x512xf32, #tpu.memory_space<hbm>>) dst(%dma_wait3A_896 : memref<64x512xf32, #tpu.memory_space<vmem>>)
      %dma_wait3A_900 = arith.constant 0 : i32
      %dma_wait3A_901 = arith.constant 0 : i32
      %dma_wait3A_902 = tpu.memref_slice %arg17[%dma_wait3A_900, %dma_wait3A_901] : memref<128x64xf32, #tpu.memory_space<vmem>> -> memref<64x64xf32, #tpu.memory_space<vmem>>
      %dma_wait3A_903 = arith.constant 0 : i32
      %dma_wait3A_904 = arith.constant 0 : i32
      %dma_wait3A_905 = tpu.memref_slice %arg7[%dma_wait3A_903, %dma_wait3A_904] : memref<32768x64xf32, #tpu.memory_space<hbm>> -> memref<64x64xf32, #tpu.memory_space<hbm>>
      %dma_wait3A_906 = tpu.memref_slice %arg20[%cond3A_781] : memref<3x!tpu.dma_semaphore, #tpu.memory_space<semaphore_mem>> -> memref<1x!tpu.dma_semaphore, #tpu.memory_space<semaphore_mem>>
      %dma_wait3A_907 = tpu.memref_squeeze %dma_wait3A_906 : memref<1x!tpu.dma_semaphore, #tpu.memory_space<semaphore_mem>> -> memref<!tpu.dma_semaphore, #tpu.memory_space<semaphore_mem>>
      %dma_wait3A_908 = arith.constant 0 : i32
      %dma_wait3A_909 = arith.constant 0 : i32
      %dma_wait3A_910 = tpu.memref_slice %arg17[%dma_wait3A_908, %dma_wait3A_909] : memref<128x64xf32, #tpu.memory_space<vmem>> -> memref<64x64xf32, #tpu.memory_space<vmem>>
      %dma_wait3A_911 = arith.constant 0 : i32
      %dma_wait3A_912 = arith.constant 0 : i32
      %dma_wait3A_913 = tpu.memref_slice %arg7[%dma_wait3A_911, %dma_wait3A_912] : memref<32768x64xf32, #tpu.memory_space<hbm>> -> memref<64x64xf32, #tpu.memory_space<hbm>>
      tpu.wait_dma2 semaphore(%dma_wait3A_907 : memref<!tpu.dma_semaphore, #tpu.memory_space<semaphore_mem>>) src(%dma_wait3A_913 : memref<64x64xf32, #tpu.memory_space<hbm>>) dst(%dma_wait3A_910 : memref<64x64xf32, #tpu.memory_space<vmem>>)
    } else {
    }
    %gt3A_784 = arith.constant 0 : i32
    %gt3A_785 = arith.cmpi sgt, %min3A_534, %gt3A_784 : i32
    %convert_element_type3A_786 = arith.extui %gt3A_785 : i1 to i32
    %cond3A_787 = arith.constant 0 : i32
    %cond3A_788 = arith.constant 0 : i32
    %cond3A_789 = arith.cmpi ne, %convert_element_type3A_786, %cond3A_788 : i32
    scf.if %cond3A_789 {
      %dma_start3A_886 = arith.constant 0 : i32
      %dma_start3A_887 = arith.constant 0 : i32
      %dma_start3A_888 = tpu.memref_slice %arg16[%dma_start3A_886, %dma_start3A_887] : memref<128x512xf32, #tpu.memory_space<vmem>> -> memref<64x512xf32, #tpu.memory_space<vmem>>
      %dma_start3A_889 = arith.constant 0 : i32
      %dma_start3A_890 = tpu.memref_slice %arg9[%add3A_522, %dma_start3A_889] : memref<8192x512xf32, #tpu.memory_space<hbm>> -> memref<64x512xf32, #tpu.memory_space<hbm>>
      %dma_start3A_891 = tpu.memref_slice %arg21[%cond3A_787] : memref<2x!tpu.dma_semaphore, #tpu.memory_space<semaphore_mem>> -> memref<1x!tpu.dma_semaphore, #tpu.memory_space<semaphore_mem>>
      %dma_start3A_892 = tpu.memref_squeeze %dma_start3A_891 : memref<1x!tpu.dma_semaphore, #tpu.memory_space<semaphore_mem>> -> memref<!tpu.dma_semaphore, #tpu.memory_space<semaphore_mem>>
      %dma_start3A_893 = arith.constant 0 : i32
      %dma_start3A_894 = tpu.memref_slice %arg9[%add3A_522, %dma_start3A_893] : memref<8192x512xf32, #tpu.memory_space<hbm>> -> memref<64x512xf32, #tpu.memory_space<hbm>>
      %dma_start3A_895 = arith.constant 0 : i32
      %dma_start3A_896 = arith.constant 0 : i32
      %dma_start3A_897 = tpu.memref_slice %arg16[%dma_start3A_895, %dma_start3A_896] : memref<128x512xf32, #tpu.memory_space<vmem>> -> memref<64x512xf32, #tpu.memory_space<vmem>>
      tpu.enqueue_dma source(%dma_start3A_897 : memref<64x512xf32, #tpu.memory_space<vmem>>) target(%dma_start3A_894 : memref<64x512xf32, #tpu.memory_space<hbm>>) target_semaphore(%dma_start3A_892 : memref<!tpu.dma_semaphore, #tpu.memory_space<semaphore_mem>>)
      %dma_start3A_898 = arith.constant 0 : i32
      %dma_start3A_899 = arith.constant 0 : i32
      %dma_start3A_900 = tpu.memref_slice %arg17[%dma_start3A_898, %dma_start3A_899] : memref<128x64xf32, #tpu.memory_space<vmem>> -> memref<64x64xf32, #tpu.memory_space<vmem>>
      %dma_start3A_901 = arith.constant 0 : i32
      %dma_start3A_902 = tpu.memref_slice %arg8[%add3A_522, %dma_start3A_901] : memref<8192x64xf32, #tpu.memory_space<hbm>> -> memref<64x64xf32, #tpu.memory_space<hbm>>
      %dma_start3A_903 = tpu.memref_slice %arg21[%cond3A_787] : memref<2x!tpu.dma_semaphore, #tpu.memory_space<semaphore_mem>> -> memref<1x!tpu.dma_semaphore, #tpu.memory_space<semaphore_mem>>
      %dma_start3A_904 = tpu.memref_squeeze %dma_start3A_903 : memref<1x!tpu.dma_semaphore, #tpu.memory_space<semaphore_mem>> -> memref<!tpu.dma_semaphore, #tpu.memory_space<semaphore_mem>>
      %dma_start3A_905 = arith.constant 0 : i32
      %dma_start3A_906 = tpu.memref_slice %arg8[%add3A_522, %dma_start3A_905] : memref<8192x64xf32, #tpu.memory_space<hbm>> -> memref<64x64xf32, #tpu.memory_space<hbm>>
      %dma_start3A_907 = arith.constant 0 : i32
      %dma_start3A_908 = arith.constant 0 : i32
      %dma_start3A_909 = tpu.memref_slice %arg17[%dma_start3A_907, %dma_start3A_908] : memref<128x64xf32, #tpu.memory_space<vmem>> -> memref<64x64xf32, #tpu.memory_space<vmem>>
      tpu.enqueue_dma source(%dma_start3A_909 : memref<64x64xf32, #tpu.memory_space<vmem>>) target(%dma_start3A_906 : memref<64x64xf32, #tpu.memory_space<hbm>>) target_semaphore(%dma_start3A_904 : memref<!tpu.dma_semaphore, #tpu.memory_space<semaphore_mem>>)
    } else {
    }
    %le3A_790 = arith.constant 0 : i32
    %le3A_791 = arith.cmpi sle, %min3A_534, %le3A_790 : i32
    %convert_element_type3A_792 = arith.extui %le3A_791 : i1 to i32
    %cond3A_793 = arith.constant 0 : i32
    %cond3A_794 = arith.constant 0 : i32
    %cond3A_795 = arith.cmpi ne, %convert_element_type3A_792, %cond3A_794 : i32
    scf.if %cond3A_795 {
      %dma_start3A_886 = arith.constant 0 : i32
      %dma_start3A_887 = tpu.memref_slice %arg9[%add3A_522, %dma_start3A_886] : memref<8192x512xf32, #tpu.memory_space<hbm>> -> memref<64x512xf32, #tpu.memory_space<hbm>>
      %dma_start3A_888 = tpu.memref_slice %arg21[%cond3A_793] : memref<2x!tpu.dma_semaphore, #tpu.memory_space<semaphore_mem>> -> memref<1x!tpu.dma_semaphore, #tpu.memory_space<semaphore_mem>>
      %dma_start3A_889 = tpu.memref_squeeze %dma_start3A_888 : memref<1x!tpu.dma_semaphore, #tpu.memory_space<semaphore_mem>> -> memref<!tpu.dma_semaphore, #tpu.memory_space<semaphore_mem>>
      %dma_start3A_890 = arith.constant 0 : i32
      %dma_start3A_891 = tpu.memref_slice %arg9[%add3A_522, %dma_start3A_890] : memref<8192x512xf32, #tpu.memory_space<hbm>> -> memref<64x512xf32, #tpu.memory_space<hbm>>
      tpu.enqueue_dma source(%arg18 : memref<64x512xf32, #tpu.memory_space<vmem>>) target(%dma_start3A_891 : memref<64x512xf32, #tpu.memory_space<hbm>>) target_semaphore(%dma_start3A_889 : memref<!tpu.dma_semaphore, #tpu.memory_space<semaphore_mem>>)
      %dma_start3A_892 = arith.constant 0 : i32
      %dma_start3A_893 = tpu.memref_slice %arg8[%add3A_522, %dma_start3A_892] : memref<8192x64xf32, #tpu.memory_space<hbm>> -> memref<64x64xf32, #tpu.memory_space<hbm>>
      %dma_start3A_894 = tpu.memref_slice %arg21[%cond3A_793] : memref<2x!tpu.dma_semaphore, #tpu.memory_space<semaphore_mem>> -> memref<1x!tpu.dma_semaphore, #tpu.memory_space<semaphore_mem>>
      %dma_start3A_895 = tpu.memref_squeeze %dma_start3A_894 : memref<1x!tpu.dma_semaphore, #tpu.memory_space<semaphore_mem>> -> memref<!tpu.dma_semaphore, #tpu.memory_space<semaphore_mem>>
      %dma_start3A_896 = arith.constant 0 : i32
      %dma_start3A_897 = tpu.memref_slice %arg8[%add3A_522, %dma_start3A_896] : memref<8192x64xf32, #tpu.memory_space<hbm>> -> memref<64x64xf32, #tpu.memory_space<hbm>>
      tpu.enqueue_dma source(%arg19 : memref<64x64xf32, #tpu.memory_space<vmem>>) target(%dma_start3A_897 : memref<64x64xf32, #tpu.memory_space<hbm>>) target_semaphore(%dma_start3A_895 : memref<!tpu.dma_semaphore, #tpu.memory_space<semaphore_mem>>)
    } else {
    }
    %dma_wait3A_796 = arith.constant 1 : i32
    %dma_wait3A_797 = arith.constant 0 : i32
    %dma_wait3A_798 = tpu.memref_slice %arg9[%add3A_357, %dma_wait3A_797] : memref<8192x512xf32, #tpu.memory_space<hbm>> -> memref<64x512xf32, #tpu.memory_space<hbm>>
    %dma_wait3A_799 = tpu.memref_slice %arg21[%dma_wait3A_796] : memref<2x!tpu.dma_semaphore, #tpu.memory_space<semaphore_mem>> -> memref<1x!tpu.dma_semaphore, #tpu.memory_space<semaphore_mem>>
    %dma_wait3A_800 = tpu.memref_squeeze %dma_wait3A_799 : memref<1x!tpu.dma_semaphore, #tpu.memory_space<semaphore_mem>> -> memref<!tpu.dma_semaphore, #tpu.memory_space<semaphore_mem>>
    %dma_wait3A_801 = arith.constant 0 : i32
    %dma_wait3A_802 = tpu.memref_slice %arg9[%add3A_357, %dma_wait3A_801] : memref<8192x512xf32, #tpu.memory_space<hbm>> -> memref<64x512xf32, #tpu.memory_space<hbm>>
    tpu.wait_dma2 semaphore(%dma_wait3A_800 : memref<!tpu.dma_semaphore, #tpu.memory_space<semaphore_mem>>) src(%arg18 : memref<64x512xf32, #tpu.memory_space<vmem>>) dst(%dma_wait3A_802 : memref<64x512xf32, #tpu.memory_space<hbm>>)
    %dma_wait3A_803 = arith.constant 1 : i32
    %dma_wait3A_804 = arith.constant 0 : i32
    %dma_wait3A_805 = tpu.memref_slice %arg8[%add3A_357, %dma_wait3A_804] : memref<8192x64xf32, #tpu.memory_space<hbm>> -> memref<64x64xf32, #tpu.memory_space<hbm>>
    %dma_wait3A_806 = tpu.memref_slice %arg21[%dma_wait3A_803] : memref<2x!tpu.dma_semaphore, #tpu.memory_space<semaphore_mem>> -> memref<1x!tpu.dma_semaphore, #tpu.memory_space<semaphore_mem>>
    %dma_wait3A_807 = tpu.memref_squeeze %dma_wait3A_806 : memref<1x!tpu.dma_semaphore, #tpu.memory_space<semaphore_mem>> -> memref<!tpu.dma_semaphore, #tpu.memory_space<semaphore_mem>>
    %dma_wait3A_808 = arith.constant 0 : i32
    %dma_wait3A_809 = tpu.memref_slice %arg8[%add3A_357, %dma_wait3A_808] : memref<8192x64xf32, #tpu.memory_space<hbm>> -> memref<64x64xf32, #tpu.memory_space<hbm>>
    tpu.wait_dma2 semaphore(%dma_wait3A_807 : memref<!tpu.dma_semaphore, #tpu.memory_space<semaphore_mem>>) src(%arg19 : memref<64x64xf32, #tpu.memory_space<vmem>>) dst(%dma_wait3A_809 : memref<64x64xf32, #tpu.memory_space<hbm>>)
    %gt3A_810 = arith.constant 0 : i32
    %gt3A_811 = arith.cmpi sgt, %min3A_699, %gt3A_810 : i32
    %convert_element_type3A_812 = arith.extui %gt3A_811 : i1 to i32
    %cond3A_813 = arith.constant 1 : i32
    %cond3A_814 = arith.constant 0 : i32
    %cond3A_815 = arith.cmpi ne, %convert_element_type3A_812, %cond3A_814 : i32
    scf.if %cond3A_815 {
      %dma_start3A_886 = arith.constant 64 : i32
      %dma_start3A_887 = arith.constant 0 : i32
      %dma_start3A_888 = tpu.memref_slice %arg16[%dma_start3A_886, %dma_start3A_887] : memref<128x512xf32, #tpu.memory_space<vmem>> -> memref<64x512xf32, #tpu.memory_space<vmem>>
      %dma_start3A_889 = arith.constant 0 : i32
      %dma_start3A_890 = tpu.memref_slice %arg6[%add3A_634, %dma_start3A_889] : memref<32768x512xf32, #tpu.memory_space<hbm>> -> memref<64x512xf32, #tpu.memory_space<hbm>>
      %dma_start3A_891 = tpu.memref_slice %arg20[%cond3A_813] : memref<3x!tpu.dma_semaphore, #tpu.memory_space<semaphore_mem>> -> memref<1x!tpu.dma_semaphore, #tpu.memory_space<semaphore_mem>>
      %dma_start3A_892 = tpu.memref_squeeze %dma_start3A_891 : memref<1x!tpu.dma_semaphore, #tpu.memory_space<semaphore_mem>> -> memref<!tpu.dma_semaphore, #tpu.memory_space<semaphore_mem>>
      %dma_start3A_893 = arith.constant 64 : i32
      %dma_start3A_894 = arith.constant 0 : i32
      %dma_start3A_895 = tpu.memref_slice %arg16[%dma_start3A_893, %dma_start3A_894] : memref<128x512xf32, #tpu.memory_space<vmem>> -> memref<64x512xf32, #tpu.memory_space<vmem>>
      %dma_start3A_896 = arith.constant 0 : i32
      %dma_start3A_897 = tpu.memref_slice %arg6[%add3A_634, %dma_start3A_896] : memref<32768x512xf32, #tpu.memory_space<hbm>> -> memref<64x512xf32, #tpu.memory_space<hbm>>
      tpu.enqueue_dma source(%dma_start3A_897 : memref<64x512xf32, #tpu.memory_space<hbm>>) target(%dma_start3A_895 : memref<64x512xf32, #tpu.memory_space<vmem>>) target_semaphore(%dma_start3A_892 : memref<!tpu.dma_semaphore, #tpu.memory_space<semaphore_mem>>)
      %dma_start3A_898 = arith.constant 64 : i32
      %dma_start3A_899 = arith.constant 0 : i32
      %dma_start3A_900 = tpu.memref_slice %arg17[%dma_start3A_898, %dma_start3A_899] : memref<128x64xf32, #tpu.memory_space<vmem>> -> memref<64x64xf32, #tpu.memory_space<vmem>>
      %dma_start3A_901 = arith.constant 0 : i32
      %dma_start3A_902 = tpu.memref_slice %arg7[%add3A_634, %dma_start3A_901] : memref<32768x64xf32, #tpu.memory_space<hbm>> -> memref<64x64xf32, #tpu.memory_space<hbm>>
      %dma_start3A_903 = tpu.memref_slice %arg20[%cond3A_813] : memref<3x!tpu.dma_semaphore, #tpu.memory_space<semaphore_mem>> -> memref<1x!tpu.dma_semaphore, #tpu.memory_space<semaphore_mem>>
      %dma_start3A_904 = tpu.memref_squeeze %dma_start3A_903 : memref<1x!tpu.dma_semaphore, #tpu.memory_space<semaphore_mem>> -> memref<!tpu.dma_semaphore, #tpu.memory_space<semaphore_mem>>
      %dma_start3A_905 = arith.constant 64 : i32
      %dma_start3A_906 = arith.constant 0 : i32
      %dma_start3A_907 = tpu.memref_slice %arg17[%dma_start3A_905, %dma_start3A_906] : memref<128x64xf32, #tpu.memory_space<vmem>> -> memref<64x64xf32, #tpu.memory_space<vmem>>
      %dma_start3A_908 = arith.constant 0 : i32
      %dma_start3A_909 = tpu.memref_slice %arg7[%add3A_634, %dma_start3A_908] : memref<32768x64xf32, #tpu.memory_space<hbm>> -> memref<64x64xf32, #tpu.memory_space<hbm>>
      tpu.enqueue_dma source(%dma_start3A_909 : memref<64x64xf32, #tpu.memory_space<hbm>>) target(%dma_start3A_907 : memref<64x64xf32, #tpu.memory_space<vmem>>) target_semaphore(%dma_start3A_904 : memref<!tpu.dma_semaphore, #tpu.memory_space<semaphore_mem>>)
    } else {
    }
    %gt3A_816 = arith.constant 0 : i32
    %gt3A_817 = arith.cmpi sgt, %min3A_369, %gt3A_816 : i32
    %lt3A_818 = arith.constant 64 : i32
    %lt3A_819 = arith.cmpi slt, %min3A_369, %lt3A_818 : i32
    %and3A_820 = arith.andi %gt3A_817, %lt3A_819 : i1
    %convert_element_type3A_821 = arith.extui %and3A_820 : i1 to i32
    %cond3A_822 = arith.constant 0 : i32
    %cond3A_823 = arith.cmpi ne, %convert_element_type3A_821, %cond3A_822 : i32
    scf.if %cond3A_823 {
      %jit3A_886 = arith.constant 8 : i32
      %div3A_887 = arith.divsi %min3A_369, %jit3A_886 : i32
      %sign3A_888 = arith.constant 0 : i32
      %sign3A_889 = arith.cmpi sgt, %min3A_369, %sign3A_888 : i32
      %sign3A_890 = arith.extui %sign3A_889 : i1 to i32
      %sign3A_891 = arith.constant 0 : i32
      %sign3A_892 = arith.cmpi slt, %min3A_369, %sign3A_891 : i32
      %sign3A_893 = arith.extui %sign3A_892 : i1 to i32
      %sign3A_894 = arith.subi %sign3A_890, %sign3A_893 : i32
      %sign3A_895 = arith.constant 0 : i32
      %sign3A_896 = arith.cmpi sgt, %jit3A_886, %sign3A_895 : i32
      %sign3A_897 = arith.extui %sign3A_896 : i1 to i32
      %sign3A_898 = arith.constant 0 : i32
      %sign3A_899 = arith.cmpi slt, %jit3A_886, %sign3A_898 : i32
      %sign3A_900 = arith.extui %sign3A_899 : i1 to i32
      %sign3A_901 = arith.subi %sign3A_897, %sign3A_900 : i32
      %ne3A_902 = arith.cmpi ne, %sign3A_894, %sign3A_901 : i32
      %rem3A_903 = arith.remsi %min3A_369, %jit3A_886 : i32
      %ne3A_904 = arith.constant 0 : i32
      %ne3A_905 = arith.cmpi ne, %rem3A_903, %ne3A_904 : i32
      %and3A_906 = arith.andi %ne3A_902, %ne3A_905 : i1
      %sub3A_907 = arith.constant 1 : i32
      %sub3A_908 = arith.subi %div3A_887, %sub3A_907 : i32
      %select_n3A_909 = arith.select %and3A_906, %sub3A_908, %div3A_887 : i32
      %mul3A_910 = arith.constant 8 : i32
      %mul3A_911 = arith.muli %select_n3A_909, %mul3A_910 : i32
      %sub3A_912 = arith.subi %min3A_369, %mul3A_911 : i32
      %gt3A_913 = arith.constant 0 : i32
      %gt3A_914 = arith.cmpi sgt, %sub3A_912, %gt3A_913 : i32
      %jit3A_915 = arith.constant 8 : i32
      %jit3A_916 = arith.constant 0 : i32
      %select_n3A_917 = arith.select %gt3A_914, %jit3A_915, %jit3A_916 : i32
      %add3A_918 = arith.addi %mul3A_911, %select_n3A_917 : i32
      %sub3A_919 = arith.constant 64 : i32
      %sub3A_920 = arith.subi %sub3A_919, %add3A_918 : i32
      %jit3A_921 = arith.constant 32 : i32
      %div3A_922 = arith.divsi %sub3A_920, %jit3A_921 : i32
      %sign3A_923 = arith.constant 0 : i32
      %sign3A_924 = arith.cmpi sgt, %sub3A_920, %sign3A_923 : i32
      %sign3A_925 = arith.extui %sign3A_924 : i1 to i32
      %sign3A_926 = arith.constant 0 : i32
      %sign3A_927 = arith.cmpi slt, %sub3A_920, %sign3A_926 : i32
      %sign3A_928 = arith.extui %sign3A_927 : i1 to i32
      %sign3A_929 = arith.subi %sign3A_925, %sign3A_928 : i32
      %sign3A_930 = arith.constant 0 : i32
      %sign3A_931 = arith.cmpi sgt, %jit3A_921, %sign3A_930 : i32
      %sign3A_932 = arith.extui %sign3A_931 : i1 to i32
      %sign3A_933 = arith.constant 0 : i32
      %sign3A_934 = arith.cmpi slt, %jit3A_921, %sign3A_933 : i32
      %sign3A_935 = arith.extui %sign3A_934 : i1 to i32
      %sign3A_936 = arith.subi %sign3A_932, %sign3A_935 : i32
      %ne3A_937 = arith.cmpi ne, %sign3A_929, %sign3A_936 : i32
      %rem3A_938 = arith.remsi %sub3A_920, %jit3A_921 : i32
      %ne3A_939 = arith.constant 0 : i32
      %ne3A_940 = arith.cmpi ne, %rem3A_938, %ne3A_939 : i32
      %and3A_941 = arith.andi %ne3A_937, %ne3A_940 : i1
      %sub3A_942 = arith.constant 1 : i32
      %sub3A_943 = arith.subi %div3A_922, %sub3A_942 : i32
      %select_n3A_944 = arith.select %and3A_941, %sub3A_943, %div3A_922 : i32
      %jit3A_945 = arith.constant 2 : i32
      %eq3A_946 = arith.constant 0 : i32
      %eq3A_947 = arith.cmpi eq, %jit3A_945, %eq3A_946 : i32
      %jit3A_948 = arith.constant 1 : i32
      %select_n3A_949 = arith.select %eq3A_947, %jit3A_948, %jit3A_945 : i32
      %rem3A_950 = arith.remsi %select_n3A_944, %select_n3A_949 : i32
      %ne3A_951 = arith.constant 0 : i32
      %ne3A_952 = arith.cmpi ne, %rem3A_950, %ne3A_951 : i32
      %lt3A_953 = arith.constant 0 : i32
      %lt3A_954 = arith.cmpi slt, %rem3A_950, %lt3A_953 : i32
      %lt3A_955 = arith.constant 0 : i32
      %lt3A_956 = arith.cmpi slt, %select_n3A_949, %lt3A_955 : i32
      %ne3A_957 = arith.xori %lt3A_954, %lt3A_956 : i1
      %and3A_958 = arith.andi %ne3A_957, %ne3A_952 : i1
      %add3A_959 = arith.addi %rem3A_950, %select_n3A_949 : i32
      %select_n3A_960 = arith.select %and3A_958, %add3A_959, %rem3A_950 : i32
      %eq3A_961 = arith.constant 1 : i32
      %eq3A_962 = arith.cmpi eq, %select_n3A_960, %eq3A_961 : i32
      %convert_element_type3A_963 = arith.extui %eq3A_962 : i1 to i32
      %cond3A_964 = arith.constant 0 : i32
      %cond3A_965 = arith.cmpi ne, %convert_element_type3A_963, %cond3A_964 : i32
      scf.if %cond3A_965 {
        %add3A_1070 = arith.addi %add3A_357, %add3A_918 : i32
        "tpu.region"() ({
          %run_scoped3A = tpu.sem_alloc : memref<!tpu.dma_semaphore, #tpu.memory_space<semaphore_mem>>
          %dma_start3A_1072 = arith.constant 0 : i32
          %dma_start3A_1073 = arith.constant 0 : i32
          %dma_start3A_1074 = tpu.memref_slice %arg18[%dma_start3A_1072, %dma_start3A_1073] : memref<64x512xf32, #tpu.memory_space<vmem>> -> memref<32x512xf32, #tpu.memory_space<vmem>>
          %dma_start3A_1075 = arith.constant 0 : i32
          %dma_start3A_1076 = tpu.memref_slice %arg9[%add3A_1070, %dma_start3A_1075] : memref<8192x512xf32, #tpu.memory_space<hbm>> -> memref<32x512xf32, #tpu.memory_space<hbm>>
          %dma_start3A_1077 = arith.constant 0 : i32
          %dma_start3A_1078 = tpu.memref_slice %arg9[%add3A_1070, %dma_start3A_1077] : memref<8192x512xf32, #tpu.memory_space<hbm>> -> memref<32x512xf32, #tpu.memory_space<hbm>>
          %dma_start3A_1079 = arith.constant 0 : i32
          %dma_start3A_1080 = arith.constant 0 : i32
          %dma_start3A_1081 = tpu.memref_slice %arg18[%dma_start3A_1079, %dma_start3A_1080] : memref<64x512xf32, #tpu.memory_space<vmem>> -> memref<32x512xf32, #tpu.memory_space<vmem>>
          tpu.enqueue_dma source(%dma_start3A_1081 : memref<32x512xf32, #tpu.memory_space<vmem>>) target(%dma_start3A_1078 : memref<32x512xf32, #tpu.memory_space<hbm>>) target_semaphore(%run_scoped3A : memref<!tpu.dma_semaphore, #tpu.memory_space<semaphore_mem>>)
          %dma_wait3A_1082 = arith.constant 0 : i32
          %dma_wait3A_1083 = arith.constant 0 : i32
          %dma_wait3A_1084 = tpu.memref_slice %arg18[%dma_wait3A_1082, %dma_wait3A_1083] : memref<64x512xf32, #tpu.memory_space<vmem>> -> memref<32x512xf32, #tpu.memory_space<vmem>>
          %dma_wait3A_1085 = arith.constant 0 : i32
          %dma_wait3A_1086 = tpu.memref_slice %arg9[%add3A_1070, %dma_wait3A_1085] : memref<8192x512xf32, #tpu.memory_space<hbm>> -> memref<32x512xf32, #tpu.memory_space<hbm>>
          %dma_wait3A_1087 = arith.constant 0 : i32
          %dma_wait3A_1088 = tpu.memref_slice %arg9[%add3A_1070, %dma_wait3A_1087] : memref<8192x512xf32, #tpu.memory_space<hbm>> -> memref<32x512xf32, #tpu.memory_space<hbm>>
          %dma_wait3A_1089 = arith.constant 0 : i32
          %dma_wait3A_1090 = arith.constant 0 : i32
          %dma_wait3A_1091 = tpu.memref_slice %arg18[%dma_wait3A_1089, %dma_wait3A_1090] : memref<64x512xf32, #tpu.memory_space<vmem>> -> memref<32x512xf32, #tpu.memory_space<vmem>>
          tpu.wait_dma2 semaphore(%run_scoped3A : memref<!tpu.dma_semaphore, #tpu.memory_space<semaphore_mem>>) src(%dma_wait3A_1091 : memref<32x512xf32, #tpu.memory_space<vmem>>) dst(%dma_wait3A_1088 : memref<32x512xf32, #tpu.memory_space<hbm>>)
          tpu.yield
        }) : () -> ()
        %add3A_1071 = arith.addi %add3A_357, %add3A_918 : i32
        "tpu.region"() ({
          %run_scoped3A = tpu.sem_alloc : memref<!tpu.dma_semaphore, #tpu.memory_space<semaphore_mem>>
          %dma_start3A_1072 = arith.constant 0 : i32
          %dma_start3A_1073 = arith.constant 0 : i32
          %dma_start3A_1074 = tpu.memref_slice %arg19[%dma_start3A_1072, %dma_start3A_1073] : memref<64x64xf32, #tpu.memory_space<vmem>> -> memref<32x64xf32, #tpu.memory_space<vmem>>
          %dma_start3A_1075 = arith.constant 0 : i32
          %dma_start3A_1076 = tpu.memref_slice %arg8[%add3A_1071, %dma_start3A_1075] : memref<8192x64xf32, #tpu.memory_space<hbm>> -> memref<32x64xf32, #tpu.memory_space<hbm>>
          %dma_start3A_1077 = arith.constant 0 : i32
          %dma_start3A_1078 = tpu.memref_slice %arg8[%add3A_1071, %dma_start3A_1077] : memref<8192x64xf32, #tpu.memory_space<hbm>> -> memref<32x64xf32, #tpu.memory_space<hbm>>
          %dma_start3A_1079 = arith.constant 0 : i32
          %dma_start3A_1080 = arith.constant 0 : i32
          %dma_start3A_1081 = tpu.memref_slice %arg19[%dma_start3A_1079, %dma_start3A_1080] : memref<64x64xf32, #tpu.memory_space<vmem>> -> memref<32x64xf32, #tpu.memory_space<vmem>>
          tpu.enqueue_dma source(%dma_start3A_1081 : memref<32x64xf32, #tpu.memory_space<vmem>>) target(%dma_start3A_1078 : memref<32x64xf32, #tpu.memory_space<hbm>>) target_semaphore(%run_scoped3A : memref<!tpu.dma_semaphore, #tpu.memory_space<semaphore_mem>>)
          %dma_wait3A_1082 = arith.constant 0 : i32
          %dma_wait3A_1083 = arith.constant 0 : i32
          %dma_wait3A_1084 = tpu.memref_slice %arg19[%dma_wait3A_1082, %dma_wait3A_1083] : memref<64x64xf32, #tpu.memory_space<vmem>> -> memref<32x64xf32, #tpu.memory_space<vmem>>
          %dma_wait3A_1085 = arith.constant 0 : i32
          %dma_wait3A_1086 = tpu.memref_slice %arg8[%add3A_1071, %dma_wait3A_1085] : memref<8192x64xf32, #tpu.memory_space<hbm>> -> memref<32x64xf32, #tpu.memory_space<hbm>>
          %dma_wait3A_1087 = arith.constant 0 : i32
          %dma_wait3A_1088 = tpu.memref_slice %arg8[%add3A_1071, %dma_wait3A_1087] : memref<8192x64xf32, #tpu.memory_space<hbm>> -> memref<32x64xf32, #tpu.memory_space<hbm>>
          %dma_wait3A_1089 = arith.constant 0 : i32
          %dma_wait3A_1090 = arith.constant 0 : i32
          %dma_wait3A_1091 = tpu.memref_slice %arg19[%dma_wait3A_1089, %dma_wait3A_1090] : memref<64x64xf32, #tpu.memory_space<vmem>> -> memref<32x64xf32, #tpu.memory_space<vmem>>
          tpu.wait_dma2 semaphore(%run_scoped3A : memref<!tpu.dma_semaphore, #tpu.memory_space<semaphore_mem>>) src(%dma_wait3A_1091 : memref<32x64xf32, #tpu.memory_space<vmem>>) dst(%dma_wait3A_1088 : memref<32x64xf32, #tpu.memory_space<hbm>>)
          tpu.yield
        }) : () -> ()
      } else {
      }
      %mul3A_966 = arith.constant 32 : i32
      %mul3A_967 = arith.muli %select_n3A_960, %mul3A_966 : i32
      %add3A_968 = arith.addi %add3A_918, %mul3A_967 : i32
      %jit3A_969 = arith.constant 16 : i32
      %div3A_970 = arith.divsi %sub3A_920, %jit3A_969 : i32
      %sign3A_971 = arith.constant 0 : i32
      %sign3A_972 = arith.cmpi sgt, %sub3A_920, %sign3A_971 : i32
      %sign3A_973 = arith.extui %sign3A_972 : i1 to i32
      %sign3A_974 = arith.constant 0 : i32
      %sign3A_975 = arith.cmpi slt, %sub3A_920, %sign3A_974 : i32
      %sign3A_976 = arith.extui %sign3A_975 : i1 to i32
      %sign3A_977 = arith.subi %sign3A_973, %sign3A_976 : i32
      %sign3A_978 = arith.constant 0 : i32
      %sign3A_979 = arith.cmpi sgt, %jit3A_969, %sign3A_978 : i32
      %sign3A_980 = arith.extui %sign3A_979 : i1 to i32
      %sign3A_981 = arith.constant 0 : i32
      %sign3A_982 = arith.cmpi slt, %jit3A_969, %sign3A_981 : i32
      %sign3A_983 = arith.extui %sign3A_982 : i1 to i32
      %sign3A_984 = arith.subi %sign3A_980, %sign3A_983 : i32
      %ne3A_985 = arith.cmpi ne, %sign3A_977, %sign3A_984 : i32
      %rem3A_986 = arith.remsi %sub3A_920, %jit3A_969 : i32
      %ne3A_987 = arith.constant 0 : i32
      %ne3A_988 = arith.cmpi ne, %rem3A_986, %ne3A_987 : i32
      %and3A_989 = arith.andi %ne3A_985, %ne3A_988 : i1
      %sub3A_990 = arith.constant 1 : i32
      %sub3A_991 = arith.subi %div3A_970, %sub3A_990 : i32
      %select_n3A_992 = arith.select %and3A_989, %sub3A_991, %div3A_970 : i32
      %jit3A_993 = arith.constant 2 : i32
      %eq3A_994 = arith.constant 0 : i32
      %eq3A_995 = arith.cmpi eq, %jit3A_993, %eq3A_994 : i32
      %jit3A_996 = arith.constant 1 : i32
      %select_n3A_997 = arith.select %eq3A_995, %jit3A_996, %jit3A_993 : i32
      %rem3A_998 = arith.remsi %select_n3A_992, %select_n3A_997 : i32
      %ne3A_999 = arith.constant 0 : i32
      %ne3A_1000 = arith.cmpi ne, %rem3A_998, %ne3A_999 : i32
      %lt3A_1001 = arith.constant 0 : i32
      %lt3A_1002 = arith.cmpi slt, %rem3A_998, %lt3A_1001 : i32
      %lt3A_1003 = arith.constant 0 : i32
      %lt3A_1004 = arith.cmpi slt, %select_n3A_997, %lt3A_1003 : i32
      %ne3A_1005 = arith.xori %lt3A_1002, %lt3A_1004 : i1
      %and3A_1006 = arith.andi %ne3A_1005, %ne3A_1000 : i1
      %add3A_1007 = arith.addi %rem3A_998, %select_n3A_997 : i32
      %select_n3A_1008 = arith.select %and3A_1006, %add3A_1007, %rem3A_998 : i32
      %eq3A_1009 = arith.constant 1 : i32
      %eq3A_1010 = arith.cmpi eq, %select_n3A_1008, %eq3A_1009 : i32
      %convert_element_type3A_1011 = arith.extui %eq3A_1010 : i1 to i32
      %cond3A_1012 = arith.constant 0 : i32
      %cond3A_1013 = arith.cmpi ne, %convert_element_type3A_1011, %cond3A_1012 : i32
      scf.if %cond3A_1013 {
        %add3A_1070 = arith.addi %add3A_357, %add3A_968 : i32
        "tpu.region"() ({
          %run_scoped3A = tpu.sem_alloc : memref<!tpu.dma_semaphore, #tpu.memory_space<semaphore_mem>>
          %dma_start3A_1072 = arith.constant 0 : i32
          %dma_start3A_1073 = arith.constant 0 : i32
          %dma_start3A_1074 = tpu.memref_slice %arg18[%dma_start3A_1072, %dma_start3A_1073] : memref<64x512xf32, #tpu.memory_space<vmem>> -> memref<16x512xf32, #tpu.memory_space<vmem>>
          %dma_start3A_1075 = arith.constant 0 : i32
          %dma_start3A_1076 = tpu.memref_slice %arg9[%add3A_1070, %dma_start3A_1075] : memref<8192x512xf32, #tpu.memory_space<hbm>> -> memref<16x512xf32, #tpu.memory_space<hbm>>
          %dma_start3A_1077 = arith.constant 0 : i32
          %dma_start3A_1078 = tpu.memref_slice %arg9[%add3A_1070, %dma_start3A_1077] : memref<8192x512xf32, #tpu.memory_space<hbm>> -> memref<16x512xf32, #tpu.memory_space<hbm>>
          %dma_start3A_1079 = arith.constant 0 : i32
          %dma_start3A_1080 = arith.constant 0 : i32
          %dma_start3A_1081 = tpu.memref_slice %arg18[%dma_start3A_1079, %dma_start3A_1080] : memref<64x512xf32, #tpu.memory_space<vmem>> -> memref<16x512xf32, #tpu.memory_space<vmem>>
          tpu.enqueue_dma source(%dma_start3A_1081 : memref<16x512xf32, #tpu.memory_space<vmem>>) target(%dma_start3A_1078 : memref<16x512xf32, #tpu.memory_space<hbm>>) target_semaphore(%run_scoped3A : memref<!tpu.dma_semaphore, #tpu.memory_space<semaphore_mem>>)
          %dma_wait3A_1082 = arith.constant 0 : i32
          %dma_wait3A_1083 = arith.constant 0 : i32
          %dma_wait3A_1084 = tpu.memref_slice %arg18[%dma_wait3A_1082, %dma_wait3A_1083] : memref<64x512xf32, #tpu.memory_space<vmem>> -> memref<16x512xf32, #tpu.memory_space<vmem>>
          %dma_wait3A_1085 = arith.constant 0 : i32
          %dma_wait3A_1086 = tpu.memref_slice %arg9[%add3A_1070, %dma_wait3A_1085] : memref<8192x512xf32, #tpu.memory_space<hbm>> -> memref<16x512xf32, #tpu.memory_space<hbm>>
          %dma_wait3A_1087 = arith.constant 0 : i32
          %dma_wait3A_1088 = tpu.memref_slice %arg9[%add3A_1070, %dma_wait3A_1087] : memref<8192x512xf32, #tpu.memory_space<hbm>> -> memref<16x512xf32, #tpu.memory_space<hbm>>
          %dma_wait3A_1089 = arith.constant 0 : i32
          %dma_wait3A_1090 = arith.constant 0 : i32
          %dma_wait3A_1091 = tpu.memref_slice %arg18[%dma_wait3A_1089, %dma_wait3A_1090] : memref<64x512xf32, #tpu.memory_space<vmem>> -> memref<16x512xf32, #tpu.memory_space<vmem>>
          tpu.wait_dma2 semaphore(%run_scoped3A : memref<!tpu.dma_semaphore, #tpu.memory_space<semaphore_mem>>) src(%dma_wait3A_1091 : memref<16x512xf32, #tpu.memory_space<vmem>>) dst(%dma_wait3A_1088 : memref<16x512xf32, #tpu.memory_space<hbm>>)
          tpu.yield
        }) : () -> ()
        %add3A_1071 = arith.addi %add3A_357, %add3A_968 : i32
        "tpu.region"() ({
          %run_scoped3A = tpu.sem_alloc : memref<!tpu.dma_semaphore, #tpu.memory_space<semaphore_mem>>
          %dma_start3A_1072 = arith.constant 0 : i32
          %dma_start3A_1073 = arith.constant 0 : i32
          %dma_start3A_1074 = tpu.memref_slice %arg19[%dma_start3A_1072, %dma_start3A_1073] : memref<64x64xf32, #tpu.memory_space<vmem>> -> memref<16x64xf32, #tpu.memory_space<vmem>>
          %dma_start3A_1075 = arith.constant 0 : i32
          %dma_start3A_1076 = tpu.memref_slice %arg8[%add3A_1071, %dma_start3A_1075] : memref<8192x64xf32, #tpu.memory_space<hbm>> -> memref<16x64xf32, #tpu.memory_space<hbm>>
          %dma_start3A_1077 = arith.constant 0 : i32
          %dma_start3A_1078 = tpu.memref_slice %arg8[%add3A_1071, %dma_start3A_1077] : memref<8192x64xf32, #tpu.memory_space<hbm>> -> memref<16x64xf32, #tpu.memory_space<hbm>>
          %dma_start3A_1079 = arith.constant 0 : i32
          %dma_start3A_1080 = arith.constant 0 : i32
          %dma_start3A_1081 = tpu.memref_slice %arg19[%dma_start3A_1079, %dma_start3A_1080] : memref<64x64xf32, #tpu.memory_space<vmem>> -> memref<16x64xf32, #tpu.memory_space<vmem>>
          tpu.enqueue_dma source(%dma_start3A_1081 : memref<16x64xf32, #tpu.memory_space<vmem>>) target(%dma_start3A_1078 : memref<16x64xf32, #tpu.memory_space<hbm>>) target_semaphore(%run_scoped3A : memref<!tpu.dma_semaphore, #tpu.memory_space<semaphore_mem>>)
          %dma_wait3A_1082 = arith.constant 0 : i32
          %dma_wait3A_1083 = arith.constant 0 : i32
          %dma_wait3A_1084 = tpu.memref_slice %arg19[%dma_wait3A_1082, %dma_wait3A_1083] : memref<64x64xf32, #tpu.memory_space<vmem>> -> memref<16x64xf32, #tpu.memory_space<vmem>>
          %dma_wait3A_1085 = arith.constant 0 : i32
          %dma_wait3A_1086 = tpu.memref_slice %arg8[%add3A_1071, %dma_wait3A_1085] : memref<8192x64xf32, #tpu.memory_space<hbm>> -> memref<16x64xf32, #tpu.memory_space<hbm>>
          %dma_wait3A_1087 = arith.constant 0 : i32
          %dma_wait3A_1088 = tpu.memref_slice %arg8[%add3A_1071, %dma_wait3A_1087] : memref<8192x64xf32, #tpu.memory_space<hbm>> -> memref<16x64xf32, #tpu.memory_space<hbm>>
          %dma_wait3A_1089 = arith.constant 0 : i32
          %dma_wait3A_1090 = arith.constant 0 : i32
          %dma_wait3A_1091 = tpu.memref_slice %arg19[%dma_wait3A_1089, %dma_wait3A_1090] : memref<64x64xf32, #tpu.memory_space<vmem>> -> memref<16x64xf32, #tpu.memory_space<vmem>>
          tpu.wait_dma2 semaphore(%run_scoped3A : memref<!tpu.dma_semaphore, #tpu.memory_space<semaphore_mem>>) src(%dma_wait3A_1091 : memref<16x64xf32, #tpu.memory_space<vmem>>) dst(%dma_wait3A_1088 : memref<16x64xf32, #tpu.memory_space<hbm>>)
          tpu.yield
        }) : () -> ()
      } else {
      }
      %mul3A_1014 = arith.constant 16 : i32
      %mul3A_1015 = arith.muli %select_n3A_1008, %mul3A_1014 : i32
      %add3A_1016 = arith.addi %add3A_968, %mul3A_1015 : i32
      %jit3A_1017 = arith.constant 8 : i32
      %div3A_1018 = arith.divsi %sub3A_920, %jit3A_1017 : i32
      %sign3A_1019 = arith.constant 0 : i32
      %sign3A_1020 = arith.cmpi sgt, %sub3A_920, %sign3A_1019 : i32
      %sign3A_1021 = arith.extui %sign3A_1020 : i1 to i32
      %sign3A_1022 = arith.constant 0 : i32
      %sign3A_1023 = arith.cmpi slt, %sub3A_920, %sign3A_1022 : i32
      %sign3A_1024 = arith.extui %sign3A_1023 : i1 to i32
      %sign3A_1025 = arith.subi %sign3A_1021, %sign3A_1024 : i32
      %sign3A_1026 = arith.constant 0 : i32
      %sign3A_1027 = arith.cmpi sgt, %jit3A_1017, %sign3A_1026 : i32
      %sign3A_1028 = arith.extui %sign3A_1027 : i1 to i32
      %sign3A_1029 = arith.constant 0 : i32
      %sign3A_1030 = arith.cmpi slt, %jit3A_1017, %sign3A_1029 : i32
      %sign3A_1031 = arith.extui %sign3A_1030 : i1 to i32
      %sign3A_1032 = arith.subi %sign3A_1028, %sign3A_1031 : i32
      %ne3A_1033 = arith.cmpi ne, %sign3A_1025, %sign3A_1032 : i32
      %rem3A_1034 = arith.remsi %sub3A_920, %jit3A_1017 : i32
      %ne3A_1035 = arith.constant 0 : i32
      %ne3A_1036 = arith.cmpi ne, %rem3A_1034, %ne3A_1035 : i32
      %and3A_1037 = arith.andi %ne3A_1033, %ne3A_1036 : i1
      %sub3A_1038 = arith.constant 1 : i32
      %sub3A_1039 = arith.subi %div3A_1018, %sub3A_1038 : i32
      %select_n3A_1040 = arith.select %and3A_1037, %sub3A_1039, %div3A_1018 : i32
      %jit3A_1041 = arith.constant 2 : i32
      %eq3A_1042 = arith.constant 0 : i32
      %eq3A_1043 = arith.cmpi eq, %jit3A_1041, %eq3A_1042 : i32
      %jit3A_1044 = arith.constant 1 : i32
      %select_n3A_1045 = arith.select %eq3A_1043, %jit3A_1044, %jit3A_1041 : i32
      %rem3A_1046 = arith.remsi %select_n3A_1040, %select_n3A_1045 : i32
      %ne3A_1047 = arith.constant 0 : i32
      %ne3A_1048 = arith.cmpi ne, %rem3A_1046, %ne3A_1047 : i32
      %lt3A_1049 = arith.constant 0 : i32
      %lt3A_1050 = arith.cmpi slt, %rem3A_1046, %lt3A_1049 : i32
      %lt3A_1051 = arith.constant 0 : i32
      %lt3A_1052 = arith.cmpi slt, %select_n3A_1045, %lt3A_1051 : i32
      %ne3A_1053 = arith.xori %lt3A_1050, %lt3A_1052 : i1
      %and3A_1054 = arith.andi %ne3A_1053, %ne3A_1048 : i1
      %add3A_1055 = arith.addi %rem3A_1046, %select_n3A_1045 : i32
      %select_n3A_1056 = arith.select %and3A_1054, %add3A_1055, %rem3A_1046 : i32
      %eq3A_1057 = arith.constant 1 : i32
      %eq3A_1058 = arith.cmpi eq, %select_n3A_1056, %eq3A_1057 : i32
      %convert_element_type3A_1059 = arith.extui %eq3A_1058 : i1 to i32
      %cond3A_1060 = arith.constant 0 : i32
      %cond3A_1061 = arith.cmpi ne, %convert_element_type3A_1059, %cond3A_1060 : i32
      scf.if %cond3A_1061 {
        %add3A_1070 = arith.addi %add3A_357, %add3A_1016 : i32
        "tpu.region"() ({
          %run_scoped3A = tpu.sem_alloc : memref<!tpu.dma_semaphore, #tpu.memory_space<semaphore_mem>>
          %dma_start3A_1072 = arith.constant 0 : i32
          %dma_start3A_1073 = arith.constant 0 : i32
          %dma_start3A_1074 = tpu.memref_slice %arg18[%dma_start3A_1072, %dma_start3A_1073] : memref<64x512xf32, #tpu.memory_space<vmem>> -> memref<8x512xf32, #tpu.memory_space<vmem>>
          %dma_start3A_1075 = arith.constant 0 : i32
          %dma_start3A_1076 = tpu.memref_slice %arg9[%add3A_1070, %dma_start3A_1075] : memref<8192x512xf32, #tpu.memory_space<hbm>> -> memref<8x512xf32, #tpu.memory_space<hbm>>
          %dma_start3A_1077 = arith.constant 0 : i32
          %dma_start3A_1078 = tpu.memref_slice %arg9[%add3A_1070, %dma_start3A_1077] : memref<8192x512xf32, #tpu.memory_space<hbm>> -> memref<8x512xf32, #tpu.memory_space<hbm>>
          %dma_start3A_1079 = arith.constant 0 : i32
          %dma_start3A_1080 = arith.constant 0 : i32
          %dma_start3A_1081 = tpu.memref_slice %arg18[%dma_start3A_1079, %dma_start3A_1080] : memref<64x512xf32, #tpu.memory_space<vmem>> -> memref<8x512xf32, #tpu.memory_space<vmem>>
          tpu.enqueue_dma source(%dma_start3A_1081 : memref<8x512xf32, #tpu.memory_space<vmem>>) target(%dma_start3A_1078 : memref<8x512xf32, #tpu.memory_space<hbm>>) target_semaphore(%run_scoped3A : memref<!tpu.dma_semaphore, #tpu.memory_space<semaphore_mem>>)
          %dma_wait3A_1082 = arith.constant 0 : i32
          %dma_wait3A_1083 = arith.constant 0 : i32
          %dma_wait3A_1084 = tpu.memref_slice %arg18[%dma_wait3A_1082, %dma_wait3A_1083] : memref<64x512xf32, #tpu.memory_space<vmem>> -> memref<8x512xf32, #tpu.memory_space<vmem>>
          %dma_wait3A_1085 = arith.constant 0 : i32
          %dma_wait3A_1086 = tpu.memref_slice %arg9[%add3A_1070, %dma_wait3A_1085] : memref<8192x512xf32, #tpu.memory_space<hbm>> -> memref<8x512xf32, #tpu.memory_space<hbm>>
          %dma_wait3A_1087 = arith.constant 0 : i32
          %dma_wait3A_1088 = tpu.memref_slice %arg9[%add3A_1070, %dma_wait3A_1087] : memref<8192x512xf32, #tpu.memory_space<hbm>> -> memref<8x512xf32, #tpu.memory_space<hbm>>
          %dma_wait3A_1089 = arith.constant 0 : i32
          %dma_wait3A_1090 = arith.constant 0 : i32
          %dma_wait3A_1091 = tpu.memref_slice %arg18[%dma_wait3A_1089, %dma_wait3A_1090] : memref<64x512xf32, #tpu.memory_space<vmem>> -> memref<8x512xf32, #tpu.memory_space<vmem>>
          tpu.wait_dma2 semaphore(%run_scoped3A : memref<!tpu.dma_semaphore, #tpu.memory_space<semaphore_mem>>) src(%dma_wait3A_1091 : memref<8x512xf32, #tpu.memory_space<vmem>>) dst(%dma_wait3A_1088 : memref<8x512xf32, #tpu.memory_space<hbm>>)
          tpu.yield
        }) : () -> ()
        %add3A_1071 = arith.addi %add3A_357, %add3A_1016 : i32
        "tpu.region"() ({
          %run_scoped3A = tpu.sem_alloc : memref<!tpu.dma_semaphore, #tpu.memory_space<semaphore_mem>>
          %dma_start3A_1072 = arith.constant 0 : i32
          %dma_start3A_1073 = arith.constant 0 : i32
          %dma_start3A_1074 = tpu.memref_slice %arg19[%dma_start3A_1072, %dma_start3A_1073] : memref<64x64xf32, #tpu.memory_space<vmem>> -> memref<8x64xf32, #tpu.memory_space<vmem>>
          %dma_start3A_1075 = arith.constant 0 : i32
          %dma_start3A_1076 = tpu.memref_slice %arg8[%add3A_1071, %dma_start3A_1075] : memref<8192x64xf32, #tpu.memory_space<hbm>> -> memref<8x64xf32, #tpu.memory_space<hbm>>
          %dma_start3A_1077 = arith.constant 0 : i32
          %dma_start3A_1078 = tpu.memref_slice %arg8[%add3A_1071, %dma_start3A_1077] : memref<8192x64xf32, #tpu.memory_space<hbm>> -> memref<8x64xf32, #tpu.memory_space<hbm>>
          %dma_start3A_1079 = arith.constant 0 : i32
          %dma_start3A_1080 = arith.constant 0 : i32
          %dma_start3A_1081 = tpu.memref_slice %arg19[%dma_start3A_1079, %dma_start3A_1080] : memref<64x64xf32, #tpu.memory_space<vmem>> -> memref<8x64xf32, #tpu.memory_space<vmem>>
          tpu.enqueue_dma source(%dma_start3A_1081 : memref<8x64xf32, #tpu.memory_space<vmem>>) target(%dma_start3A_1078 : memref<8x64xf32, #tpu.memory_space<hbm>>) target_semaphore(%run_scoped3A : memref<!tpu.dma_semaphore, #tpu.memory_space<semaphore_mem>>)
          %dma_wait3A_1082 = arith.constant 0 : i32
          %dma_wait3A_1083 = arith.constant 0 : i32
          %dma_wait3A_1084 = tpu.memref_slice %arg19[%dma_wait3A_1082, %dma_wait3A_1083] : memref<64x64xf32, #tpu.memory_space<vmem>> -> memref<8x64xf32, #tpu.memory_space<vmem>>
          %dma_wait3A_1085 = arith.constant 0 : i32
          %dma_wait3A_1086 = tpu.memref_slice %arg8[%add3A_1071, %dma_wait3A_1085] : memref<8192x64xf32, #tpu.memory_space<hbm>> -> memref<8x64xf32, #tpu.memory_space<hbm>>
          %dma_wait3A_1087 = arith.constant 0 : i32
          %dma_wait3A_1088 = tpu.memref_slice %arg8[%add3A_1071, %dma_wait3A_1087] : memref<8192x64xf32, #tpu.memory_space<hbm>> -> memref<8x64xf32, #tpu.memory_space<hbm>>
          %dma_wait3A_1089 = arith.constant 0 : i32
          %dma_wait3A_1090 = arith.constant 0 : i32
          %dma_wait3A_1091 = tpu.memref_slice %arg19[%dma_wait3A_1089, %dma_wait3A_1090] : memref<64x64xf32, #tpu.memory_space<vmem>> -> memref<8x64xf32, #tpu.memory_space<vmem>>
          tpu.wait_dma2 semaphore(%run_scoped3A : memref<!tpu.dma_semaphore, #tpu.memory_space<semaphore_mem>>) src(%dma_wait3A_1091 : memref<8x64xf32, #tpu.memory_space<vmem>>) dst(%dma_wait3A_1088 : memref<8x64xf32, #tpu.memory_space<hbm>>)
          tpu.yield
        }) : () -> ()
      } else {
      }
      %mul3A_1062 = arith.constant 8 : i32
      %mul3A_1063 = arith.muli %select_n3A_1056, %mul3A_1062 : i32
      %add3A_1064 = arith.addi %add3A_1016, %mul3A_1063 : i32
      %gt3A_1065 = arith.constant 0 : i32
      %gt3A_1066 = arith.cmpi sgt, %sub3A_912, %gt3A_1065 : i32
      %convert_element_type3A_1067 = arith.extui %gt3A_1066 : i1 to i32
      %cond3A_1068 = arith.constant 0 : i32
      %cond3A_1069 = arith.cmpi ne, %convert_element_type3A_1067, %cond3A_1068 : i32
      scf.if %cond3A_1069 {
        %add3A_1070 = arith.addi %add3A_304, %mul3A_911 : i32
        "tpu.region"() ({
          %run_scoped3A = tpu.sem_alloc : memref<!tpu.dma_semaphore, #tpu.memory_space<semaphore_mem>>
          %dma_start3A_1083 = arith.constant 0 : i32
          %dma_start3A_1084 = tpu.memref_slice %arg6[%add3A_1070, %dma_start3A_1083] : memref<32768x512xf32, #tpu.memory_space<hbm>> -> memref<8x512xf32, #tpu.memory_space<hbm>>
          %dma_start3A_1085 = arith.constant 0 : i32
          %dma_start3A_1086 = tpu.memref_slice %arg6[%add3A_1070, %dma_start3A_1085] : memref<32768x512xf32, #tpu.memory_space<hbm>> -> memref<8x512xf32, #tpu.memory_space<hbm>>
          tpu.enqueue_dma source(%dma_start3A_1086 : memref<8x512xf32, #tpu.memory_space<hbm>>) target(%arg14 : memref<8x512xf32, #tpu.memory_space<vmem>>) target_semaphore(%run_scoped3A : memref<!tpu.dma_semaphore, #tpu.memory_space<semaphore_mem>>)
          %dma_wait3A_1087 = arith.constant 0 : i32
          %dma_wait3A_1088 = tpu.memref_slice %arg6[%add3A_1070, %dma_wait3A_1087] : memref<32768x512xf32, #tpu.memory_space<hbm>> -> memref<8x512xf32, #tpu.memory_space<hbm>>
          %dma_wait3A_1089 = arith.constant 0 : i32
          %dma_wait3A_1090 = tpu.memref_slice %arg6[%add3A_1070, %dma_wait3A_1089] : memref<32768x512xf32, #tpu.memory_space<hbm>> -> memref<8x512xf32, #tpu.memory_space<hbm>>
          tpu.wait_dma2 semaphore(%run_scoped3A : memref<!tpu.dma_semaphore, #tpu.memory_space<semaphore_mem>>) src(%dma_wait3A_1090 : memref<8x512xf32, #tpu.memory_space<hbm>>) dst(%arg14 : memref<8x512xf32, #tpu.memory_space<vmem>>)
          tpu.yield
        }) : () -> ()
        %add3A_1071 = arith.addi %add3A_304, %mul3A_911 : i32
        "tpu.region"() ({
          %run_scoped3A = tpu.sem_alloc : memref<!tpu.dma_semaphore, #tpu.memory_space<semaphore_mem>>
          %dma_start3A_1083 = arith.constant 0 : i32
          %dma_start3A_1084 = tpu.memref_slice %arg7[%add3A_1071, %dma_start3A_1083] : memref<32768x64xf32, #tpu.memory_space<hbm>> -> memref<8x64xf32, #tpu.memory_space<hbm>>
          %dma_start3A_1085 = arith.constant 0 : i32
          %dma_start3A_1086 = tpu.memref_slice %arg7[%add3A_1071, %dma_start3A_1085] : memref<32768x64xf32, #tpu.memory_space<hbm>> -> memref<8x64xf32, #tpu.memory_space<hbm>>
          tpu.enqueue_dma source(%dma_start3A_1086 : memref<8x64xf32, #tpu.memory_space<hbm>>) target(%arg15 : memref<8x64xf32, #tpu.memory_space<vmem>>) target_semaphore(%run_scoped3A : memref<!tpu.dma_semaphore, #tpu.memory_space<semaphore_mem>>)
          %dma_wait3A_1087 = arith.constant 0 : i32
          %dma_wait3A_1088 = tpu.memref_slice %arg7[%add3A_1071, %dma_wait3A_1087] : memref<32768x64xf32, #tpu.memory_space<hbm>> -> memref<8x64xf32, #tpu.memory_space<hbm>>
          %dma_wait3A_1089 = arith.constant 0 : i32
          %dma_wait3A_1090 = tpu.memref_slice %arg7[%add3A_1071, %dma_wait3A_1089] : memref<32768x64xf32, #tpu.memory_space<hbm>> -> memref<8x64xf32, #tpu.memory_space<hbm>>
          tpu.wait_dma2 semaphore(%run_scoped3A : memref<!tpu.dma_semaphore, #tpu.memory_space<semaphore_mem>>) src(%dma_wait3A_1090 : memref<8x64xf32, #tpu.memory_space<hbm>>) dst(%arg15 : memref<8x64xf32, #tpu.memory_space<vmem>>)
          tpu.yield
        }) : () -> ()
        %while3A = arith.constant 0 : i32
        %while3A_1072 = arith.constant 8 : i32
        %while3A_1073 = arith.subi %while3A_1072, %sub3A_912 : i32
        %while3A_1074 = arith.addi %sub3A_912, %while3A_1073 : i32
        %while3A_1075 = arith.constant 1 : i32
        %while3A_1076 = arith.divsi %while3A_1073, %while3A_1075 : i32
        %while3A_1077 = arith.muli %while3A_1076, %while3A_1075 : i32
        %while3A_1078 = arith.addi %sub3A_912, %while3A_1077 : i32
        %while3A_1079 = arith.constant 1 : i32
        scf.for %while3A_1083 = %sub3A_912 to %while3A_1078 step %while3A_1079  : i32 {
          %swap3A = arith.index_cast %while3A_1083 : i32 to index
          %swap3A_1084 = arith.constant 0 : index
          %swap3A_1085 = tpu.vector_load %arg14[%swap3A, %swap3A_1084] {strides = array<i32>} : memref<8x512xf32, #tpu.memory_space<vmem>>, vector<1x16xf32>,
          %swap3A_1086 = vector.shape_cast %swap3A_1085 : vector<1x16xf32> to vector<16xf32>
          %swap3A_1087 = vector.shape_cast %broadcast_in_dim3A_709 : vector<16xf32> to vector<1x16xf32>
          tpu.vector_store %arg14[%swap3A, %swap3A_1084], %swap3A_1087 {strides = array<i32>} : memref<8x512xf32, #tpu.memory_space<vmem>>, vector<1x16xf32>,
          %swap3A_1088 = arith.index_cast %while3A_1083 : i32 to index
          %swap3A_1089 = arith.constant 16 : index
          %swap3A_1090 = tpu.vector_load %arg14[%swap3A_1088, %swap3A_1089] {strides = array<i32>} : memref<8x512xf32, #tpu.memory_space<vmem>>, vector<1x16xf32>,
          %swap3A_1091 = vector.shape_cast %swap3A_1090 : vector<1x16xf32> to vector<16xf32>
          %swap3A_1092 = vector.shape_cast %broadcast_in_dim3A_709 : vector<16xf32> to vector<1x16xf32>
          tpu.vector_store %arg14[%swap3A_1088, %swap3A_1089], %swap3A_1092 {strides = array<i32>} : memref<8x512xf32, #tpu.memory_space<vmem>>, vector<1x16xf32>,
          %swap3A_1093 = arith.index_cast %while3A_1083 : i32 to index
          %swap3A_1094 = arith.constant 32 : index
          %swap3A_1095 = tpu.vector_load %arg14[%swap3A_1093, %swap3A_1094] {strides = array<i32>} : memref<8x512xf32, #tpu.memory_space<vmem>>, vector<1x16xf32>,
          %swap3A_1096 = vector.shape_cast %swap3A_1095 : vector<1x16xf32> to vector<16xf32>
          %swap3A_1097 = vector.shape_cast %broadcast_in_dim3A_709 : vector<16xf32> to vector<1x16xf32>
          tpu.vector_store %arg14[%swap3A_1093, %swap3A_1094], %swap3A_1097 {strides = array<i32>} : memref<8x512xf32, #tpu.memory_space<vmem>>, vector<1x16xf32>,
          %swap3A_1098 = arith.index_cast %while3A_1083 : i32 to index
          %swap3A_1099 = arith.constant 48 : index
          %swap3A_1100 = tpu.vector_load %arg14[%swap3A_1098, %swap3A_1099] {strides = array<i32>} : memref<8x512xf32, #tpu.memory_space<vmem>>, vector<1x16xf32>,
          %swap3A_1101 = vector.shape_cast %swap3A_1100 : vector<1x16xf32> to vector<16xf32>
          %swap3A_1102 = vector.shape_cast %broadcast_in_dim3A_709 : vector<16xf32> to vector<1x16xf32>
          tpu.vector_store %arg14[%swap3A_1098, %swap3A_1099], %swap3A_1102 {strides = array<i32>} : memref<8x512xf32, #tpu.memory_space<vmem>>, vector<1x16xf32>,
          %swap3A_1103 = arith.index_cast %while3A_1083 : i32 to index
          %swap3A_1104 = arith.constant 64 : index
          %swap3A_1105 = tpu.vector_load %arg14[%swap3A_1103, %swap3A_1104] {strides = array<i32>} : memref<8x512xf32, #tpu.memory_space<vmem>>, vector<1x16xf32>,
          %swap3A_1106 = vector.shape_cast %swap3A_1105 : vector<1x16xf32> to vector<16xf32>
          %swap3A_1107 = vector.shape_cast %broadcast_in_dim3A_709 : vector<16xf32> to vector<1x16xf32>
          tpu.vector_store %arg14[%swap3A_1103, %swap3A_1104], %swap3A_1107 {strides = array<i32>} : memref<8x512xf32, #tpu.memory_space<vmem>>, vector<1x16xf32>,
          %swap3A_1108 = arith.index_cast %while3A_1083 : i32 to index
          %swap3A_1109 = arith.constant 80 : index
          %swap3A_1110 = tpu.vector_load %arg14[%swap3A_1108, %swap3A_1109] {strides = array<i32>} : memref<8x512xf32, #tpu.memory_space<vmem>>, vector<1x16xf32>,
          %swap3A_1111 = vector.shape_cast %swap3A_1110 : vector<1x16xf32> to vector<16xf32>
          %swap3A_1112 = vector.shape_cast %broadcast_in_dim3A_709 : vector<16xf32> to vector<1x16xf32>
          tpu.vector_store %arg14[%swap3A_1108, %swap3A_1109], %swap3A_1112 {strides = array<i32>} : memref<8x512xf32, #tpu.memory_space<vmem>>, vector<1x16xf32>,
          %swap3A_1113 = arith.index_cast %while3A_1083 : i32 to index
          %swap3A_1114 = arith.constant 96 : index
          %swap3A_1115 = tpu.vector_load %arg14[%swap3A_1113, %swap3A_1114] {strides = array<i32>} : memref<8x512xf32, #tpu.memory_space<vmem>>, vector<1x16xf32>,
          %swap3A_1116 = vector.shape_cast %swap3A_1115 : vector<1x16xf32> to vector<16xf32>
          %swap3A_1117 = vector.shape_cast %broadcast_in_dim3A_709 : vector<16xf32> to vector<1x16xf32>
          tpu.vector_store %arg14[%swap3A_1113, %swap3A_1114], %swap3A_1117 {strides = array<i32>} : memref<8x512xf32, #tpu.memory_space<vmem>>, vector<1x16xf32>,
          %swap3A_1118 = arith.index_cast %while3A_1083 : i32 to index
          %swap3A_1119 = arith.constant 112 : index
          %swap3A_1120 = tpu.vector_load %arg14[%swap3A_1118, %swap3A_1119] {strides = array<i32>} : memref<8x512xf32, #tpu.memory_space<vmem>>, vector<1x16xf32>,
          %swap3A_1121 = vector.shape_cast %swap3A_1120 : vector<1x16xf32> to vector<16xf32>
          %swap3A_1122 = vector.shape_cast %broadcast_in_dim3A_709 : vector<16xf32> to vector<1x16xf32>
          tpu.vector_store %arg14[%swap3A_1118, %swap3A_1119], %swap3A_1122 {strides = array<i32>} : memref<8x512xf32, #tpu.memory_space<vmem>>, vector<1x16xf32>,
          %swap3A_1123 = arith.index_cast %while3A_1083 : i32 to index
          %swap3A_1124 = arith.constant 128 : index
          %swap3A_1125 = tpu.vector_load %arg14[%swap3A_1123, %swap3A_1124] {strides = array<i32>} : memref<8x512xf32, #tpu.memory_space<vmem>>, vector<1x16xf32>,
          %swap3A_1126 = vector.shape_cast %swap3A_1125 : vector<1x16xf32> to vector<16xf32>
          %swap3A_1127 = vector.shape_cast %broadcast_in_dim3A_709 : vector<16xf32> to vector<1x16xf32>
          tpu.vector_store %arg14[%swap3A_1123, %swap3A_1124], %swap3A_1127 {strides = array<i32>} : memref<8x512xf32, #tpu.memory_space<vmem>>, vector<1x16xf32>,
          %swap3A_1128 = arith.index_cast %while3A_1083 : i32 to index
          %swap3A_1129 = arith.constant 144 : index
          %swap3A_1130 = tpu.vector_load %arg14[%swap3A_1128, %swap3A_1129] {strides = array<i32>} : memref<8x512xf32, #tpu.memory_space<vmem>>, vector<1x16xf32>,
          %swap3A_1131 = vector.shape_cast %swap3A_1130 : vector<1x16xf32> to vector<16xf32>
          %swap3A_1132 = vector.shape_cast %broadcast_in_dim3A_709 : vector<16xf32> to vector<1x16xf32>
          tpu.vector_store %arg14[%swap3A_1128, %swap3A_1129], %swap3A_1132 {strides = array<i32>} : memref<8x512xf32, #tpu.memory_space<vmem>>, vector<1x16xf32>,
          %swap3A_1133 = arith.index_cast %while3A_1083 : i32 to index
          %swap3A_1134 = arith.constant 160 : index
          %swap3A_1135 = tpu.vector_load %arg14[%swap3A_1133, %swap3A_1134] {strides = array<i32>} : memref<8x512xf32, #tpu.memory_space<vmem>>, vector<1x16xf32>,
          %swap3A_1136 = vector.shape_cast %swap3A_1135 : vector<1x16xf32> to vector<16xf32>
          %swap3A_1137 = vector.shape_cast %broadcast_in_dim3A_709 : vector<16xf32> to vector<1x16xf32>
          tpu.vector_store %arg14[%swap3A_1133, %swap3A_1134], %swap3A_1137 {strides = array<i32>} : memref<8x512xf32, #tpu.memory_space<vmem>>, vector<1x16xf32>,
          %swap3A_1138 = arith.index_cast %while3A_1083 : i32 to index
          %swap3A_1139 = arith.constant 176 : index
          %swap3A_1140 = tpu.vector_load %arg14[%swap3A_1138, %swap3A_1139] {strides = array<i32>} : memref<8x512xf32, #tpu.memory_space<vmem>>, vector<1x16xf32>,
          %swap3A_1141 = vector.shape_cast %swap3A_1140 : vector<1x16xf32> to vector<16xf32>
          %swap3A_1142 = vector.shape_cast %broadcast_in_dim3A_709 : vector<16xf32> to vector<1x16xf32>
          tpu.vector_store %arg14[%swap3A_1138, %swap3A_1139], %swap3A_1142 {strides = array<i32>} : memref<8x512xf32, #tpu.memory_space<vmem>>, vector<1x16xf32>,
          %swap3A_1143 = arith.index_cast %while3A_1083 : i32 to index
          %swap3A_1144 = arith.constant 192 : index
          %swap3A_1145 = tpu.vector_load %arg14[%swap3A_1143, %swap3A_1144] {strides = array<i32>} : memref<8x512xf32, #tpu.memory_space<vmem>>, vector<1x16xf32>,
          %swap3A_1146 = vector.shape_cast %swap3A_1145 : vector<1x16xf32> to vector<16xf32>
          %swap3A_1147 = vector.shape_cast %broadcast_in_dim3A_709 : vector<16xf32> to vector<1x16xf32>
          tpu.vector_store %arg14[%swap3A_1143, %swap3A_1144], %swap3A_1147 {strides = array<i32>} : memref<8x512xf32, #tpu.memory_space<vmem>>, vector<1x16xf32>,
          %swap3A_1148 = arith.index_cast %while3A_1083 : i32 to index
          %swap3A_1149 = arith.constant 208 : index
          %swap3A_1150 = tpu.vector_load %arg14[%swap3A_1148, %swap3A_1149] {strides = array<i32>} : memref<8x512xf32, #tpu.memory_space<vmem>>, vector<1x16xf32>,
          %swap3A_1151 = vector.shape_cast %swap3A_1150 : vector<1x16xf32> to vector<16xf32>
          %swap3A_1152 = vector.shape_cast %broadcast_in_dim3A_709 : vector<16xf32> to vector<1x16xf32>
          tpu.vector_store %arg14[%swap3A_1148, %swap3A_1149], %swap3A_1152 {strides = array<i32>} : memref<8x512xf32, #tpu.memory_space<vmem>>, vector<1x16xf32>,
          %swap3A_1153 = arith.index_cast %while3A_1083 : i32 to index
          %swap3A_1154 = arith.constant 224 : index
          %swap3A_1155 = tpu.vector_load %arg14[%swap3A_1153, %swap3A_1154] {strides = array<i32>} : memref<8x512xf32, #tpu.memory_space<vmem>>, vector<1x16xf32>,
          %swap3A_1156 = vector.shape_cast %swap3A_1155 : vector<1x16xf32> to vector<16xf32>
          %swap3A_1157 = vector.shape_cast %broadcast_in_dim3A_709 : vector<16xf32> to vector<1x16xf32>
          tpu.vector_store %arg14[%swap3A_1153, %swap3A_1154], %swap3A_1157 {strides = array<i32>} : memref<8x512xf32, #tpu.memory_space<vmem>>, vector<1x16xf32>,
          %swap3A_1158 = arith.index_cast %while3A_1083 : i32 to index
          %swap3A_1159 = arith.constant 240 : index
          %swap3A_1160 = tpu.vector_load %arg14[%swap3A_1158, %swap3A_1159] {strides = array<i32>} : memref<8x512xf32, #tpu.memory_space<vmem>>, vector<1x16xf32>,
          %swap3A_1161 = vector.shape_cast %swap3A_1160 : vector<1x16xf32> to vector<16xf32>
          %swap3A_1162 = vector.shape_cast %broadcast_in_dim3A_709 : vector<16xf32> to vector<1x16xf32>
          tpu.vector_store %arg14[%swap3A_1158, %swap3A_1159], %swap3A_1162 {strides = array<i32>} : memref<8x512xf32, #tpu.memory_space<vmem>>, vector<1x16xf32>,
          %swap3A_1163 = arith.index_cast %while3A_1083 : i32 to index
          %swap3A_1164 = arith.constant 256 : index
          %swap3A_1165 = tpu.vector_load %arg14[%swap3A_1163, %swap3A_1164] {strides = array<i32>} : memref<8x512xf32, #tpu.memory_space<vmem>>, vector<1x16xf32>,
          %swap3A_1166 = vector.shape_cast %swap3A_1165 : vector<1x16xf32> to vector<16xf32>
          %swap3A_1167 = vector.shape_cast %broadcast_in_dim3A_709 : vector<16xf32> to vector<1x16xf32>
          tpu.vector_store %arg14[%swap3A_1163, %swap3A_1164], %swap3A_1167 {strides = array<i32>} : memref<8x512xf32, #tpu.memory_space<vmem>>, vector<1x16xf32>,
          %swap3A_1168 = arith.index_cast %while3A_1083 : i32 to index
          %swap3A_1169 = arith.constant 272 : index
          %swap3A_1170 = tpu.vector_load %arg14[%swap3A_1168, %swap3A_1169] {strides = array<i32>} : memref<8x512xf32, #tpu.memory_space<vmem>>, vector<1x16xf32>,
          %swap3A_1171 = vector.shape_cast %swap3A_1170 : vector<1x16xf32> to vector<16xf32>
          %swap3A_1172 = vector.shape_cast %broadcast_in_dim3A_709 : vector<16xf32> to vector<1x16xf32>
          tpu.vector_store %arg14[%swap3A_1168, %swap3A_1169], %swap3A_1172 {strides = array<i32>} : memref<8x512xf32, #tpu.memory_space<vmem>>, vector<1x16xf32>,
          %swap3A_1173 = arith.index_cast %while3A_1083 : i32 to index
          %swap3A_1174 = arith.constant 288 : index
          %swap3A_1175 = tpu.vector_load %arg14[%swap3A_1173, %swap3A_1174] {strides = array<i32>} : memref<8x512xf32, #tpu.memory_space<vmem>>, vector<1x16xf32>,
          %swap3A_1176 = vector.shape_cast %swap3A_1175 : vector<1x16xf32> to vector<16xf32>
          %swap3A_1177 = vector.shape_cast %broadcast_in_dim3A_709 : vector<16xf32> to vector<1x16xf32>
          tpu.vector_store %arg14[%swap3A_1173, %swap3A_1174], %swap3A_1177 {strides = array<i32>} : memref<8x512xf32, #tpu.memory_space<vmem>>, vector<1x16xf32>,
          %swap3A_1178 = arith.index_cast %while3A_1083 : i32 to index
          %swap3A_1179 = arith.constant 304 : index
          %swap3A_1180 = tpu.vector_load %arg14[%swap3A_1178, %swap3A_1179] {strides = array<i32>} : memref<8x512xf32, #tpu.memory_space<vmem>>, vector<1x16xf32>,
          %swap3A_1181 = vector.shape_cast %swap3A_1180 : vector<1x16xf32> to vector<16xf32>
          %swap3A_1182 = vector.shape_cast %broadcast_in_dim3A_709 : vector<16xf32> to vector<1x16xf32>
          tpu.vector_store %arg14[%swap3A_1178, %swap3A_1179], %swap3A_1182 {strides = array<i32>} : memref<8x512xf32, #tpu.memory_space<vmem>>, vector<1x16xf32>,
          %swap3A_1183 = arith.index_cast %while3A_1083 : i32 to index
          %swap3A_1184 = arith.constant 320 : index
          %swap3A_1185 = tpu.vector_load %arg14[%swap3A_1183, %swap3A_1184] {strides = array<i32>} : memref<8x512xf32, #tpu.memory_space<vmem>>, vector<1x16xf32>,
          %swap3A_1186 = vector.shape_cast %swap3A_1185 : vector<1x16xf32> to vector<16xf32>
          %swap3A_1187 = vector.shape_cast %broadcast_in_dim3A_709 : vector<16xf32> to vector<1x16xf32>
          tpu.vector_store %arg14[%swap3A_1183, %swap3A_1184], %swap3A_1187 {strides = array<i32>} : memref<8x512xf32, #tpu.memory_space<vmem>>, vector<1x16xf32>,
          %swap3A_1188 = arith.index_cast %while3A_1083 : i32 to index
          %swap3A_1189 = arith.constant 336 : index
          %swap3A_1190 = tpu.vector_load %arg14[%swap3A_1188, %swap3A_1189] {strides = array<i32>} : memref<8x512xf32, #tpu.memory_space<vmem>>, vector<1x16xf32>,
          %swap3A_1191 = vector.shape_cast %swap3A_1190 : vector<1x16xf32> to vector<16xf32>
          %swap3A_1192 = vector.shape_cast %broadcast_in_dim3A_709 : vector<16xf32> to vector<1x16xf32>
          tpu.vector_store %arg14[%swap3A_1188, %swap3A_1189], %swap3A_1192 {strides = array<i32>} : memref<8x512xf32, #tpu.memory_space<vmem>>, vector<1x16xf32>,
          %swap3A_1193 = arith.index_cast %while3A_1083 : i32 to index
          %swap3A_1194 = arith.constant 352 : index
          %swap3A_1195 = tpu.vector_load %arg14[%swap3A_1193, %swap3A_1194] {strides = array<i32>} : memref<8x512xf32, #tpu.memory_space<vmem>>, vector<1x16xf32>,
          %swap3A_1196 = vector.shape_cast %swap3A_1195 : vector<1x16xf32> to vector<16xf32>
          %swap3A_1197 = vector.shape_cast %broadcast_in_dim3A_709 : vector<16xf32> to vector<1x16xf32>
          tpu.vector_store %arg14[%swap3A_1193, %swap3A_1194], %swap3A_1197 {strides = array<i32>} : memref<8x512xf32, #tpu.memory_space<vmem>>, vector<1x16xf32>,
          %swap3A_1198 = arith.index_cast %while3A_1083 : i32 to index
          %swap3A_1199 = arith.constant 368 : index
          %swap3A_1200 = tpu.vector_load %arg14[%swap3A_1198, %swap3A_1199] {strides = array<i32>} : memref<8x512xf32, #tpu.memory_space<vmem>>, vector<1x16xf32>,
          %swap3A_1201 = vector.shape_cast %swap3A_1200 : vector<1x16xf32> to vector<16xf32>
          %swap3A_1202 = vector.shape_cast %broadcast_in_dim3A_709 : vector<16xf32> to vector<1x16xf32>
          tpu.vector_store %arg14[%swap3A_1198, %swap3A_1199], %swap3A_1202 {strides = array<i32>} : memref<8x512xf32, #tpu.memory_space<vmem>>, vector<1x16xf32>,
          %swap3A_1203 = arith.index_cast %while3A_1083 : i32 to index
          %swap3A_1204 = arith.constant 384 : index
          %swap3A_1205 = tpu.vector_load %arg14[%swap3A_1203, %swap3A_1204] {strides = array<i32>} : memref<8x512xf32, #tpu.memory_space<vmem>>, vector<1x16xf32>,
          %swap3A_1206 = vector.shape_cast %swap3A_1205 : vector<1x16xf32> to vector<16xf32>
          %swap3A_1207 = vector.shape_cast %broadcast_in_dim3A_709 : vector<16xf32> to vector<1x16xf32>
          tpu.vector_store %arg14[%swap3A_1203, %swap3A_1204], %swap3A_1207 {strides = array<i32>} : memref<8x512xf32, #tpu.memory_space<vmem>>, vector<1x16xf32>,
          %swap3A_1208 = arith.index_cast %while3A_1083 : i32 to index
          %swap3A_1209 = arith.constant 400 : index
          %swap3A_1210 = tpu.vector_load %arg14[%swap3A_1208, %swap3A_1209] {strides = array<i32>} : memref<8x512xf32, #tpu.memory_space<vmem>>, vector<1x16xf32>,
          %swap3A_1211 = vector.shape_cast %swap3A_1210 : vector<1x16xf32> to vector<16xf32>
          %swap3A_1212 = vector.shape_cast %broadcast_in_dim3A_709 : vector<16xf32> to vector<1x16xf32>
          tpu.vector_store %arg14[%swap3A_1208, %swap3A_1209], %swap3A_1212 {strides = array<i32>} : memref<8x512xf32, #tpu.memory_space<vmem>>, vector<1x16xf32>,
          %swap3A_1213 = arith.index_cast %while3A_1083 : i32 to index
          %swap3A_1214 = arith.constant 416 : index
          %swap3A_1215 = tpu.vector_load %arg14[%swap3A_1213, %swap3A_1214] {strides = array<i32>} : memref<8x512xf32, #tpu.memory_space<vmem>>, vector<1x16xf32>,
          %swap3A_1216 = vector.shape_cast %swap3A_1215 : vector<1x16xf32> to vector<16xf32>
          %swap3A_1217 = vector.shape_cast %broadcast_in_dim3A_709 : vector<16xf32> to vector<1x16xf32>
          tpu.vector_store %arg14[%swap3A_1213, %swap3A_1214], %swap3A_1217 {strides = array<i32>} : memref<8x512xf32, #tpu.memory_space<vmem>>, vector<1x16xf32>,
          %swap3A_1218 = arith.index_cast %while3A_1083 : i32 to index
          %swap3A_1219 = arith.constant 432 : index
          %swap3A_1220 = tpu.vector_load %arg14[%swap3A_1218, %swap3A_1219] {strides = array<i32>} : memref<8x512xf32, #tpu.memory_space<vmem>>, vector<1x16xf32>,
          %swap3A_1221 = vector.shape_cast %swap3A_1220 : vector<1x16xf32> to vector<16xf32>
          %swap3A_1222 = vector.shape_cast %broadcast_in_dim3A_709 : vector<16xf32> to vector<1x16xf32>
          tpu.vector_store %arg14[%swap3A_1218, %swap3A_1219], %swap3A_1222 {strides = array<i32>} : memref<8x512xf32, #tpu.memory_space<vmem>>, vector<1x16xf32>,
          %swap3A_1223 = arith.index_cast %while3A_1083 : i32 to index
          %swap3A_1224 = arith.constant 448 : index
          %swap3A_1225 = tpu.vector_load %arg14[%swap3A_1223, %swap3A_1224] {strides = array<i32>} : memref<8x512xf32, #tpu.memory_space<vmem>>, vector<1x16xf32>,
          %swap3A_1226 = vector.shape_cast %swap3A_1225 : vector<1x16xf32> to vector<16xf32>
          %swap3A_1227 = vector.shape_cast %broadcast_in_dim3A_709 : vector<16xf32> to vector<1x16xf32>
          tpu.vector_store %arg14[%swap3A_1223, %swap3A_1224], %swap3A_1227 {strides = array<i32>} : memref<8x512xf32, #tpu.memory_space<vmem>>, vector<1x16xf32>,
          %swap3A_1228 = arith.index_cast %while3A_1083 : i32 to index
          %swap3A_1229 = arith.constant 464 : index
          %swap3A_1230 = tpu.vector_load %arg14[%swap3A_1228, %swap3A_1229] {strides = array<i32>} : memref<8x512xf32, #tpu.memory_space<vmem>>, vector<1x16xf32>,
          %swap3A_1231 = vector.shape_cast %swap3A_1230 : vector<1x16xf32> to vector<16xf32>
          %swap3A_1232 = vector.shape_cast %broadcast_in_dim3A_709 : vector<16xf32> to vector<1x16xf32>
          tpu.vector_store %arg14[%swap3A_1228, %swap3A_1229], %swap3A_1232 {strides = array<i32>} : memref<8x512xf32, #tpu.memory_space<vmem>>, vector<1x16xf32>,
          %swap3A_1233 = arith.index_cast %while3A_1083 : i32 to index
          %swap3A_1234 = arith.constant 480 : index
          %swap3A_1235 = tpu.vector_load %arg14[%swap3A_1233, %swap3A_1234] {strides = array<i32>} : memref<8x512xf32, #tpu.memory_space<vmem>>, vector<1x16xf32>,
          %swap3A_1236 = vector.shape_cast %swap3A_1235 : vector<1x16xf32> to vector<16xf32>
          %swap3A_1237 = vector.shape_cast %broadcast_in_dim3A_709 : vector<16xf32> to vector<1x16xf32>
          tpu.vector_store %arg14[%swap3A_1233, %swap3A_1234], %swap3A_1237 {strides = array<i32>} : memref<8x512xf32, #tpu.memory_space<vmem>>, vector<1x16xf32>,
          %swap3A_1238 = arith.index_cast %while3A_1083 : i32 to index
          %swap3A_1239 = arith.constant 496 : index
          %swap3A_1240 = tpu.vector_load %arg14[%swap3A_1238, %swap3A_1239] {strides = array<i32>} : memref<8x512xf32, #tpu.memory_space<vmem>>, vector<1x16xf32>,
          %swap3A_1241 = vector.shape_cast %swap3A_1240 : vector<1x16xf32> to vector<16xf32>
          %swap3A_1242 = vector.shape_cast %broadcast_in_dim3A_709 : vector<16xf32> to vector<1x16xf32>
          tpu.vector_store %arg14[%swap3A_1238, %swap3A_1239], %swap3A_1242 {strides = array<i32>} : memref<8x512xf32, #tpu.memory_space<vmem>>, vector<1x16xf32>,
          %swap3A_1243 = arith.index_cast %while3A_1083 : i32 to index
          %swap3A_1244 = arith.constant 0 : index
          %swap3A_1245 = tpu.vector_load %arg15[%swap3A_1243, %swap3A_1244] {strides = array<i32>} : memref<8x64xf32, #tpu.memory_space<vmem>>, vector<1x16xf32>,
          %swap3A_1246 = vector.shape_cast %swap3A_1245 : vector<1x16xf32> to vector<16xf32>
          %swap3A_1247 = vector.shape_cast %broadcast_in_dim3A_709 : vector<16xf32> to vector<1x16xf32>
          tpu.vector_store %arg15[%swap3A_1243, %swap3A_1244], %swap3A_1247 {strides = array<i32>} : memref<8x64xf32, #tpu.memory_space<vmem>>, vector<1x16xf32>,
          %swap3A_1248 = arith.index_cast %while3A_1083 : i32 to index
          %swap3A_1249 = arith.constant 16 : index
          %swap3A_1250 = tpu.vector_load %arg15[%swap3A_1248, %swap3A_1249] {strides = array<i32>} : memref<8x64xf32, #tpu.memory_space<vmem>>, vector<1x16xf32>,
          %swap3A_1251 = vector.shape_cast %swap3A_1250 : vector<1x16xf32> to vector<16xf32>
          %swap3A_1252 = vector.shape_cast %broadcast_in_dim3A_709 : vector<16xf32> to vector<1x16xf32>
          tpu.vector_store %arg15[%swap3A_1248, %swap3A_1249], %swap3A_1252 {strides = array<i32>} : memref<8x64xf32, #tpu.memory_space<vmem>>, vector<1x16xf32>,
          %swap3A_1253 = arith.index_cast %while3A_1083 : i32 to index
          %swap3A_1254 = arith.constant 32 : index
          %swap3A_1255 = tpu.vector_load %arg15[%swap3A_1253, %swap3A_1254] {strides = array<i32>} : memref<8x64xf32, #tpu.memory_space<vmem>>, vector<1x16xf32>,
          %swap3A_1256 = vector.shape_cast %swap3A_1255 : vector<1x16xf32> to vector<16xf32>
          %swap3A_1257 = vector.shape_cast %broadcast_in_dim3A_709 : vector<16xf32> to vector<1x16xf32>
          tpu.vector_store %arg15[%swap3A_1253, %swap3A_1254], %swap3A_1257 {strides = array<i32>} : memref<8x64xf32, #tpu.memory_space<vmem>>, vector<1x16xf32>,
          %swap3A_1258 = arith.index_cast %while3A_1083 : i32 to index
          %swap3A_1259 = arith.constant 48 : index
          %swap3A_1260 = tpu.vector_load %arg15[%swap3A_1258, %swap3A_1259] {strides = array<i32>} : memref<8x64xf32, #tpu.memory_space<vmem>>, vector<1x16xf32>,
          %swap3A_1261 = vector.shape_cast %swap3A_1260 : vector<1x16xf32> to vector<16xf32>
          %swap3A_1262 = vector.shape_cast %broadcast_in_dim3A_709 : vector<16xf32> to vector<1x16xf32>
          tpu.vector_store %arg15[%swap3A_1258, %swap3A_1259], %swap3A_1262 {strides = array<i32>} : memref<8x64xf32, #tpu.memory_space<vmem>>, vector<1x16xf32>,
        }
        %while3A_1080 = arith.constant 1 : i32
        scf.for %while3A_1083 = %while3A_1078 to %while3A_1074 step %while3A_1080  : i32 {
          %swap3A = arith.index_cast %while3A_1083 : i32 to index
          %swap3A_1084 = arith.constant 0 : index
          %swap3A_1085 = tpu.vector_load %arg14[%swap3A, %swap3A_1084] {strides = array<i32>} : memref<8x512xf32, #tpu.memory_space<vmem>>, vector<1x16xf32>,
          %swap3A_1086 = vector.shape_cast %swap3A_1085 : vector<1x16xf32> to vector<16xf32>
          %swap3A_1087 = vector.shape_cast %broadcast_in_dim3A_709 : vector<16xf32> to vector<1x16xf32>
          tpu.vector_store %arg14[%swap3A, %swap3A_1084], %swap3A_1087 {strides = array<i32>} : memref<8x512xf32, #tpu.memory_space<vmem>>, vector<1x16xf32>,
          %swap3A_1088 = arith.index_cast %while3A_1083 : i32 to index
          %swap3A_1089 = arith.constant 16 : index
          %swap3A_1090 = tpu.vector_load %arg14[%swap3A_1088, %swap3A_1089] {strides = array<i32>} : memref<8x512xf32, #tpu.memory_space<vmem>>, vector<1x16xf32>,
          %swap3A_1091 = vector.shape_cast %swap3A_1090 : vector<1x16xf32> to vector<16xf32>
          %swap3A_1092 = vector.shape_cast %broadcast_in_dim3A_709 : vector<16xf32> to vector<1x16xf32>
          tpu.vector_store %arg14[%swap3A_1088, %swap3A_1089], %swap3A_1092 {strides = array<i32>} : memref<8x512xf32, #tpu.memory_space<vmem>>, vector<1x16xf32>,
          %swap3A_1093 = arith.index_cast %while3A_1083 : i32 to index
          %swap3A_1094 = arith.constant 32 : index
          %swap3A_1095 = tpu.vector_load %arg14[%swap3A_1093, %swap3A_1094] {strides = array<i32>} : memref<8x512xf32, #tpu.memory_space<vmem>>, vector<1x16xf32>,
          %swap3A_1096 = vector.shape_cast %swap3A_1095 : vector<1x16xf32> to vector<16xf32>
          %swap3A_1097 = vector.shape_cast %broadcast_in_dim3A_709 : vector<16xf32> to vector<1x16xf32>
          tpu.vector_store %arg14[%swap3A_1093, %swap3A_1094], %swap3A_1097 {strides = array<i32>} : memref<8x512xf32, #tpu.memory_space<vmem>>, vector<1x16xf32>,
          %swap3A_1098 = arith.index_cast %while3A_1083 : i32 to index
          %swap3A_1099 = arith.constant 48 : index
          %swap3A_1100 = tpu.vector_load %arg14[%swap3A_1098, %swap3A_1099] {strides = array<i32>} : memref<8x512xf32, #tpu.memory_space<vmem>>, vector<1x16xf32>,
          %swap3A_1101 = vector.shape_cast %swap3A_1100 : vector<1x16xf32> to vector<16xf32>
          %swap3A_1102 = vector.shape_cast %broadcast_in_dim3A_709 : vector<16xf32> to vector<1x16xf32>
          tpu.vector_store %arg14[%swap3A_1098, %swap3A_1099], %swap3A_1102 {strides = array<i32>} : memref<8x512xf32, #tpu.memory_space<vmem>>, vector<1x16xf32>,
          %swap3A_1103 = arith.index_cast %while3A_1083 : i32 to index
          %swap3A_1104 = arith.constant 64 : index
          %swap3A_1105 = tpu.vector_load %arg14[%swap3A_1103, %swap3A_1104] {strides = array<i32>} : memref<8x512xf32, #tpu.memory_space<vmem>>, vector<1x16xf32>,
          %swap3A_1106 = vector.shape_cast %swap3A_1105 : vector<1x16xf32> to vector<16xf32>
          %swap3A_1107 = vector.shape_cast %broadcast_in_dim3A_709 : vector<16xf32> to vector<1x16xf32>
          tpu.vector_store %arg14[%swap3A_1103, %swap3A_1104], %swap3A_1107 {strides = array<i32>} : memref<8x512xf32, #tpu.memory_space<vmem>>, vector<1x16xf32>,
          %swap3A_1108 = arith.index_cast %while3A_1083 : i32 to index
          %swap3A_1109 = arith.constant 80 : index
          %swap3A_1110 = tpu.vector_load %arg14[%swap3A_1108, %swap3A_1109] {strides = array<i32>} : memref<8x512xf32, #tpu.memory_space<vmem>>, vector<1x16xf32>,
          %swap3A_1111 = vector.shape_cast %swap3A_1110 : vector<1x16xf32> to vector<16xf32>
          %swap3A_1112 = vector.shape_cast %broadcast_in_dim3A_709 : vector<16xf32> to vector<1x16xf32>
          tpu.vector_store %arg14[%swap3A_1108, %swap3A_1109], %swap3A_1112 {strides = array<i32>} : memref<8x512xf32, #tpu.memory_space<vmem>>, vector<1x16xf32>,
          %swap3A_1113 = arith.index_cast %while3A_1083 : i32 to index
          %swap3A_1114 = arith.constant 96 : index
          %swap3A_1115 = tpu.vector_load %arg14[%swap3A_1113, %swap3A_1114] {strides = array<i32>} : memref<8x512xf32, #tpu.memory_space<vmem>>, vector<1x16xf32>,
          %swap3A_1116 = vector.shape_cast %swap3A_1115 : vector<1x16xf32> to vector<16xf32>
          %swap3A_1117 = vector.shape_cast %broadcast_in_dim3A_709 : vector<16xf32> to vector<1x16xf32>
          tpu.vector_store %arg14[%swap3A_1113, %swap3A_1114], %swap3A_1117 {strides = array<i32>} : memref<8x512xf32, #tpu.memory_space<vmem>>, vector<1x16xf32>,
          %swap3A_1118 = arith.index_cast %while3A_1083 : i32 to index
          %swap3A_1119 = arith.constant 112 : index
          %swap3A_1120 = tpu.vector_load %arg14[%swap3A_1118, %swap3A_1119] {strides = array<i32>} : memref<8x512xf32, #tpu.memory_space<vmem>>, vector<1x16xf32>,
          %swap3A_1121 = vector.shape_cast %swap3A_1120 : vector<1x16xf32> to vector<16xf32>
          %swap3A_1122 = vector.shape_cast %broadcast_in_dim3A_709 : vector<16xf32> to vector<1x16xf32>
          tpu.vector_store %arg14[%swap3A_1118, %swap3A_1119], %swap3A_1122 {strides = array<i32>} : memref<8x512xf32, #tpu.memory_space<vmem>>, vector<1x16xf32>,
          %swap3A_1123 = arith.index_cast %while3A_1083 : i32 to index
          %swap3A_1124 = arith.constant 128 : index
          %swap3A_1125 = tpu.vector_load %arg14[%swap3A_1123, %swap3A_1124] {strides = array<i32>} : memref<8x512xf32, #tpu.memory_space<vmem>>, vector<1x16xf32>,
          %swap3A_1126 = vector.shape_cast %swap3A_1125 : vector<1x16xf32> to vector<16xf32>
          %swap3A_1127 = vector.shape_cast %broadcast_in_dim3A_709 : vector<16xf32> to vector<1x16xf32>
          tpu.vector_store %arg14[%swap3A_1123, %swap3A_1124], %swap3A_1127 {strides = array<i32>} : memref<8x512xf32, #tpu.memory_space<vmem>>, vector<1x16xf32>,
          %swap3A_1128 = arith.index_cast %while3A_1083 : i32 to index
          %swap3A_1129 = arith.constant 144 : index
          %swap3A_1130 = tpu.vector_load %arg14[%swap3A_1128, %swap3A_1129] {strides = array<i32>} : memref<8x512xf32, #tpu.memory_space<vmem>>, vector<1x16xf32>,
          %swap3A_1131 = vector.shape_cast %swap3A_1130 : vector<1x16xf32> to vector<16xf32>
          %swap3A_1132 = vector.shape_cast %broadcast_in_dim3A_709 : vector<16xf32> to vector<1x16xf32>
          tpu.vector_store %arg14[%swap3A_1128, %swap3A_1129], %swap3A_1132 {strides = array<i32>} : memref<8x512xf32, #tpu.memory_space<vmem>>, vector<1x16xf32>,
          %swap3A_1133 = arith.index_cast %while3A_1083 : i32 to index
          %swap3A_1134 = arith.constant 160 : index
          %swap3A_1135 = tpu.vector_load %arg14[%swap3A_1133, %swap3A_1134] {strides = array<i32>} : memref<8x512xf32, #tpu.memory_space<vmem>>, vector<1x16xf32>,
          %swap3A_1136 = vector.shape_cast %swap3A_1135 : vector<1x16xf32> to vector<16xf32>
          %swap3A_1137 = vector.shape_cast %broadcast_in_dim3A_709 : vector<16xf32> to vector<1x16xf32>
          tpu.vector_store %arg14[%swap3A_1133, %swap3A_1134], %swap3A_1137 {strides = array<i32>} : memref<8x512xf32, #tpu.memory_space<vmem>>, vector<1x16xf32>,
          %swap3A_1138 = arith.index_cast %while3A_1083 : i32 to index
          %swap3A_1139 = arith.constant 176 : index
          %swap3A_1140 = tpu.vector_load %arg14[%swap3A_1138, %swap3A_1139] {strides = array<i32>} : memref<8x512xf32, #tpu.memory_space<vmem>>, vector<1x16xf32>,
          %swap3A_1141 = vector.shape_cast %swap3A_1140 : vector<1x16xf32> to vector<16xf32>
          %swap3A_1142 = vector.shape_cast %broadcast_in_dim3A_709 : vector<16xf32> to vector<1x16xf32>
          tpu.vector_store %arg14[%swap3A_1138, %swap3A_1139], %swap3A_1142 {strides = array<i32>} : memref<8x512xf32, #tpu.memory_space<vmem>>, vector<1x16xf32>,
          %swap3A_1143 = arith.index_cast %while3A_1083 : i32 to index
          %swap3A_1144 = arith.constant 192 : index
          %swap3A_1145 = tpu.vector_load %arg14[%swap3A_1143, %swap3A_1144] {strides = array<i32>} : memref<8x512xf32, #tpu.memory_space<vmem>>, vector<1x16xf32>,
          %swap3A_1146 = vector.shape_cast %swap3A_1145 : vector<1x16xf32> to vector<16xf32>
          %swap3A_1147 = vector.shape_cast %broadcast_in_dim3A_709 : vector<16xf32> to vector<1x16xf32>
          tpu.vector_store %arg14[%swap3A_1143, %swap3A_1144], %swap3A_1147 {strides = array<i32>} : memref<8x512xf32, #tpu.memory_space<vmem>>, vector<1x16xf32>,
          %swap3A_1148 = arith.index_cast %while3A_1083 : i32 to index
          %swap3A_1149 = arith.constant 208 : index
          %swap3A_1150 = tpu.vector_load %arg14[%swap3A_1148, %swap3A_1149] {strides = array<i32>} : memref<8x512xf32, #tpu.memory_space<vmem>>, vector<1x16xf32>,
          %swap3A_1151 = vector.shape_cast %swap3A_1150 : vector<1x16xf32> to vector<16xf32>
          %swap3A_1152 = vector.shape_cast %broadcast_in_dim3A_709 : vector<16xf32> to vector<1x16xf32>
          tpu.vector_store %arg14[%swap3A_1148, %swap3A_1149], %swap3A_1152 {strides = array<i32>} : memref<8x512xf32, #tpu.memory_space<vmem>>, vector<1x16xf32>,
          %swap3A_1153 = arith.index_cast %while3A_1083 : i32 to index
          %swap3A_1154 = arith.constant 224 : index
          %swap3A_1155 = tpu.vector_load %arg14[%swap3A_1153, %swap3A_1154] {strides = array<i32>} : memref<8x512xf32, #tpu.memory_space<vmem>>, vector<1x16xf32>,
          %swap3A_1156 = vector.shape_cast %swap3A_1155 : vector<1x16xf32> to vector<16xf32>
          %swap3A_1157 = vector.shape_cast %broadcast_in_dim3A_709 : vector<16xf32> to vector<1x16xf32>
          tpu.vector_store %arg14[%swap3A_1153, %swap3A_1154], %swap3A_1157 {strides = array<i32>} : memref<8x512xf32, #tpu.memory_space<vmem>>, vector<1x16xf32>,
          %swap3A_1158 = arith.index_cast %while3A_1083 : i32 to index
          %swap3A_1159 = arith.constant 240 : index
          %swap3A_1160 = tpu.vector_load %arg14[%swap3A_1158, %swap3A_1159] {strides = array<i32>} : memref<8x512xf32, #tpu.memory_space<vmem>>, vector<1x16xf32>,
          %swap3A_1161 = vector.shape_cast %swap3A_1160 : vector<1x16xf32> to vector<16xf32>
          %swap3A_1162 = vector.shape_cast %broadcast_in_dim3A_709 : vector<16xf32> to vector<1x16xf32>
          tpu.vector_store %arg14[%swap3A_1158, %swap3A_1159], %swap3A_1162 {strides = array<i32>} : memref<8x512xf32, #tpu.memory_space<vmem>>, vector<1x16xf32>,
          %swap3A_1163 = arith.index_cast %while3A_1083 : i32 to index
          %swap3A_1164 = arith.constant 256 : index
          %swap3A_1165 = tpu.vector_load %arg14[%swap3A_1163, %swap3A_1164] {strides = array<i32>} : memref<8x512xf32, #tpu.memory_space<vmem>>, vector<1x16xf32>,
          %swap3A_1166 = vector.shape_cast %swap3A_1165 : vector<1x16xf32> to vector<16xf32>
          %swap3A_1167 = vector.shape_cast %broadcast_in_dim3A_709 : vector<16xf32> to vector<1x16xf32>
          tpu.vector_store %arg14[%swap3A_1163, %swap3A_1164], %swap3A_1167 {strides = array<i32>} : memref<8x512xf32, #tpu.memory_space<vmem>>, vector<1x16xf32>,
          %swap3A_1168 = arith.index_cast %while3A_1083 : i32 to index
          %swap3A_1169 = arith.constant 272 : index
          %swap3A_1170 = tpu.vector_load %arg14[%swap3A_1168, %swap3A_1169] {strides = array<i32>} : memref<8x512xf32, #tpu.memory_space<vmem>>, vector<1x16xf32>,
          %swap3A_1171 = vector.shape_cast %swap3A_1170 : vector<1x16xf32> to vector<16xf32>
          %swap3A_1172 = vector.shape_cast %broadcast_in_dim3A_709 : vector<16xf32> to vector<1x16xf32>
          tpu.vector_store %arg14[%swap3A_1168, %swap3A_1169], %swap3A_1172 {strides = array<i32>} : memref<8x512xf32, #tpu.memory_space<vmem>>, vector<1x16xf32>,
          %swap3A_1173 = arith.index_cast %while3A_1083 : i32 to index
          %swap3A_1174 = arith.constant 288 : index
          %swap3A_1175 = tpu.vector_load %arg14[%swap3A_1173, %swap3A_1174] {strides = array<i32>} : memref<8x512xf32, #tpu.memory_space<vmem>>, vector<1x16xf32>,
          %swap3A_1176 = vector.shape_cast %swap3A_1175 : vector<1x16xf32> to vector<16xf32>
          %swap3A_1177 = vector.shape_cast %broadcast_in_dim3A_709 : vector<16xf32> to vector<1x16xf32>
          tpu.vector_store %arg14[%swap3A_1173, %swap3A_1174], %swap3A_1177 {strides = array<i32>} : memref<8x512xf32, #tpu.memory_space<vmem>>, vector<1x16xf32>,
          %swap3A_1178 = arith.index_cast %while3A_1083 : i32 to index
          %swap3A_1179 = arith.constant 304 : index
          %swap3A_1180 = tpu.vector_load %arg14[%swap3A_1178, %swap3A_1179] {strides = array<i32>} : memref<8x512xf32, #tpu.memory_space<vmem>>, vector<1x16xf32>,
          %swap3A_1181 = vector.shape_cast %swap3A_1180 : vector<1x16xf32> to vector<16xf32>
          %swap3A_1182 = vector.shape_cast %broadcast_in_dim3A_709 : vector<16xf32> to vector<1x16xf32>
          tpu.vector_store %arg14[%swap3A_1178, %swap3A_1179], %swap3A_1182 {strides = array<i32>} : memref<8x512xf32, #tpu.memory_space<vmem>>, vector<1x16xf32>,
          %swap3A_1183 = arith.index_cast %while3A_1083 : i32 to index
          %swap3A_1184 = arith.constant 320 : index
          %swap3A_1185 = tpu.vector_load %arg14[%swap3A_1183, %swap3A_1184] {strides = array<i32>} : memref<8x512xf32, #tpu.memory_space<vmem>>, vector<1x16xf32>,
          %swap3A_1186 = vector.shape_cast %swap3A_1185 : vector<1x16xf32> to vector<16xf32>
          %swap3A_1187 = vector.shape_cast %broadcast_in_dim3A_709 : vector<16xf32> to vector<1x16xf32>
          tpu.vector_store %arg14[%swap3A_1183, %swap3A_1184], %swap3A_1187 {strides = array<i32>} : memref<8x512xf32, #tpu.memory_space<vmem>>, vector<1x16xf32>,
          %swap3A_1188 = arith.index_cast %while3A_1083 : i32 to index
          %swap3A_1189 = arith.constant 336 : index
          %swap3A_1190 = tpu.vector_load %arg14[%swap3A_1188, %swap3A_1189] {strides = array<i32>} : memref<8x512xf32, #tpu.memory_space<vmem>>, vector<1x16xf32>,
          %swap3A_1191 = vector.shape_cast %swap3A_1190 : vector<1x16xf32> to vector<16xf32>
          %swap3A_1192 = vector.shape_cast %broadcast_in_dim3A_709 : vector<16xf32> to vector<1x16xf32>
          tpu.vector_store %arg14[%swap3A_1188, %swap3A_1189], %swap3A_1192 {strides = array<i32>} : memref<8x512xf32, #tpu.memory_space<vmem>>, vector<1x16xf32>,
          %swap3A_1193 = arith.index_cast %while3A_1083 : i32 to index
          %swap3A_1194 = arith.constant 352 : index
          %swap3A_1195 = tpu.vector_load %arg14[%swap3A_1193, %swap3A_1194] {strides = array<i32>} : memref<8x512xf32, #tpu.memory_space<vmem>>, vector<1x16xf32>,
          %swap3A_1196 = vector.shape_cast %swap3A_1195 : vector<1x16xf32> to vector<16xf32>
          %swap3A_1197 = vector.shape_cast %broadcast_in_dim3A_709 : vector<16xf32> to vector<1x16xf32>
          tpu.vector_store %arg14[%swap3A_1193, %swap3A_1194], %swap3A_1197 {strides = array<i32>} : memref<8x512xf32, #tpu.memory_space<vmem>>, vector<1x16xf32>,
          %swap3A_1198 = arith.index_cast %while3A_1083 : i32 to index
          %swap3A_1199 = arith.constant 368 : index
          %swap3A_1200 = tpu.vector_load %arg14[%swap3A_1198, %swap3A_1199] {strides = array<i32>} : memref<8x512xf32, #tpu.memory_space<vmem>>, vector<1x16xf32>,
          %swap3A_1201 = vector.shape_cast %swap3A_1200 : vector<1x16xf32> to vector<16xf32>
          %swap3A_1202 = vector.shape_cast %broadcast_in_dim3A_709 : vector<16xf32> to vector<1x16xf32>
          tpu.vector_store %arg14[%swap3A_1198, %swap3A_1199], %swap3A_1202 {strides = array<i32>} : memref<8x512xf32, #tpu.memory_space<vmem>>, vector<1x16xf32>,
          %swap3A_1203 = arith.index_cast %while3A_1083 : i32 to index
          %swap3A_1204 = arith.constant 384 : index
          %swap3A_1205 = tpu.vector_load %arg14[%swap3A_1203, %swap3A_1204] {strides = array<i32>} : memref<8x512xf32, #tpu.memory_space<vmem>>, vector<1x16xf32>,
          %swap3A_1206 = vector.shape_cast %swap3A_1205 : vector<1x16xf32> to vector<16xf32>
          %swap3A_1207 = vector.shape_cast %broadcast_in_dim3A_709 : vector<16xf32> to vector<1x16xf32>
          tpu.vector_store %arg14[%swap3A_1203, %swap3A_1204], %swap3A_1207 {strides = array<i32>} : memref<8x512xf32, #tpu.memory_space<vmem>>, vector<1x16xf32>,
          %swap3A_1208 = arith.index_cast %while3A_1083 : i32 to index
          %swap3A_1209 = arith.constant 400 : index
          %swap3A_1210 = tpu.vector_load %arg14[%swap3A_1208, %swap3A_1209] {strides = array<i32>} : memref<8x512xf32, #tpu.memory_space<vmem>>, vector<1x16xf32>,
          %swap3A_1211 = vector.shape_cast %swap3A_1210 : vector<1x16xf32> to vector<16xf32>
          %swap3A_1212 = vector.shape_cast %broadcast_in_dim3A_709 : vector<16xf32> to vector<1x16xf32>
          tpu.vector_store %arg14[%swap3A_1208, %swap3A_1209], %swap3A_1212 {strides = array<i32>} : memref<8x512xf32, #tpu.memory_space<vmem>>, vector<1x16xf32>,
          %swap3A_1213 = arith.index_cast %while3A_1083 : i32 to index
          %swap3A_1214 = arith.constant 416 : index
          %swap3A_1215 = tpu.vector_load %arg14[%swap3A_1213, %swap3A_1214] {strides = array<i32>} : memref<8x512xf32, #tpu.memory_space<vmem>>, vector<1x16xf32>,
          %swap3A_1216 = vector.shape_cast %swap3A_1215 : vector<1x16xf32> to vector<16xf32>
          %swap3A_1217 = vector.shape_cast %broadcast_in_dim3A_709 : vector<16xf32> to vector<1x16xf32>
          tpu.vector_store %arg14[%swap3A_1213, %swap3A_1214], %swap3A_1217 {strides = array<i32>} : memref<8x512xf32, #tpu.memory_space<vmem>>, vector<1x16xf32>,
          %swap3A_1218 = arith.index_cast %while3A_1083 : i32 to index
          %swap3A_1219 = arith.constant 432 : index
          %swap3A_1220 = tpu.vector_load %arg14[%swap3A_1218, %swap3A_1219] {strides = array<i32>} : memref<8x512xf32, #tpu.memory_space<vmem>>, vector<1x16xf32>,
          %swap3A_1221 = vector.shape_cast %swap3A_1220 : vector<1x16xf32> to vector<16xf32>
          %swap3A_1222 = vector.shape_cast %broadcast_in_dim3A_709 : vector<16xf32> to vector<1x16xf32>
          tpu.vector_store %arg14[%swap3A_1218, %swap3A_1219], %swap3A_1222 {strides = array<i32>} : memref<8x512xf32, #tpu.memory_space<vmem>>, vector<1x16xf32>,
          %swap3A_1223 = arith.index_cast %while3A_1083 : i32 to index
          %swap3A_1224 = arith.constant 448 : index
          %swap3A_1225 = tpu.vector_load %arg14[%swap3A_1223, %swap3A_1224] {strides = array<i32>} : memref<8x512xf32, #tpu.memory_space<vmem>>, vector<1x16xf32>,
          %swap3A_1226 = vector.shape_cast %swap3A_1225 : vector<1x16xf32> to vector<16xf32>
          %swap3A_1227 = vector.shape_cast %broadcast_in_dim3A_709 : vector<16xf32> to vector<1x16xf32>
          tpu.vector_store %arg14[%swap3A_1223, %swap3A_1224], %swap3A_1227 {strides = array<i32>} : memref<8x512xf32, #tpu.memory_space<vmem>>, vector<1x16xf32>,
          %swap3A_1228 = arith.index_cast %while3A_1083 : i32 to index
          %swap3A_1229 = arith.constant 464 : index
          %swap3A_1230 = tpu.vector_load %arg14[%swap3A_1228, %swap3A_1229] {strides = array<i32>} : memref<8x512xf32, #tpu.memory_space<vmem>>, vector<1x16xf32>,
          %swap3A_1231 = vector.shape_cast %swap3A_1230 : vector<1x16xf32> to vector<16xf32>
          %swap3A_1232 = vector.shape_cast %broadcast_in_dim3A_709 : vector<16xf32> to vector<1x16xf32>
          tpu.vector_store %arg14[%swap3A_1228, %swap3A_1229], %swap3A_1232 {strides = array<i32>} : memref<8x512xf32, #tpu.memory_space<vmem>>, vector<1x16xf32>,
          %swap3A_1233 = arith.index_cast %while3A_1083 : i32 to index
          %swap3A_1234 = arith.constant 480 : index
          %swap3A_1235 = tpu.vector_load %arg14[%swap3A_1233, %swap3A_1234] {strides = array<i32>} : memref<8x512xf32, #tpu.memory_space<vmem>>, vector<1x16xf32>,
          %swap3A_1236 = vector.shape_cast %swap3A_1235 : vector<1x16xf32> to vector<16xf32>
          %swap3A_1237 = vector.shape_cast %broadcast_in_dim3A_709 : vector<16xf32> to vector<1x16xf32>
          tpu.vector_store %arg14[%swap3A_1233, %swap3A_1234], %swap3A_1237 {strides = array<i32>} : memref<8x512xf32, #tpu.memory_space<vmem>>, vector<1x16xf32>,
          %swap3A_1238 = arith.index_cast %while3A_1083 : i32 to index
          %swap3A_1239 = arith.constant 496 : index
          %swap3A_1240 = tpu.vector_load %arg14[%swap3A_1238, %swap3A_1239] {strides = array<i32>} : memref<8x512xf32, #tpu.memory_space<vmem>>, vector<1x16xf32>,
          %swap3A_1241 = vector.shape_cast %swap3A_1240 : vector<1x16xf32> to vector<16xf32>
          %swap3A_1242 = vector.shape_cast %broadcast_in_dim3A_709 : vector<16xf32> to vector<1x16xf32>
          tpu.vector_store %arg14[%swap3A_1238, %swap3A_1239], %swap3A_1242 {strides = array<i32>} : memref<8x512xf32, #tpu.memory_space<vmem>>, vector<1x16xf32>,
          %swap3A_1243 = arith.index_cast %while3A_1083 : i32 to index
          %swap3A_1244 = arith.constant 0 : index
          %swap3A_1245 = tpu.vector_load %arg15[%swap3A_1243, %swap3A_1244] {strides = array<i32>} : memref<8x64xf32, #tpu.memory_space<vmem>>, vector<1x16xf32>,
          %swap3A_1246 = vector.shape_cast %swap3A_1245 : vector<1x16xf32> to vector<16xf32>
          %swap3A_1247 = vector.shape_cast %broadcast_in_dim3A_709 : vector<16xf32> to vector<1x16xf32>
          tpu.vector_store %arg15[%swap3A_1243, %swap3A_1244], %swap3A_1247 {strides = array<i32>} : memref<8x64xf32, #tpu.memory_space<vmem>>, vector<1x16xf32>,
          %swap3A_1248 = arith.index_cast %while3A_1083 : i32 to index
          %swap3A_1249 = arith.constant 16 : index
          %swap3A_1250 = tpu.vector_load %arg15[%swap3A_1248, %swap3A_1249] {strides = array<i32>} : memref<8x64xf32, #tpu.memory_space<vmem>>, vector<1x16xf32>,
          %swap3A_1251 = vector.shape_cast %swap3A_1250 : vector<1x16xf32> to vector<16xf32>
          %swap3A_1252 = vector.shape_cast %broadcast_in_dim3A_709 : vector<16xf32> to vector<1x16xf32>
          tpu.vector_store %arg15[%swap3A_1248, %swap3A_1249], %swap3A_1252 {strides = array<i32>} : memref<8x64xf32, #tpu.memory_space<vmem>>, vector<1x16xf32>,
          %swap3A_1253 = arith.index_cast %while3A_1083 : i32 to index
          %swap3A_1254 = arith.constant 32 : index
          %swap3A_1255 = tpu.vector_load %arg15[%swap3A_1253, %swap3A_1254] {strides = array<i32>} : memref<8x64xf32, #tpu.memory_space<vmem>>, vector<1x16xf32>,
          %swap3A_1256 = vector.shape_cast %swap3A_1255 : vector<1x16xf32> to vector<16xf32>
          %swap3A_1257 = vector.shape_cast %broadcast_in_dim3A_709 : vector<16xf32> to vector<1x16xf32>
          tpu.vector_store %arg15[%swap3A_1253, %swap3A_1254], %swap3A_1257 {strides = array<i32>} : memref<8x64xf32, #tpu.memory_space<vmem>>, vector<1x16xf32>,
          %swap3A_1258 = arith.index_cast %while3A_1083 : i32 to index
          %swap3A_1259 = arith.constant 48 : index
          %swap3A_1260 = tpu.vector_load %arg15[%swap3A_1258, %swap3A_1259] {strides = array<i32>} : memref<8x64xf32, #tpu.memory_space<vmem>>, vector<1x16xf32>,
          %swap3A_1261 = vector.shape_cast %swap3A_1260 : vector<1x16xf32> to vector<16xf32>
          %swap3A_1262 = vector.shape_cast %broadcast_in_dim3A_709 : vector<16xf32> to vector<1x16xf32>
          tpu.vector_store %arg15[%swap3A_1258, %swap3A_1259], %swap3A_1262 {strides = array<i32>} : memref<8x64xf32, #tpu.memory_space<vmem>>, vector<1x16xf32>,
        }
        %add3A_1081 = arith.addi %add3A_357, %mul3A_911 : i32
        "tpu.region"() ({
          %run_scoped3A = tpu.sem_alloc : memref<!tpu.dma_semaphore, #tpu.memory_space<semaphore_mem>>
          %dma_start3A_1083 = arith.constant 0 : i32
          %dma_start3A_1084 = tpu.memref_slice %arg9[%add3A_1081, %dma_start3A_1083] : memref<8192x512xf32, #tpu.memory_space<hbm>> -> memref<8x512xf32, #tpu.memory_space<hbm>>
          %dma_start3A_1085 = arith.constant 0 : i32
          %dma_start3A_1086 = tpu.memref_slice %arg9[%add3A_1081, %dma_start3A_1085] : memref<8192x512xf32, #tpu.memory_space<hbm>> -> memref<8x512xf32, #tpu.memory_space<hbm>>
          tpu.enqueue_dma source(%arg14 : memref<8x512xf32, #tpu.memory_space<vmem>>) target(%dma_start3A_1086 : memref<8x512xf32, #tpu.memory_space<hbm>>) target_semaphore(%run_scoped3A : memref<!tpu.dma_semaphore, #tpu.memory_space<semaphore_mem>>)
          %dma_wait3A_1087 = arith.constant 0 : i32
          %dma_wait3A_1088 = tpu.memref_slice %arg9[%add3A_1081, %dma_wait3A_1087] : memref<8192x512xf32, #tpu.memory_space<hbm>> -> memref<8x512xf32, #tpu.memory_space<hbm>>
          %dma_wait3A_1089 = arith.constant 0 : i32
          %dma_wait3A_1090 = tpu.memref_slice %arg9[%add3A_1081, %dma_wait3A_1089] : memref<8192x512xf32, #tpu.memory_space<hbm>> -> memref<8x512xf32, #tpu.memory_space<hbm>>
          tpu.wait_dma2 semaphore(%run_scoped3A : memref<!tpu.dma_semaphore, #tpu.memory_space<semaphore_mem>>) src(%arg14 : memref<8x512xf32, #tpu.memory_space<vmem>>) dst(%dma_wait3A_1090 : memref<8x512xf32, #tpu.memory_space<hbm>>)
          tpu.yield
        }) : () -> ()
        %add3A_1082 = arith.addi %add3A_357, %mul3A_911 : i32
        "tpu.region"() ({
          %run_scoped3A = tpu.sem_alloc : memref<!tpu.dma_semaphore, #tpu.memory_space<semaphore_mem>>
          %dma_start3A_1083 = arith.constant 0 : i32
          %dma_start3A_1084 = tpu.memref_slice %arg8[%add3A_1082, %dma_start3A_1083] : memref<8192x64xf32, #tpu.memory_space<hbm>> -> memref<8x64xf32, #tpu.memory_space<hbm>>
          %dma_start3A_1085 = arith.constant 0 : i32
          %dma_start3A_1086 = tpu.memref_slice %arg8[%add3A_1082, %dma_start3A_1085] : memref<8192x64xf32, #tpu.memory_space<hbm>> -> memref<8x64xf32, #tpu.memory_space<hbm>>
          tpu.enqueue_dma source(%arg15 : memref<8x64xf32, #tpu.memory_space<vmem>>) target(%dma_start3A_1086 : memref<8x64xf32, #tpu.memory_space<hbm>>) target_semaphore(%run_scoped3A : memref<!tpu.dma_semaphore, #tpu.memory_space<semaphore_mem>>)
          %dma_wait3A_1087 = arith.constant 0 : i32
          %dma_wait3A_1088 = tpu.memref_slice %arg8[%add3A_1082, %dma_wait3A_1087] : memref<8192x64xf32, #tpu.memory_space<hbm>> -> memref<8x64xf32, #tpu.memory_space<hbm>>
          %dma_wait3A_1089 = arith.constant 0 : i32
          %dma_wait3A_1090 = tpu.memref_slice %arg8[%add3A_1082, %dma_wait3A_1089] : memref<8192x64xf32, #tpu.memory_space<hbm>> -> memref<8x64xf32, #tpu.memory_space<hbm>>
          tpu.wait_dma2 semaphore(%run_scoped3A : memref<!tpu.dma_semaphore, #tpu.memory_space<semaphore_mem>>) src(%arg15 : memref<8x64xf32, #tpu.memory_space<vmem>>) dst(%dma_wait3A_1090 : memref<8x64xf32, #tpu.memory_space<hbm>>)
          tpu.yield
        }) : () -> ()
      } else {
      }
    } else {
    }
    %gt3A_824 = arith.constant 0 : i32
    %gt3A_825 = arith.cmpi sgt, %min3A_699, %gt3A_824 : i32
    %convert_element_type3A_826 = arith.extui %gt3A_825 : i1 to i32
    %cond3A_827 = arith.constant 1 : i32
    %cond3A_828 = arith.constant 0 : i32
    %cond3A_829 = arith.cmpi ne, %convert_element_type3A_826, %cond3A_828 : i32
    scf.if %cond3A_829 {
      %dma_wait3A_886 = arith.constant 64 : i32
      %dma_wait3A_887 = arith.constant 0 : i32
      %dma_wait3A_888 = tpu.memref_slice %arg16[%dma_wait3A_886, %dma_wait3A_887] : memref<128x512xf32, #tpu.memory_space<vmem>> -> memref<64x512xf32, #tpu.memory_space<vmem>>
      %dma_wait3A_889 = arith.constant 0 : i32
      %dma_wait3A_890 = arith.constant 0 : i32
      %dma_wait3A_891 = tpu.memref_slice %arg6[%dma_wait3A_889, %dma_wait3A_890] : memref<32768x512xf32, #tpu.memory_space<hbm>> -> memref<64x512xf32, #tpu.memory_space<hbm>>
      %dma_wait3A_892 = tpu.memref_slice %arg20[%cond3A_827] : memref<3x!tpu.dma_semaphore, #tpu.memory_space<semaphore_mem>> -> memref<1x!tpu.dma_semaphore, #tpu.memory_space<semaphore_mem>>
      %dma_wait3A_893 = tpu.memref_squeeze %dma_wait3A_892 : memref<1x!tpu.dma_semaphore, #tpu.memory_space<semaphore_mem>> -> memref<!tpu.dma_semaphore, #tpu.memory_space<semaphore_mem>>
      %dma_wait3A_894 = arith.constant 64 : i32
      %dma_wait3A_895 = arith.constant 0 : i32
      %dma_wait3A_896 = tpu.memref_slice %arg16[%dma_wait3A_894, %dma_wait3A_895] : memref<128x512xf32, #tpu.memory_space<vmem>> -> memref<64x512xf32, #tpu.memory_space<vmem>>
      %dma_wait3A_897 = arith.constant 0 : i32
      %dma_wait3A_898 = arith.constant 0 : i32
      %dma_wait3A_899 = tpu.memref_slice %arg6[%dma_wait3A_897, %dma_wait3A_898] : memref<32768x512xf32, #tpu.memory_space<hbm>> -> memref<64x512xf32, #tpu.memory_space<hbm>>
      tpu.wait_dma2 semaphore(%dma_wait3A_893 : memref<!tpu.dma_semaphore, #tpu.memory_space<semaphore_mem>>) src(%dma_wait3A_899 : memref<64x512xf32, #tpu.memory_space<hbm>>) dst(%dma_wait3A_896 : memref<64x512xf32, #tpu.memory_space<vmem>>)
      %dma_wait3A_900 = arith.constant 64 : i32
      %dma_wait3A_901 = arith.constant 0 : i32
      %dma_wait3A_902 = tpu.memref_slice %arg17[%dma_wait3A_900, %dma_wait3A_901] : memref<128x64xf32, #tpu.memory_space<vmem>> -> memref<64x64xf32, #tpu.memory_space<vmem>>
      %dma_wait3A_903 = arith.constant 0 : i32
      %dma_wait3A_904 = arith.constant 0 : i32
      %dma_wait3A_905 = tpu.memref_slice %arg7[%dma_wait3A_903, %dma_wait3A_904] : memref<32768x64xf32, #tpu.memory_space<hbm>> -> memref<64x64xf32, #tpu.memory_space<hbm>>
      %dma_wait3A_906 = tpu.memref_slice %arg20[%cond3A_827] : memref<3x!tpu.dma_semaphore, #tpu.memory_space<semaphore_mem>> -> memref<1x!tpu.dma_semaphore, #tpu.memory_space<semaphore_mem>>
      %dma_wait3A_907 = tpu.memref_squeeze %dma_wait3A_906 : memref<1x!tpu.dma_semaphore, #tpu.memory_space<semaphore_mem>> -> memref<!tpu.dma_semaphore, #tpu.memory_space<semaphore_mem>>
      %dma_wait3A_908 = arith.constant 64 : i32
      %dma_wait3A_909 = arith.constant 0 : i32
      %dma_wait3A_910 = tpu.memref_slice %arg17[%dma_wait3A_908, %dma_wait3A_909] : memref<128x64xf32, #tpu.memory_space<vmem>> -> memref<64x64xf32, #tpu.memory_space<vmem>>
      %dma_wait3A_911 = arith.constant 0 : i32
      %dma_wait3A_912 = arith.constant 0 : i32
      %dma_wait3A_913 = tpu.memref_slice %arg7[%dma_wait3A_911, %dma_wait3A_912] : memref<32768x64xf32, #tpu.memory_space<hbm>> -> memref<64x64xf32, #tpu.memory_space<hbm>>
      tpu.wait_dma2 semaphore(%dma_wait3A_907 : memref<!tpu.dma_semaphore, #tpu.memory_space<semaphore_mem>>) src(%dma_wait3A_913 : memref<64x64xf32, #tpu.memory_space<hbm>>) dst(%dma_wait3A_910 : memref<64x64xf32, #tpu.memory_space<vmem>>)
    } else {
    }
    %gt3A_830 = arith.constant 0 : i32
    %gt3A_831 = arith.cmpi sgt, %min3A_699, %gt3A_830 : i32
    %convert_element_type3A_832 = arith.extui %gt3A_831 : i1 to i32
    %cond3A_833 = arith.constant 1 : i32
    %cond3A_834 = arith.constant 0 : i32
    %cond3A_835 = arith.cmpi ne, %convert_element_type3A_832, %cond3A_834 : i32
    scf.if %cond3A_835 {
      %dma_start3A_886 = arith.constant 64 : i32
      %dma_start3A_887 = arith.constant 0 : i32
      %dma_start3A_888 = tpu.memref_slice %arg16[%dma_start3A_886, %dma_start3A_887] : memref<128x512xf32, #tpu.memory_space<vmem>> -> memref<64x512xf32, #tpu.memory_space<vmem>>
      %dma_start3A_889 = arith.constant 0 : i32
      %dma_start3A_890 = tpu.memref_slice %arg9[%add3A_687, %dma_start3A_889] : memref<8192x512xf32, #tpu.memory_space<hbm>> -> memref<64x512xf32, #tpu.memory_space<hbm>>
      %dma_start3A_891 = tpu.memref_slice %arg21[%cond3A_833] : memref<2x!tpu.dma_semaphore, #tpu.memory_space<semaphore_mem>> -> memref<1x!tpu.dma_semaphore, #tpu.memory_space<semaphore_mem>>
      %dma_start3A_892 = tpu.memref_squeeze %dma_start3A_891 : memref<1x!tpu.dma_semaphore, #tpu.memory_space<semaphore_mem>> -> memref<!tpu.dma_semaphore, #tpu.memory_space<semaphore_mem>>
      %dma_start3A_893 = arith.constant 0 : i32
      %dma_start3A_894 = tpu.memref_slice %arg9[%add3A_687, %dma_start3A_893] : memref<8192x512xf32, #tpu.memory_space<hbm>> -> memref<64x512xf32, #tpu.memory_space<hbm>>
      %dma_start3A_895 = arith.constant 64 : i32
      %dma_start3A_896 = arith.constant 0 : i32
      %dma_start3A_897 = tpu.memref_slice %arg16[%dma_start3A_895, %dma_start3A_896] : memref<128x512xf32, #tpu.memory_space<vmem>> -> memref<64x512xf32, #tpu.memory_space<vmem>>
      tpu.enqueue_dma source(%dma_start3A_897 : memref<64x512xf32, #tpu.memory_space<vmem>>) target(%dma_start3A_894 : memref<64x512xf32, #tpu.memory_space<hbm>>) target_semaphore(%dma_start3A_892 : memref<!tpu.dma_semaphore, #tpu.memory_space<semaphore_mem>>)
      %dma_start3A_898 = arith.constant 64 : i32
      %dma_start3A_899 = arith.constant 0 : i32
      %dma_start3A_900 = tpu.memref_slice %arg17[%dma_start3A_898, %dma_start3A_899] : memref<128x64xf32, #tpu.memory_space<vmem>> -> memref<64x64xf32, #tpu.memory_space<vmem>>
      %dma_start3A_901 = arith.constant 0 : i32
      %dma_start3A_902 = tpu.memref_slice %arg8[%add3A_687, %dma_start3A_901] : memref<8192x64xf32, #tpu.memory_space<hbm>> -> memref<64x64xf32, #tpu.memory_space<hbm>>
      %dma_start3A_903 = tpu.memref_slice %arg21[%cond3A_833] : memref<2x!tpu.dma_semaphore, #tpu.memory_space<semaphore_mem>> -> memref<1x!tpu.dma_semaphore, #tpu.memory_space<semaphore_mem>>
      %dma_start3A_904 = tpu.memref_squeeze %dma_start3A_903 : memref<1x!tpu.dma_semaphore, #tpu.memory_space<semaphore_mem>> -> memref<!tpu.dma_semaphore, #tpu.memory_space<semaphore_mem>>
      %dma_start3A_905 = arith.constant 0 : i32
      %dma_start3A_906 = tpu.memref_slice %arg8[%add3A_687, %dma_start3A_905] : memref<8192x64xf32, #tpu.memory_space<hbm>> -> memref<64x64xf32, #tpu.memory_space<hbm>>
      %dma_start3A_907 = arith.constant 64 : i32
      %dma_start3A_908 = arith.constant 0 : i32
      %dma_start3A_909 = tpu.memref_slice %arg17[%dma_start3A_907, %dma_start3A_908] : memref<128x64xf32, #tpu.memory_space<vmem>> -> memref<64x64xf32, #tpu.memory_space<vmem>>
      tpu.enqueue_dma source(%dma_start3A_909 : memref<64x64xf32, #tpu.memory_space<vmem>>) target(%dma_start3A_906 : memref<64x64xf32, #tpu.memory_space<hbm>>) target_semaphore(%dma_start3A_904 : memref<!tpu.dma_semaphore, #tpu.memory_space<semaphore_mem>>)
    } else {
    }
    %le3A_836 = arith.constant 0 : i32
    %le3A_837 = arith.cmpi sle, %min3A_699, %le3A_836 : i32
    %convert_element_type3A_838 = arith.extui %le3A_837 : i1 to i32
    %cond3A_839 = arith.constant 1 : i32
    %cond3A_840 = arith.constant 0 : i32
    %cond3A_841 = arith.cmpi ne, %convert_element_type3A_838, %cond3A_840 : i32
    scf.if %cond3A_841 {
      %dma_start3A_886 = arith.constant 0 : i32
      %dma_start3A_887 = tpu.memref_slice %arg9[%add3A_687, %dma_start3A_886] : memref<8192x512xf32, #tpu.memory_space<hbm>> -> memref<64x512xf32, #tpu.memory_space<hbm>>
      %dma_start3A_888 = tpu.memref_slice %arg21[%cond3A_839] : memref<2x!tpu.dma_semaphore, #tpu.memory_space<semaphore_mem>> -> memref<1x!tpu.dma_semaphore, #tpu.memory_space<semaphore_mem>>
      %dma_start3A_889 = tpu.memref_squeeze %dma_start3A_888 : memref<1x!tpu.dma_semaphore, #tpu.memory_space<semaphore_mem>> -> memref<!tpu.dma_semaphore, #tpu.memory_space<semaphore_mem>>
      %dma_start3A_890 = arith.constant 0 : i32
      %dma_start3A_891 = tpu.memref_slice %arg9[%add3A_687, %dma_start3A_890] : memref<8192x512xf32, #tpu.memory_space<hbm>> -> memref<64x512xf32, #tpu.memory_space<hbm>>
      tpu.enqueue_dma source(%arg18 : memref<64x512xf32, #tpu.memory_space<vmem>>) target(%dma_start3A_891 : memref<64x512xf32, #tpu.memory_space<hbm>>) target_semaphore(%dma_start3A_889 : memref<!tpu.dma_semaphore, #tpu.memory_space<semaphore_mem>>)
      %dma_start3A_892 = arith.constant 0 : i32
      %dma_start3A_893 = tpu.memref_slice %arg8[%add3A_687, %dma_start3A_892] : memref<8192x64xf32, #tpu.memory_space<hbm>> -> memref<64x64xf32, #tpu.memory_space<hbm>>
      %dma_start3A_894 = tpu.memref_slice %arg21[%cond3A_839] : memref<2x!tpu.dma_semaphore, #tpu.memory_space<semaphore_mem>> -> memref<1x!tpu.dma_semaphore, #tpu.memory_space<semaphore_mem>>
      %dma_start3A_895 = tpu.memref_squeeze %dma_start3A_894 : memref<1x!tpu.dma_semaphore, #tpu.memory_space<semaphore_mem>> -> memref<!tpu.dma_semaphore, #tpu.memory_space<semaphore_mem>>
      %dma_start3A_896 = arith.constant 0 : i32
      %dma_start3A_897 = tpu.memref_slice %arg8[%add3A_687, %dma_start3A_896] : memref<8192x64xf32, #tpu.memory_space<hbm>> -> memref<64x64xf32, #tpu.memory_space<hbm>>
      tpu.enqueue_dma source(%arg19 : memref<64x64xf32, #tpu.memory_space<vmem>>) target(%dma_start3A_897 : memref<64x64xf32, #tpu.memory_space<hbm>>) target_semaphore(%dma_start3A_895 : memref<!tpu.dma_semaphore, #tpu.memory_space<semaphore_mem>>)
    } else {
    }
    %dma_wait3A_842 = arith.constant 0 : i32
    %dma_wait3A_843 = arith.constant 0 : i32
    %dma_wait3A_844 = tpu.memref_slice %arg9[%add3A_522, %dma_wait3A_843] : memref<8192x512xf32, #tpu.memory_space<hbm>> -> memref<64x512xf32, #tpu.memory_space<hbm>>
    %dma_wait3A_845 = tpu.memref_slice %arg21[%dma_wait3A_842] : memref<2x!tpu.dma_semaphore, #tpu.memory_space<semaphore_mem>> -> memref<1x!tpu.dma_semaphore, #tpu.memory_space<semaphore_mem>>
    %dma_wait3A_846 = tpu.memref_squeeze %dma_wait3A_845 : memref<1x!tpu.dma_semaphore, #tpu.memory_space<semaphore_mem>> -> memref<!tpu.dma_semaphore, #tpu.memory_space<semaphore_mem>>
    %dma_wait3A_847 = arith.constant 0 : i32
    %dma_wait3A_848 = tpu.memref_slice %arg9[%add3A_522, %dma_wait3A_847] : memref<8192x512xf32, #tpu.memory_space<hbm>> -> memref<64x512xf32, #tpu.memory_space<hbm>>
    tpu.wait_dma2 semaphore(%dma_wait3A_846 : memref<!tpu.dma_semaphore, #tpu.memory_space<semaphore_mem>>) src(%arg18 : memref<64x512xf32, #tpu.memory_space<vmem>>) dst(%dma_wait3A_848 : memref<64x512xf32, #tpu.memory_space<hbm>>)
    %dma_wait3A_849 = arith.constant 0 : i32
    %dma_wait3A_850 = arith.constant 0 : i32
    %dma_wait3A_851 = tpu.memref_slice %arg8[%add3A_522, %dma_wait3A_850] : memref<8192x64xf32, #tpu.memory_space<hbm>> -> memref<64x64xf32, #tpu.memory_space<hbm>>
    %dma_wait3A_852 = tpu.memref_slice %arg21[%dma_wait3A_849] : memref<2x!tpu.dma_semaphore, #tpu.memory_space<semaphore_mem>> -> memref<1x!tpu.dma_semaphore, #tpu.memory_space<semaphore_mem>>
    %dma_wait3A_853 = tpu.memref_squeeze %dma_wait3A_852 : memref<1x!tpu.dma_semaphore, #tpu.memory_space<semaphore_mem>> -> memref<!tpu.dma_semaphore, #tpu.memory_space<semaphore_mem>>
    %dma_wait3A_854 = arith.constant 0 : i32
    %dma_wait3A_855 = tpu.memref_slice %arg8[%add3A_522, %dma_wait3A_854] : memref<8192x64xf32, #tpu.memory_space<hbm>> -> memref<64x64xf32, #tpu.memory_space<hbm>>
    tpu.wait_dma2 semaphore(%dma_wait3A_853 : memref<!tpu.dma_semaphore, #tpu.memory_space<semaphore_mem>>) src(%arg19 : memref<64x64xf32, #tpu.memory_space<vmem>>) dst(%dma_wait3A_855 : memref<64x64xf32, #tpu.memory_space<hbm>>)
    %gt3A_856 = arith.constant 0 : i32
    %gt3A_857 = arith.cmpi sgt, %min3A_534, %gt3A_856 : i32
    %lt3A_858 = arith.constant 64 : i32
    %lt3A_859 = arith.cmpi slt, %min3A_534, %lt3A_858 : i32
    %and3A_860 = arith.andi %gt3A_857, %lt3A_859 : i1
    %convert_element_type3A_861 = arith.extui %and3A_860 : i1 to i32
    %cond3A_862 = arith.constant 0 : i32
    %cond3A_863 = arith.cmpi ne, %convert_element_type3A_861, %cond3A_862 : i32
    scf.if %cond3A_863 {
      %jit3A_886 = arith.constant 8 : i32
      %div3A_887 = arith.divsi %min3A_534, %jit3A_886 : i32
      %sign3A_888 = arith.constant 0 : i32
      %sign3A_889 = arith.cmpi sgt, %min3A_534, %sign3A_888 : i32
      %sign3A_890 = arith.extui %sign3A_889 : i1 to i32
      %sign3A_891 = arith.constant 0 : i32
      %sign3A_892 = arith.cmpi slt, %min3A_534, %sign3A_891 : i32
      %sign3A_893 = arith.extui %sign3A_892 : i1 to i32
      %sign3A_894 = arith.subi %sign3A_890, %sign3A_893 : i32
      %sign3A_895 = arith.constant 0 : i32
      %sign3A_896 = arith.cmpi sgt, %jit3A_886, %sign3A_895 : i32
      %sign3A_897 = arith.extui %sign3A_896 : i1 to i32
      %sign3A_898 = arith.constant 0 : i32
      %sign3A_899 = arith.cmpi slt, %jit3A_886, %sign3A_898 : i32
      %sign3A_900 = arith.extui %sign3A_899 : i1 to i32
      %sign3A_901 = arith.subi %sign3A_897, %sign3A_900 : i32
      %ne3A_902 = arith.cmpi ne, %sign3A_894, %sign3A_901 : i32
      %rem3A_903 = arith.remsi %min3A_534, %jit3A_886 : i32
      %ne3A_904 = arith.constant 0 : i32
      %ne3A_905 = arith.cmpi ne, %rem3A_903, %ne3A_904 : i32
      %and3A_906 = arith.andi %ne3A_902, %ne3A_905 : i1
      %sub3A_907 = arith.constant 1 : i32
      %sub3A_908 = arith.subi %div3A_887, %sub3A_907 : i32
      %select_n3A_909 = arith.select %and3A_906, %sub3A_908, %div3A_887 : i32
      %mul3A_910 = arith.constant 8 : i32
      %mul3A_911 = arith.muli %select_n3A_909, %mul3A_910 : i32
      %sub3A_912 = arith.subi %min3A_534, %mul3A_911 : i32
      %gt3A_913 = arith.constant 0 : i32
      %gt3A_914 = arith.cmpi sgt, %sub3A_912, %gt3A_913 : i32
      %jit3A_915 = arith.constant 8 : i32
      %jit3A_916 = arith.constant 0 : i32
      %select_n3A_917 = arith.select %gt3A_914, %jit3A_915, %jit3A_916 : i32
      %add3A_918 = arith.addi %mul3A_911, %select_n3A_917 : i32
      %sub3A_919 = arith.constant 64 : i32
      %sub3A_920 = arith.subi %sub3A_919, %add3A_918 : i32
      %jit3A_921 = arith.constant 32 : i32
      %div3A_922 = arith.divsi %sub3A_920, %jit3A_921 : i32
      %sign3A_923 = arith.constant 0 : i32
      %sign3A_924 = arith.cmpi sgt, %sub3A_920, %sign3A_923 : i32
      %sign3A_925 = arith.extui %sign3A_924 : i1 to i32
      %sign3A_926 = arith.constant 0 : i32
      %sign3A_927 = arith.cmpi slt, %sub3A_920, %sign3A_926 : i32
      %sign3A_928 = arith.extui %sign3A_927 : i1 to i32
      %sign3A_929 = arith.subi %sign3A_925, %sign3A_928 : i32
      %sign3A_930 = arith.constant 0 : i32
      %sign3A_931 = arith.cmpi sgt, %jit3A_921, %sign3A_930 : i32
      %sign3A_932 = arith.extui %sign3A_931 : i1 to i32
      %sign3A_933 = arith.constant 0 : i32
      %sign3A_934 = arith.cmpi slt, %jit3A_921, %sign3A_933 : i32
      %sign3A_935 = arith.extui %sign3A_934 : i1 to i32
      %sign3A_936 = arith.subi %sign3A_932, %sign3A_935 : i32
      %ne3A_937 = arith.cmpi ne, %sign3A_929, %sign3A_936 : i32
      %rem3A_938 = arith.remsi %sub3A_920, %jit3A_921 : i32
      %ne3A_939 = arith.constant 0 : i32
      %ne3A_940 = arith.cmpi ne, %rem3A_938, %ne3A_939 : i32
      %and3A_941 = arith.andi %ne3A_937, %ne3A_940 : i1
      %sub3A_942 = arith.constant 1 : i32
      %sub3A_943 = arith.subi %div3A_922, %sub3A_942 : i32
      %select_n3A_944 = arith.select %and3A_941, %sub3A_943, %div3A_922 : i32
      %jit3A_945 = arith.constant 2 : i32
      %eq3A_946 = arith.constant 0 : i32
      %eq3A_947 = arith.cmpi eq, %jit3A_945, %eq3A_946 : i32
      %jit3A_948 = arith.constant 1 : i32
      %select_n3A_949 = arith.select %eq3A_947, %jit3A_948, %jit3A_945 : i32
      %rem3A_950 = arith.remsi %select_n3A_944, %select_n3A_949 : i32
      %ne3A_951 = arith.constant 0 : i32
      %ne3A_952 = arith.cmpi ne, %rem3A_950, %ne3A_951 : i32
      %lt3A_953 = arith.constant 0 : i32
      %lt3A_954 = arith.cmpi slt, %rem3A_950, %lt3A_953 : i32
      %lt3A_955 = arith.constant 0 : i32
      %lt3A_956 = arith.cmpi slt, %select_n3A_949, %lt3A_955 : i32
      %ne3A_957 = arith.xori %lt3A_954, %lt3A_956 : i1
      %and3A_958 = arith.andi %ne3A_957, %ne3A_952 : i1
      %add3A_959 = arith.addi %rem3A_950, %select_n3A_949 : i32
      %select_n3A_960 = arith.select %and3A_958, %add3A_959, %rem3A_950 : i32
      %eq3A_961 = arith.constant 1 : i32
      %eq3A_962 = arith.cmpi eq, %select_n3A_960, %eq3A_961 : i32
      %convert_element_type3A_963 = arith.extui %eq3A_962 : i1 to i32
      %cond3A_964 = arith.constant 0 : i32
      %cond3A_965 = arith.cmpi ne, %convert_element_type3A_963, %cond3A_964 : i32
      scf.if %cond3A_965 {
        %add3A_1070 = arith.addi %add3A_522, %add3A_918 : i32
        "tpu.region"() ({
          %run_scoped3A = tpu.sem_alloc : memref<!tpu.dma_semaphore, #tpu.memory_space<semaphore_mem>>
          %dma_start3A_1072 = arith.constant 0 : i32
          %dma_start3A_1073 = arith.constant 0 : i32
          %dma_start3A_1074 = tpu.memref_slice %arg18[%dma_start3A_1072, %dma_start3A_1073] : memref<64x512xf32, #tpu.memory_space<vmem>> -> memref<32x512xf32, #tpu.memory_space<vmem>>
          %dma_start3A_1075 = arith.constant 0 : i32
          %dma_start3A_1076 = tpu.memref_slice %arg9[%add3A_1070, %dma_start3A_1075] : memref<8192x512xf32, #tpu.memory_space<hbm>> -> memref<32x512xf32, #tpu.memory_space<hbm>>
          %dma_start3A_1077 = arith.constant 0 : i32
          %dma_start3A_1078 = tpu.memref_slice %arg9[%add3A_1070, %dma_start3A_1077] : memref<8192x512xf32, #tpu.memory_space<hbm>> -> memref<32x512xf32, #tpu.memory_space<hbm>>
          %dma_start3A_1079 = arith.constant 0 : i32
          %dma_start3A_1080 = arith.constant 0 : i32
          %dma_start3A_1081 = tpu.memref_slice %arg18[%dma_start3A_1079, %dma_start3A_1080] : memref<64x512xf32, #tpu.memory_space<vmem>> -> memref<32x512xf32, #tpu.memory_space<vmem>>
          tpu.enqueue_dma source(%dma_start3A_1081 : memref<32x512xf32, #tpu.memory_space<vmem>>) target(%dma_start3A_1078 : memref<32x512xf32, #tpu.memory_space<hbm>>) target_semaphore(%run_scoped3A : memref<!tpu.dma_semaphore, #tpu.memory_space<semaphore_mem>>)
          %dma_wait3A_1082 = arith.constant 0 : i32
          %dma_wait3A_1083 = arith.constant 0 : i32
          %dma_wait3A_1084 = tpu.memref_slice %arg18[%dma_wait3A_1082, %dma_wait3A_1083] : memref<64x512xf32, #tpu.memory_space<vmem>> -> memref<32x512xf32, #tpu.memory_space<vmem>>
          %dma_wait3A_1085 = arith.constant 0 : i32
          %dma_wait3A_1086 = tpu.memref_slice %arg9[%add3A_1070, %dma_wait3A_1085] : memref<8192x512xf32, #tpu.memory_space<hbm>> -> memref<32x512xf32, #tpu.memory_space<hbm>>
          %dma_wait3A_1087 = arith.constant 0 : i32
          %dma_wait3A_1088 = tpu.memref_slice %arg9[%add3A_1070, %dma_wait3A_1087] : memref<8192x512xf32, #tpu.memory_space<hbm>> -> memref<32x512xf32, #tpu.memory_space<hbm>>
          %dma_wait3A_1089 = arith.constant 0 : i32
          %dma_wait3A_1090 = arith.constant 0 : i32
          %dma_wait3A_1091 = tpu.memref_slice %arg18[%dma_wait3A_1089, %dma_wait3A_1090] : memref<64x512xf32, #tpu.memory_space<vmem>> -> memref<32x512xf32, #tpu.memory_space<vmem>>
          tpu.wait_dma2 semaphore(%run_scoped3A : memref<!tpu.dma_semaphore, #tpu.memory_space<semaphore_mem>>) src(%dma_wait3A_1091 : memref<32x512xf32, #tpu.memory_space<vmem>>) dst(%dma_wait3A_1088 : memref<32x512xf32, #tpu.memory_space<hbm>>)
          tpu.yield
        }) : () -> ()
        %add3A_1071 = arith.addi %add3A_522, %add3A_918 : i32
        "tpu.region"() ({
          %run_scoped3A = tpu.sem_alloc : memref<!tpu.dma_semaphore, #tpu.memory_space<semaphore_mem>>
          %dma_start3A_1072 = arith.constant 0 : i32
          %dma_start3A_1073 = arith.constant 0 : i32
          %dma_start3A_1074 = tpu.memref_slice %arg19[%dma_start3A_1072, %dma_start3A_1073] : memref<64x64xf32, #tpu.memory_space<vmem>> -> memref<32x64xf32, #tpu.memory_space<vmem>>
          %dma_start3A_1075 = arith.constant 0 : i32
          %dma_start3A_1076 = tpu.memref_slice %arg8[%add3A_1071, %dma_start3A_1075] : memref<8192x64xf32, #tpu.memory_space<hbm>> -> memref<32x64xf32, #tpu.memory_space<hbm>>
          %dma_start3A_1077 = arith.constant 0 : i32
          %dma_start3A_1078 = tpu.memref_slice %arg8[%add3A_1071, %dma_start3A_1077] : memref<8192x64xf32, #tpu.memory_space<hbm>> -> memref<32x64xf32, #tpu.memory_space<hbm>>
          %dma_start3A_1079 = arith.constant 0 : i32
          %dma_start3A_1080 = arith.constant 0 : i32
          %dma_start3A_1081 = tpu.memref_slice %arg19[%dma_start3A_1079, %dma_start3A_1080] : memref<64x64xf32, #tpu.memory_space<vmem>> -> memref<32x64xf32, #tpu.memory_space<vmem>>
          tpu.enqueue_dma source(%dma_start3A_1081 : memref<32x64xf32, #tpu.memory_space<vmem>>) target(%dma_start3A_1078 : memref<32x64xf32, #tpu.memory_space<hbm>>) target_semaphore(%run_scoped3A : memref<!tpu.dma_semaphore, #tpu.memory_space<semaphore_mem>>)
          %dma_wait3A_1082 = arith.constant 0 : i32
          %dma_wait3A_1083 = arith.constant 0 : i32
          %dma_wait3A_1084 = tpu.memref_slice %arg19[%dma_wait3A_1082, %dma_wait3A_1083] : memref<64x64xf32, #tpu.memory_space<vmem>> -> memref<32x64xf32, #tpu.memory_space<vmem>>
          %dma_wait3A_1085 = arith.constant 0 : i32
          %dma_wait3A_1086 = tpu.memref_slice %arg8[%add3A_1071, %dma_wait3A_1085] : memref<8192x64xf32, #tpu.memory_space<hbm>> -> memref<32x64xf32, #tpu.memory_space<hbm>>
          %dma_wait3A_1087 = arith.constant 0 : i32
          %dma_wait3A_1088 = tpu.memref_slice %arg8[%add3A_1071, %dma_wait3A_1087] : memref<8192x64xf32, #tpu.memory_space<hbm>> -> memref<32x64xf32, #tpu.memory_space<hbm>>
          %dma_wait3A_1089 = arith.constant 0 : i32
          %dma_wait3A_1090 = arith.constant 0 : i32
          %dma_wait3A_1091 = tpu.memref_slice %arg19[%dma_wait3A_1089, %dma_wait3A_1090] : memref<64x64xf32, #tpu.memory_space<vmem>> -> memref<32x64xf32, #tpu.memory_space<vmem>>
          tpu.wait_dma2 semaphore(%run_scoped3A : memref<!tpu.dma_semaphore, #tpu.memory_space<semaphore_mem>>) src(%dma_wait3A_1091 : memref<32x64xf32, #tpu.memory_space<vmem>>) dst(%dma_wait3A_1088 : memref<32x64xf32, #tpu.memory_space<hbm>>)
          tpu.yield
        }) : () -> ()
      } else {
      }
      %mul3A_966 = arith.constant 32 : i32
      %mul3A_967 = arith.muli %select_n3A_960, %mul3A_966 : i32
      %add3A_968 = arith.addi %add3A_918, %mul3A_967 : i32
      %jit3A_969 = arith.constant 16 : i32
      %div3A_970 = arith.divsi %sub3A_920, %jit3A_969 : i32
      %sign3A_971 = arith.constant 0 : i32
      %sign3A_972 = arith.cmpi sgt, %sub3A_920, %sign3A_971 : i32
      %sign3A_973 = arith.extui %sign3A_972 : i1 to i32
      %sign3A_974 = arith.constant 0 : i32
      %sign3A_975 = arith.cmpi slt, %sub3A_920, %sign3A_974 : i32
      %sign3A_976 = arith.extui %sign3A_975 : i1 to i32
      %sign3A_977 = arith.subi %sign3A_973, %sign3A_976 : i32
      %sign3A_978 = arith.constant 0 : i32
      %sign3A_979 = arith.cmpi sgt, %jit3A_969, %sign3A_978 : i32
      %sign3A_980 = arith.extui %sign3A_979 : i1 to i32
      %sign3A_981 = arith.constant 0 : i32
      %sign3A_982 = arith.cmpi slt, %jit3A_969, %sign3A_981 : i32
      %sign3A_983 = arith.extui %sign3A_982 : i1 to i32
      %sign3A_984 = arith.subi %sign3A_980, %sign3A_983 : i32
      %ne3A_985 = arith.cmpi ne, %sign3A_977, %sign3A_984 : i32
      %rem3A_986 = arith.remsi %sub3A_920, %jit3A_969 : i32
      %ne3A_987 = arith.constant 0 : i32
      %ne3A_988 = arith.cmpi ne, %rem3A_986, %ne3A_987 : i32
      %and3A_989 = arith.andi %ne3A_985, %ne3A_988 : i1
      %sub3A_990 = arith.constant 1 : i32
      %sub3A_991 = arith.subi %div3A_970, %sub3A_990 : i32
      %select_n3A_992 = arith.select %and3A_989, %sub3A_991, %div3A_970 : i32
      %jit3A_993 = arith.constant 2 : i32
      %eq3A_994 = arith.constant 0 : i32
      %eq3A_995 = arith.cmpi eq, %jit3A_993, %eq3A_994 : i32
      %jit3A_996 = arith.constant 1 : i32
      %select_n3A_997 = arith.select %eq3A_995, %jit3A_996, %jit3A_993 : i32
      %rem3A_998 = arith.remsi %select_n3A_992, %select_n3A_997 : i32
      %ne3A_999 = arith.constant 0 : i32
      %ne3A_1000 = arith.cmpi ne, %rem3A_998, %ne3A_999 : i32
      %lt3A_1001 = arith.constant 0 : i32
      %lt3A_1002 = arith.cmpi slt, %rem3A_998, %lt3A_1001 : i32
      %lt3A_1003 = arith.constant 0 : i32
      %lt3A_1004 = arith.cmpi slt, %select_n3A_997, %lt3A_1003 : i32
      %ne3A_1005 = arith.xori %lt3A_1002, %lt3A_1004 : i1
      %and3A_1006 = arith.andi %ne3A_1005, %ne3A_1000 : i1
      %add3A_1007 = arith.addi %rem3A_998, %select_n3A_997 : i32
      %select_n3A_1008 = arith.select %and3A_1006, %add3A_1007, %rem3A_998 : i32
      %eq3A_1009 = arith.constant 1 : i32
      %eq3A_1010 = arith.cmpi eq, %select_n3A_1008, %eq3A_1009 : i32
      %convert_element_type3A_1011 = arith.extui %eq3A_1010 : i1 to i32
      %cond3A_1012 = arith.constant 0 : i32
      %cond3A_1013 = arith.cmpi ne, %convert_element_type3A_1011, %cond3A_1012 : i32
      scf.if %cond3A_1013 {
        %add3A_1070 = arith.addi %add3A_522, %add3A_968 : i32
        "tpu.region"() ({
          %run_scoped3A = tpu.sem_alloc : memref<!tpu.dma_semaphore, #tpu.memory_space<semaphore_mem>>
          %dma_start3A_1072 = arith.constant 0 : i32
          %dma_start3A_1073 = arith.constant 0 : i32
          %dma_start3A_1074 = tpu.memref_slice %arg18[%dma_start3A_1072, %dma_start3A_1073] : memref<64x512xf32, #tpu.memory_space<vmem>> -> memref<16x512xf32, #tpu.memory_space<vmem>>
          %dma_start3A_1075 = arith.constant 0 : i32
          %dma_start3A_1076 = tpu.memref_slice %arg9[%add3A_1070, %dma_start3A_1075] : memref<8192x512xf32, #tpu.memory_space<hbm>> -> memref<16x512xf32, #tpu.memory_space<hbm>>
          %dma_start3A_1077 = arith.constant 0 : i32
          %dma_start3A_1078 = tpu.memref_slice %arg9[%add3A_1070, %dma_start3A_1077] : memref<8192x512xf32, #tpu.memory_space<hbm>> -> memref<16x512xf32, #tpu.memory_space<hbm>>
          %dma_start3A_1079 = arith.constant 0 : i32
          %dma_start3A_1080 = arith.constant 0 : i32
          %dma_start3A_1081 = tpu.memref_slice %arg18[%dma_start3A_1079, %dma_start3A_1080] : memref<64x512xf32, #tpu.memory_space<vmem>> -> memref<16x512xf32, #tpu.memory_space<vmem>>
          tpu.enqueue_dma source(%dma_start3A_1081 : memref<16x512xf32, #tpu.memory_space<vmem>>) target(%dma_start3A_1078 : memref<16x512xf32, #tpu.memory_space<hbm>>) target_semaphore(%run_scoped3A : memref<!tpu.dma_semaphore, #tpu.memory_space<semaphore_mem>>)
          %dma_wait3A_1082 = arith.constant 0 : i32
          %dma_wait3A_1083 = arith.constant 0 : i32
          %dma_wait3A_1084 = tpu.memref_slice %arg18[%dma_wait3A_1082, %dma_wait3A_1083] : memref<64x512xf32, #tpu.memory_space<vmem>> -> memref<16x512xf32, #tpu.memory_space<vmem>>
          %dma_wait3A_1085 = arith.constant 0 : i32
          %dma_wait3A_1086 = tpu.memref_slice %arg9[%add3A_1070, %dma_wait3A_1085] : memref<8192x512xf32, #tpu.memory_space<hbm>> -> memref<16x512xf32, #tpu.memory_space<hbm>>
          %dma_wait3A_1087 = arith.constant 0 : i32
          %dma_wait3A_1088 = tpu.memref_slice %arg9[%add3A_1070, %dma_wait3A_1087] : memref<8192x512xf32, #tpu.memory_space<hbm>> -> memref<16x512xf32, #tpu.memory_space<hbm>>
          %dma_wait3A_1089 = arith.constant 0 : i32
          %dma_wait3A_1090 = arith.constant 0 : i32
          %dma_wait3A_1091 = tpu.memref_slice %arg18[%dma_wait3A_1089, %dma_wait3A_1090] : memref<64x512xf32, #tpu.memory_space<vmem>> -> memref<16x512xf32, #tpu.memory_space<vmem>>
          tpu.wait_dma2 semaphore(%run_scoped3A : memref<!tpu.dma_semaphore, #tpu.memory_space<semaphore_mem>>) src(%dma_wait3A_1091 : memref<16x512xf32, #tpu.memory_space<vmem>>) dst(%dma_wait3A_1088 : memref<16x512xf32, #tpu.memory_space<hbm>>)
          tpu.yield
        }) : () -> ()
        %add3A_1071 = arith.addi %add3A_522, %add3A_968 : i32
        "tpu.region"() ({
          %run_scoped3A = tpu.sem_alloc : memref<!tpu.dma_semaphore, #tpu.memory_space<semaphore_mem>>
          %dma_start3A_1072 = arith.constant 0 : i32
          %dma_start3A_1073 = arith.constant 0 : i32
          %dma_start3A_1074 = tpu.memref_slice %arg19[%dma_start3A_1072, %dma_start3A_1073] : memref<64x64xf32, #tpu.memory_space<vmem>> -> memref<16x64xf32, #tpu.memory_space<vmem>>
          %dma_start3A_1075 = arith.constant 0 : i32
          %dma_start3A_1076 = tpu.memref_slice %arg8[%add3A_1071, %dma_start3A_1075] : memref<8192x64xf32, #tpu.memory_space<hbm>> -> memref<16x64xf32, #tpu.memory_space<hbm>>
          %dma_start3A_1077 = arith.constant 0 : i32
          %dma_start3A_1078 = tpu.memref_slice %arg8[%add3A_1071, %dma_start3A_1077] : memref<8192x64xf32, #tpu.memory_space<hbm>> -> memref<16x64xf32, #tpu.memory_space<hbm>>
          %dma_start3A_1079 = arith.constant 0 : i32
          %dma_start3A_1080 = arith.constant 0 : i32
          %dma_start3A_1081 = tpu.memref_slice %arg19[%dma_start3A_1079, %dma_start3A_1080] : memref<64x64xf32, #tpu.memory_space<vmem>> -> memref<16x64xf32, #tpu.memory_space<vmem>>
          tpu.enqueue_dma source(%dma_start3A_1081 : memref<16x64xf32, #tpu.memory_space<vmem>>) target(%dma_start3A_1078 : memref<16x64xf32, #tpu.memory_space<hbm>>) target_semaphore(%run_scoped3A : memref<!tpu.dma_semaphore, #tpu.memory_space<semaphore_mem>>)
          %dma_wait3A_1082 = arith.constant 0 : i32
          %dma_wait3A_1083 = arith.constant 0 : i32
          %dma_wait3A_1084 = tpu.memref_slice %arg19[%dma_wait3A_1082, %dma_wait3A_1083] : memref<64x64xf32, #tpu.memory_space<vmem>> -> memref<16x64xf32, #tpu.memory_space<vmem>>
          %dma_wait3A_1085 = arith.constant 0 : i32
          %dma_wait3A_1086 = tpu.memref_slice %arg8[%add3A_1071, %dma_wait3A_1085] : memref<8192x64xf32, #tpu.memory_space<hbm>> -> memref<16x64xf32, #tpu.memory_space<hbm>>
          %dma_wait3A_1087 = arith.constant 0 : i32
          %dma_wait3A_1088 = tpu.memref_slice %arg8[%add3A_1071, %dma_wait3A_1087] : memref<8192x64xf32, #tpu.memory_space<hbm>> -> memref<16x64xf32, #tpu.memory_space<hbm>>
          %dma_wait3A_1089 = arith.constant 0 : i32
          %dma_wait3A_1090 = arith.constant 0 : i32
          %dma_wait3A_1091 = tpu.memref_slice %arg19[%dma_wait3A_1089, %dma_wait3A_1090] : memref<64x64xf32, #tpu.memory_space<vmem>> -> memref<16x64xf32, #tpu.memory_space<vmem>>
          tpu.wait_dma2 semaphore(%run_scoped3A : memref<!tpu.dma_semaphore, #tpu.memory_space<semaphore_mem>>) src(%dma_wait3A_1091 : memref<16x64xf32, #tpu.memory_space<vmem>>) dst(%dma_wait3A_1088 : memref<16x64xf32, #tpu.memory_space<hbm>>)
          tpu.yield
        }) : () -> ()
      } else {
      }
      %mul3A_1014 = arith.constant 16 : i32
      %mul3A_1015 = arith.muli %select_n3A_1008, %mul3A_1014 : i32
      %add3A_1016 = arith.addi %add3A_968, %mul3A_1015 : i32
      %jit3A_1017 = arith.constant 8 : i32
      %div3A_1018 = arith.divsi %sub3A_920, %jit3A_1017 : i32
      %sign3A_1019 = arith.constant 0 : i32
      %sign3A_1020 = arith.cmpi sgt, %sub3A_920, %sign3A_1019 : i32
      %sign3A_1021 = arith.extui %sign3A_1020 : i1 to i32
      %sign3A_1022 = arith.constant 0 : i32
      %sign3A_1023 = arith.cmpi slt, %sub3A_920, %sign3A_1022 : i32
      %sign3A_1024 = arith.extui %sign3A_1023 : i1 to i32
      %sign3A_1025 = arith.subi %sign3A_1021, %sign3A_1024 : i32
      %sign3A_1026 = arith.constant 0 : i32
      %sign3A_1027 = arith.cmpi sgt, %jit3A_1017, %sign3A_1026 : i32
      %sign3A_1028 = arith.extui %sign3A_1027 : i1 to i32
      %sign3A_1029 = arith.constant 0 : i32
      %sign3A_1030 = arith.cmpi slt, %jit3A_1017, %sign3A_1029 : i32
      %sign3A_1031 = arith.extui %sign3A_1030 : i1 to i32
      %sign3A_1032 = arith.subi %sign3A_1028, %sign3A_1031 : i32
      %ne3A_1033 = arith.cmpi ne, %sign3A_1025, %sign3A_1032 : i32
      %rem3A_1034 = arith.remsi %sub3A_920, %jit3A_1017 : i32
      %ne3A_1035 = arith.constant 0 : i32
      %ne3A_1036 = arith.cmpi ne, %rem3A_1034, %ne3A_1035 : i32
      %and3A_1037 = arith.andi %ne3A_1033, %ne3A_1036 : i1
      %sub3A_1038 = arith.constant 1 : i32
      %sub3A_1039 = arith.subi %div3A_1018, %sub3A_1038 : i32
      %select_n3A_1040 = arith.select %and3A_1037, %sub3A_1039, %div3A_1018 : i32
      %jit3A_1041 = arith.constant 2 : i32
      %eq3A_1042 = arith.constant 0 : i32
      %eq3A_1043 = arith.cmpi eq, %jit3A_1041, %eq3A_1042 : i32
      %jit3A_1044 = arith.constant 1 : i32
      %select_n3A_1045 = arith.select %eq3A_1043, %jit3A_1044, %jit3A_1041 : i32
      %rem3A_1046 = arith.remsi %select_n3A_1040, %select_n3A_1045 : i32
      %ne3A_1047 = arith.constant 0 : i32
      %ne3A_1048 = arith.cmpi ne, %rem3A_1046, %ne3A_1047 : i32
      %lt3A_1049 = arith.constant 0 : i32
      %lt3A_1050 = arith.cmpi slt, %rem3A_1046, %lt3A_1049 : i32
      %lt3A_1051 = arith.constant 0 : i32
      %lt3A_1052 = arith.cmpi slt, %select_n3A_1045, %lt3A_1051 : i32
      %ne3A_1053 = arith.xori %lt3A_1050, %lt3A_1052 : i1
      %and3A_1054 = arith.andi %ne3A_1053, %ne3A_1048 : i1
      %add3A_1055 = arith.addi %rem3A_1046, %select_n3A_1045 : i32
      %select_n3A_1056 = arith.select %and3A_1054, %add3A_1055, %rem3A_1046 : i32
      %eq3A_1057 = arith.constant 1 : i32
      %eq3A_1058 = arith.cmpi eq, %select_n3A_1056, %eq3A_1057 : i32
      %convert_element_type3A_1059 = arith.extui %eq3A_1058 : i1 to i32
      %cond3A_1060 = arith.constant 0 : i32
      %cond3A_1061 = arith.cmpi ne, %convert_element_type3A_1059, %cond3A_1060 : i32
      scf.if %cond3A_1061 {
        %add3A_1070 = arith.addi %add3A_522, %add3A_1016 : i32
        "tpu.region"() ({
          %run_scoped3A = tpu.sem_alloc : memref<!tpu.dma_semaphore, #tpu.memory_space<semaphore_mem>>
          %dma_start3A_1072 = arith.constant 0 : i32
          %dma_start3A_1073 = arith.constant 0 : i32
          %dma_start3A_1074 = tpu.memref_slice %arg18[%dma_start3A_1072, %dma_start3A_1073] : memref<64x512xf32, #tpu.memory_space<vmem>> -> memref<8x512xf32, #tpu.memory_space<vmem>>
          %dma_start3A_1075 = arith.constant 0 : i32
          %dma_start3A_1076 = tpu.memref_slice %arg9[%add3A_1070, %dma_start3A_1075] : memref<8192x512xf32, #tpu.memory_space<hbm>> -> memref<8x512xf32, #tpu.memory_space<hbm>>
          %dma_start3A_1077 = arith.constant 0 : i32
          %dma_start3A_1078 = tpu.memref_slice %arg9[%add3A_1070, %dma_start3A_1077] : memref<8192x512xf32, #tpu.memory_space<hbm>> -> memref<8x512xf32, #tpu.memory_space<hbm>>
          %dma_start3A_1079 = arith.constant 0 : i32
          %dma_start3A_1080 = arith.constant 0 : i32
          %dma_start3A_1081 = tpu.memref_slice %arg18[%dma_start3A_1079, %dma_start3A_1080] : memref<64x512xf32, #tpu.memory_space<vmem>> -> memref<8x512xf32, #tpu.memory_space<vmem>>
          tpu.enqueue_dma source(%dma_start3A_1081 : memref<8x512xf32, #tpu.memory_space<vmem>>) target(%dma_start3A_1078 : memref<8x512xf32, #tpu.memory_space<hbm>>) target_semaphore(%run_scoped3A : memref<!tpu.dma_semaphore, #tpu.memory_space<semaphore_mem>>)
          %dma_wait3A_1082 = arith.constant 0 : i32
          %dma_wait3A_1083 = arith.constant 0 : i32
          %dma_wait3A_1084 = tpu.memref_slice %arg18[%dma_wait3A_1082, %dma_wait3A_1083] : memref<64x512xf32, #tpu.memory_space<vmem>> -> memref<8x512xf32, #tpu.memory_space<vmem>>
          %dma_wait3A_1085 = arith.constant 0 : i32
          %dma_wait3A_1086 = tpu.memref_slice %arg9[%add3A_1070, %dma_wait3A_1085] : memref<8192x512xf32, #tpu.memory_space<hbm>> -> memref<8x512xf32, #tpu.memory_space<hbm>>
          %dma_wait3A_1087 = arith.constant 0 : i32
          %dma_wait3A_1088 = tpu.memref_slice %arg9[%add3A_1070, %dma_wait3A_1087] : memref<8192x512xf32, #tpu.memory_space<hbm>> -> memref<8x512xf32, #tpu.memory_space<hbm>>
          %dma_wait3A_1089 = arith.constant 0 : i32
          %dma_wait3A_1090 = arith.constant 0 : i32
          %dma_wait3A_1091 = tpu.memref_slice %arg18[%dma_wait3A_1089, %dma_wait3A_1090] : memref<64x512xf32, #tpu.memory_space<vmem>> -> memref<8x512xf32, #tpu.memory_space<vmem>>
          tpu.wait_dma2 semaphore(%run_scoped3A : memref<!tpu.dma_semaphore, #tpu.memory_space<semaphore_mem>>) src(%dma_wait3A_1091 : memref<8x512xf32, #tpu.memory_space<vmem>>) dst(%dma_wait3A_1088 : memref<8x512xf32, #tpu.memory_space<hbm>>)
          tpu.yield
        }) : () -> ()
        %add3A_1071 = arith.addi %add3A_522, %add3A_1016 : i32
        "tpu.region"() ({
          %run_scoped3A = tpu.sem_alloc : memref<!tpu.dma_semaphore, #tpu.memory_space<semaphore_mem>>
          %dma_start3A_1072 = arith.constant 0 : i32
          %dma_start3A_1073 = arith.constant 0 : i32
          %dma_start3A_1074 = tpu.memref_slice %arg19[%dma_start3A_1072, %dma_start3A_1073] : memref<64x64xf32, #tpu.memory_space<vmem>> -> memref<8x64xf32, #tpu.memory_space<vmem>>
          %dma_start3A_1075 = arith.constant 0 : i32
          %dma_start3A_1076 = tpu.memref_slice %arg8[%add3A_1071, %dma_start3A_1075] : memref<8192x64xf32, #tpu.memory_space<hbm>> -> memref<8x64xf32, #tpu.memory_space<hbm>>
          %dma_start3A_1077 = arith.constant 0 : i32
          %dma_start3A_1078 = tpu.memref_slice %arg8[%add3A_1071, %dma_start3A_1077] : memref<8192x64xf32, #tpu.memory_space<hbm>> -> memref<8x64xf32, #tpu.memory_space<hbm>>
          %dma_start3A_1079 = arith.constant 0 : i32
          %dma_start3A_1080 = arith.constant 0 : i32
          %dma_start3A_1081 = tpu.memref_slice %arg19[%dma_start3A_1079, %dma_start3A_1080] : memref<64x64xf32, #tpu.memory_space<vmem>> -> memref<8x64xf32, #tpu.memory_space<vmem>>
          tpu.enqueue_dma source(%dma_start3A_1081 : memref<8x64xf32, #tpu.memory_space<vmem>>) target(%dma_start3A_1078 : memref<8x64xf32, #tpu.memory_space<hbm>>) target_semaphore(%run_scoped3A : memref<!tpu.dma_semaphore, #tpu.memory_space<semaphore_mem>>)
          %dma_wait3A_1082 = arith.constant 0 : i32
          %dma_wait3A_1083 = arith.constant 0 : i32
          %dma_wait3A_1084 = tpu.memref_slice %arg19[%dma_wait3A_1082, %dma_wait3A_1083] : memref<64x64xf32, #tpu.memory_space<vmem>> -> memref<8x64xf32, #tpu.memory_space<vmem>>
          %dma_wait3A_1085 = arith.constant 0 : i32
          %dma_wait3A_1086 = tpu.memref_slice %arg8[%add3A_1071, %dma_wait3A_1085] : memref<8192x64xf32, #tpu.memory_space<hbm>> -> memref<8x64xf32, #tpu.memory_space<hbm>>
          %dma_wait3A_1087 = arith.constant 0 : i32
          %dma_wait3A_1088 = tpu.memref_slice %arg8[%add3A_1071, %dma_wait3A_1087] : memref<8192x64xf32, #tpu.memory_space<hbm>> -> memref<8x64xf32, #tpu.memory_space<hbm>>
          %dma_wait3A_1089 = arith.constant 0 : i32
          %dma_wait3A_1090 = arith.constant 0 : i32
          %dma_wait3A_1091 = tpu.memref_slice %arg19[%dma_wait3A_1089, %dma_wait3A_1090] : memref<64x64xf32, #tpu.memory_space<vmem>> -> memref<8x64xf32, #tpu.memory_space<vmem>>
          tpu.wait_dma2 semaphore(%run_scoped3A : memref<!tpu.dma_semaphore, #tpu.memory_space<semaphore_mem>>) src(%dma_wait3A_1091 : memref<8x64xf32, #tpu.memory_space<vmem>>) dst(%dma_wait3A_1088 : memref<8x64xf32, #tpu.memory_space<hbm>>)
          tpu.yield
        }) : () -> ()
      } else {
      }
      %mul3A_1062 = arith.constant 8 : i32
      %mul3A_1063 = arith.muli %select_n3A_1056, %mul3A_1062 : i32
      %add3A_1064 = arith.addi %add3A_1016, %mul3A_1063 : i32
      %gt3A_1065 = arith.constant 0 : i32
      %gt3A_1066 = arith.cmpi sgt, %sub3A_912, %gt3A_1065 : i32
      %convert_element_type3A_1067 = arith.extui %gt3A_1066 : i1 to i32
      %cond3A_1068 = arith.constant 0 : i32
      %cond3A_1069 = arith.cmpi ne, %convert_element_type3A_1067, %cond3A_1068 : i32
      scf.if %cond3A_1069 {
        %add3A_1070 = arith.addi %add3A_469, %mul3A_911 : i32
        "tpu.region"() ({
          %run_scoped3A = tpu.sem_alloc : memref<!tpu.dma_semaphore, #tpu.memory_space<semaphore_mem>>
          %dma_start3A_1083 = arith.constant 0 : i32
          %dma_start3A_1084 = tpu.memref_slice %arg6[%add3A_1070, %dma_start3A_1083] : memref<32768x512xf32, #tpu.memory_space<hbm>> -> memref<8x512xf32, #tpu.memory_space<hbm>>
          %dma_start3A_1085 = arith.constant 0 : i32
          %dma_start3A_1086 = tpu.memref_slice %arg6[%add3A_1070, %dma_start3A_1085] : memref<32768x512xf32, #tpu.memory_space<hbm>> -> memref<8x512xf32, #tpu.memory_space<hbm>>
          tpu.enqueue_dma source(%dma_start3A_1086 : memref<8x512xf32, #tpu.memory_space<hbm>>) target(%arg14 : memref<8x512xf32, #tpu.memory_space<vmem>>) target_semaphore(%run_scoped3A : memref<!tpu.dma_semaphore, #tpu.memory_space<semaphore_mem>>)
          %dma_wait3A_1087 = arith.constant 0 : i32
          %dma_wait3A_1088 = tpu.memref_slice %arg6[%add3A_1070, %dma_wait3A_1087] : memref<32768x512xf32, #tpu.memory_space<hbm>> -> memref<8x512xf32, #tpu.memory_space<hbm>>
          %dma_wait3A_1089 = arith.constant 0 : i32
          %dma_wait3A_1090 = tpu.memref_slice %arg6[%add3A_1070, %dma_wait3A_1089] : memref<32768x512xf32, #tpu.memory_space<hbm>> -> memref<8x512xf32, #tpu.memory_space<hbm>>
          tpu.wait_dma2 semaphore(%run_scoped3A : memref<!tpu.dma_semaphore, #tpu.memory_space<semaphore_mem>>) src(%dma_wait3A_1090 : memref<8x512xf32, #tpu.memory_space<hbm>>) dst(%arg14 : memref<8x512xf32, #tpu.memory_space<vmem>>)
          tpu.yield
        }) : () -> ()
        %add3A_1071 = arith.addi %add3A_469, %mul3A_911 : i32
        "tpu.region"() ({
          %run_scoped3A = tpu.sem_alloc : memref<!tpu.dma_semaphore, #tpu.memory_space<semaphore_mem>>
          %dma_start3A_1083 = arith.constant 0 : i32
          %dma_start3A_1084 = tpu.memref_slice %arg7[%add3A_1071, %dma_start3A_1083] : memref<32768x64xf32, #tpu.memory_space<hbm>> -> memref<8x64xf32, #tpu.memory_space<hbm>>
          %dma_start3A_1085 = arith.constant 0 : i32
          %dma_start3A_1086 = tpu.memref_slice %arg7[%add3A_1071, %dma_start3A_1085] : memref<32768x64xf32, #tpu.memory_space<hbm>> -> memref<8x64xf32, #tpu.memory_space<hbm>>
          tpu.enqueue_dma source(%dma_start3A_1086 : memref<8x64xf32, #tpu.memory_space<hbm>>) target(%arg15 : memref<8x64xf32, #tpu.memory_space<vmem>>) target_semaphore(%run_scoped3A : memref<!tpu.dma_semaphore, #tpu.memory_space<semaphore_mem>>)
          %dma_wait3A_1087 = arith.constant 0 : i32
          %dma_wait3A_1088 = tpu.memref_slice %arg7[%add3A_1071, %dma_wait3A_1087] : memref<32768x64xf32, #tpu.memory_space<hbm>> -> memref<8x64xf32, #tpu.memory_space<hbm>>
          %dma_wait3A_1089 = arith.constant 0 : i32
          %dma_wait3A_1090 = tpu.memref_slice %arg7[%add3A_1071, %dma_wait3A_1089] : memref<32768x64xf32, #tpu.memory_space<hbm>> -> memref<8x64xf32, #tpu.memory_space<hbm>>
          tpu.wait_dma2 semaphore(%run_scoped3A : memref<!tpu.dma_semaphore, #tpu.memory_space<semaphore_mem>>) src(%dma_wait3A_1090 : memref<8x64xf32, #tpu.memory_space<hbm>>) dst(%arg15 : memref<8x64xf32, #tpu.memory_space<vmem>>)
          tpu.yield
        }) : () -> ()
        %while3A = arith.constant 0 : i32
        %while3A_1072 = arith.constant 8 : i32
        %while3A_1073 = arith.subi %while3A_1072, %sub3A_912 : i32
        %while3A_1074 = arith.addi %sub3A_912, %while3A_1073 : i32
        %while3A_1075 = arith.constant 1 : i32
        %while3A_1076 = arith.divsi %while3A_1073, %while3A_1075 : i32
        %while3A_1077 = arith.muli %while3A_1076, %while3A_1075 : i32
        %while3A_1078 = arith.addi %sub3A_912, %while3A_1077 : i32
        %while3A_1079 = arith.constant 1 : i32
        scf.for %while3A_1083 = %sub3A_912 to %while3A_1078 step %while3A_1079  : i32 {
          %swap3A = arith.index_cast %while3A_1083 : i32 to index
          %swap3A_1084 = arith.constant 0 : index
          %swap3A_1085 = tpu.vector_load %arg14[%swap3A, %swap3A_1084] {strides = array<i32>} : memref<8x512xf32, #tpu.memory_space<vmem>>, vector<1x16xf32>,
          %swap3A_1086 = vector.shape_cast %swap3A_1085 : vector<1x16xf32> to vector<16xf32>
          %swap3A_1087 = vector.shape_cast %broadcast_in_dim3A_709 : vector<16xf32> to vector<1x16xf32>
          tpu.vector_store %arg14[%swap3A, %swap3A_1084], %swap3A_1087 {strides = array<i32>} : memref<8x512xf32, #tpu.memory_space<vmem>>, vector<1x16xf32>,
          %swap3A_1088 = arith.index_cast %while3A_1083 : i32 to index
          %swap3A_1089 = arith.constant 16 : index
          %swap3A_1090 = tpu.vector_load %arg14[%swap3A_1088, %swap3A_1089] {strides = array<i32>} : memref<8x512xf32, #tpu.memory_space<vmem>>, vector<1x16xf32>,
          %swap3A_1091 = vector.shape_cast %swap3A_1090 : vector<1x16xf32> to vector<16xf32>
          %swap3A_1092 = vector.shape_cast %broadcast_in_dim3A_709 : vector<16xf32> to vector<1x16xf32>
          tpu.vector_store %arg14[%swap3A_1088, %swap3A_1089], %swap3A_1092 {strides = array<i32>} : memref<8x512xf32, #tpu.memory_space<vmem>>, vector<1x16xf32>,
          %swap3A_1093 = arith.index_cast %while3A_1083 : i32 to index
          %swap3A_1094 = arith.constant 32 : index
          %swap3A_1095 = tpu.vector_load %arg14[%swap3A_1093, %swap3A_1094] {strides = array<i32>} : memref<8x512xf32, #tpu.memory_space<vmem>>, vector<1x16xf32>,
          %swap3A_1096 = vector.shape_cast %swap3A_1095 : vector<1x16xf32> to vector<16xf32>
          %swap3A_1097 = vector.shape_cast %broadcast_in_dim3A_709 : vector<16xf32> to vector<1x16xf32>
          tpu.vector_store %arg14[%swap3A_1093, %swap3A_1094], %swap3A_1097 {strides = array<i32>} : memref<8x512xf32, #tpu.memory_space<vmem>>, vector<1x16xf32>,
          %swap3A_1098 = arith.index_cast %while3A_1083 : i32 to index
          %swap3A_1099 = arith.constant 48 : index
          %swap3A_1100 = tpu.vector_load %arg14[%swap3A_1098, %swap3A_1099] {strides = array<i32>} : memref<8x512xf32, #tpu.memory_space<vmem>>, vector<1x16xf32>,
          %swap3A_1101 = vector.shape_cast %swap3A_1100 : vector<1x16xf32> to vector<16xf32>
          %swap3A_1102 = vector.shape_cast %broadcast_in_dim3A_709 : vector<16xf32> to vector<1x16xf32>
          tpu.vector_store %arg14[%swap3A_1098, %swap3A_1099], %swap3A_1102 {strides = array<i32>} : memref<8x512xf32, #tpu.memory_space<vmem>>, vector<1x16xf32>,
          %swap3A_1103 = arith.index_cast %while3A_1083 : i32 to index
          %swap3A_1104 = arith.constant 64 : index
          %swap3A_1105 = tpu.vector_load %arg14[%swap3A_1103, %swap3A_1104] {strides = array<i32>} : memref<8x512xf32, #tpu.memory_space<vmem>>, vector<1x16xf32>,
          %swap3A_1106 = vector.shape_cast %swap3A_1105 : vector<1x16xf32> to vector<16xf32>
          %swap3A_1107 = vector.shape_cast %broadcast_in_dim3A_709 : vector<16xf32> to vector<1x16xf32>
          tpu.vector_store %arg14[%swap3A_1103, %swap3A_1104], %swap3A_1107 {strides = array<i32>} : memref<8x512xf32, #tpu.memory_space<vmem>>, vector<1x16xf32>,
          %swap3A_1108 = arith.index_cast %while3A_1083 : i32 to index
          %swap3A_1109 = arith.constant 80 : index
          %swap3A_1110 = tpu.vector_load %arg14[%swap3A_1108, %swap3A_1109] {strides = array<i32>} : memref<8x512xf32, #tpu.memory_space<vmem>>, vector<1x16xf32>,
          %swap3A_1111 = vector.shape_cast %swap3A_1110 : vector<1x16xf32> to vector<16xf32>
          %swap3A_1112 = vector.shape_cast %broadcast_in_dim3A_709 : vector<16xf32> to vector<1x16xf32>
          tpu.vector_store %arg14[%swap3A_1108, %swap3A_1109], %swap3A_1112 {strides = array<i32>} : memref<8x512xf32, #tpu.memory_space<vmem>>, vector<1x16xf32>,
          %swap3A_1113 = arith.index_cast %while3A_1083 : i32 to index
          %swap3A_1114 = arith.constant 96 : index
          %swap3A_1115 = tpu.vector_load %arg14[%swap3A_1113, %swap3A_1114] {strides = array<i32>} : memref<8x512xf32, #tpu.memory_space<vmem>>, vector<1x16xf32>,
          %swap3A_1116 = vector.shape_cast %swap3A_1115 : vector<1x16xf32> to vector<16xf32>
          %swap3A_1117 = vector.shape_cast %broadcast_in_dim3A_709 : vector<16xf32> to vector<1x16xf32>
          tpu.vector_store %arg14[%swap3A_1113, %swap3A_1114], %swap3A_1117 {strides = array<i32>} : memref<8x512xf32, #tpu.memory_space<vmem>>, vector<1x16xf32>,
          %swap3A_1118 = arith.index_cast %while3A_1083 : i32 to index
          %swap3A_1119 = arith.constant 112 : index
          %swap3A_1120 = tpu.vector_load %arg14[%swap3A_1118, %swap3A_1119] {strides = array<i32>} : memref<8x512xf32, #tpu.memory_space<vmem>>, vector<1x16xf32>,
          %swap3A_1121 = vector.shape_cast %swap3A_1120 : vector<1x16xf32> to vector<16xf32>
          %swap3A_1122 = vector.shape_cast %broadcast_in_dim3A_709 : vector<16xf32> to vector<1x16xf32>
          tpu.vector_store %arg14[%swap3A_1118, %swap3A_1119], %swap3A_1122 {strides = array<i32>} : memref<8x512xf32, #tpu.memory_space<vmem>>, vector<1x16xf32>,
          %swap3A_1123 = arith.index_cast %while3A_1083 : i32 to index
          %swap3A_1124 = arith.constant 128 : index
          %swap3A_1125 = tpu.vector_load %arg14[%swap3A_1123, %swap3A_1124] {strides = array<i32>} : memref<8x512xf32, #tpu.memory_space<vmem>>, vector<1x16xf32>,
          %swap3A_1126 = vector.shape_cast %swap3A_1125 : vector<1x16xf32> to vector<16xf32>
          %swap3A_1127 = vector.shape_cast %broadcast_in_dim3A_709 : vector<16xf32> to vector<1x16xf32>
          tpu.vector_store %arg14[%swap3A_1123, %swap3A_1124], %swap3A_1127 {strides = array<i32>} : memref<8x512xf32, #tpu.memory_space<vmem>>, vector<1x16xf32>,
          %swap3A_1128 = arith.index_cast %while3A_1083 : i32 to index
          %swap3A_1129 = arith.constant 144 : index
          %swap3A_1130 = tpu.vector_load %arg14[%swap3A_1128, %swap3A_1129] {strides = array<i32>} : memref<8x512xf32, #tpu.memory_space<vmem>>, vector<1x16xf32>,
          %swap3A_1131 = vector.shape_cast %swap3A_1130 : vector<1x16xf32> to vector<16xf32>
          %swap3A_1132 = vector.shape_cast %broadcast_in_dim3A_709 : vector<16xf32> to vector<1x16xf32>
          tpu.vector_store %arg14[%swap3A_1128, %swap3A_1129], %swap3A_1132 {strides = array<i32>} : memref<8x512xf32, #tpu.memory_space<vmem>>, vector<1x16xf32>,
          %swap3A_1133 = arith.index_cast %while3A_1083 : i32 to index
          %swap3A_1134 = arith.constant 160 : index
          %swap3A_1135 = tpu.vector_load %arg14[%swap3A_1133, %swap3A_1134] {strides = array<i32>} : memref<8x512xf32, #tpu.memory_space<vmem>>, vector<1x16xf32>,
          %swap3A_1136 = vector.shape_cast %swap3A_1135 : vector<1x16xf32> to vector<16xf32>
          %swap3A_1137 = vector.shape_cast %broadcast_in_dim3A_709 : vector<16xf32> to vector<1x16xf32>
          tpu.vector_store %arg14[%swap3A_1133, %swap3A_1134], %swap3A_1137 {strides = array<i32>} : memref<8x512xf32, #tpu.memory_space<vmem>>, vector<1x16xf32>,
          %swap3A_1138 = arith.index_cast %while3A_1083 : i32 to index
          %swap3A_1139 = arith.constant 176 : index
          %swap3A_1140 = tpu.vector_load %arg14[%swap3A_1138, %swap3A_1139] {strides = array<i32>} : memref<8x512xf32, #tpu.memory_space<vmem>>, vector<1x16xf32>,
          %swap3A_1141 = vector.shape_cast %swap3A_1140 : vector<1x16xf32> to vector<16xf32>
          %swap3A_1142 = vector.shape_cast %broadcast_in_dim3A_709 : vector<16xf32> to vector<1x16xf32>
          tpu.vector_store %arg14[%swap3A_1138, %swap3A_1139], %swap3A_1142 {strides = array<i32>} : memref<8x512xf32, #tpu.memory_space<vmem>>, vector<1x16xf32>,
          %swap3A_1143 = arith.index_cast %while3A_1083 : i32 to index
          %swap3A_1144 = arith.constant 192 : index
          %swap3A_1145 = tpu.vector_load %arg14[%swap3A_1143, %swap3A_1144] {strides = array<i32>} : memref<8x512xf32, #tpu.memory_space<vmem>>, vector<1x16xf32>,
          %swap3A_1146 = vector.shape_cast %swap3A_1145 : vector<1x16xf32> to vector<16xf32>
          %swap3A_1147 = vector.shape_cast %broadcast_in_dim3A_709 : vector<16xf32> to vector<1x16xf32>
          tpu.vector_store %arg14[%swap3A_1143, %swap3A_1144], %swap3A_1147 {strides = array<i32>} : memref<8x512xf32, #tpu.memory_space<vmem>>, vector<1x16xf32>,
          %swap3A_1148 = arith.index_cast %while3A_1083 : i32 to index
          %swap3A_1149 = arith.constant 208 : index
          %swap3A_1150 = tpu.vector_load %arg14[%swap3A_1148, %swap3A_1149] {strides = array<i32>} : memref<8x512xf32, #tpu.memory_space<vmem>>, vector<1x16xf32>,
          %swap3A_1151 = vector.shape_cast %swap3A_1150 : vector<1x16xf32> to vector<16xf32>
          %swap3A_1152 = vector.shape_cast %broadcast_in_dim3A_709 : vector<16xf32> to vector<1x16xf32>
          tpu.vector_store %arg14[%swap3A_1148, %swap3A_1149], %swap3A_1152 {strides = array<i32>} : memref<8x512xf32, #tpu.memory_space<vmem>>, vector<1x16xf32>,
          %swap3A_1153 = arith.index_cast %while3A_1083 : i32 to index
          %swap3A_1154 = arith.constant 224 : index
          %swap3A_1155 = tpu.vector_load %arg14[%swap3A_1153, %swap3A_1154] {strides = array<i32>} : memref<8x512xf32, #tpu.memory_space<vmem>>, vector<1x16xf32>,
          %swap3A_1156 = vector.shape_cast %swap3A_1155 : vector<1x16xf32> to vector<16xf32>
          %swap3A_1157 = vector.shape_cast %broadcast_in_dim3A_709 : vector<16xf32> to vector<1x16xf32>
          tpu.vector_store %arg14[%swap3A_1153, %swap3A_1154], %swap3A_1157 {strides = array<i32>} : memref<8x512xf32, #tpu.memory_space<vmem>>, vector<1x16xf32>,
          %swap3A_1158 = arith.index_cast %while3A_1083 : i32 to index
          %swap3A_1159 = arith.constant 240 : index
          %swap3A_1160 = tpu.vector_load %arg14[%swap3A_1158, %swap3A_1159] {strides = array<i32>} : memref<8x512xf32, #tpu.memory_space<vmem>>, vector<1x16xf32>,
          %swap3A_1161 = vector.shape_cast %swap3A_1160 : vector<1x16xf32> to vector<16xf32>
          %swap3A_1162 = vector.shape_cast %broadcast_in_dim3A_709 : vector<16xf32> to vector<1x16xf32>
          tpu.vector_store %arg14[%swap3A_1158, %swap3A_1159], %swap3A_1162 {strides = array<i32>} : memref<8x512xf32, #tpu.memory_space<vmem>>, vector<1x16xf32>,
          %swap3A_1163 = arith.index_cast %while3A_1083 : i32 to index
          %swap3A_1164 = arith.constant 256 : index
          %swap3A_1165 = tpu.vector_load %arg14[%swap3A_1163, %swap3A_1164] {strides = array<i32>} : memref<8x512xf32, #tpu.memory_space<vmem>>, vector<1x16xf32>,
          %swap3A_1166 = vector.shape_cast %swap3A_1165 : vector<1x16xf32> to vector<16xf32>
          %swap3A_1167 = vector.shape_cast %broadcast_in_dim3A_709 : vector<16xf32> to vector<1x16xf32>
          tpu.vector_store %arg14[%swap3A_1163, %swap3A_1164], %swap3A_1167 {strides = array<i32>} : memref<8x512xf32, #tpu.memory_space<vmem>>, vector<1x16xf32>,
          %swap3A_1168 = arith.index_cast %while3A_1083 : i32 to index
          %swap3A_1169 = arith.constant 272 : index
          %swap3A_1170 = tpu.vector_load %arg14[%swap3A_1168, %swap3A_1169] {strides = array<i32>} : memref<8x512xf32, #tpu.memory_space<vmem>>, vector<1x16xf32>,
          %swap3A_1171 = vector.shape_cast %swap3A_1170 : vector<1x16xf32> to vector<16xf32>
          %swap3A_1172 = vector.shape_cast %broadcast_in_dim3A_709 : vector<16xf32> to vector<1x16xf32>
          tpu.vector_store %arg14[%swap3A_1168, %swap3A_1169], %swap3A_1172 {strides = array<i32>} : memref<8x512xf32, #tpu.memory_space<vmem>>, vector<1x16xf32>,
          %swap3A_1173 = arith.index_cast %while3A_1083 : i32 to index
          %swap3A_1174 = arith.constant 288 : index
          %swap3A_1175 = tpu.vector_load %arg14[%swap3A_1173, %swap3A_1174] {strides = array<i32>} : memref<8x512xf32, #tpu.memory_space<vmem>>, vector<1x16xf32>,
          %swap3A_1176 = vector.shape_cast %swap3A_1175 : vector<1x16xf32> to vector<16xf32>
          %swap3A_1177 = vector.shape_cast %broadcast_in_dim3A_709 : vector<16xf32> to vector<1x16xf32>
          tpu.vector_store %arg14[%swap3A_1173, %swap3A_1174], %swap3A_1177 {strides = array<i32>} : memref<8x512xf32, #tpu.memory_space<vmem>>, vector<1x16xf32>,
          %swap3A_1178 = arith.index_cast %while3A_1083 : i32 to index
          %swap3A_1179 = arith.constant 304 : index
          %swap3A_1180 = tpu.vector_load %arg14[%swap3A_1178, %swap3A_1179] {strides = array<i32>} : memref<8x512xf32, #tpu.memory_space<vmem>>, vector<1x16xf32>,
          %swap3A_1181 = vector.shape_cast %swap3A_1180 : vector<1x16xf32> to vector<16xf32>
          %swap3A_1182 = vector.shape_cast %broadcast_in_dim3A_709 : vector<16xf32> to vector<1x16xf32>
          tpu.vector_store %arg14[%swap3A_1178, %swap3A_1179], %swap3A_1182 {strides = array<i32>} : memref<8x512xf32, #tpu.memory_space<vmem>>, vector<1x16xf32>,
          %swap3A_1183 = arith.index_cast %while3A_1083 : i32 to index
          %swap3A_1184 = arith.constant 320 : index
          %swap3A_1185 = tpu.vector_load %arg14[%swap3A_1183, %swap3A_1184] {strides = array<i32>} : memref<8x512xf32, #tpu.memory_space<vmem>>, vector<1x16xf32>,
          %swap3A_1186 = vector.shape_cast %swap3A_1185 : vector<1x16xf32> to vector<16xf32>
          %swap3A_1187 = vector.shape_cast %broadcast_in_dim3A_709 : vector<16xf32> to vector<1x16xf32>
          tpu.vector_store %arg14[%swap3A_1183, %swap3A_1184], %swap3A_1187 {strides = array<i32>} : memref<8x512xf32, #tpu.memory_space<vmem>>, vector<1x16xf32>,
          %swap3A_1188 = arith.index_cast %while3A_1083 : i32 to index
          %swap3A_1189 = arith.constant 336 : index
          %swap3A_1190 = tpu.vector_load %arg14[%swap3A_1188, %swap3A_1189] {strides = array<i32>} : memref<8x512xf32, #tpu.memory_space<vmem>>, vector<1x16xf32>,
          %swap3A_1191 = vector.shape_cast %swap3A_1190 : vector<1x16xf32> to vector<16xf32>
          %swap3A_1192 = vector.shape_cast %broadcast_in_dim3A_709 : vector<16xf32> to vector<1x16xf32>
          tpu.vector_store %arg14[%swap3A_1188, %swap3A_1189], %swap3A_1192 {strides = array<i32>} : memref<8x512xf32, #tpu.memory_space<vmem>>, vector<1x16xf32>,
          %swap3A_1193 = arith.index_cast %while3A_1083 : i32 to index
          %swap3A_1194 = arith.constant 352 : index
          %swap3A_1195 = tpu.vector_load %arg14[%swap3A_1193, %swap3A_1194] {strides = array<i32>} : memref<8x512xf32, #tpu.memory_space<vmem>>, vector<1x16xf32>,
          %swap3A_1196 = vector.shape_cast %swap3A_1195 : vector<1x16xf32> to vector<16xf32>
          %swap3A_1197 = vector.shape_cast %broadcast_in_dim3A_709 : vector<16xf32> to vector<1x16xf32>
          tpu.vector_store %arg14[%swap3A_1193, %swap3A_1194], %swap3A_1197 {strides = array<i32>} : memref<8x512xf32, #tpu.memory_space<vmem>>, vector<1x16xf32>,
          %swap3A_1198 = arith.index_cast %while3A_1083 : i32 to index
          %swap3A_1199 = arith.constant 368 : index
          %swap3A_1200 = tpu.vector_load %arg14[%swap3A_1198, %swap3A_1199] {strides = array<i32>} : memref<8x512xf32, #tpu.memory_space<vmem>>, vector<1x16xf32>,
          %swap3A_1201 = vector.shape_cast %swap3A_1200 : vector<1x16xf32> to vector<16xf32>
          %swap3A_1202 = vector.shape_cast %broadcast_in_dim3A_709 : vector<16xf32> to vector<1x16xf32>
          tpu.vector_store %arg14[%swap3A_1198, %swap3A_1199], %swap3A_1202 {strides = array<i32>} : memref<8x512xf32, #tpu.memory_space<vmem>>, vector<1x16xf32>,
          %swap3A_1203 = arith.index_cast %while3A_1083 : i32 to index
          %swap3A_1204 = arith.constant 384 : index
          %swap3A_1205 = tpu.vector_load %arg14[%swap3A_1203, %swap3A_1204] {strides = array<i32>} : memref<8x512xf32, #tpu.memory_space<vmem>>, vector<1x16xf32>,
          %swap3A_1206 = vector.shape_cast %swap3A_1205 : vector<1x16xf32> to vector<16xf32>
          %swap3A_1207 = vector.shape_cast %broadcast_in_dim3A_709 : vector<16xf32> to vector<1x16xf32>
          tpu.vector_store %arg14[%swap3A_1203, %swap3A_1204], %swap3A_1207 {strides = array<i32>} : memref<8x512xf32, #tpu.memory_space<vmem>>, vector<1x16xf32>,
          %swap3A_1208 = arith.index_cast %while3A_1083 : i32 to index
          %swap3A_1209 = arith.constant 400 : index
          %swap3A_1210 = tpu.vector_load %arg14[%swap3A_1208, %swap3A_1209] {strides = array<i32>} : memref<8x512xf32, #tpu.memory_space<vmem>>, vector<1x16xf32>,
          %swap3A_1211 = vector.shape_cast %swap3A_1210 : vector<1x16xf32> to vector<16xf32>
          %swap3A_1212 = vector.shape_cast %broadcast_in_dim3A_709 : vector<16xf32> to vector<1x16xf32>
          tpu.vector_store %arg14[%swap3A_1208, %swap3A_1209], %swap3A_1212 {strides = array<i32>} : memref<8x512xf32, #tpu.memory_space<vmem>>, vector<1x16xf32>,
          %swap3A_1213 = arith.index_cast %while3A_1083 : i32 to index
          %swap3A_1214 = arith.constant 416 : index
          %swap3A_1215 = tpu.vector_load %arg14[%swap3A_1213, %swap3A_1214] {strides = array<i32>} : memref<8x512xf32, #tpu.memory_space<vmem>>, vector<1x16xf32>,
          %swap3A_1216 = vector.shape_cast %swap3A_1215 : vector<1x16xf32> to vector<16xf32>
          %swap3A_1217 = vector.shape_cast %broadcast_in_dim3A_709 : vector<16xf32> to vector<1x16xf32>
          tpu.vector_store %arg14[%swap3A_1213, %swap3A_1214], %swap3A_1217 {strides = array<i32>} : memref<8x512xf32, #tpu.memory_space<vmem>>, vector<1x16xf32>,
          %swap3A_1218 = arith.index_cast %while3A_1083 : i32 to index
          %swap3A_1219 = arith.constant 432 : index
          %swap3A_1220 = tpu.vector_load %arg14[%swap3A_1218, %swap3A_1219] {strides = array<i32>} : memref<8x512xf32, #tpu.memory_space<vmem>>, vector<1x16xf32>,
          %swap3A_1221 = vector.shape_cast %swap3A_1220 : vector<1x16xf32> to vector<16xf32>
          %swap3A_1222 = vector.shape_cast %broadcast_in_dim3A_709 : vector<16xf32> to vector<1x16xf32>
          tpu.vector_store %arg14[%swap3A_1218, %swap3A_1219], %swap3A_1222 {strides = array<i32>} : memref<8x512xf32, #tpu.memory_space<vmem>>, vector<1x16xf32>,
          %swap3A_1223 = arith.index_cast %while3A_1083 : i32 to index
          %swap3A_1224 = arith.constant 448 : index
          %swap3A_1225 = tpu.vector_load %arg14[%swap3A_1223, %swap3A_1224] {strides = array<i32>} : memref<8x512xf32, #tpu.memory_space<vmem>>, vector<1x16xf32>,
          %swap3A_1226 = vector.shape_cast %swap3A_1225 : vector<1x16xf32> to vector<16xf32>
          %swap3A_1227 = vector.shape_cast %broadcast_in_dim3A_709 : vector<16xf32> to vector<1x16xf32>
          tpu.vector_store %arg14[%swap3A_1223, %swap3A_1224], %swap3A_1227 {strides = array<i32>} : memref<8x512xf32, #tpu.memory_space<vmem>>, vector<1x16xf32>,
          %swap3A_1228 = arith.index_cast %while3A_1083 : i32 to index
          %swap3A_1229 = arith.constant 464 : index
          %swap3A_1230 = tpu.vector_load %arg14[%swap3A_1228, %swap3A_1229] {strides = array<i32>} : memref<8x512xf32, #tpu.memory_space<vmem>>, vector<1x16xf32>,
          %swap3A_1231 = vector.shape_cast %swap3A_1230 : vector<1x16xf32> to vector<16xf32>
          %swap3A_1232 = vector.shape_cast %broadcast_in_dim3A_709 : vector<16xf32> to vector<1x16xf32>
          tpu.vector_store %arg14[%swap3A_1228, %swap3A_1229], %swap3A_1232 {strides = array<i32>} : memref<8x512xf32, #tpu.memory_space<vmem>>, vector<1x16xf32>,
          %swap3A_1233 = arith.index_cast %while3A_1083 : i32 to index
          %swap3A_1234 = arith.constant 480 : index
          %swap3A_1235 = tpu.vector_load %arg14[%swap3A_1233, %swap3A_1234] {strides = array<i32>} : memref<8x512xf32, #tpu.memory_space<vmem>>, vector<1x16xf32>,
          %swap3A_1236 = vector.shape_cast %swap3A_1235 : vector<1x16xf32> to vector<16xf32>
          %swap3A_1237 = vector.shape_cast %broadcast_in_dim3A_709 : vector<16xf32> to vector<1x16xf32>
          tpu.vector_store %arg14[%swap3A_1233, %swap3A_1234], %swap3A_1237 {strides = array<i32>} : memref<8x512xf32, #tpu.memory_space<vmem>>, vector<1x16xf32>,
          %swap3A_1238 = arith.index_cast %while3A_1083 : i32 to index
          %swap3A_1239 = arith.constant 496 : index
          %swap3A_1240 = tpu.vector_load %arg14[%swap3A_1238, %swap3A_1239] {strides = array<i32>} : memref<8x512xf32, #tpu.memory_space<vmem>>, vector<1x16xf32>,
          %swap3A_1241 = vector.shape_cast %swap3A_1240 : vector<1x16xf32> to vector<16xf32>
          %swap3A_1242 = vector.shape_cast %broadcast_in_dim3A_709 : vector<16xf32> to vector<1x16xf32>
          tpu.vector_store %arg14[%swap3A_1238, %swap3A_1239], %swap3A_1242 {strides = array<i32>} : memref<8x512xf32, #tpu.memory_space<vmem>>, vector<1x16xf32>,
          %swap3A_1243 = arith.index_cast %while3A_1083 : i32 to index
          %swap3A_1244 = arith.constant 0 : index
          %swap3A_1245 = tpu.vector_load %arg15[%swap3A_1243, %swap3A_1244] {strides = array<i32>} : memref<8x64xf32, #tpu.memory_space<vmem>>, vector<1x16xf32>,
          %swap3A_1246 = vector.shape_cast %swap3A_1245 : vector<1x16xf32> to vector<16xf32>
          %swap3A_1247 = vector.shape_cast %broadcast_in_dim3A_709 : vector<16xf32> to vector<1x16xf32>
          tpu.vector_store %arg15[%swap3A_1243, %swap3A_1244], %swap3A_1247 {strides = array<i32>} : memref<8x64xf32, #tpu.memory_space<vmem>>, vector<1x16xf32>,
          %swap3A_1248 = arith.index_cast %while3A_1083 : i32 to index
          %swap3A_1249 = arith.constant 16 : index
          %swap3A_1250 = tpu.vector_load %arg15[%swap3A_1248, %swap3A_1249] {strides = array<i32>} : memref<8x64xf32, #tpu.memory_space<vmem>>, vector<1x16xf32>,
          %swap3A_1251 = vector.shape_cast %swap3A_1250 : vector<1x16xf32> to vector<16xf32>
          %swap3A_1252 = vector.shape_cast %broadcast_in_dim3A_709 : vector<16xf32> to vector<1x16xf32>
          tpu.vector_store %arg15[%swap3A_1248, %swap3A_1249], %swap3A_1252 {strides = array<i32>} : memref<8x64xf32, #tpu.memory_space<vmem>>, vector<1x16xf32>,
          %swap3A_1253 = arith.index_cast %while3A_1083 : i32 to index
          %swap3A_1254 = arith.constant 32 : index
          %swap3A_1255 = tpu.vector_load %arg15[%swap3A_1253, %swap3A_1254] {strides = array<i32>} : memref<8x64xf32, #tpu.memory_space<vmem>>, vector<1x16xf32>,
          %swap3A_1256 = vector.shape_cast %swap3A_1255 : vector<1x16xf32> to vector<16xf32>
          %swap3A_1257 = vector.shape_cast %broadcast_in_dim3A_709 : vector<16xf32> to vector<1x16xf32>
          tpu.vector_store %arg15[%swap3A_1253, %swap3A_1254], %swap3A_1257 {strides = array<i32>} : memref<8x64xf32, #tpu.memory_space<vmem>>, vector<1x16xf32>,
          %swap3A_1258 = arith.index_cast %while3A_1083 : i32 to index
          %swap3A_1259 = arith.constant 48 : index
          %swap3A_1260 = tpu.vector_load %arg15[%swap3A_1258, %swap3A_1259] {strides = array<i32>} : memref<8x64xf32, #tpu.memory_space<vmem>>, vector<1x16xf32>,
          %swap3A_1261 = vector.shape_cast %swap3A_1260 : vector<1x16xf32> to vector<16xf32>
          %swap3A_1262 = vector.shape_cast %broadcast_in_dim3A_709 : vector<16xf32> to vector<1x16xf32>
          tpu.vector_store %arg15[%swap3A_1258, %swap3A_1259], %swap3A_1262 {strides = array<i32>} : memref<8x64xf32, #tpu.memory_space<vmem>>, vector<1x16xf32>,
        }
        %while3A_1080 = arith.constant 1 : i32
        scf.for %while3A_1083 = %while3A_1078 to %while3A_1074 step %while3A_1080  : i32 {
          %swap3A = arith.index_cast %while3A_1083 : i32 to index
          %swap3A_1084 = arith.constant 0 : index
          %swap3A_1085 = tpu.vector_load %arg14[%swap3A, %swap3A_1084] {strides = array<i32>} : memref<8x512xf32, #tpu.memory_space<vmem>>, vector<1x16xf32>,
          %swap3A_1086 = vector.shape_cast %swap3A_1085 : vector<1x16xf32> to vector<16xf32>
          %swap3A_1087 = vector.shape_cast %broadcast_in_dim3A_709 : vector<16xf32> to vector<1x16xf32>
          tpu.vector_store %arg14[%swap3A, %swap3A_1084], %swap3A_1087 {strides = array<i32>} : memref<8x512xf32, #tpu.memory_space<vmem>>, vector<1x16xf32>,
          %swap3A_1088 = arith.index_cast %while3A_1083 : i32 to index
          %swap3A_1089 = arith.constant 16 : index
          %swap3A_1090 = tpu.vector_load %arg14[%swap3A_1088, %swap3A_1089] {strides = array<i32>} : memref<8x512xf32, #tpu.memory_space<vmem>>, vector<1x16xf32>,
          %swap3A_1091 = vector.shape_cast %swap3A_1090 : vector<1x16xf32> to vector<16xf32>
          %swap3A_1092 = vector.shape_cast %broadcast_in_dim3A_709 : vector<16xf32> to vector<1x16xf32>
          tpu.vector_store %arg14[%swap3A_1088, %swap3A_1089], %swap3A_1092 {strides = array<i32>} : memref<8x512xf32, #tpu.memory_space<vmem>>, vector<1x16xf32>,
          %swap3A_1093 = arith.index_cast %while3A_1083 : i32 to index
          %swap3A_1094 = arith.constant 32 : index
          %swap3A_1095 = tpu.vector_load %arg14[%swap3A_1093, %swap3A_1094] {strides = array<i32>} : memref<8x512xf32, #tpu.memory_space<vmem>>, vector<1x16xf32>,
          %swap3A_1096 = vector.shape_cast %swap3A_1095 : vector<1x16xf32> to vector<16xf32>
          %swap3A_1097 = vector.shape_cast %broadcast_in_dim3A_709 : vector<16xf32> to vector<1x16xf32>
          tpu.vector_store %arg14[%swap3A_1093, %swap3A_1094], %swap3A_1097 {strides = array<i32>} : memref<8x512xf32, #tpu.memory_space<vmem>>, vector<1x16xf32>,
          %swap3A_1098 = arith.index_cast %while3A_1083 : i32 to index
          %swap3A_1099 = arith.constant 48 : index
          %swap3A_1100 = tpu.vector_load %arg14[%swap3A_1098, %swap3A_1099] {strides = array<i32>} : memref<8x512xf32, #tpu.memory_space<vmem>>, vector<1x16xf32>,
          %swap3A_1101 = vector.shape_cast %swap3A_1100 : vector<1x16xf32> to vector<16xf32>
          %swap3A_1102 = vector.shape_cast %broadcast_in_dim3A_709 : vector<16xf32> to vector<1x16xf32>
          tpu.vector_store %arg14[%swap3A_1098, %swap3A_1099], %swap3A_1102 {strides = array<i32>} : memref<8x512xf32, #tpu.memory_space<vmem>>, vector<1x16xf32>,
          %swap3A_1103 = arith.index_cast %while3A_1083 : i32 to index
          %swap3A_1104 = arith.constant 64 : index
          %swap3A_1105 = tpu.vector_load %arg14[%swap3A_1103, %swap3A_1104] {strides = array<i32>} : memref<8x512xf32, #tpu.memory_space<vmem>>, vector<1x16xf32>,
          %swap3A_1106 = vector.shape_cast %swap3A_1105 : vector<1x16xf32> to vector<16xf32>
          %swap3A_1107 = vector.shape_cast %broadcast_in_dim3A_709 : vector<16xf32> to vector<1x16xf32>
          tpu.vector_store %arg14[%swap3A_1103, %swap3A_1104], %swap3A_1107 {strides = array<i32>} : memref<8x512xf32, #tpu.memory_space<vmem>>, vector<1x16xf32>,
          %swap3A_1108 = arith.index_cast %while3A_1083 : i32 to index
          %swap3A_1109 = arith.constant 80 : index
          %swap3A_1110 = tpu.vector_load %arg14[%swap3A_1108, %swap3A_1109] {strides = array<i32>} : memref<8x512xf32, #tpu.memory_space<vmem>>, vector<1x16xf32>,
          %swap3A_1111 = vector.shape_cast %swap3A_1110 : vector<1x16xf32> to vector<16xf32>
          %swap3A_1112 = vector.shape_cast %broadcast_in_dim3A_709 : vector<16xf32> to vector<1x16xf32>
          tpu.vector_store %arg14[%swap3A_1108, %swap3A_1109], %swap3A_1112 {strides = array<i32>} : memref<8x512xf32, #tpu.memory_space<vmem>>, vector<1x16xf32>,
          %swap3A_1113 = arith.index_cast %while3A_1083 : i32 to index
          %swap3A_1114 = arith.constant 96 : index
          %swap3A_1115 = tpu.vector_load %arg14[%swap3A_1113, %swap3A_1114] {strides = array<i32>} : memref<8x512xf32, #tpu.memory_space<vmem>>, vector<1x16xf32>,
          %swap3A_1116 = vector.shape_cast %swap3A_1115 : vector<1x16xf32> to vector<16xf32>
          %swap3A_1117 = vector.shape_cast %broadcast_in_dim3A_709 : vector<16xf32> to vector<1x16xf32>
          tpu.vector_store %arg14[%swap3A_1113, %swap3A_1114], %swap3A_1117 {strides = array<i32>} : memref<8x512xf32, #tpu.memory_space<vmem>>, vector<1x16xf32>,
          %swap3A_1118 = arith.index_cast %while3A_1083 : i32 to index
          %swap3A_1119 = arith.constant 112 : index
          %swap3A_1120 = tpu.vector_load %arg14[%swap3A_1118, %swap3A_1119] {strides = array<i32>} : memref<8x512xf32, #tpu.memory_space<vmem>>, vector<1x16xf32>,
          %swap3A_1121 = vector.shape_cast %swap3A_1120 : vector<1x16xf32> to vector<16xf32>
          %swap3A_1122 = vector.shape_cast %broadcast_in_dim3A_709 : vector<16xf32> to vector<1x16xf32>
          tpu.vector_store %arg14[%swap3A_1118, %swap3A_1119], %swap3A_1122 {strides = array<i32>} : memref<8x512xf32, #tpu.memory_space<vmem>>, vector<1x16xf32>,
          %swap3A_1123 = arith.index_cast %while3A_1083 : i32 to index
          %swap3A_1124 = arith.constant 128 : index
          %swap3A_1125 = tpu.vector_load %arg14[%swap3A_1123, %swap3A_1124] {strides = array<i32>} : memref<8x512xf32, #tpu.memory_space<vmem>>, vector<1x16xf32>,
          %swap3A_1126 = vector.shape_cast %swap3A_1125 : vector<1x16xf32> to vector<16xf32>
          %swap3A_1127 = vector.shape_cast %broadcast_in_dim3A_709 : vector<16xf32> to vector<1x16xf32>
          tpu.vector_store %arg14[%swap3A_1123, %swap3A_1124], %swap3A_1127 {strides = array<i32>} : memref<8x512xf32, #tpu.memory_space<vmem>>, vector<1x16xf32>,
          %swap3A_1128 = arith.index_cast %while3A_1083 : i32 to index
          %swap3A_1129 = arith.constant 144 : index
          %swap3A_1130 = tpu.vector_load %arg14[%swap3A_1128, %swap3A_1129] {strides = array<i32>} : memref<8x512xf32, #tpu.memory_space<vmem>>, vector<1x16xf32>,
          %swap3A_1131 = vector.shape_cast %swap3A_1130 : vector<1x16xf32> to vector<16xf32>
          %swap3A_1132 = vector.shape_cast %broadcast_in_dim3A_709 : vector<16xf32> to vector<1x16xf32>
          tpu.vector_store %arg14[%swap3A_1128, %swap3A_1129], %swap3A_1132 {strides = array<i32>} : memref<8x512xf32, #tpu.memory_space<vmem>>, vector<1x16xf32>,
          %swap3A_1133 = arith.index_cast %while3A_1083 : i32 to index
          %swap3A_1134 = arith.constant 160 : index
          %swap3A_1135 = tpu.vector_load %arg14[%swap3A_1133, %swap3A_1134] {strides = array<i32>} : memref<8x512xf32, #tpu.memory_space<vmem>>, vector<1x16xf32>,
          %swap3A_1136 = vector.shape_cast %swap3A_1135 : vector<1x16xf32> to vector<16xf32>
          %swap3A_1137 = vector.shape_cast %broadcast_in_dim3A_709 : vector<16xf32> to vector<1x16xf32>
          tpu.vector_store %arg14[%swap3A_1133, %swap3A_1134], %swap3A_1137 {strides = array<i32>} : memref<8x512xf32, #tpu.memory_space<vmem>>, vector<1x16xf32>,
          %swap3A_1138 = arith.index_cast %while3A_1083 : i32 to index
          %swap3A_1139 = arith.constant 176 : index
          %swap3A_1140 = tpu.vector_load %arg14[%swap3A_1138, %swap3A_1139] {strides = array<i32>} : memref<8x512xf32, #tpu.memory_space<vmem>>, vector<1x16xf32>,
          %swap3A_1141 = vector.shape_cast %swap3A_1140 : vector<1x16xf32> to vector<16xf32>
          %swap3A_1142 = vector.shape_cast %broadcast_in_dim3A_709 : vector<16xf32> to vector<1x16xf32>
          tpu.vector_store %arg14[%swap3A_1138, %swap3A_1139], %swap3A_1142 {strides = array<i32>} : memref<8x512xf32, #tpu.memory_space<vmem>>, vector<1x16xf32>,
          %swap3A_1143 = arith.index_cast %while3A_1083 : i32 to index
          %swap3A_1144 = arith.constant 192 : index
          %swap3A_1145 = tpu.vector_load %arg14[%swap3A_1143, %swap3A_1144] {strides = array<i32>} : memref<8x512xf32, #tpu.memory_space<vmem>>, vector<1x16xf32>,
          %swap3A_1146 = vector.shape_cast %swap3A_1145 : vector<1x16xf32> to vector<16xf32>
          %swap3A_1147 = vector.shape_cast %broadcast_in_dim3A_709 : vector<16xf32> to vector<1x16xf32>
          tpu.vector_store %arg14[%swap3A_1143, %swap3A_1144], %swap3A_1147 {strides = array<i32>} : memref<8x512xf32, #tpu.memory_space<vmem>>, vector<1x16xf32>,
          %swap3A_1148 = arith.index_cast %while3A_1083 : i32 to index
          %swap3A_1149 = arith.constant 208 : index
          %swap3A_1150 = tpu.vector_load %arg14[%swap3A_1148, %swap3A_1149] {strides = array<i32>} : memref<8x512xf32, #tpu.memory_space<vmem>>, vector<1x16xf32>,
          %swap3A_1151 = vector.shape_cast %swap3A_1150 : vector<1x16xf32> to vector<16xf32>
          %swap3A_1152 = vector.shape_cast %broadcast_in_dim3A_709 : vector<16xf32> to vector<1x16xf32>
          tpu.vector_store %arg14[%swap3A_1148, %swap3A_1149], %swap3A_1152 {strides = array<i32>} : memref<8x512xf32, #tpu.memory_space<vmem>>, vector<1x16xf32>,
          %swap3A_1153 = arith.index_cast %while3A_1083 : i32 to index
          %swap3A_1154 = arith.constant 224 : index
          %swap3A_1155 = tpu.vector_load %arg14[%swap3A_1153, %swap3A_1154] {strides = array<i32>} : memref<8x512xf32, #tpu.memory_space<vmem>>, vector<1x16xf32>,
          %swap3A_1156 = vector.shape_cast %swap3A_1155 : vector<1x16xf32> to vector<16xf32>
          %swap3A_1157 = vector.shape_cast %broadcast_in_dim3A_709 : vector<16xf32> to vector<1x16xf32>
          tpu.vector_store %arg14[%swap3A_1153, %swap3A_1154], %swap3A_1157 {strides = array<i32>} : memref<8x512xf32, #tpu.memory_space<vmem>>, vector<1x16xf32>,
          %swap3A_1158 = arith.index_cast %while3A_1083 : i32 to index
          %swap3A_1159 = arith.constant 240 : index
          %swap3A_1160 = tpu.vector_load %arg14[%swap3A_1158, %swap3A_1159] {strides = array<i32>} : memref<8x512xf32, #tpu.memory_space<vmem>>, vector<1x16xf32>,
          %swap3A_1161 = vector.shape_cast %swap3A_1160 : vector<1x16xf32> to vector<16xf32>
          %swap3A_1162 = vector.shape_cast %broadcast_in_dim3A_709 : vector<16xf32> to vector<1x16xf32>
          tpu.vector_store %arg14[%swap3A_1158, %swap3A_1159], %swap3A_1162 {strides = array<i32>} : memref<8x512xf32, #tpu.memory_space<vmem>>, vector<1x16xf32>,
          %swap3A_1163 = arith.index_cast %while3A_1083 : i32 to index
          %swap3A_1164 = arith.constant 256 : index
          %swap3A_1165 = tpu.vector_load %arg14[%swap3A_1163, %swap3A_1164] {strides = array<i32>} : memref<8x512xf32, #tpu.memory_space<vmem>>, vector<1x16xf32>,
          %swap3A_1166 = vector.shape_cast %swap3A_1165 : vector<1x16xf32> to vector<16xf32>
          %swap3A_1167 = vector.shape_cast %broadcast_in_dim3A_709 : vector<16xf32> to vector<1x16xf32>
          tpu.vector_store %arg14[%swap3A_1163, %swap3A_1164], %swap3A_1167 {strides = array<i32>} : memref<8x512xf32, #tpu.memory_space<vmem>>, vector<1x16xf32>,
          %swap3A_1168 = arith.index_cast %while3A_1083 : i32 to index
          %swap3A_1169 = arith.constant 272 : index
          %swap3A_1170 = tpu.vector_load %arg14[%swap3A_1168, %swap3A_1169] {strides = array<i32>} : memref<8x512xf32, #tpu.memory_space<vmem>>, vector<1x16xf32>,
          %swap3A_1171 = vector.shape_cast %swap3A_1170 : vector<1x16xf32> to vector<16xf32>
          %swap3A_1172 = vector.shape_cast %broadcast_in_dim3A_709 : vector<16xf32> to vector<1x16xf32>
          tpu.vector_store %arg14[%swap3A_1168, %swap3A_1169], %swap3A_1172 {strides = array<i32>} : memref<8x512xf32, #tpu.memory_space<vmem>>, vector<1x16xf32>,
          %swap3A_1173 = arith.index_cast %while3A_1083 : i32 to index
          %swap3A_1174 = arith.constant 288 : index
          %swap3A_1175 = tpu.vector_load %arg14[%swap3A_1173, %swap3A_1174] {strides = array<i32>} : memref<8x512xf32, #tpu.memory_space<vmem>>, vector<1x16xf32>,
          %swap3A_1176 = vector.shape_cast %swap3A_1175 : vector<1x16xf32> to vector<16xf32>
          %swap3A_1177 = vector.shape_cast %broadcast_in_dim3A_709 : vector<16xf32> to vector<1x16xf32>
          tpu.vector_store %arg14[%swap3A_1173, %swap3A_1174], %swap3A_1177 {strides = array<i32>} : memref<8x512xf32, #tpu.memory_space<vmem>>, vector<1x16xf32>,
          %swap3A_1178 = arith.index_cast %while3A_1083 : i32 to index
          %swap3A_1179 = arith.constant 304 : index
          %swap3A_1180 = tpu.vector_load %arg14[%swap3A_1178, %swap3A_1179] {strides = array<i32>} : memref<8x512xf32, #tpu.memory_space<vmem>>, vector<1x16xf32>,
          %swap3A_1181 = vector.shape_cast %swap3A_1180 : vector<1x16xf32> to vector<16xf32>
          %swap3A_1182 = vector.shape_cast %broadcast_in_dim3A_709 : vector<16xf32> to vector<1x16xf32>
          tpu.vector_store %arg14[%swap3A_1178, %swap3A_1179], %swap3A_1182 {strides = array<i32>} : memref<8x512xf32, #tpu.memory_space<vmem>>, vector<1x16xf32>,
          %swap3A_1183 = arith.index_cast %while3A_1083 : i32 to index
          %swap3A_1184 = arith.constant 320 : index
          %swap3A_1185 = tpu.vector_load %arg14[%swap3A_1183, %swap3A_1184] {strides = array<i32>} : memref<8x512xf32, #tpu.memory_space<vmem>>, vector<1x16xf32>,
          %swap3A_1186 = vector.shape_cast %swap3A_1185 : vector<1x16xf32> to vector<16xf32>
          %swap3A_1187 = vector.shape_cast %broadcast_in_dim3A_709 : vector<16xf32> to vector<1x16xf32>
          tpu.vector_store %arg14[%swap3A_1183, %swap3A_1184], %swap3A_1187 {strides = array<i32>} : memref<8x512xf32, #tpu.memory_space<vmem>>, vector<1x16xf32>,
          %swap3A_1188 = arith.index_cast %while3A_1083 : i32 to index
          %swap3A_1189 = arith.constant 336 : index
          %swap3A_1190 = tpu.vector_load %arg14[%swap3A_1188, %swap3A_1189] {strides = array<i32>} : memref<8x512xf32, #tpu.memory_space<vmem>>, vector<1x16xf32>,
          %swap3A_1191 = vector.shape_cast %swap3A_1190 : vector<1x16xf32> to vector<16xf32>
          %swap3A_1192 = vector.shape_cast %broadcast_in_dim3A_709 : vector<16xf32> to vector<1x16xf32>
          tpu.vector_store %arg14[%swap3A_1188, %swap3A_1189], %swap3A_1192 {strides = array<i32>} : memref<8x512xf32, #tpu.memory_space<vmem>>, vector<1x16xf32>,
          %swap3A_1193 = arith.index_cast %while3A_1083 : i32 to index
          %swap3A_1194 = arith.constant 352 : index
          %swap3A_1195 = tpu.vector_load %arg14[%swap3A_1193, %swap3A_1194] {strides = array<i32>} : memref<8x512xf32, #tpu.memory_space<vmem>>, vector<1x16xf32>,
          %swap3A_1196 = vector.shape_cast %swap3A_1195 : vector<1x16xf32> to vector<16xf32>
          %swap3A_1197 = vector.shape_cast %broadcast_in_dim3A_709 : vector<16xf32> to vector<1x16xf32>
          tpu.vector_store %arg14[%swap3A_1193, %swap3A_1194], %swap3A_1197 {strides = array<i32>} : memref<8x512xf32, #tpu.memory_space<vmem>>, vector<1x16xf32>,
          %swap3A_1198 = arith.index_cast %while3A_1083 : i32 to index
          %swap3A_1199 = arith.constant 368 : index
          %swap3A_1200 = tpu.vector_load %arg14[%swap3A_1198, %swap3A_1199] {strides = array<i32>} : memref<8x512xf32, #tpu.memory_space<vmem>>, vector<1x16xf32>,
          %swap3A_1201 = vector.shape_cast %swap3A_1200 : vector<1x16xf32> to vector<16xf32>
          %swap3A_1202 = vector.shape_cast %broadcast_in_dim3A_709 : vector<16xf32> to vector<1x16xf32>
          tpu.vector_store %arg14[%swap3A_1198, %swap3A_1199], %swap3A_1202 {strides = array<i32>} : memref<8x512xf32, #tpu.memory_space<vmem>>, vector<1x16xf32>,
          %swap3A_1203 = arith.index_cast %while3A_1083 : i32 to index
          %swap3A_1204 = arith.constant 384 : index
          %swap3A_1205 = tpu.vector_load %arg14[%swap3A_1203, %swap3A_1204] {strides = array<i32>} : memref<8x512xf32, #tpu.memory_space<vmem>>, vector<1x16xf32>,
          %swap3A_1206 = vector.shape_cast %swap3A_1205 : vector<1x16xf32> to vector<16xf32>
          %swap3A_1207 = vector.shape_cast %broadcast_in_dim3A_709 : vector<16xf32> to vector<1x16xf32>
          tpu.vector_store %arg14[%swap3A_1203, %swap3A_1204], %swap3A_1207 {strides = array<i32>} : memref<8x512xf32, #tpu.memory_space<vmem>>, vector<1x16xf32>,
          %swap3A_1208 = arith.index_cast %while3A_1083 : i32 to index
          %swap3A_1209 = arith.constant 400 : index
          %swap3A_1210 = tpu.vector_load %arg14[%swap3A_1208, %swap3A_1209] {strides = array<i32>} : memref<8x512xf32, #tpu.memory_space<vmem>>, vector<1x16xf32>,
          %swap3A_1211 = vector.shape_cast %swap3A_1210 : vector<1x16xf32> to vector<16xf32>
          %swap3A_1212 = vector.shape_cast %broadcast_in_dim3A_709 : vector<16xf32> to vector<1x16xf32>
          tpu.vector_store %arg14[%swap3A_1208, %swap3A_1209], %swap3A_1212 {strides = array<i32>} : memref<8x512xf32, #tpu.memory_space<vmem>>, vector<1x16xf32>,
          %swap3A_1213 = arith.index_cast %while3A_1083 : i32 to index
          %swap3A_1214 = arith.constant 416 : index
          %swap3A_1215 = tpu.vector_load %arg14[%swap3A_1213, %swap3A_1214] {strides = array<i32>} : memref<8x512xf32, #tpu.memory_space<vmem>>, vector<1x16xf32>,
          %swap3A_1216 = vector.shape_cast %swap3A_1215 : vector<1x16xf32> to vector<16xf32>
          %swap3A_1217 = vector.shape_cast %broadcast_in_dim3A_709 : vector<16xf32> to vector<1x16xf32>
          tpu.vector_store %arg14[%swap3A_1213, %swap3A_1214], %swap3A_1217 {strides = array<i32>} : memref<8x512xf32, #tpu.memory_space<vmem>>, vector<1x16xf32>,
          %swap3A_1218 = arith.index_cast %while3A_1083 : i32 to index
          %swap3A_1219 = arith.constant 432 : index
          %swap3A_1220 = tpu.vector_load %arg14[%swap3A_1218, %swap3A_1219] {strides = array<i32>} : memref<8x512xf32, #tpu.memory_space<vmem>>, vector<1x16xf32>,
          %swap3A_1221 = vector.shape_cast %swap3A_1220 : vector<1x16xf32> to vector<16xf32>
          %swap3A_1222 = vector.shape_cast %broadcast_in_dim3A_709 : vector<16xf32> to vector<1x16xf32>
          tpu.vector_store %arg14[%swap3A_1218, %swap3A_1219], %swap3A_1222 {strides = array<i32>} : memref<8x512xf32, #tpu.memory_space<vmem>>, vector<1x16xf32>,
          %swap3A_1223 = arith.index_cast %while3A_1083 : i32 to index
          %swap3A_1224 = arith.constant 448 : index
          %swap3A_1225 = tpu.vector_load %arg14[%swap3A_1223, %swap3A_1224] {strides = array<i32>} : memref<8x512xf32, #tpu.memory_space<vmem>>, vector<1x16xf32>,
          %swap3A_1226 = vector.shape_cast %swap3A_1225 : vector<1x16xf32> to vector<16xf32>
          %swap3A_1227 = vector.shape_cast %broadcast_in_dim3A_709 : vector<16xf32> to vector<1x16xf32>
          tpu.vector_store %arg14[%swap3A_1223, %swap3A_1224], %swap3A_1227 {strides = array<i32>} : memref<8x512xf32, #tpu.memory_space<vmem>>, vector<1x16xf32>,
          %swap3A_1228 = arith.index_cast %while3A_1083 : i32 to index
          %swap3A_1229 = arith.constant 464 : index
          %swap3A_1230 = tpu.vector_load %arg14[%swap3A_1228, %swap3A_1229] {strides = array<i32>} : memref<8x512xf32, #tpu.memory_space<vmem>>, vector<1x16xf32>,
          %swap3A_1231 = vector.shape_cast %swap3A_1230 : vector<1x16xf32> to vector<16xf32>
          %swap3A_1232 = vector.shape_cast %broadcast_in_dim3A_709 : vector<16xf32> to vector<1x16xf32>
          tpu.vector_store %arg14[%swap3A_1228, %swap3A_1229], %swap3A_1232 {strides = array<i32>} : memref<8x512xf32, #tpu.memory_space<vmem>>, vector<1x16xf32>,
          %swap3A_1233 = arith.index_cast %while3A_1083 : i32 to index
          %swap3A_1234 = arith.constant 480 : index
          %swap3A_1235 = tpu.vector_load %arg14[%swap3A_1233, %swap3A_1234] {strides = array<i32>} : memref<8x512xf32, #tpu.memory_space<vmem>>, vector<1x16xf32>,
          %swap3A_1236 = vector.shape_cast %swap3A_1235 : vector<1x16xf32> to vector<16xf32>
          %swap3A_1237 = vector.shape_cast %broadcast_in_dim3A_709 : vector<16xf32> to vector<1x16xf32>
          tpu.vector_store %arg14[%swap3A_1233, %swap3A_1234], %swap3A_1237 {strides = array<i32>} : memref<8x512xf32, #tpu.memory_space<vmem>>, vector<1x16xf32>,
          %swap3A_1238 = arith.index_cast %while3A_1083 : i32 to index
          %swap3A_1239 = arith.constant 496 : index
          %swap3A_1240 = tpu.vector_load %arg14[%swap3A_1238, %swap3A_1239] {strides = array<i32>} : memref<8x512xf32, #tpu.memory_space<vmem>>, vector<1x16xf32>,
          %swap3A_1241 = vector.shape_cast %swap3A_1240 : vector<1x16xf32> to vector<16xf32>
          %swap3A_1242 = vector.shape_cast %broadcast_in_dim3A_709 : vector<16xf32> to vector<1x16xf32>
          tpu.vector_store %arg14[%swap3A_1238, %swap3A_1239], %swap3A_1242 {strides = array<i32>} : memref<8x512xf32, #tpu.memory_space<vmem>>, vector<1x16xf32>,
          %swap3A_1243 = arith.index_cast %while3A_1083 : i32 to index
          %swap3A_1244 = arith.constant 0 : index
          %swap3A_1245 = tpu.vector_load %arg15[%swap3A_1243, %swap3A_1244] {strides = array<i32>} : memref<8x64xf32, #tpu.memory_space<vmem>>, vector<1x16xf32>,
          %swap3A_1246 = vector.shape_cast %swap3A_1245 : vector<1x16xf32> to vector<16xf32>
          %swap3A_1247 = vector.shape_cast %broadcast_in_dim3A_709 : vector<16xf32> to vector<1x16xf32>
          tpu.vector_store %arg15[%swap3A_1243, %swap3A_1244], %swap3A_1247 {strides = array<i32>} : memref<8x64xf32, #tpu.memory_space<vmem>>, vector<1x16xf32>,
          %swap3A_1248 = arith.index_cast %while3A_1083 : i32 to index
          %swap3A_1249 = arith.constant 16 : index
          %swap3A_1250 = tpu.vector_load %arg15[%swap3A_1248, %swap3A_1249] {strides = array<i32>} : memref<8x64xf32, #tpu.memory_space<vmem>>, vector<1x16xf32>,
          %swap3A_1251 = vector.shape_cast %swap3A_1250 : vector<1x16xf32> to vector<16xf32>
          %swap3A_1252 = vector.shape_cast %broadcast_in_dim3A_709 : vector<16xf32> to vector<1x16xf32>
          tpu.vector_store %arg15[%swap3A_1248, %swap3A_1249], %swap3A_1252 {strides = array<i32>} : memref<8x64xf32, #tpu.memory_space<vmem>>, vector<1x16xf32>,
          %swap3A_1253 = arith.index_cast %while3A_1083 : i32 to index
          %swap3A_1254 = arith.constant 32 : index
          %swap3A_1255 = tpu.vector_load %arg15[%swap3A_1253, %swap3A_1254] {strides = array<i32>} : memref<8x64xf32, #tpu.memory_space<vmem>>, vector<1x16xf32>,
          %swap3A_1256 = vector.shape_cast %swap3A_1255 : vector<1x16xf32> to vector<16xf32>
          %swap3A_1257 = vector.shape_cast %broadcast_in_dim3A_709 : vector<16xf32> to vector<1x16xf32>
          tpu.vector_store %arg15[%swap3A_1253, %swap3A_1254], %swap3A_1257 {strides = array<i32>} : memref<8x64xf32, #tpu.memory_space<vmem>>, vector<1x16xf32>,
          %swap3A_1258 = arith.index_cast %while3A_1083 : i32 to index
          %swap3A_1259 = arith.constant 48 : index
          %swap3A_1260 = tpu.vector_load %arg15[%swap3A_1258, %swap3A_1259] {strides = array<i32>} : memref<8x64xf32, #tpu.memory_space<vmem>>, vector<1x16xf32>,
          %swap3A_1261 = vector.shape_cast %swap3A_1260 : vector<1x16xf32> to vector<16xf32>
          %swap3A_1262 = vector.shape_cast %broadcast_in_dim3A_709 : vector<16xf32> to vector<1x16xf32>
          tpu.vector_store %arg15[%swap3A_1258, %swap3A_1259], %swap3A_1262 {strides = array<i32>} : memref<8x64xf32, #tpu.memory_space<vmem>>, vector<1x16xf32>,
        }
        %add3A_1081 = arith.addi %add3A_522, %mul3A_911 : i32
        "tpu.region"() ({
          %run_scoped3A = tpu.sem_alloc : memref<!tpu.dma_semaphore, #tpu.memory_space<semaphore_mem>>
          %dma_start3A_1083 = arith.constant 0 : i32
          %dma_start3A_1084 = tpu.memref_slice %arg9[%add3A_1081, %dma_start3A_1083] : memref<8192x512xf32, #tpu.memory_space<hbm>> -> memref<8x512xf32, #tpu.memory_space<hbm>>
          %dma_start3A_1085 = arith.constant 0 : i32
          %dma_start3A_1086 = tpu.memref_slice %arg9[%add3A_1081, %dma_start3A_1085] : memref<8192x512xf32, #tpu.memory_space<hbm>> -> memref<8x512xf32, #tpu.memory_space<hbm>>
          tpu.enqueue_dma source(%arg14 : memref<8x512xf32, #tpu.memory_space<vmem>>) target(%dma_start3A_1086 : memref<8x512xf32, #tpu.memory_space<hbm>>) target_semaphore(%run_scoped3A : memref<!tpu.dma_semaphore, #tpu.memory_space<semaphore_mem>>)
          %dma_wait3A_1087 = arith.constant 0 : i32
          %dma_wait3A_1088 = tpu.memref_slice %arg9[%add3A_1081, %dma_wait3A_1087] : memref<8192x512xf32, #tpu.memory_space<hbm>> -> memref<8x512xf32, #tpu.memory_space<hbm>>
          %dma_wait3A_1089 = arith.constant 0 : i32
          %dma_wait3A_1090 = tpu.memref_slice %arg9[%add3A_1081, %dma_wait3A_1089] : memref<8192x512xf32, #tpu.memory_space<hbm>> -> memref<8x512xf32, #tpu.memory_space<hbm>>
          tpu.wait_dma2 semaphore(%run_scoped3A : memref<!tpu.dma_semaphore, #tpu.memory_space<semaphore_mem>>) src(%arg14 : memref<8x512xf32, #tpu.memory_space<vmem>>) dst(%dma_wait3A_1090 : memref<8x512xf32, #tpu.memory_space<hbm>>)
          tpu.yield
        }) : () -> ()
        %add3A_1082 = arith.addi %add3A_522, %mul3A_911 : i32
        "tpu.region"() ({
          %run_scoped3A = tpu.sem_alloc : memref<!tpu.dma_semaphore, #tpu.memory_space<semaphore_mem>>
          %dma_start3A_1083 = arith.constant 0 : i32
          %dma_start3A_1084 = tpu.memref_slice %arg8[%add3A_1082, %dma_start3A_1083] : memref<8192x64xf32, #tpu.memory_space<hbm>> -> memref<8x64xf32, #tpu.memory_space<hbm>>
          %dma_start3A_1085 = arith.constant 0 : i32
          %dma_start3A_1086 = tpu.memref_slice %arg8[%add3A_1082, %dma_start3A_1085] : memref<8192x64xf32, #tpu.memory_space<hbm>> -> memref<8x64xf32, #tpu.memory_space<hbm>>
          tpu.enqueue_dma source(%arg15 : memref<8x64xf32, #tpu.memory_space<vmem>>) target(%dma_start3A_1086 : memref<8x64xf32, #tpu.memory_space<hbm>>) target_semaphore(%run_scoped3A : memref<!tpu.dma_semaphore, #tpu.memory_space<semaphore_mem>>)
          %dma_wait3A_1087 = arith.constant 0 : i32
          %dma_wait3A_1088 = tpu.memref_slice %arg8[%add3A_1082, %dma_wait3A_1087] : memref<8192x64xf32, #tpu.memory_space<hbm>> -> memref<8x64xf32, #tpu.memory_space<hbm>>
          %dma_wait3A_1089 = arith.constant 0 : i32
          %dma_wait3A_1090 = tpu.memref_slice %arg8[%add3A_1082, %dma_wait3A_1089] : memref<8192x64xf32, #tpu.memory_space<hbm>> -> memref<8x64xf32, #tpu.memory_space<hbm>>
          tpu.wait_dma2 semaphore(%run_scoped3A : memref<!tpu.dma_semaphore, #tpu.memory_space<semaphore_mem>>) src(%arg15 : memref<8x64xf32, #tpu.memory_space<vmem>>) dst(%dma_wait3A_1090 : memref<8x64xf32, #tpu.memory_space<hbm>>)
          tpu.yield
        }) : () -> ()
      } else {
      }
    } else {
    }
    %dma_wait3A_864 = arith.constant 1 : i32
    %dma_wait3A_865 = arith.constant 0 : i32
    %dma_wait3A_866 = tpu.memref_slice %arg9[%add3A_687, %dma_wait3A_865] : memref<8192x512xf32, #tpu.memory_space<hbm>> -> memref<64x512xf32, #tpu.memory_space<hbm>>
    %dma_wait3A_867 = tpu.memref_slice %arg21[%dma_wait3A_864] : memref<2x!tpu.dma_semaphore, #tpu.memory_space<semaphore_mem>> -> memref<1x!tpu.dma_semaphore, #tpu.memory_space<semaphore_mem>>
    %dma_wait3A_868 = tpu.memref_squeeze %dma_wait3A_867 : memref<1x!tpu.dma_semaphore, #tpu.memory_space<semaphore_mem>> -> memref<!tpu.dma_semaphore, #tpu.memory_space<semaphore_mem>>
    %dma_wait3A_869 = arith.constant 0 : i32
    %dma_wait3A_870 = tpu.memref_slice %arg9[%add3A_687, %dma_wait3A_869] : memref<8192x512xf32, #tpu.memory_space<hbm>> -> memref<64x512xf32, #tpu.memory_space<hbm>>
    tpu.wait_dma2 semaphore(%dma_wait3A_868 : memref<!tpu.dma_semaphore, #tpu.memory_space<semaphore_mem>>) src(%arg18 : memref<64x512xf32, #tpu.memory_space<vmem>>) dst(%dma_wait3A_870 : memref<64x512xf32, #tpu.memory_space<hbm>>)
    %dma_wait3A_871 = arith.constant 1 : i32
    %dma_wait3A_872 = arith.constant 0 : i32
    %dma_wait3A_873 = tpu.memref_slice %arg8[%add3A_687, %dma_wait3A_872] : memref<8192x64xf32, #tpu.memory_space<hbm>> -> memref<64x64xf32, #tpu.memory_space<hbm>>
    %dma_wait3A_874 = tpu.memref_slice %arg21[%dma_wait3A_871] : memref<2x!tpu.dma_semaphore, #tpu.memory_space<semaphore_mem>> -> memref<1x!tpu.dma_semaphore, #tpu.memory_space<semaphore_mem>>
    %dma_wait3A_875 = tpu.memref_squeeze %dma_wait3A_874 : memref<1x!tpu.dma_semaphore, #tpu.memory_space<semaphore_mem>> -> memref<!tpu.dma_semaphore, #tpu.memory_space<semaphore_mem>>
    %dma_wait3A_876 = arith.constant 0 : i32
    %dma_wait3A_877 = tpu.memref_slice %arg8[%add3A_687, %dma_wait3A_876] : memref<8192x64xf32, #tpu.memory_space<hbm>> -> memref<64x64xf32, #tpu.memory_space<hbm>>
    tpu.wait_dma2 semaphore(%dma_wait3A_875 : memref<!tpu.dma_semaphore, #tpu.memory_space<semaphore_mem>>) src(%arg19 : memref<64x64xf32, #tpu.memory_space<vmem>>) dst(%dma_wait3A_877 : memref<64x64xf32, #tpu.memory_space<hbm>>)
    %gt3A_878 = arith.constant 0 : i32
    %gt3A_879 = arith.cmpi sgt, %min3A_699, %gt3A_878 : i32
    %lt3A_880 = arith.constant 64 : i32
    %lt3A_881 = arith.cmpi slt, %min3A_699, %lt3A_880 : i32
    %and3A_882 = arith.andi %gt3A_879, %lt3A_881 : i1
    %convert_element_type3A_883 = arith.extui %and3A_882 : i1 to i32
    %cond3A_884 = arith.constant 0 : i32
    %cond3A_885 = arith.cmpi ne, %convert_element_type3A_883, %cond3A_884 : i32
    scf.if %cond3A_885 {
      %jit3A_886 = arith.constant 8 : i32
      %div3A_887 = arith.divsi %min3A_699, %jit3A_886 : i32
      %sign3A_888 = arith.constant 0 : i32
      %sign3A_889 = arith.cmpi sgt, %min3A_699, %sign3A_888 : i32
      %sign3A_890 = arith.extui %sign3A_889 : i1 to i32
      %sign3A_891 = arith.constant 0 : i32
      %sign3A_892 = arith.cmpi slt, %min3A_699, %sign3A_891 : i32
      %sign3A_893 = arith.extui %sign3A_892 : i1 to i32
      %sign3A_894 = arith.subi %sign3A_890, %sign3A_893 : i32
      %sign3A_895 = arith.constant 0 : i32
      %sign3A_896 = arith.cmpi sgt, %jit3A_886, %sign3A_895 : i32
      %sign3A_897 = arith.extui %sign3A_896 : i1 to i32
      %sign3A_898 = arith.constant 0 : i32
      %sign3A_899 = arith.cmpi slt, %jit3A_886, %sign3A_898 : i32
      %sign3A_900 = arith.extui %sign3A_899 : i1 to i32
      %sign3A_901 = arith.subi %sign3A_897, %sign3A_900 : i32
      %ne3A_902 = arith.cmpi ne, %sign3A_894, %sign3A_901 : i32
      %rem3A_903 = arith.remsi %min3A_699, %jit3A_886 : i32
      %ne3A_904 = arith.constant 0 : i32
      %ne3A_905 = arith.cmpi ne, %rem3A_903, %ne3A_904 : i32
      %and3A_906 = arith.andi %ne3A_902, %ne3A_905 : i1
      %sub3A_907 = arith.constant 1 : i32
      %sub3A_908 = arith.subi %div3A_887, %sub3A_907 : i32
      %select_n3A_909 = arith.select %and3A_906, %sub3A_908, %div3A_887 : i32
      %mul3A_910 = arith.constant 8 : i32
      %mul3A_911 = arith.muli %select_n3A_909, %mul3A_910 : i32
      %sub3A_912 = arith.subi %min3A_699, %mul3A_911 : i32
      %gt3A_913 = arith.constant 0 : i32
      %gt3A_914 = arith.cmpi sgt, %sub3A_912, %gt3A_913 : i32
      %jit3A_915 = arith.constant 8 : i32
      %jit3A_916 = arith.constant 0 : i32
      %select_n3A_917 = arith.select %gt3A_914, %jit3A_915, %jit3A_916 : i32
      %add3A_918 = arith.addi %mul3A_911, %select_n3A_917 : i32
      %sub3A_919 = arith.constant 64 : i32
      %sub3A_920 = arith.subi %sub3A_919, %add3A_918 : i32
      %jit3A_921 = arith.constant 32 : i32
      %div3A_922 = arith.divsi %sub3A_920, %jit3A_921 : i32
      %sign3A_923 = arith.constant 0 : i32
      %sign3A_924 = arith.cmpi sgt, %sub3A_920, %sign3A_923 : i32
      %sign3A_925 = arith.extui %sign3A_924 : i1 to i32
      %sign3A_926 = arith.constant 0 : i32
      %sign3A_927 = arith.cmpi slt, %sub3A_920, %sign3A_926 : i32
      %sign3A_928 = arith.extui %sign3A_927 : i1 to i32
      %sign3A_929 = arith.subi %sign3A_925, %sign3A_928 : i32
      %sign3A_930 = arith.constant 0 : i32
      %sign3A_931 = arith.cmpi sgt, %jit3A_921, %sign3A_930 : i32
      %sign3A_932 = arith.extui %sign3A_931 : i1 to i32
      %sign3A_933 = arith.constant 0 : i32
      %sign3A_934 = arith.cmpi slt, %jit3A_921, %sign3A_933 : i32
      %sign3A_935 = arith.extui %sign3A_934 : i1 to i32
      %sign3A_936 = arith.subi %sign3A_932, %sign3A_935 : i32
      %ne3A_937 = arith.cmpi ne, %sign3A_929, %sign3A_936 : i32
      %rem3A_938 = arith.remsi %sub3A_920, %jit3A_921 : i32
      %ne3A_939 = arith.constant 0 : i32
      %ne3A_940 = arith.cmpi ne, %rem3A_938, %ne3A_939 : i32
      %and3A_941 = arith.andi %ne3A_937, %ne3A_940 : i1
      %sub3A_942 = arith.constant 1 : i32
      %sub3A_943 = arith.subi %div3A_922, %sub3A_942 : i32
      %select_n3A_944 = arith.select %and3A_941, %sub3A_943, %div3A_922 : i32
      %jit3A_945 = arith.constant 2 : i32
      %eq3A_946 = arith.constant 0 : i32
      %eq3A_947 = arith.cmpi eq, %jit3A_945, %eq3A_946 : i32
      %jit3A_948 = arith.constant 1 : i32
      %select_n3A_949 = arith.select %eq3A_947, %jit3A_948, %jit3A_945 : i32
      %rem3A_950 = arith.remsi %select_n3A_944, %select_n3A_949 : i32
      %ne3A_951 = arith.constant 0 : i32
      %ne3A_952 = arith.cmpi ne, %rem3A_950, %ne3A_951 : i32
      %lt3A_953 = arith.constant 0 : i32
      %lt3A_954 = arith.cmpi slt, %rem3A_950, %lt3A_953 : i32
      %lt3A_955 = arith.constant 0 : i32
      %lt3A_956 = arith.cmpi slt, %select_n3A_949, %lt3A_955 : i32
      %ne3A_957 = arith.xori %lt3A_954, %lt3A_956 : i1
      %and3A_958 = arith.andi %ne3A_957, %ne3A_952 : i1
      %add3A_959 = arith.addi %rem3A_950, %select_n3A_949 : i32
      %select_n3A_960 = arith.select %and3A_958, %add3A_959, %rem3A_950 : i32
      %eq3A_961 = arith.constant 1 : i32
      %eq3A_962 = arith.cmpi eq, %select_n3A_960, %eq3A_961 : i32
      %convert_element_type3A_963 = arith.extui %eq3A_962 : i1 to i32
      %cond3A_964 = arith.constant 0 : i32
      %cond3A_965 = arith.cmpi ne, %convert_element_type3A_963, %cond3A_964 : i32
      scf.if %cond3A_965 {
        %add3A_1070 = arith.addi %add3A_687, %add3A_918 : i32
        "tpu.region"() ({
          %run_scoped3A = tpu.sem_alloc : memref<!tpu.dma_semaphore, #tpu.memory_space<semaphore_mem>>
          %dma_start3A_1072 = arith.constant 0 : i32
          %dma_start3A_1073 = arith.constant 0 : i32
          %dma_start3A_1074 = tpu.memref_slice %arg18[%dma_start3A_1072, %dma_start3A_1073] : memref<64x512xf32, #tpu.memory_space<vmem>> -> memref<32x512xf32, #tpu.memory_space<vmem>>
          %dma_start3A_1075 = arith.constant 0 : i32
          %dma_start3A_1076 = tpu.memref_slice %arg9[%add3A_1070, %dma_start3A_1075] : memref<8192x512xf32, #tpu.memory_space<hbm>> -> memref<32x512xf32, #tpu.memory_space<hbm>>
          %dma_start3A_1077 = arith.constant 0 : i32
          %dma_start3A_1078 = tpu.memref_slice %arg9[%add3A_1070, %dma_start3A_1077] : memref<8192x512xf32, #tpu.memory_space<hbm>> -> memref<32x512xf32, #tpu.memory_space<hbm>>
          %dma_start3A_1079 = arith.constant 0 : i32
          %dma_start3A_1080 = arith.constant 0 : i32
          %dma_start3A_1081 = tpu.memref_slice %arg18[%dma_start3A_1079, %dma_start3A_1080] : memref<64x512xf32, #tpu.memory_space<vmem>> -> memref<32x512xf32, #tpu.memory_space<vmem>>
          tpu.enqueue_dma source(%dma_start3A_1081 : memref<32x512xf32, #tpu.memory_space<vmem>>) target(%dma_start3A_1078 : memref<32x512xf32, #tpu.memory_space<hbm>>) target_semaphore(%run_scoped3A : memref<!tpu.dma_semaphore, #tpu.memory_space<semaphore_mem>>)
          %dma_wait3A_1082 = arith.constant 0 : i32
          %dma_wait3A_1083 = arith.constant 0 : i32
          %dma_wait3A_1084 = tpu.memref_slice %arg18[%dma_wait3A_1082, %dma_wait3A_1083] : memref<64x512xf32, #tpu.memory_space<vmem>> -> memref<32x512xf32, #tpu.memory_space<vmem>>
          %dma_wait3A_1085 = arith.constant 0 : i32
          %dma_wait3A_1086 = tpu.memref_slice %arg9[%add3A_1070, %dma_wait3A_1085] : memref<8192x512xf32, #tpu.memory_space<hbm>> -> memref<32x512xf32, #tpu.memory_space<hbm>>
          %dma_wait3A_1087 = arith.constant 0 : i32
          %dma_wait3A_1088 = tpu.memref_slice %arg9[%add3A_1070, %dma_wait3A_1087] : memref<8192x512xf32, #tpu.memory_space<hbm>> -> memref<32x512xf32, #tpu.memory_space<hbm>>
          %dma_wait3A_1089 = arith.constant 0 : i32
          %dma_wait3A_1090 = arith.constant 0 : i32
          %dma_wait3A_1091 = tpu.memref_slice %arg18[%dma_wait3A_1089, %dma_wait3A_1090] : memref<64x512xf32, #tpu.memory_space<vmem>> -> memref<32x512xf32, #tpu.memory_space<vmem>>
          tpu.wait_dma2 semaphore(%run_scoped3A : memref<!tpu.dma_semaphore, #tpu.memory_space<semaphore_mem>>) src(%dma_wait3A_1091 : memref<32x512xf32, #tpu.memory_space<vmem>>) dst(%dma_wait3A_1088 : memref<32x512xf32, #tpu.memory_space<hbm>>)
          tpu.yield
        }) : () -> ()
        %add3A_1071 = arith.addi %add3A_687, %add3A_918 : i32
        "tpu.region"() ({
          %run_scoped3A = tpu.sem_alloc : memref<!tpu.dma_semaphore, #tpu.memory_space<semaphore_mem>>
          %dma_start3A_1072 = arith.constant 0 : i32
          %dma_start3A_1073 = arith.constant 0 : i32
          %dma_start3A_1074 = tpu.memref_slice %arg19[%dma_start3A_1072, %dma_start3A_1073] : memref<64x64xf32, #tpu.memory_space<vmem>> -> memref<32x64xf32, #tpu.memory_space<vmem>>
          %dma_start3A_1075 = arith.constant 0 : i32
          %dma_start3A_1076 = tpu.memref_slice %arg8[%add3A_1071, %dma_start3A_1075] : memref<8192x64xf32, #tpu.memory_space<hbm>> -> memref<32x64xf32, #tpu.memory_space<hbm>>
          %dma_start3A_1077 = arith.constant 0 : i32
          %dma_start3A_1078 = tpu.memref_slice %arg8[%add3A_1071, %dma_start3A_1077] : memref<8192x64xf32, #tpu.memory_space<hbm>> -> memref<32x64xf32, #tpu.memory_space<hbm>>
          %dma_start3A_1079 = arith.constant 0 : i32
          %dma_start3A_1080 = arith.constant 0 : i32
          %dma_start3A_1081 = tpu.memref_slice %arg19[%dma_start3A_1079, %dma_start3A_1080] : memref<64x64xf32, #tpu.memory_space<vmem>> -> memref<32x64xf32, #tpu.memory_space<vmem>>
          tpu.enqueue_dma source(%dma_start3A_1081 : memref<32x64xf32, #tpu.memory_space<vmem>>) target(%dma_start3A_1078 : memref<32x64xf32, #tpu.memory_space<hbm>>) target_semaphore(%run_scoped3A : memref<!tpu.dma_semaphore, #tpu.memory_space<semaphore_mem>>)
          %dma_wait3A_1082 = arith.constant 0 : i32
          %dma_wait3A_1083 = arith.constant 0 : i32
          %dma_wait3A_1084 = tpu.memref_slice %arg19[%dma_wait3A_1082, %dma_wait3A_1083] : memref<64x64xf32, #tpu.memory_space<vmem>> -> memref<32x64xf32, #tpu.memory_space<vmem>>
          %dma_wait3A_1085 = arith.constant 0 : i32
          %dma_wait3A_1086 = tpu.memref_slice %arg8[%add3A_1071, %dma_wait3A_1085] : memref<8192x64xf32, #tpu.memory_space<hbm>> -> memref<32x64xf32, #tpu.memory_space<hbm>>
          %dma_wait3A_1087 = arith.constant 0 : i32
          %dma_wait3A_1088 = tpu.memref_slice %arg8[%add3A_1071, %dma_wait3A_1087] : memref<8192x64xf32, #tpu.memory_space<hbm>> -> memref<32x64xf32, #tpu.memory_space<hbm>>
          %dma_wait3A_1089 = arith.constant 0 : i32
          %dma_wait3A_1090 = arith.constant 0 : i32
          %dma_wait3A_1091 = tpu.memref_slice %arg19[%dma_wait3A_1089, %dma_wait3A_1090] : memref<64x64xf32, #tpu.memory_space<vmem>> -> memref<32x64xf32, #tpu.memory_space<vmem>>
          tpu.wait_dma2 semaphore(%run_scoped3A : memref<!tpu.dma_semaphore, #tpu.memory_space<semaphore_mem>>) src(%dma_wait3A_1091 : memref<32x64xf32, #tpu.memory_space<vmem>>) dst(%dma_wait3A_1088 : memref<32x64xf32, #tpu.memory_space<hbm>>)
          tpu.yield
        }) : () -> ()
      } else {
      }
      %mul3A_966 = arith.constant 32 : i32
      %mul3A_967 = arith.muli %select_n3A_960, %mul3A_966 : i32
      %add3A_968 = arith.addi %add3A_918, %mul3A_967 : i32
      %jit3A_969 = arith.constant 16 : i32
      %div3A_970 = arith.divsi %sub3A_920, %jit3A_969 : i32
      %sign3A_971 = arith.constant 0 : i32
      %sign3A_972 = arith.cmpi sgt, %sub3A_920, %sign3A_971 : i32
      %sign3A_973 = arith.extui %sign3A_972 : i1 to i32
      %sign3A_974 = arith.constant 0 : i32
      %sign3A_975 = arith.cmpi slt, %sub3A_920, %sign3A_974 : i32
      %sign3A_976 = arith.extui %sign3A_975 : i1 to i32
      %sign3A_977 = arith.subi %sign3A_973, %sign3A_976 : i32
      %sign3A_978 = arith.constant 0 : i32
      %sign3A_979 = arith.cmpi sgt, %jit3A_969, %sign3A_978 : i32
      %sign3A_980 = arith.extui %sign3A_979 : i1 to i32
      %sign3A_981 = arith.constant 0 : i32
      %sign3A_982 = arith.cmpi slt, %jit3A_969, %sign3A_981 : i32
      %sign3A_983 = arith.extui %sign3A_982 : i1 to i32
      %sign3A_984 = arith.subi %sign3A_980, %sign3A_983 : i32
      %ne3A_985 = arith.cmpi ne, %sign3A_977, %sign3A_984 : i32
      %rem3A_986 = arith.remsi %sub3A_920, %jit3A_969 : i32
      %ne3A_987 = arith.constant 0 : i32
      %ne3A_988 = arith.cmpi ne, %rem3A_986, %ne3A_987 : i32
      %and3A_989 = arith.andi %ne3A_985, %ne3A_988 : i1
      %sub3A_990 = arith.constant 1 : i32
      %sub3A_991 = arith.subi %div3A_970, %sub3A_990 : i32
      %select_n3A_992 = arith.select %and3A_989, %sub3A_991, %div3A_970 : i32
      %jit3A_993 = arith.constant 2 : i32
      %eq3A_994 = arith.constant 0 : i32
      %eq3A_995 = arith.cmpi eq, %jit3A_993, %eq3A_994 : i32
      %jit3A_996 = arith.constant 1 : i32
      %select_n3A_997 = arith.select %eq3A_995, %jit3A_996, %jit3A_993 : i32
      %rem3A_998 = arith.remsi %select_n3A_992, %select_n3A_997 : i32
      %ne3A_999 = arith.constant 0 : i32
      %ne3A_1000 = arith.cmpi ne, %rem3A_998, %ne3A_999 : i32
      %lt3A_1001 = arith.constant 0 : i32
      %lt3A_1002 = arith.cmpi slt, %rem3A_998, %lt3A_1001 : i32
      %lt3A_1003 = arith.constant 0 : i32
      %lt3A_1004 = arith.cmpi slt, %select_n3A_997, %lt3A_1003 : i32
      %ne3A_1005 = arith.xori %lt3A_1002, %lt3A_1004 : i1
      %and3A_1006 = arith.andi %ne3A_1005, %ne3A_1000 : i1
      %add3A_1007 = arith.addi %rem3A_998, %select_n3A_997 : i32
      %select_n3A_1008 = arith.select %and3A_1006, %add3A_1007, %rem3A_998 : i32
      %eq3A_1009 = arith.constant 1 : i32
      %eq3A_1010 = arith.cmpi eq, %select_n3A_1008, %eq3A_1009 : i32
      %convert_element_type3A_1011 = arith.extui %eq3A_1010 : i1 to i32
      %cond3A_1012 = arith.constant 0 : i32
      %cond3A_1013 = arith.cmpi ne, %convert_element_type3A_1011, %cond3A_1012 : i32
      scf.if %cond3A_1013 {
        %add3A_1070 = arith.addi %add3A_687, %add3A_968 : i32
        "tpu.region"() ({
          %run_scoped3A = tpu.sem_alloc : memref<!tpu.dma_semaphore, #tpu.memory_space<semaphore_mem>>
          %dma_start3A_1072 = arith.constant 0 : i32
          %dma_start3A_1073 = arith.constant 0 : i32
          %dma_start3A_1074 = tpu.memref_slice %arg18[%dma_start3A_1072, %dma_start3A_1073] : memref<64x512xf32, #tpu.memory_space<vmem>> -> memref<16x512xf32, #tpu.memory_space<vmem>>
          %dma_start3A_1075 = arith.constant 0 : i32
          %dma_start3A_1076 = tpu.memref_slice %arg9[%add3A_1070, %dma_start3A_1075] : memref<8192x512xf32, #tpu.memory_space<hbm>> -> memref<16x512xf32, #tpu.memory_space<hbm>>
          %dma_start3A_1077 = arith.constant 0 : i32
          %dma_start3A_1078 = tpu.memref_slice %arg9[%add3A_1070, %dma_start3A_1077] : memref<8192x512xf32, #tpu.memory_space<hbm>> -> memref<16x512xf32, #tpu.memory_space<hbm>>
          %dma_start3A_1079 = arith.constant 0 : i32
          %dma_start3A_1080 = arith.constant 0 : i32
          %dma_start3A_1081 = tpu.memref_slice %arg18[%dma_start3A_1079, %dma_start3A_1080] : memref<64x512xf32, #tpu.memory_space<vmem>> -> memref<16x512xf32, #tpu.memory_space<vmem>>
          tpu.enqueue_dma source(%dma_start3A_1081 : memref<16x512xf32, #tpu.memory_space<vmem>>) target(%dma_start3A_1078 : memref<16x512xf32, #tpu.memory_space<hbm>>) target_semaphore(%run_scoped3A : memref<!tpu.dma_semaphore, #tpu.memory_space<semaphore_mem>>)
          %dma_wait3A_1082 = arith.constant 0 : i32
          %dma_wait3A_1083 = arith.constant 0 : i32
          %dma_wait3A_1084 = tpu.memref_slice %arg18[%dma_wait3A_1082, %dma_wait3A_1083] : memref<64x512xf32, #tpu.memory_space<vmem>> -> memref<16x512xf32, #tpu.memory_space<vmem>>
          %dma_wait3A_1085 = arith.constant 0 : i32
          %dma_wait3A_1086 = tpu.memref_slice %arg9[%add3A_1070, %dma_wait3A_1085] : memref<8192x512xf32, #tpu.memory_space<hbm>> -> memref<16x512xf32, #tpu.memory_space<hbm>>
          %dma_wait3A_1087 = arith.constant 0 : i32
          %dma_wait3A_1088 = tpu.memref_slice %arg9[%add3A_1070, %dma_wait3A_1087] : memref<8192x512xf32, #tpu.memory_space<hbm>> -> memref<16x512xf32, #tpu.memory_space<hbm>>
          %dma_wait3A_1089 = arith.constant 0 : i32
          %dma_wait3A_1090 = arith.constant 0 : i32
          %dma_wait3A_1091 = tpu.memref_slice %arg18[%dma_wait3A_1089, %dma_wait3A_1090] : memref<64x512xf32, #tpu.memory_space<vmem>> -> memref<16x512xf32, #tpu.memory_space<vmem>>
          tpu.wait_dma2 semaphore(%run_scoped3A : memref<!tpu.dma_semaphore, #tpu.memory_space<semaphore_mem>>) src(%dma_wait3A_1091 : memref<16x512xf32, #tpu.memory_space<vmem>>) dst(%dma_wait3A_1088 : memref<16x512xf32, #tpu.memory_space<hbm>>)
          tpu.yield
        }) : () -> ()
        %add3A_1071 = arith.addi %add3A_687, %add3A_968 : i32
        "tpu.region"() ({
          %run_scoped3A = tpu.sem_alloc : memref<!tpu.dma_semaphore, #tpu.memory_space<semaphore_mem>>
          %dma_start3A_1072 = arith.constant 0 : i32
          %dma_start3A_1073 = arith.constant 0 : i32
          %dma_start3A_1074 = tpu.memref_slice %arg19[%dma_start3A_1072, %dma_start3A_1073] : memref<64x64xf32, #tpu.memory_space<vmem>> -> memref<16x64xf32, #tpu.memory_space<vmem>>
          %dma_start3A_1075 = arith.constant 0 : i32
          %dma_start3A_1076 = tpu.memref_slice %arg8[%add3A_1071, %dma_start3A_1075] : memref<8192x64xf32, #tpu.memory_space<hbm>> -> memref<16x64xf32, #tpu.memory_space<hbm>>
          %dma_start3A_1077 = arith.constant 0 : i32
          %dma_start3A_1078 = tpu.memref_slice %arg8[%add3A_1071, %dma_start3A_1077] : memref<8192x64xf32, #tpu.memory_space<hbm>> -> memref<16x64xf32, #tpu.memory_space<hbm>>
          %dma_start3A_1079 = arith.constant 0 : i32
          %dma_start3A_1080 = arith.constant 0 : i32
          %dma_start3A_1081 = tpu.memref_slice %arg19[%dma_start3A_1079, %dma_start3A_1080] : memref<64x64xf32, #tpu.memory_space<vmem>> -> memref<16x64xf32, #tpu.memory_space<vmem>>
          tpu.enqueue_dma source(%dma_start3A_1081 : memref<16x64xf32, #tpu.memory_space<vmem>>) target(%dma_start3A_1078 : memref<16x64xf32, #tpu.memory_space<hbm>>) target_semaphore(%run_scoped3A : memref<!tpu.dma_semaphore, #tpu.memory_space<semaphore_mem>>)
          %dma_wait3A_1082 = arith.constant 0 : i32
          %dma_wait3A_1083 = arith.constant 0 : i32
          %dma_wait3A_1084 = tpu.memref_slice %arg19[%dma_wait3A_1082, %dma_wait3A_1083] : memref<64x64xf32, #tpu.memory_space<vmem>> -> memref<16x64xf32, #tpu.memory_space<vmem>>
          %dma_wait3A_1085 = arith.constant 0 : i32
          %dma_wait3A_1086 = tpu.memref_slice %arg8[%add3A_1071, %dma_wait3A_1085] : memref<8192x64xf32, #tpu.memory_space<hbm>> -> memref<16x64xf32, #tpu.memory_space<hbm>>
          %dma_wait3A_1087 = arith.constant 0 : i32
          %dma_wait3A_1088 = tpu.memref_slice %arg8[%add3A_1071, %dma_wait3A_1087] : memref<8192x64xf32, #tpu.memory_space<hbm>> -> memref<16x64xf32, #tpu.memory_space<hbm>>
          %dma_wait3A_1089 = arith.constant 0 : i32
          %dma_wait3A_1090 = arith.constant 0 : i32
          %dma_wait3A_1091 = tpu.memref_slice %arg19[%dma_wait3A_1089, %dma_wait3A_1090] : memref<64x64xf32, #tpu.memory_space<vmem>> -> memref<16x64xf32, #tpu.memory_space<vmem>>
          tpu.wait_dma2 semaphore(%run_scoped3A : memref<!tpu.dma_semaphore, #tpu.memory_space<semaphore_mem>>) src(%dma_wait3A_1091 : memref<16x64xf32, #tpu.memory_space<vmem>>) dst(%dma_wait3A_1088 : memref<16x64xf32, #tpu.memory_space<hbm>>)
          tpu.yield
        }) : () -> ()
      } else {
      }
      %mul3A_1014 = arith.constant 16 : i32
      %mul3A_1015 = arith.muli %select_n3A_1008, %mul3A_1014 : i32
      %add3A_1016 = arith.addi %add3A_968, %mul3A_1015 : i32
      %jit3A_1017 = arith.constant 8 : i32
      %div3A_1018 = arith.divsi %sub3A_920, %jit3A_1017 : i32
      %sign3A_1019 = arith.constant 0 : i32
      %sign3A_1020 = arith.cmpi sgt, %sub3A_920, %sign3A_1019 : i32
      %sign3A_1021 = arith.extui %sign3A_1020 : i1 to i32
      %sign3A_1022 = arith.constant 0 : i32
      %sign3A_1023 = arith.cmpi slt, %sub3A_920, %sign3A_1022 : i32
      %sign3A_1024 = arith.extui %sign3A_1023 : i1 to i32
      %sign3A_1025 = arith.subi %sign3A_1021, %sign3A_1024 : i32
      %sign3A_1026 = arith.constant 0 : i32
      %sign3A_1027 = arith.cmpi sgt, %jit3A_1017, %sign3A_1026 : i32
      %sign3A_1028 = arith.extui %sign3A_1027 : i1 to i32
      %sign3A_1029 = arith.constant 0 : i32
      %sign3A_1030 = arith.cmpi slt, %jit3A_1017, %sign3A_1029 : i32
      %sign3A_1031 = arith.extui %sign3A_1030 : i1 to i32
      %sign3A_1032 = arith.subi %sign3A_1028, %sign3A_1031 : i32
      %ne3A_1033 = arith.cmpi ne, %sign3A_1025, %sign3A_1032 : i32
      %rem3A_1034 = arith.remsi %sub3A_920, %jit3A_1017 : i32
      %ne3A_1035 = arith.constant 0 : i32
      %ne3A_1036 = arith.cmpi ne, %rem3A_1034, %ne3A_1035 : i32
      %and3A_1037 = arith.andi %ne3A_1033, %ne3A_1036 : i1
      %sub3A_1038 = arith.constant 1 : i32
      %sub3A_1039 = arith.subi %div3A_1018, %sub3A_1038 : i32
      %select_n3A_1040 = arith.select %and3A_1037, %sub3A_1039, %div3A_1018 : i32
      %jit3A_1041 = arith.constant 2 : i32
      %eq3A_1042 = arith.constant 0 : i32
      %eq3A_1043 = arith.cmpi eq, %jit3A_1041, %eq3A_1042 : i32
      %jit3A_1044 = arith.constant 1 : i32
      %select_n3A_1045 = arith.select %eq3A_1043, %jit3A_1044, %jit3A_1041 : i32
      %rem3A_1046 = arith.remsi %select_n3A_1040, %select_n3A_1045 : i32
      %ne3A_1047 = arith.constant 0 : i32
      %ne3A_1048 = arith.cmpi ne, %rem3A_1046, %ne3A_1047 : i32
      %lt3A_1049 = arith.constant 0 : i32
      %lt3A_1050 = arith.cmpi slt, %rem3A_1046, %lt3A_1049 : i32
      %lt3A_1051 = arith.constant 0 : i32
      %lt3A_1052 = arith.cmpi slt, %select_n3A_1045, %lt3A_1051 : i32
      %ne3A_1053 = arith.xori %lt3A_1050, %lt3A_1052 : i1
      %and3A_1054 = arith.andi %ne3A_1053, %ne3A_1048 : i1
      %add3A_1055 = arith.addi %rem3A_1046, %select_n3A_1045 : i32
      %select_n3A_1056 = arith.select %and3A_1054, %add3A_1055, %rem3A_1046 : i32
      %eq3A_1057 = arith.constant 1 : i32
      %eq3A_1058 = arith.cmpi eq, %select_n3A_1056, %eq3A_1057 : i32
      %convert_element_type3A_1059 = arith.extui %eq3A_1058 : i1 to i32
      %cond3A_1060 = arith.constant 0 : i32
      %cond3A_1061 = arith.cmpi ne, %convert_element_type3A_1059, %cond3A_1060 : i32
      scf.if %cond3A_1061 {
        %add3A_1070 = arith.addi %add3A_687, %add3A_1016 : i32
        "tpu.region"() ({
          %run_scoped3A = tpu.sem_alloc : memref<!tpu.dma_semaphore, #tpu.memory_space<semaphore_mem>>
          %dma_start3A_1072 = arith.constant 0 : i32
          %dma_start3A_1073 = arith.constant 0 : i32
          %dma_start3A_1074 = tpu.memref_slice %arg18[%dma_start3A_1072, %dma_start3A_1073] : memref<64x512xf32, #tpu.memory_space<vmem>> -> memref<8x512xf32, #tpu.memory_space<vmem>>
          %dma_start3A_1075 = arith.constant 0 : i32
          %dma_start3A_1076 = tpu.memref_slice %arg9[%add3A_1070, %dma_start3A_1075] : memref<8192x512xf32, #tpu.memory_space<hbm>> -> memref<8x512xf32, #tpu.memory_space<hbm>>
          %dma_start3A_1077 = arith.constant 0 : i32
          %dma_start3A_1078 = tpu.memref_slice %arg9[%add3A_1070, %dma_start3A_1077] : memref<8192x512xf32, #tpu.memory_space<hbm>> -> memref<8x512xf32, #tpu.memory_space<hbm>>
          %dma_start3A_1079 = arith.constant 0 : i32
          %dma_start3A_1080 = arith.constant 0 : i32
          %dma_start3A_1081 = tpu.memref_slice %arg18[%dma_start3A_1079, %dma_start3A_1080] : memref<64x512xf32, #tpu.memory_space<vmem>> -> memref<8x512xf32, #tpu.memory_space<vmem>>
          tpu.enqueue_dma source(%dma_start3A_1081 : memref<8x512xf32, #tpu.memory_space<vmem>>) target(%dma_start3A_1078 : memref<8x512xf32, #tpu.memory_space<hbm>>) target_semaphore(%run_scoped3A : memref<!tpu.dma_semaphore, #tpu.memory_space<semaphore_mem>>)
          %dma_wait3A_1082 = arith.constant 0 : i32
          %dma_wait3A_1083 = arith.constant 0 : i32
          %dma_wait3A_1084 = tpu.memref_slice %arg18[%dma_wait3A_1082, %dma_wait3A_1083] : memref<64x512xf32, #tpu.memory_space<vmem>> -> memref<8x512xf32, #tpu.memory_space<vmem>>
          %dma_wait3A_1085 = arith.constant 0 : i32
          %dma_wait3A_1086 = tpu.memref_slice %arg9[%add3A_1070, %dma_wait3A_1085] : memref<8192x512xf32, #tpu.memory_space<hbm>> -> memref<8x512xf32, #tpu.memory_space<hbm>>
          %dma_wait3A_1087 = arith.constant 0 : i32
          %dma_wait3A_1088 = tpu.memref_slice %arg9[%add3A_1070, %dma_wait3A_1087] : memref<8192x512xf32, #tpu.memory_space<hbm>> -> memref<8x512xf32, #tpu.memory_space<hbm>>
          %dma_wait3A_1089 = arith.constant 0 : i32
          %dma_wait3A_1090 = arith.constant 0 : i32
          %dma_wait3A_1091 = tpu.memref_slice %arg18[%dma_wait3A_1089, %dma_wait3A_1090] : memref<64x512xf32, #tpu.memory_space<vmem>> -> memref<8x512xf32, #tpu.memory_space<vmem>>
          tpu.wait_dma2 semaphore(%run_scoped3A : memref<!tpu.dma_semaphore, #tpu.memory_space<semaphore_mem>>) src(%dma_wait3A_1091 : memref<8x512xf32, #tpu.memory_space<vmem>>) dst(%dma_wait3A_1088 : memref<8x512xf32, #tpu.memory_space<hbm>>)
          tpu.yield
        }) : () -> ()
        %add3A_1071 = arith.addi %add3A_687, %add3A_1016 : i32
        "tpu.region"() ({
          %run_scoped3A = tpu.sem_alloc : memref<!tpu.dma_semaphore, #tpu.memory_space<semaphore_mem>>
          %dma_start3A_1072 = arith.constant 0 : i32
          %dma_start3A_1073 = arith.constant 0 : i32
          %dma_start3A_1074 = tpu.memref_slice %arg19[%dma_start3A_1072, %dma_start3A_1073] : memref<64x64xf32, #tpu.memory_space<vmem>> -> memref<8x64xf32, #tpu.memory_space<vmem>>
          %dma_start3A_1075 = arith.constant 0 : i32
          %dma_start3A_1076 = tpu.memref_slice %arg8[%add3A_1071, %dma_start3A_1075] : memref<8192x64xf32, #tpu.memory_space<hbm>> -> memref<8x64xf32, #tpu.memory_space<hbm>>
          %dma_start3A_1077 = arith.constant 0 : i32
          %dma_start3A_1078 = tpu.memref_slice %arg8[%add3A_1071, %dma_start3A_1077] : memref<8192x64xf32, #tpu.memory_space<hbm>> -> memref<8x64xf32, #tpu.memory_space<hbm>>
          %dma_start3A_1079 = arith.constant 0 : i32
          %dma_start3A_1080 = arith.constant 0 : i32
          %dma_start3A_1081 = tpu.memref_slice %arg19[%dma_start3A_1079, %dma_start3A_1080] : memref<64x64xf32, #tpu.memory_space<vmem>> -> memref<8x64xf32, #tpu.memory_space<vmem>>
          tpu.enqueue_dma source(%dma_start3A_1081 : memref<8x64xf32, #tpu.memory_space<vmem>>) target(%dma_start3A_1078 : memref<8x64xf32, #tpu.memory_space<hbm>>) target_semaphore(%run_scoped3A : memref<!tpu.dma_semaphore, #tpu.memory_space<semaphore_mem>>)
          %dma_wait3A_1082 = arith.constant 0 : i32
          %dma_wait3A_1083 = arith.constant 0 : i32
          %dma_wait3A_1084 = tpu.memref_slice %arg19[%dma_wait3A_1082, %dma_wait3A_1083] : memref<64x64xf32, #tpu.memory_space<vmem>> -> memref<8x64xf32, #tpu.memory_space<vmem>>
          %dma_wait3A_1085 = arith.constant 0 : i32
          %dma_wait3A_1086 = tpu.memref_slice %arg8[%add3A_1071, %dma_wait3A_1085] : memref<8192x64xf32, #tpu.memory_space<hbm>> -> memref<8x64xf32, #tpu.memory_space<hbm>>
          %dma_wait3A_1087 = arith.constant 0 : i32
          %dma_wait3A_1088 = tpu.memref_slice %arg8[%add3A_1071, %dma_wait3A_1087] : memref<8192x64xf32, #tpu.memory_space<hbm>> -> memref<8x64xf32, #tpu.memory_space<hbm>>
          %dma_wait3A_1089 = arith.constant 0 : i32
          %dma_wait3A_1090 = arith.constant 0 : i32
          %dma_wait3A_1091 = tpu.memref_slice %arg19[%dma_wait3A_1089, %dma_wait3A_1090] : memref<64x64xf32, #tpu.memory_space<vmem>> -> memref<8x64xf32, #tpu.memory_space<vmem>>
          tpu.wait_dma2 semaphore(%run_scoped3A : memref<!tpu.dma_semaphore, #tpu.memory_space<semaphore_mem>>) src(%dma_wait3A_1091 : memref<8x64xf32, #tpu.memory_space<vmem>>) dst(%dma_wait3A_1088 : memref<8x64xf32, #tpu.memory_space<hbm>>)
          tpu.yield
        }) : () -> ()
      } else {
      }
      %mul3A_1062 = arith.constant 8 : i32
      %mul3A_1063 = arith.muli %select_n3A_1056, %mul3A_1062 : i32
      %add3A_1064 = arith.addi %add3A_1016, %mul3A_1063 : i32
      %gt3A_1065 = arith.constant 0 : i32
      %gt3A_1066 = arith.cmpi sgt, %sub3A_912, %gt3A_1065 : i32
      %convert_element_type3A_1067 = arith.extui %gt3A_1066 : i1 to i32
      %cond3A_1068 = arith.constant 0 : i32
      %cond3A_1069 = arith.cmpi ne, %convert_element_type3A_1067, %cond3A_1068 : i32
      scf.if %cond3A_1069 {
        %add3A_1070 = arith.addi %add3A_634, %mul3A_911 : i32
        "tpu.region"() ({
          %run_scoped3A = tpu.sem_alloc : memref<!tpu.dma_semaphore, #tpu.memory_space<semaphore_mem>>
          %dma_start3A_1083 = arith.constant 0 : i32
          %dma_start3A_1084 = tpu.memref_slice %arg6[%add3A_1070, %dma_start3A_1083] : memref<32768x512xf32, #tpu.memory_space<hbm>> -> memref<8x512xf32, #tpu.memory_space<hbm>>
          %dma_start3A_1085 = arith.constant 0 : i32
          %dma_start3A_1086 = tpu.memref_slice %arg6[%add3A_1070, %dma_start3A_1085] : memref<32768x512xf32, #tpu.memory_space<hbm>> -> memref<8x512xf32, #tpu.memory_space<hbm>>
          tpu.enqueue_dma source(%dma_start3A_1086 : memref<8x512xf32, #tpu.memory_space<hbm>>) target(%arg14 : memref<8x512xf32, #tpu.memory_space<vmem>>) target_semaphore(%run_scoped3A : memref<!tpu.dma_semaphore, #tpu.memory_space<semaphore_mem>>)
          %dma_wait3A_1087 = arith.constant 0 : i32
          %dma_wait3A_1088 = tpu.memref_slice %arg6[%add3A_1070, %dma_wait3A_1087] : memref<32768x512xf32, #tpu.memory_space<hbm>> -> memref<8x512xf32, #tpu.memory_space<hbm>>
          %dma_wait3A_1089 = arith.constant 0 : i32
          %dma_wait3A_1090 = tpu.memref_slice %arg6[%add3A_1070, %dma_wait3A_1089] : memref<32768x512xf32, #tpu.memory_space<hbm>> -> memref<8x512xf32, #tpu.memory_space<hbm>>
          tpu.wait_dma2 semaphore(%run_scoped3A : memref<!tpu.dma_semaphore, #tpu.memory_space<semaphore_mem>>) src(%dma_wait3A_1090 : memref<8x512xf32, #tpu.memory_space<hbm>>) dst(%arg14 : memref<8x512xf32, #tpu.memory_space<vmem>>)
          tpu.yield
        }) : () -> ()
        %add3A_1071 = arith.addi %add3A_634, %mul3A_911 : i32
        "tpu.region"() ({
          %run_scoped3A = tpu.sem_alloc : memref<!tpu.dma_semaphore, #tpu.memory_space<semaphore_mem>>
          %dma_start3A_1083 = arith.constant 0 : i32
          %dma_start3A_1084 = tpu.memref_slice %arg7[%add3A_1071, %dma_start3A_1083] : memref<32768x64xf32, #tpu.memory_space<hbm>> -> memref<8x64xf32, #tpu.memory_space<hbm>>
          %dma_start3A_1085 = arith.constant 0 : i32
          %dma_start3A_1086 = tpu.memref_slice %arg7[%add3A_1071, %dma_start3A_1085] : memref<32768x64xf32, #tpu.memory_space<hbm>> -> memref<8x64xf32, #tpu.memory_space<hbm>>
          tpu.enqueue_dma source(%dma_start3A_1086 : memref<8x64xf32, #tpu.memory_space<hbm>>) target(%arg15 : memref<8x64xf32, #tpu.memory_space<vmem>>) target_semaphore(%run_scoped3A : memref<!tpu.dma_semaphore, #tpu.memory_space<semaphore_mem>>)
          %dma_wait3A_1087 = arith.constant 0 : i32
          %dma_wait3A_1088 = tpu.memref_slice %arg7[%add3A_1071, %dma_wait3A_1087] : memref<32768x64xf32, #tpu.memory_space<hbm>> -> memref<8x64xf32, #tpu.memory_space<hbm>>
          %dma_wait3A_1089 = arith.constant 0 : i32
          %dma_wait3A_1090 = tpu.memref_slice %arg7[%add3A_1071, %dma_wait3A_1089] : memref<32768x64xf32, #tpu.memory_space<hbm>> -> memref<8x64xf32, #tpu.memory_space<hbm>>
          tpu.wait_dma2 semaphore(%run_scoped3A : memref<!tpu.dma_semaphore, #tpu.memory_space<semaphore_mem>>) src(%dma_wait3A_1090 : memref<8x64xf32, #tpu.memory_space<hbm>>) dst(%arg15 : memref<8x64xf32, #tpu.memory_space<vmem>>)
          tpu.yield
        }) : () -> ()
        %while3A = arith.constant 0 : i32
        %while3A_1072 = arith.constant 8 : i32
        %while3A_1073 = arith.subi %while3A_1072, %sub3A_912 : i32
        %while3A_1074 = arith.addi %sub3A_912, %while3A_1073 : i32
        %while3A_1075 = arith.constant 1 : i32
        %while3A_1076 = arith.divsi %while3A_1073, %while3A_1075 : i32
        %while3A_1077 = arith.muli %while3A_1076, %while3A_1075 : i32
        %while3A_1078 = arith.addi %sub3A_912, %while3A_1077 : i32
        %while3A_1079 = arith.constant 1 : i32
        scf.for %while3A_1083 = %sub3A_912 to %while3A_1078 step %while3A_1079  : i32 {
          %swap3A = arith.index_cast %while3A_1083 : i32 to index
          %swap3A_1084 = arith.constant 0 : index
          %swap3A_1085 = tpu.vector_load %arg14[%swap3A, %swap3A_1084] {strides = array<i32>} : memref<8x512xf32, #tpu.memory_space<vmem>>, vector<1x16xf32>,
          %swap3A_1086 = vector.shape_cast %swap3A_1085 : vector<1x16xf32> to vector<16xf32>
          %swap3A_1087 = vector.shape_cast %broadcast_in_dim3A_709 : vector<16xf32> to vector<1x16xf32>
          tpu.vector_store %arg14[%swap3A, %swap3A_1084], %swap3A_1087 {strides = array<i32>} : memref<8x512xf32, #tpu.memory_space<vmem>>, vector<1x16xf32>,
          %swap3A_1088 = arith.index_cast %while3A_1083 : i32 to index
          %swap3A_1089 = arith.constant 16 : index
          %swap3A_1090 = tpu.vector_load %arg14[%swap3A_1088, %swap3A_1089] {strides = array<i32>} : memref<8x512xf32, #tpu.memory_space<vmem>>, vector<1x16xf32>,
          %swap3A_1091 = vector.shape_cast %swap3A_1090 : vector<1x16xf32> to vector<16xf32>
          %swap3A_1092 = vector.shape_cast %broadcast_in_dim3A_709 : vector<16xf32> to vector<1x16xf32>
          tpu.vector_store %arg14[%swap3A_1088, %swap3A_1089], %swap3A_1092 {strides = array<i32>} : memref<8x512xf32, #tpu.memory_space<vmem>>, vector<1x16xf32>,
          %swap3A_1093 = arith.index_cast %while3A_1083 : i32 to index
          %swap3A_1094 = arith.constant 32 : index
          %swap3A_1095 = tpu.vector_load %arg14[%swap3A_1093, %swap3A_1094] {strides = array<i32>} : memref<8x512xf32, #tpu.memory_space<vmem>>, vector<1x16xf32>,
          %swap3A_1096 = vector.shape_cast %swap3A_1095 : vector<1x16xf32> to vector<16xf32>
          %swap3A_1097 = vector.shape_cast %broadcast_in_dim3A_709 : vector<16xf32> to vector<1x16xf32>
          tpu.vector_store %arg14[%swap3A_1093, %swap3A_1094], %swap3A_1097 {strides = array<i32>} : memref<8x512xf32, #tpu.memory_space<vmem>>, vector<1x16xf32>,
          %swap3A_1098 = arith.index_cast %while3A_1083 : i32 to index
          %swap3A_1099 = arith.constant 48 : index
          %swap3A_1100 = tpu.vector_load %arg14[%swap3A_1098, %swap3A_1099] {strides = array<i32>} : memref<8x512xf32, #tpu.memory_space<vmem>>, vector<1x16xf32>,
          %swap3A_1101 = vector.shape_cast %swap3A_1100 : vector<1x16xf32> to vector<16xf32>
          %swap3A_1102 = vector.shape_cast %broadcast_in_dim3A_709 : vector<16xf32> to vector<1x16xf32>
          tpu.vector_store %arg14[%swap3A_1098, %swap3A_1099], %swap3A_1102 {strides = array<i32>} : memref<8x512xf32, #tpu.memory_space<vmem>>, vector<1x16xf32>,
          %swap3A_1103 = arith.index_cast %while3A_1083 : i32 to index
          %swap3A_1104 = arith.constant 64 : index
          %swap3A_1105 = tpu.vector_load %arg14[%swap3A_1103, %swap3A_1104] {strides = array<i32>} : memref<8x512xf32, #tpu.memory_space<vmem>>, vector<1x16xf32>,
          %swap3A_1106 = vector.shape_cast %swap3A_1105 : vector<1x16xf32> to vector<16xf32>
          %swap3A_1107 = vector.shape_cast %broadcast_in_dim3A_709 : vector<16xf32> to vector<1x16xf32>
          tpu.vector_store %arg14[%swap3A_1103, %swap3A_1104], %swap3A_1107 {strides = array<i32>} : memref<8x512xf32, #tpu.memory_space<vmem>>, vector<1x16xf32>,
          %swap3A_1108 = arith.index_cast %while3A_1083 : i32 to index
          %swap3A_1109 = arith.constant 80 : index
          %swap3A_1110 = tpu.vector_load %arg14[%swap3A_1108, %swap3A_1109] {strides = array<i32>} : memref<8x512xf32, #tpu.memory_space<vmem>>, vector<1x16xf32>,
          %swap3A_1111 = vector.shape_cast %swap3A_1110 : vector<1x16xf32> to vector<16xf32>
          %swap3A_1112 = vector.shape_cast %broadcast_in_dim3A_709 : vector<16xf32> to vector<1x16xf32>
          tpu.vector_store %arg14[%swap3A_1108, %swap3A_1109], %swap3A_1112 {strides = array<i32>} : memref<8x512xf32, #tpu.memory_space<vmem>>, vector<1x16xf32>,
          %swap3A_1113 = arith.index_cast %while3A_1083 : i32 to index
          %swap3A_1114 = arith.constant 96 : index
          %swap3A_1115 = tpu.vector_load %arg14[%swap3A_1113, %swap3A_1114] {strides = array<i32>} : memref<8x512xf32, #tpu.memory_space<vmem>>, vector<1x16xf32>,
          %swap3A_1116 = vector.shape_cast %swap3A_1115 : vector<1x16xf32> to vector<16xf32>
          %swap3A_1117 = vector.shape_cast %broadcast_in_dim3A_709 : vector<16xf32> to vector<1x16xf32>
          tpu.vector_store %arg14[%swap3A_1113, %swap3A_1114], %swap3A_1117 {strides = array<i32>} : memref<8x512xf32, #tpu.memory_space<vmem>>, vector<1x16xf32>,
          %swap3A_1118 = arith.index_cast %while3A_1083 : i32 to index
          %swap3A_1119 = arith.constant 112 : index
          %swap3A_1120 = tpu.vector_load %arg14[%swap3A_1118, %swap3A_1119] {strides = array<i32>} : memref<8x512xf32, #tpu.memory_space<vmem>>, vector<1x16xf32>,
          %swap3A_1121 = vector.shape_cast %swap3A_1120 : vector<1x16xf32> to vector<16xf32>
          %swap3A_1122 = vector.shape_cast %broadcast_in_dim3A_709 : vector<16xf32> to vector<1x16xf32>
          tpu.vector_store %arg14[%swap3A_1118, %swap3A_1119], %swap3A_1122 {strides = array<i32>} : memref<8x512xf32, #tpu.memory_space<vmem>>, vector<1x16xf32>,
          %swap3A_1123 = arith.index_cast %while3A_1083 : i32 to index
          %swap3A_1124 = arith.constant 128 : index
          %swap3A_1125 = tpu.vector_load %arg14[%swap3A_1123, %swap3A_1124] {strides = array<i32>} : memref<8x512xf32, #tpu.memory_space<vmem>>, vector<1x16xf32>,
          %swap3A_1126 = vector.shape_cast %swap3A_1125 : vector<1x16xf32> to vector<16xf32>
          %swap3A_1127 = vector.shape_cast %broadcast_in_dim3A_709 : vector<16xf32> to vector<1x16xf32>
          tpu.vector_store %arg14[%swap3A_1123, %swap3A_1124], %swap3A_1127 {strides = array<i32>} : memref<8x512xf32, #tpu.memory_space<vmem>>, vector<1x16xf32>,
          %swap3A_1128 = arith.index_cast %while3A_1083 : i32 to index
          %swap3A_1129 = arith.constant 144 : index
          %swap3A_1130 = tpu.vector_load %arg14[%swap3A_1128, %swap3A_1129] {strides = array<i32>} : memref<8x512xf32, #tpu.memory_space<vmem>>, vector<1x16xf32>,
          %swap3A_1131 = vector.shape_cast %swap3A_1130 : vector<1x16xf32> to vector<16xf32>
          %swap3A_1132 = vector.shape_cast %broadcast_in_dim3A_709 : vector<16xf32> to vector<1x16xf32>
          tpu.vector_store %arg14[%swap3A_1128, %swap3A_1129], %swap3A_1132 {strides = array<i32>} : memref<8x512xf32, #tpu.memory_space<vmem>>, vector<1x16xf32>,
          %swap3A_1133 = arith.index_cast %while3A_1083 : i32 to index
          %swap3A_1134 = arith.constant 160 : index
          %swap3A_1135 = tpu.vector_load %arg14[%swap3A_1133, %swap3A_1134] {strides = array<i32>} : memref<8x512xf32, #tpu.memory_space<vmem>>, vector<1x16xf32>,
          %swap3A_1136 = vector.shape_cast %swap3A_1135 : vector<1x16xf32> to vector<16xf32>
          %swap3A_1137 = vector.shape_cast %broadcast_in_dim3A_709 : vector<16xf32> to vector<1x16xf32>
          tpu.vector_store %arg14[%swap3A_1133, %swap3A_1134], %swap3A_1137 {strides = array<i32>} : memref<8x512xf32, #tpu.memory_space<vmem>>, vector<1x16xf32>,
          %swap3A_1138 = arith.index_cast %while3A_1083 : i32 to index
          %swap3A_1139 = arith.constant 176 : index
          %swap3A_1140 = tpu.vector_load %arg14[%swap3A_1138, %swap3A_1139] {strides = array<i32>} : memref<8x512xf32, #tpu.memory_space<vmem>>, vector<1x16xf32>,
          %swap3A_1141 = vector.shape_cast %swap3A_1140 : vector<1x16xf32> to vector<16xf32>
          %swap3A_1142 = vector.shape_cast %broadcast_in_dim3A_709 : vector<16xf32> to vector<1x16xf32>
          tpu.vector_store %arg14[%swap3A_1138, %swap3A_1139], %swap3A_1142 {strides = array<i32>} : memref<8x512xf32, #tpu.memory_space<vmem>>, vector<1x16xf32>,
          %swap3A_1143 = arith.index_cast %while3A_1083 : i32 to index
          %swap3A_1144 = arith.constant 192 : index
          %swap3A_1145 = tpu.vector_load %arg14[%swap3A_1143, %swap3A_1144] {strides = array<i32>} : memref<8x512xf32, #tpu.memory_space<vmem>>, vector<1x16xf32>,
          %swap3A_1146 = vector.shape_cast %swap3A_1145 : vector<1x16xf32> to vector<16xf32>
          %swap3A_1147 = vector.shape_cast %broadcast_in_dim3A_709 : vector<16xf32> to vector<1x16xf32>
          tpu.vector_store %arg14[%swap3A_1143, %swap3A_1144], %swap3A_1147 {strides = array<i32>} : memref<8x512xf32, #tpu.memory_space<vmem>>, vector<1x16xf32>,
          %swap3A_1148 = arith.index_cast %while3A_1083 : i32 to index
          %swap3A_1149 = arith.constant 208 : index
          %swap3A_1150 = tpu.vector_load %arg14[%swap3A_1148, %swap3A_1149] {strides = array<i32>} : memref<8x512xf32, #tpu.memory_space<vmem>>, vector<1x16xf32>,
          %swap3A_1151 = vector.shape_cast %swap3A_1150 : vector<1x16xf32> to vector<16xf32>
          %swap3A_1152 = vector.shape_cast %broadcast_in_dim3A_709 : vector<16xf32> to vector<1x16xf32>
          tpu.vector_store %arg14[%swap3A_1148, %swap3A_1149], %swap3A_1152 {strides = array<i32>} : memref<8x512xf32, #tpu.memory_space<vmem>>, vector<1x16xf32>,
          %swap3A_1153 = arith.index_cast %while3A_1083 : i32 to index
          %swap3A_1154 = arith.constant 224 : index
          %swap3A_1155 = tpu.vector_load %arg14[%swap3A_1153, %swap3A_1154] {strides = array<i32>} : memref<8x512xf32, #tpu.memory_space<vmem>>, vector<1x16xf32>,
          %swap3A_1156 = vector.shape_cast %swap3A_1155 : vector<1x16xf32> to vector<16xf32>
          %swap3A_1157 = vector.shape_cast %broadcast_in_dim3A_709 : vector<16xf32> to vector<1x16xf32>
          tpu.vector_store %arg14[%swap3A_1153, %swap3A_1154], %swap3A_1157 {strides = array<i32>} : memref<8x512xf32, #tpu.memory_space<vmem>>, vector<1x16xf32>,
          %swap3A_1158 = arith.index_cast %while3A_1083 : i32 to index
          %swap3A_1159 = arith.constant 240 : index
          %swap3A_1160 = tpu.vector_load %arg14[%swap3A_1158, %swap3A_1159] {strides = array<i32>} : memref<8x512xf32, #tpu.memory_space<vmem>>, vector<1x16xf32>,
          %swap3A_1161 = vector.shape_cast %swap3A_1160 : vector<1x16xf32> to vector<16xf32>
          %swap3A_1162 = vector.shape_cast %broadcast_in_dim3A_709 : vector<16xf32> to vector<1x16xf32>
          tpu.vector_store %arg14[%swap3A_1158, %swap3A_1159], %swap3A_1162 {strides = array<i32>} : memref<8x512xf32, #tpu.memory_space<vmem>>, vector<1x16xf32>,
          %swap3A_1163 = arith.index_cast %while3A_1083 : i32 to index
          %swap3A_1164 = arith.constant 256 : index
          %swap3A_1165 = tpu.vector_load %arg14[%swap3A_1163, %swap3A_1164] {strides = array<i32>} : memref<8x512xf32, #tpu.memory_space<vmem>>, vector<1x16xf32>,
          %swap3A_1166 = vector.shape_cast %swap3A_1165 : vector<1x16xf32> to vector<16xf32>
          %swap3A_1167 = vector.shape_cast %broadcast_in_dim3A_709 : vector<16xf32> to vector<1x16xf32>
          tpu.vector_store %arg14[%swap3A_1163, %swap3A_1164], %swap3A_1167 {strides = array<i32>} : memref<8x512xf32, #tpu.memory_space<vmem>>, vector<1x16xf32>,
          %swap3A_1168 = arith.index_cast %while3A_1083 : i32 to index
          %swap3A_1169 = arith.constant 272 : index
          %swap3A_1170 = tpu.vector_load %arg14[%swap3A_1168, %swap3A_1169] {strides = array<i32>} : memref<8x512xf32, #tpu.memory_space<vmem>>, vector<1x16xf32>,
          %swap3A_1171 = vector.shape_cast %swap3A_1170 : vector<1x16xf32> to vector<16xf32>
          %swap3A_1172 = vector.shape_cast %broadcast_in_dim3A_709 : vector<16xf32> to vector<1x16xf32>
          tpu.vector_store %arg14[%swap3A_1168, %swap3A_1169], %swap3A_1172 {strides = array<i32>} : memref<8x512xf32, #tpu.memory_space<vmem>>, vector<1x16xf32>,
          %swap3A_1173 = arith.index_cast %while3A_1083 : i32 to index
          %swap3A_1174 = arith.constant 288 : index
          %swap3A_1175 = tpu.vector_load %arg14[%swap3A_1173, %swap3A_1174] {strides = array<i32>} : memref<8x512xf32, #tpu.memory_space<vmem>>, vector<1x16xf32>,
          %swap3A_1176 = vector.shape_cast %swap3A_1175 : vector<1x16xf32> to vector<16xf32>
          %swap3A_1177 = vector.shape_cast %broadcast_in_dim3A_709 : vector<16xf32> to vector<1x16xf32>
          tpu.vector_store %arg14[%swap3A_1173, %swap3A_1174], %swap3A_1177 {strides = array<i32>} : memref<8x512xf32, #tpu.memory_space<vmem>>, vector<1x16xf32>,
          %swap3A_1178 = arith.index_cast %while3A_1083 : i32 to index
          %swap3A_1179 = arith.constant 304 : index
          %swap3A_1180 = tpu.vector_load %arg14[%swap3A_1178, %swap3A_1179] {strides = array<i32>} : memref<8x512xf32, #tpu.memory_space<vmem>>, vector<1x16xf32>,
          %swap3A_1181 = vector.shape_cast %swap3A_1180 : vector<1x16xf32> to vector<16xf32>
          %swap3A_1182 = vector.shape_cast %broadcast_in_dim3A_709 : vector<16xf32> to vector<1x16xf32>
          tpu.vector_store %arg14[%swap3A_1178, %swap3A_1179], %swap3A_1182 {strides = array<i32>} : memref<8x512xf32, #tpu.memory_space<vmem>>, vector<1x16xf32>,
          %swap3A_1183 = arith.index_cast %while3A_1083 : i32 to index
          %swap3A_1184 = arith.constant 320 : index
          %swap3A_1185 = tpu.vector_load %arg14[%swap3A_1183, %swap3A_1184] {strides = array<i32>} : memref<8x512xf32, #tpu.memory_space<vmem>>, vector<1x16xf32>,
          %swap3A_1186 = vector.shape_cast %swap3A_1185 : vector<1x16xf32> to vector<16xf32>
          %swap3A_1187 = vector.shape_cast %broadcast_in_dim3A_709 : vector<16xf32> to vector<1x16xf32>
          tpu.vector_store %arg14[%swap3A_1183, %swap3A_1184], %swap3A_1187 {strides = array<i32>} : memref<8x512xf32, #tpu.memory_space<vmem>>, vector<1x16xf32>,
          %swap3A_1188 = arith.index_cast %while3A_1083 : i32 to index
          %swap3A_1189 = arith.constant 336 : index
          %swap3A_1190 = tpu.vector_load %arg14[%swap3A_1188, %swap3A_1189] {strides = array<i32>} : memref<8x512xf32, #tpu.memory_space<vmem>>, vector<1x16xf32>,
          %swap3A_1191 = vector.shape_cast %swap3A_1190 : vector<1x16xf32> to vector<16xf32>
          %swap3A_1192 = vector.shape_cast %broadcast_in_dim3A_709 : vector<16xf32> to vector<1x16xf32>
          tpu.vector_store %arg14[%swap3A_1188, %swap3A_1189], %swap3A_1192 {strides = array<i32>} : memref<8x512xf32, #tpu.memory_space<vmem>>, vector<1x16xf32>,
          %swap3A_1193 = arith.index_cast %while3A_1083 : i32 to index
          %swap3A_1194 = arith.constant 352 : index
          %swap3A_1195 = tpu.vector_load %arg14[%swap3A_1193, %swap3A_1194] {strides = array<i32>} : memref<8x512xf32, #tpu.memory_space<vmem>>, vector<1x16xf32>,
          %swap3A_1196 = vector.shape_cast %swap3A_1195 : vector<1x16xf32> to vector<16xf32>
          %swap3A_1197 = vector.shape_cast %broadcast_in_dim3A_709 : vector<16xf32> to vector<1x16xf32>
          tpu.vector_store %arg14[%swap3A_1193, %swap3A_1194], %swap3A_1197 {strides = array<i32>} : memref<8x512xf32, #tpu.memory_space<vmem>>, vector<1x16xf32>,
          %swap3A_1198 = arith.index_cast %while3A_1083 : i32 to index
          %swap3A_1199 = arith.constant 368 : index
          %swap3A_1200 = tpu.vector_load %arg14[%swap3A_1198, %swap3A_1199] {strides = array<i32>} : memref<8x512xf32, #tpu.memory_space<vmem>>, vector<1x16xf32>,
          %swap3A_1201 = vector.shape_cast %swap3A_1200 : vector<1x16xf32> to vector<16xf32>
          %swap3A_1202 = vector.shape_cast %broadcast_in_dim3A_709 : vector<16xf32> to vector<1x16xf32>
          tpu.vector_store %arg14[%swap3A_1198, %swap3A_1199], %swap3A_1202 {strides = array<i32>} : memref<8x512xf32, #tpu.memory_space<vmem>>, vector<1x16xf32>,
          %swap3A_1203 = arith.index_cast %while3A_1083 : i32 to index
          %swap3A_1204 = arith.constant 384 : index
          %swap3A_1205 = tpu.vector_load %arg14[%swap3A_1203, %swap3A_1204] {strides = array<i32>} : memref<8x512xf32, #tpu.memory_space<vmem>>, vector<1x16xf32>,
          %swap3A_1206 = vector.shape_cast %swap3A_1205 : vector<1x16xf32> to vector<16xf32>
          %swap3A_1207 = vector.shape_cast %broadcast_in_dim3A_709 : vector<16xf32> to vector<1x16xf32>
          tpu.vector_store %arg14[%swap3A_1203, %swap3A_1204], %swap3A_1207 {strides = array<i32>} : memref<8x512xf32, #tpu.memory_space<vmem>>, vector<1x16xf32>,
          %swap3A_1208 = arith.index_cast %while3A_1083 : i32 to index
          %swap3A_1209 = arith.constant 400 : index
          %swap3A_1210 = tpu.vector_load %arg14[%swap3A_1208, %swap3A_1209] {strides = array<i32>} : memref<8x512xf32, #tpu.memory_space<vmem>>, vector<1x16xf32>,
          %swap3A_1211 = vector.shape_cast %swap3A_1210 : vector<1x16xf32> to vector<16xf32>
          %swap3A_1212 = vector.shape_cast %broadcast_in_dim3A_709 : vector<16xf32> to vector<1x16xf32>
          tpu.vector_store %arg14[%swap3A_1208, %swap3A_1209], %swap3A_1212 {strides = array<i32>} : memref<8x512xf32, #tpu.memory_space<vmem>>, vector<1x16xf32>,
          %swap3A_1213 = arith.index_cast %while3A_1083 : i32 to index
          %swap3A_1214 = arith.constant 416 : index
          %swap3A_1215 = tpu.vector_load %arg14[%swap3A_1213, %swap3A_1214] {strides = array<i32>} : memref<8x512xf32, #tpu.memory_space<vmem>>, vector<1x16xf32>,
          %swap3A_1216 = vector.shape_cast %swap3A_1215 : vector<1x16xf32> to vector<16xf32>
          %swap3A_1217 = vector.shape_cast %broadcast_in_dim3A_709 : vector<16xf32> to vector<1x16xf32>
          tpu.vector_store %arg14[%swap3A_1213, %swap3A_1214], %swap3A_1217 {strides = array<i32>} : memref<8x512xf32, #tpu.memory_space<vmem>>, vector<1x16xf32>,
          %swap3A_1218 = arith.index_cast %while3A_1083 : i32 to index
          %swap3A_1219 = arith.constant 432 : index
          %swap3A_1220 = tpu.vector_load %arg14[%swap3A_1218, %swap3A_1219] {strides = array<i32>} : memref<8x512xf32, #tpu.memory_space<vmem>>, vector<1x16xf32>,
          %swap3A_1221 = vector.shape_cast %swap3A_1220 : vector<1x16xf32> to vector<16xf32>
          %swap3A_1222 = vector.shape_cast %broadcast_in_dim3A_709 : vector<16xf32> to vector<1x16xf32>
          tpu.vector_store %arg14[%swap3A_1218, %swap3A_1219], %swap3A_1222 {strides = array<i32>} : memref<8x512xf32, #tpu.memory_space<vmem>>, vector<1x16xf32>,
          %swap3A_1223 = arith.index_cast %while3A_1083 : i32 to index
          %swap3A_1224 = arith.constant 448 : index
          %swap3A_1225 = tpu.vector_load %arg14[%swap3A_1223, %swap3A_1224] {strides = array<i32>} : memref<8x512xf32, #tpu.memory_space<vmem>>, vector<1x16xf32>,
          %swap3A_1226 = vector.shape_cast %swap3A_1225 : vector<1x16xf32> to vector<16xf32>
          %swap3A_1227 = vector.shape_cast %broadcast_in_dim3A_709 : vector<16xf32> to vector<1x16xf32>
          tpu.vector_store %arg14[%swap3A_1223, %swap3A_1224], %swap3A_1227 {strides = array<i32>} : memref<8x512xf32, #tpu.memory_space<vmem>>, vector<1x16xf32>,
          %swap3A_1228 = arith.index_cast %while3A_1083 : i32 to index
          %swap3A_1229 = arith.constant 464 : index
          %swap3A_1230 = tpu.vector_load %arg14[%swap3A_1228, %swap3A_1229] {strides = array<i32>} : memref<8x512xf32, #tpu.memory_space<vmem>>, vector<1x16xf32>,
          %swap3A_1231 = vector.shape_cast %swap3A_1230 : vector<1x16xf32> to vector<16xf32>
          %swap3A_1232 = vector.shape_cast %broadcast_in_dim3A_709 : vector<16xf32> to vector<1x16xf32>
          tpu.vector_store %arg14[%swap3A_1228, %swap3A_1229], %swap3A_1232 {strides = array<i32>} : memref<8x512xf32, #tpu.memory_space<vmem>>, vector<1x16xf32>,
          %swap3A_1233 = arith.index_cast %while3A_1083 : i32 to index
          %swap3A_1234 = arith.constant 480 : index
          %swap3A_1235 = tpu.vector_load %arg14[%swap3A_1233, %swap3A_1234] {strides = array<i32>} : memref<8x512xf32, #tpu.memory_space<vmem>>, vector<1x16xf32>,
          %swap3A_1236 = vector.shape_cast %swap3A_1235 : vector<1x16xf32> to vector<16xf32>
          %swap3A_1237 = vector.shape_cast %broadcast_in_dim3A_709 : vector<16xf32> to vector<1x16xf32>
          tpu.vector_store %arg14[%swap3A_1233, %swap3A_1234], %swap3A_1237 {strides = array<i32>} : memref<8x512xf32, #tpu.memory_space<vmem>>, vector<1x16xf32>,
          %swap3A_1238 = arith.index_cast %while3A_1083 : i32 to index
          %swap3A_1239 = arith.constant 496 : index
          %swap3A_1240 = tpu.vector_load %arg14[%swap3A_1238, %swap3A_1239] {strides = array<i32>} : memref<8x512xf32, #tpu.memory_space<vmem>>, vector<1x16xf32>,
          %swap3A_1241 = vector.shape_cast %swap3A_1240 : vector<1x16xf32> to vector<16xf32>
          %swap3A_1242 = vector.shape_cast %broadcast_in_dim3A_709 : vector<16xf32> to vector<1x16xf32>
          tpu.vector_store %arg14[%swap3A_1238, %swap3A_1239], %swap3A_1242 {strides = array<i32>} : memref<8x512xf32, #tpu.memory_space<vmem>>, vector<1x16xf32>,
          %swap3A_1243 = arith.index_cast %while3A_1083 : i32 to index
          %swap3A_1244 = arith.constant 0 : index
          %swap3A_1245 = tpu.vector_load %arg15[%swap3A_1243, %swap3A_1244] {strides = array<i32>} : memref<8x64xf32, #tpu.memory_space<vmem>>, vector<1x16xf32>,
          %swap3A_1246 = vector.shape_cast %swap3A_1245 : vector<1x16xf32> to vector<16xf32>
          %swap3A_1247 = vector.shape_cast %broadcast_in_dim3A_709 : vector<16xf32> to vector<1x16xf32>
          tpu.vector_store %arg15[%swap3A_1243, %swap3A_1244], %swap3A_1247 {strides = array<i32>} : memref<8x64xf32, #tpu.memory_space<vmem>>, vector<1x16xf32>,
          %swap3A_1248 = arith.index_cast %while3A_1083 : i32 to index
          %swap3A_1249 = arith.constant 16 : index
          %swap3A_1250 = tpu.vector_load %arg15[%swap3A_1248, %swap3A_1249] {strides = array<i32>} : memref<8x64xf32, #tpu.memory_space<vmem>>, vector<1x16xf32>,
          %swap3A_1251 = vector.shape_cast %swap3A_1250 : vector<1x16xf32> to vector<16xf32>
          %swap3A_1252 = vector.shape_cast %broadcast_in_dim3A_709 : vector<16xf32> to vector<1x16xf32>
          tpu.vector_store %arg15[%swap3A_1248, %swap3A_1249], %swap3A_1252 {strides = array<i32>} : memref<8x64xf32, #tpu.memory_space<vmem>>, vector<1x16xf32>,
          %swap3A_1253 = arith.index_cast %while3A_1083 : i32 to index
          %swap3A_1254 = arith.constant 32 : index
          %swap3A_1255 = tpu.vector_load %arg15[%swap3A_1253, %swap3A_1254] {strides = array<i32>} : memref<8x64xf32, #tpu.memory_space<vmem>>, vector<1x16xf32>,
          %swap3A_1256 = vector.shape_cast %swap3A_1255 : vector<1x16xf32> to vector<16xf32>
          %swap3A_1257 = vector.shape_cast %broadcast_in_dim3A_709 : vector<16xf32> to vector<1x16xf32>
          tpu.vector_store %arg15[%swap3A_1253, %swap3A_1254], %swap3A_1257 {strides = array<i32>} : memref<8x64xf32, #tpu.memory_space<vmem>>, vector<1x16xf32>,
          %swap3A_1258 = arith.index_cast %while3A_1083 : i32 to index
          %swap3A_1259 = arith.constant 48 : index
          %swap3A_1260 = tpu.vector_load %arg15[%swap3A_1258, %swap3A_1259] {strides = array<i32>} : memref<8x64xf32, #tpu.memory_space<vmem>>, vector<1x16xf32>,
          %swap3A_1261 = vector.shape_cast %swap3A_1260 : vector<1x16xf32> to vector<16xf32>
          %swap3A_1262 = vector.shape_cast %broadcast_in_dim3A_709 : vector<16xf32> to vector<1x16xf32>
          tpu.vector_store %arg15[%swap3A_1258, %swap3A_1259], %swap3A_1262 {strides = array<i32>} : memref<8x64xf32, #tpu.memory_space<vmem>>, vector<1x16xf32>,
        }
        %while3A_1080 = arith.constant 1 : i32
        scf.for %while3A_1083 = %while3A_1078 to %while3A_1074 step %while3A_1080  : i32 {
          %swap3A = arith.index_cast %while3A_1083 : i32 to index
          %swap3A_1084 = arith.constant 0 : index
          %swap3A_1085 = tpu.vector_load %arg14[%swap3A, %swap3A_1084] {strides = array<i32>} : memref<8x512xf32, #tpu.memory_space<vmem>>, vector<1x16xf32>,
          %swap3A_1086 = vector.shape_cast %swap3A_1085 : vector<1x16xf32> to vector<16xf32>
          %swap3A_1087 = vector.shape_cast %broadcast_in_dim3A_709 : vector<16xf32> to vector<1x16xf32>
          tpu.vector_store %arg14[%swap3A, %swap3A_1084], %swap3A_1087 {strides = array<i32>} : memref<8x512xf32, #tpu.memory_space<vmem>>, vector<1x16xf32>,
          %swap3A_1088 = arith.index_cast %while3A_1083 : i32 to index
          %swap3A_1089 = arith.constant 16 : index
          %swap3A_1090 = tpu.vector_load %arg14[%swap3A_1088, %swap3A_1089] {strides = array<i32>} : memref<8x512xf32, #tpu.memory_space<vmem>>, vector<1x16xf32>,
          %swap3A_1091 = vector.shape_cast %swap3A_1090 : vector<1x16xf32> to vector<16xf32>
          %swap3A_1092 = vector.shape_cast %broadcast_in_dim3A_709 : vector<16xf32> to vector<1x16xf32>
          tpu.vector_store %arg14[%swap3A_1088, %swap3A_1089], %swap3A_1092 {strides = array<i32>} : memref<8x512xf32, #tpu.memory_space<vmem>>, vector<1x16xf32>,
          %swap3A_1093 = arith.index_cast %while3A_1083 : i32 to index
          %swap3A_1094 = arith.constant 32 : index
          %swap3A_1095 = tpu.vector_load %arg14[%swap3A_1093, %swap3A_1094] {strides = array<i32>} : memref<8x512xf32, #tpu.memory_space<vmem>>, vector<1x16xf32>,
          %swap3A_1096 = vector.shape_cast %swap3A_1095 : vector<1x16xf32> to vector<16xf32>
          %swap3A_1097 = vector.shape_cast %broadcast_in_dim3A_709 : vector<16xf32> to vector<1x16xf32>
          tpu.vector_store %arg14[%swap3A_1093, %swap3A_1094], %swap3A_1097 {strides = array<i32>} : memref<8x512xf32, #tpu.memory_space<vmem>>, vector<1x16xf32>,
          %swap3A_1098 = arith.index_cast %while3A_1083 : i32 to index
          %swap3A_1099 = arith.constant 48 : index
          %swap3A_1100 = tpu.vector_load %arg14[%swap3A_1098, %swap3A_1099] {strides = array<i32>} : memref<8x512xf32, #tpu.memory_space<vmem>>, vector<1x16xf32>,
          %swap3A_1101 = vector.shape_cast %swap3A_1100 : vector<1x16xf32> to vector<16xf32>
          %swap3A_1102 = vector.shape_cast %broadcast_in_dim3A_709 : vector<16xf32> to vector<1x16xf32>
          tpu.vector_store %arg14[%swap3A_1098, %swap3A_1099], %swap3A_1102 {strides = array<i32>} : memref<8x512xf32, #tpu.memory_space<vmem>>, vector<1x16xf32>,
          %swap3A_1103 = arith.index_cast %while3A_1083 : i32 to index
          %swap3A_1104 = arith.constant 64 : index
          %swap3A_1105 = tpu.vector_load %arg14[%swap3A_1103, %swap3A_1104] {strides = array<i32>} : memref<8x512xf32, #tpu.memory_space<vmem>>, vector<1x16xf32>,
          %swap3A_1106 = vector.shape_cast %swap3A_1105 : vector<1x16xf32> to vector<16xf32>
          %swap3A_1107 = vector.shape_cast %broadcast_in_dim3A_709 : vector<16xf32> to vector<1x16xf32>
          tpu.vector_store %arg14[%swap3A_1103, %swap3A_1104], %swap3A_1107 {strides = array<i32>} : memref<8x512xf32, #tpu.memory_space<vmem>>, vector<1x16xf32>,
          %swap3A_1108 = arith.index_cast %while3A_1083 : i32 to index
          %swap3A_1109 = arith.constant 80 : index
          %swap3A_1110 = tpu.vector_load %arg14[%swap3A_1108, %swap3A_1109] {strides = array<i32>} : memref<8x512xf32, #tpu.memory_space<vmem>>, vector<1x16xf32>,
          %swap3A_1111 = vector.shape_cast %swap3A_1110 : vector<1x16xf32> to vector<16xf32>
          %swap3A_1112 = vector.shape_cast %broadcast_in_dim3A_709 : vector<16xf32> to vector<1x16xf32>
          tpu.vector_store %arg14[%swap3A_1108, %swap3A_1109], %swap3A_1112 {strides = array<i32>} : memref<8x512xf32, #tpu.memory_space<vmem>>, vector<1x16xf32>,
          %swap3A_1113 = arith.index_cast %while3A_1083 : i32 to index
          %swap3A_1114 = arith.constant 96 : index
          %swap3A_1115 = tpu.vector_load %arg14[%swap3A_1113, %swap3A_1114] {strides = array<i32>} : memref<8x512xf32, #tpu.memory_space<vmem>>, vector<1x16xf32>,
          %swap3A_1116 = vector.shape_cast %swap3A_1115 : vector<1x16xf32> to vector<16xf32>
          %swap3A_1117 = vector.shape_cast %broadcast_in_dim3A_709 : vector<16xf32> to vector<1x16xf32>
          tpu.vector_store %arg14[%swap3A_1113, %swap3A_1114], %swap3A_1117 {strides = array<i32>} : memref<8x512xf32, #tpu.memory_space<vmem>>, vector<1x16xf32>,
          %swap3A_1118 = arith.index_cast %while3A_1083 : i32 to index
          %swap3A_1119 = arith.constant 112 : index
          %swap3A_1120 = tpu.vector_load %arg14[%swap3A_1118, %swap3A_1119] {strides = array<i32>} : memref<8x512xf32, #tpu.memory_space<vmem>>, vector<1x16xf32>,
          %swap3A_1121 = vector.shape_cast %swap3A_1120 : vector<1x16xf32> to vector<16xf32>
          %swap3A_1122 = vector.shape_cast %broadcast_in_dim3A_709 : vector<16xf32> to vector<1x16xf32>
          tpu.vector_store %arg14[%swap3A_1118, %swap3A_1119], %swap3A_1122 {strides = array<i32>} : memref<8x512xf32, #tpu.memory_space<vmem>>, vector<1x16xf32>,
          %swap3A_1123 = arith.index_cast %while3A_1083 : i32 to index
          %swap3A_1124 = arith.constant 128 : index
          %swap3A_1125 = tpu.vector_load %arg14[%swap3A_1123, %swap3A_1124] {strides = array<i32>} : memref<8x512xf32, #tpu.memory_space<vmem>>, vector<1x16xf32>,
          %swap3A_1126 = vector.shape_cast %swap3A_1125 : vector<1x16xf32> to vector<16xf32>
          %swap3A_1127 = vector.shape_cast %broadcast_in_dim3A_709 : vector<16xf32> to vector<1x16xf32>
          tpu.vector_store %arg14[%swap3A_1123, %swap3A_1124], %swap3A_1127 {strides = array<i32>} : memref<8x512xf32, #tpu.memory_space<vmem>>, vector<1x16xf32>,
          %swap3A_1128 = arith.index_cast %while3A_1083 : i32 to index
          %swap3A_1129 = arith.constant 144 : index
          %swap3A_1130 = tpu.vector_load %arg14[%swap3A_1128, %swap3A_1129] {strides = array<i32>} : memref<8x512xf32, #tpu.memory_space<vmem>>, vector<1x16xf32>,
          %swap3A_1131 = vector.shape_cast %swap3A_1130 : vector<1x16xf32> to vector<16xf32>
          %swap3A_1132 = vector.shape_cast %broadcast_in_dim3A_709 : vector<16xf32> to vector<1x16xf32>
          tpu.vector_store %arg14[%swap3A_1128, %swap3A_1129], %swap3A_1132 {strides = array<i32>} : memref<8x512xf32, #tpu.memory_space<vmem>>, vector<1x16xf32>,
          %swap3A_1133 = arith.index_cast %while3A_1083 : i32 to index
          %swap3A_1134 = arith.constant 160 : index
          %swap3A_1135 = tpu.vector_load %arg14[%swap3A_1133, %swap3A_1134] {strides = array<i32>} : memref<8x512xf32, #tpu.memory_space<vmem>>, vector<1x16xf32>,
          %swap3A_1136 = vector.shape_cast %swap3A_1135 : vector<1x16xf32> to vector<16xf32>
          %swap3A_1137 = vector.shape_cast %broadcast_in_dim3A_709 : vector<16xf32> to vector<1x16xf32>
          tpu.vector_store %arg14[%swap3A_1133, %swap3A_1134], %swap3A_1137 {strides = array<i32>} : memref<8x512xf32, #tpu.memory_space<vmem>>, vector<1x16xf32>,
          %swap3A_1138 = arith.index_cast %while3A_1083 : i32 to index
          %swap3A_1139 = arith.constant 176 : index
          %swap3A_1140 = tpu.vector_load %arg14[%swap3A_1138, %swap3A_1139] {strides = array<i32>} : memref<8x512xf32, #tpu.memory_space<vmem>>, vector<1x16xf32>,
          %swap3A_1141 = vector.shape_cast %swap3A_1140 : vector<1x16xf32> to vector<16xf32>
          %swap3A_1142 = vector.shape_cast %broadcast_in_dim3A_709 : vector<16xf32> to vector<1x16xf32>
          tpu.vector_store %arg14[%swap3A_1138, %swap3A_1139], %swap3A_1142 {strides = array<i32>} : memref<8x512xf32, #tpu.memory_space<vmem>>, vector<1x16xf32>,
          %swap3A_1143 = arith.index_cast %while3A_1083 : i32 to index
          %swap3A_1144 = arith.constant 192 : index
          %swap3A_1145 = tpu.vector_load %arg14[%swap3A_1143, %swap3A_1144] {strides = array<i32>} : memref<8x512xf32, #tpu.memory_space<vmem>>, vector<1x16xf32>,
          %swap3A_1146 = vector.shape_cast %swap3A_1145 : vector<1x16xf32> to vector<16xf32>
          %swap3A_1147 = vector.shape_cast %broadcast_in_dim3A_709 : vector<16xf32> to vector<1x16xf32>
          tpu.vector_store %arg14[%swap3A_1143, %swap3A_1144], %swap3A_1147 {strides = array<i32>} : memref<8x512xf32, #tpu.memory_space<vmem>>, vector<1x16xf32>,
          %swap3A_1148 = arith.index_cast %while3A_1083 : i32 to index
          %swap3A_1149 = arith.constant 208 : index
          %swap3A_1150 = tpu.vector_load %arg14[%swap3A_1148, %swap3A_1149] {strides = array<i32>} : memref<8x512xf32, #tpu.memory_space<vmem>>, vector<1x16xf32>,
          %swap3A_1151 = vector.shape_cast %swap3A_1150 : vector<1x16xf32> to vector<16xf32>
          %swap3A_1152 = vector.shape_cast %broadcast_in_dim3A_709 : vector<16xf32> to vector<1x16xf32>
          tpu.vector_store %arg14[%swap3A_1148, %swap3A_1149], %swap3A_1152 {strides = array<i32>} : memref<8x512xf32, #tpu.memory_space<vmem>>, vector<1x16xf32>,
          %swap3A_1153 = arith.index_cast %while3A_1083 : i32 to index
          %swap3A_1154 = arith.constant 224 : index
          %swap3A_1155 = tpu.vector_load %arg14[%swap3A_1153, %swap3A_1154] {strides = array<i32>} : memref<8x512xf32, #tpu.memory_space<vmem>>, vector<1x16xf32>,
          %swap3A_1156 = vector.shape_cast %swap3A_1155 : vector<1x16xf32> to vector<16xf32>
          %swap3A_1157 = vector.shape_cast %broadcast_in_dim3A_709 : vector<16xf32> to vector<1x16xf32>
          tpu.vector_store %arg14[%swap3A_1153, %swap3A_1154], %swap3A_1157 {strides = array<i32>} : memref<8x512xf32, #tpu.memory_space<vmem>>, vector<1x16xf32>,
          %swap3A_1158 = arith.index_cast %while3A_1083 : i32 to index
          %swap3A_1159 = arith.constant 240 : index
          %swap3A_1160 = tpu.vector_load %arg14[%swap3A_1158, %swap3A_1159] {strides = array<i32>} : memref<8x512xf32, #tpu.memory_space<vmem>>, vector<1x16xf32>,
          %swap3A_1161 = vector.shape_cast %swap3A_1160 : vector<1x16xf32> to vector<16xf32>
          %swap3A_1162 = vector.shape_cast %broadcast_in_dim3A_709 : vector<16xf32> to vector<1x16xf32>
          tpu.vector_store %arg14[%swap3A_1158, %swap3A_1159], %swap3A_1162 {strides = array<i32>} : memref<8x512xf32, #tpu.memory_space<vmem>>, vector<1x16xf32>,
          %swap3A_1163 = arith.index_cast %while3A_1083 : i32 to index
          %swap3A_1164 = arith.constant 256 : index
          %swap3A_1165 = tpu.vector_load %arg14[%swap3A_1163, %swap3A_1164] {strides = array<i32>} : memref<8x512xf32, #tpu.memory_space<vmem>>, vector<1x16xf32>,
          %swap3A_1166 = vector.shape_cast %swap3A_1165 : vector<1x16xf32> to vector<16xf32>
          %swap3A_1167 = vector.shape_cast %broadcast_in_dim3A_709 : vector<16xf32> to vector<1x16xf32>
          tpu.vector_store %arg14[%swap3A_1163, %swap3A_1164], %swap3A_1167 {strides = array<i32>} : memref<8x512xf32, #tpu.memory_space<vmem>>, vector<1x16xf32>,
          %swap3A_1168 = arith.index_cast %while3A_1083 : i32 to index
          %swap3A_1169 = arith.constant 272 : index
          %swap3A_1170 = tpu.vector_load %arg14[%swap3A_1168, %swap3A_1169] {strides = array<i32>} : memref<8x512xf32, #tpu.memory_space<vmem>>, vector<1x16xf32>,
          %swap3A_1171 = vector.shape_cast %swap3A_1170 : vector<1x16xf32> to vector<16xf32>
          %swap3A_1172 = vector.shape_cast %broadcast_in_dim3A_709 : vector<16xf32> to vector<1x16xf32>
          tpu.vector_store %arg14[%swap3A_1168, %swap3A_1169], %swap3A_1172 {strides = array<i32>} : memref<8x512xf32, #tpu.memory_space<vmem>>, vector<1x16xf32>,
          %swap3A_1173 = arith.index_cast %while3A_1083 : i32 to index
          %swap3A_1174 = arith.constant 288 : index
          %swap3A_1175 = tpu.vector_load %arg14[%swap3A_1173, %swap3A_1174] {strides = array<i32>} : memref<8x512xf32, #tpu.memory_space<vmem>>, vector<1x16xf32>,
          %swap3A_1176 = vector.shape_cast %swap3A_1175 : vector<1x16xf32> to vector<16xf32>
          %swap3A_1177 = vector.shape_cast %broadcast_in_dim3A_709 : vector<16xf32> to vector<1x16xf32>
          tpu.vector_store %arg14[%swap3A_1173, %swap3A_1174], %swap3A_1177 {strides = array<i32>} : memref<8x512xf32, #tpu.memory_space<vmem>>, vector<1x16xf32>,
          %swap3A_1178 = arith.index_cast %while3A_1083 : i32 to index
          %swap3A_1179 = arith.constant 304 : index
          %swap3A_1180 = tpu.vector_load %arg14[%swap3A_1178, %swap3A_1179] {strides = array<i32>} : memref<8x512xf32, #tpu.memory_space<vmem>>, vector<1x16xf32>,
          %swap3A_1181 = vector.shape_cast %swap3A_1180 : vector<1x16xf32> to vector<16xf32>
          %swap3A_1182 = vector.shape_cast %broadcast_in_dim3A_709 : vector<16xf32> to vector<1x16xf32>
          tpu.vector_store %arg14[%swap3A_1178, %swap3A_1179], %swap3A_1182 {strides = array<i32>} : memref<8x512xf32, #tpu.memory_space<vmem>>, vector<1x16xf32>,
          %swap3A_1183 = arith.index_cast %while3A_1083 : i32 to index
          %swap3A_1184 = arith.constant 320 : index
          %swap3A_1185 = tpu.vector_load %arg14[%swap3A_1183, %swap3A_1184] {strides = array<i32>} : memref<8x512xf32, #tpu.memory_space<vmem>>, vector<1x16xf32>,
          %swap3A_1186 = vector.shape_cast %swap3A_1185 : vector<1x16xf32> to vector<16xf32>
          %swap3A_1187 = vector.shape_cast %broadcast_in_dim3A_709 : vector<16xf32> to vector<1x16xf32>
          tpu.vector_store %arg14[%swap3A_1183, %swap3A_1184], %swap3A_1187 {strides = array<i32>} : memref<8x512xf32, #tpu.memory_space<vmem>>, vector<1x16xf32>,
          %swap3A_1188 = arith.index_cast %while3A_1083 : i32 to index
          %swap3A_1189 = arith.constant 336 : index
          %swap3A_1190 = tpu.vector_load %arg14[%swap3A_1188, %swap3A_1189] {strides = array<i32>} : memref<8x512xf32, #tpu.memory_space<vmem>>, vector<1x16xf32>,
          %swap3A_1191 = vector.shape_cast %swap3A_1190 : vector<1x16xf32> to vector<16xf32>
          %swap3A_1192 = vector.shape_cast %broadcast_in_dim3A_709 : vector<16xf32> to vector<1x16xf32>
          tpu.vector_store %arg14[%swap3A_1188, %swap3A_1189], %swap3A_1192 {strides = array<i32>} : memref<8x512xf32, #tpu.memory_space<vmem>>, vector<1x16xf32>,
          %swap3A_1193 = arith.index_cast %while3A_1083 : i32 to index
          %swap3A_1194 = arith.constant 352 : index
          %swap3A_1195 = tpu.vector_load %arg14[%swap3A_1193, %swap3A_1194] {strides = array<i32>} : memref<8x512xf32, #tpu.memory_space<vmem>>, vector<1x16xf32>,
          %swap3A_1196 = vector.shape_cast %swap3A_1195 : vector<1x16xf32> to vector<16xf32>
          %swap3A_1197 = vector.shape_cast %broadcast_in_dim3A_709 : vector<16xf32> to vector<1x16xf32>
          tpu.vector_store %arg14[%swap3A_1193, %swap3A_1194], %swap3A_1197 {strides = array<i32>} : memref<8x512xf32, #tpu.memory_space<vmem>>, vector<1x16xf32>,
          %swap3A_1198 = arith.index_cast %while3A_1083 : i32 to index
          %swap3A_1199 = arith.constant 368 : index
          %swap3A_1200 = tpu.vector_load %arg14[%swap3A_1198, %swap3A_1199] {strides = array<i32>} : memref<8x512xf32, #tpu.memory_space<vmem>>, vector<1x16xf32>,
          %swap3A_1201 = vector.shape_cast %swap3A_1200 : vector<1x16xf32> to vector<16xf32>
          %swap3A_1202 = vector.shape_cast %broadcast_in_dim3A_709 : vector<16xf32> to vector<1x16xf32>
          tpu.vector_store %arg14[%swap3A_1198, %swap3A_1199], %swap3A_1202 {strides = array<i32>} : memref<8x512xf32, #tpu.memory_space<vmem>>, vector<1x16xf32>,
          %swap3A_1203 = arith.index_cast %while3A_1083 : i32 to index
          %swap3A_1204 = arith.constant 384 : index
          %swap3A_1205 = tpu.vector_load %arg14[%swap3A_1203, %swap3A_1204] {strides = array<i32>} : memref<8x512xf32, #tpu.memory_space<vmem>>, vector<1x16xf32>,
          %swap3A_1206 = vector.shape_cast %swap3A_1205 : vector<1x16xf32> to vector<16xf32>
          %swap3A_1207 = vector.shape_cast %broadcast_in_dim3A_709 : vector<16xf32> to vector<1x16xf32>
          tpu.vector_store %arg14[%swap3A_1203, %swap3A_1204], %swap3A_1207 {strides = array<i32>} : memref<8x512xf32, #tpu.memory_space<vmem>>, vector<1x16xf32>,
          %swap3A_1208 = arith.index_cast %while3A_1083 : i32 to index
          %swap3A_1209 = arith.constant 400 : index
          %swap3A_1210 = tpu.vector_load %arg14[%swap3A_1208, %swap3A_1209] {strides = array<i32>} : memref<8x512xf32, #tpu.memory_space<vmem>>, vector<1x16xf32>,
          %swap3A_1211 = vector.shape_cast %swap3A_1210 : vector<1x16xf32> to vector<16xf32>
          %swap3A_1212 = vector.shape_cast %broadcast_in_dim3A_709 : vector<16xf32> to vector<1x16xf32>
          tpu.vector_store %arg14[%swap3A_1208, %swap3A_1209], %swap3A_1212 {strides = array<i32>} : memref<8x512xf32, #tpu.memory_space<vmem>>, vector<1x16xf32>,
          %swap3A_1213 = arith.index_cast %while3A_1083 : i32 to index
          %swap3A_1214 = arith.constant 416 : index
          %swap3A_1215 = tpu.vector_load %arg14[%swap3A_1213, %swap3A_1214] {strides = array<i32>} : memref<8x512xf32, #tpu.memory_space<vmem>>, vector<1x16xf32>,
          %swap3A_1216 = vector.shape_cast %swap3A_1215 : vector<1x16xf32> to vector<16xf32>
          %swap3A_1217 = vector.shape_cast %broadcast_in_dim3A_709 : vector<16xf32> to vector<1x16xf32>
          tpu.vector_store %arg14[%swap3A_1213, %swap3A_1214], %swap3A_1217 {strides = array<i32>} : memref<8x512xf32, #tpu.memory_space<vmem>>, vector<1x16xf32>,
          %swap3A_1218 = arith.index_cast %while3A_1083 : i32 to index
          %swap3A_1219 = arith.constant 432 : index
          %swap3A_1220 = tpu.vector_load %arg14[%swap3A_1218, %swap3A_1219] {strides = array<i32>} : memref<8x512xf32, #tpu.memory_space<vmem>>, vector<1x16xf32>,
          %swap3A_1221 = vector.shape_cast %swap3A_1220 : vector<1x16xf32> to vector<16xf32>
          %swap3A_1222 = vector.shape_cast %broadcast_in_dim3A_709 : vector<16xf32> to vector<1x16xf32>
          tpu.vector_store %arg14[%swap3A_1218, %swap3A_1219], %swap3A_1222 {strides = array<i32>} : memref<8x512xf32, #tpu.memory_space<vmem>>, vector<1x16xf32>,
          %swap3A_1223 = arith.index_cast %while3A_1083 : i32 to index
          %swap3A_1224 = arith.constant 448 : index
          %swap3A_1225 = tpu.vector_load %arg14[%swap3A_1223, %swap3A_1224] {strides = array<i32>} : memref<8x512xf32, #tpu.memory_space<vmem>>, vector<1x16xf32>,
          %swap3A_1226 = vector.shape_cast %swap3A_1225 : vector<1x16xf32> to vector<16xf32>
          %swap3A_1227 = vector.shape_cast %broadcast_in_dim3A_709 : vector<16xf32> to vector<1x16xf32>
          tpu.vector_store %arg14[%swap3A_1223, %swap3A_1224], %swap3A_1227 {strides = array<i32>} : memref<8x512xf32, #tpu.memory_space<vmem>>, vector<1x16xf32>,
          %swap3A_1228 = arith.index_cast %while3A_1083 : i32 to index
          %swap3A_1229 = arith.constant 464 : index
          %swap3A_1230 = tpu.vector_load %arg14[%swap3A_1228, %swap3A_1229] {strides = array<i32>} : memref<8x512xf32, #tpu.memory_space<vmem>>, vector<1x16xf32>,
          %swap3A_1231 = vector.shape_cast %swap3A_1230 : vector<1x16xf32> to vector<16xf32>
          %swap3A_1232 = vector.shape_cast %broadcast_in_dim3A_709 : vector<16xf32> to vector<1x16xf32>
          tpu.vector_store %arg14[%swap3A_1228, %swap3A_1229], %swap3A_1232 {strides = array<i32>} : memref<8x512xf32, #tpu.memory_space<vmem>>, vector<1x16xf32>,
          %swap3A_1233 = arith.index_cast %while3A_1083 : i32 to index
          %swap3A_1234 = arith.constant 480 : index
          %swap3A_1235 = tpu.vector_load %arg14[%swap3A_1233, %swap3A_1234] {strides = array<i32>} : memref<8x512xf32, #tpu.memory_space<vmem>>, vector<1x16xf32>,
          %swap3A_1236 = vector.shape_cast %swap3A_1235 : vector<1x16xf32> to vector<16xf32>
          %swap3A_1237 = vector.shape_cast %broadcast_in_dim3A_709 : vector<16xf32> to vector<1x16xf32>
          tpu.vector_store %arg14[%swap3A_1233, %swap3A_1234], %swap3A_1237 {strides = array<i32>} : memref<8x512xf32, #tpu.memory_space<vmem>>, vector<1x16xf32>,
          %swap3A_1238 = arith.index_cast %while3A_1083 : i32 to index
          %swap3A_1239 = arith.constant 496 : index
          %swap3A_1240 = tpu.vector_load %arg14[%swap3A_1238, %swap3A_1239] {strides = array<i32>} : memref<8x512xf32, #tpu.memory_space<vmem>>, vector<1x16xf32>,
          %swap3A_1241 = vector.shape_cast %swap3A_1240 : vector<1x16xf32> to vector<16xf32>
          %swap3A_1242 = vector.shape_cast %broadcast_in_dim3A_709 : vector<16xf32> to vector<1x16xf32>
          tpu.vector_store %arg14[%swap3A_1238, %swap3A_1239], %swap3A_1242 {strides = array<i32>} : memref<8x512xf32, #tpu.memory_space<vmem>>, vector<1x16xf32>,
          %swap3A_1243 = arith.index_cast %while3A_1083 : i32 to index
          %swap3A_1244 = arith.constant 0 : index
          %swap3A_1245 = tpu.vector_load %arg15[%swap3A_1243, %swap3A_1244] {strides = array<i32>} : memref<8x64xf32, #tpu.memory_space<vmem>>, vector<1x16xf32>,
          %swap3A_1246 = vector.shape_cast %swap3A_1245 : vector<1x16xf32> to vector<16xf32>
          %swap3A_1247 = vector.shape_cast %broadcast_in_dim3A_709 : vector<16xf32> to vector<1x16xf32>
          tpu.vector_store %arg15[%swap3A_1243, %swap3A_1244], %swap3A_1247 {strides = array<i32>} : memref<8x64xf32, #tpu.memory_space<vmem>>, vector<1x16xf32>,
          %swap3A_1248 = arith.index_cast %while3A_1083 : i32 to index
          %swap3A_1249 = arith.constant 16 : index
          %swap3A_1250 = tpu.vector_load %arg15[%swap3A_1248, %swap3A_1249] {strides = array<i32>} : memref<8x64xf32, #tpu.memory_space<vmem>>, vector<1x16xf32>,
          %swap3A_1251 = vector.shape_cast %swap3A_1250 : vector<1x16xf32> to vector<16xf32>
          %swap3A_1252 = vector.shape_cast %broadcast_in_dim3A_709 : vector<16xf32> to vector<1x16xf32>
          tpu.vector_store %arg15[%swap3A_1248, %swap3A_1249], %swap3A_1252 {strides = array<i32>} : memref<8x64xf32, #tpu.memory_space<vmem>>, vector<1x16xf32>,
          %swap3A_1253 = arith.index_cast %while3A_1083 : i32 to index
          %swap3A_1254 = arith.constant 32 : index
          %swap3A_1255 = tpu.vector_load %arg15[%swap3A_1253, %swap3A_1254] {strides = array<i32>} : memref<8x64xf32, #tpu.memory_space<vmem>>, vector<1x16xf32>,
          %swap3A_1256 = vector.shape_cast %swap3A_1255 : vector<1x16xf32> to vector<16xf32>
          %swap3A_1257 = vector.shape_cast %broadcast_in_dim3A_709 : vector<16xf32> to vector<1x16xf32>
          tpu.vector_store %arg15[%swap3A_1253, %swap3A_1254], %swap3A_1257 {strides = array<i32>} : memref<8x64xf32, #tpu.memory_space<vmem>>, vector<1x16xf32>,
          %swap3A_1258 = arith.index_cast %while3A_1083 : i32 to index
          %swap3A_1259 = arith.constant 48 : index
          %swap3A_1260 = tpu.vector_load %arg15[%swap3A_1258, %swap3A_1259] {strides = array<i32>} : memref<8x64xf32, #tpu.memory_space<vmem>>, vector<1x16xf32>,
          %swap3A_1261 = vector.shape_cast %swap3A_1260 : vector<1x16xf32> to vector<16xf32>
          %swap3A_1262 = vector.shape_cast %broadcast_in_dim3A_709 : vector<16xf32> to vector<1x16xf32>
          tpu.vector_store %arg15[%swap3A_1258, %swap3A_1259], %swap3A_1262 {strides = array<i32>} : memref<8x64xf32, #tpu.memory_space<vmem>>, vector<1x16xf32>,
        }
        %add3A_1081 = arith.addi %add3A_687, %mul3A_911 : i32
        "tpu.region"() ({
          %run_scoped3A = tpu.sem_alloc : memref<!tpu.dma_semaphore, #tpu.memory_space<semaphore_mem>>
          %dma_start3A_1083 = arith.constant 0 : i32
          %dma_start3A_1084 = tpu.memref_slice %arg9[%add3A_1081, %dma_start3A_1083] : memref<8192x512xf32, #tpu.memory_space<hbm>> -> memref<8x512xf32, #tpu.memory_space<hbm>>
          %dma_start3A_1085 = arith.constant 0 : i32
          %dma_start3A_1086 = tpu.memref_slice %arg9[%add3A_1081, %dma_start3A_1085] : memref<8192x512xf32, #tpu.memory_space<hbm>> -> memref<8x512xf32, #tpu.memory_space<hbm>>
          tpu.enqueue_dma source(%arg14 : memref<8x512xf32, #tpu.memory_space<vmem>>) target(%dma_start3A_1086 : memref<8x512xf32, #tpu.memory_space<hbm>>) target_semaphore(%run_scoped3A : memref<!tpu.dma_semaphore, #tpu.memory_space<semaphore_mem>>)
          %dma_wait3A_1087 = arith.constant 0 : i32
          %dma_wait3A_1088 = tpu.memref_slice %arg9[%add3A_1081, %dma_wait3A_1087] : memref<8192x512xf32, #tpu.memory_space<hbm>> -> memref<8x512xf32, #tpu.memory_space<hbm>>
          %dma_wait3A_1089 = arith.constant 0 : i32
          %dma_wait3A_1090 = tpu.memref_slice %arg9[%add3A_1081, %dma_wait3A_1089] : memref<8192x512xf32, #tpu.memory_space<hbm>> -> memref<8x512xf32, #tpu.memory_space<hbm>>
          tpu.wait_dma2 semaphore(%run_scoped3A : memref<!tpu.dma_semaphore, #tpu.memory_space<semaphore_mem>>) src(%arg14 : memref<8x512xf32, #tpu.memory_space<vmem>>) dst(%dma_wait3A_1090 : memref<8x512xf32, #tpu.memory_space<hbm>>)
          tpu.yield
        }) : () -> ()
        %add3A_1082 = arith.addi %add3A_687, %mul3A_911 : i32
        "tpu.region"() ({
          %run_scoped3A = tpu.sem_alloc : memref<!tpu.dma_semaphore, #tpu.memory_space<semaphore_mem>>
          %dma_start3A_1083 = arith.constant 0 : i32
          %dma_start3A_1084 = tpu.memref_slice %arg8[%add3A_1082, %dma_start3A_1083] : memref<8192x64xf32, #tpu.memory_space<hbm>> -> memref<8x64xf32, #tpu.memory_space<hbm>>
          %dma_start3A_1085 = arith.constant 0 : i32
          %dma_start3A_1086 = tpu.memref_slice %arg8[%add3A_1082, %dma_start3A_1085] : memref<8192x64xf32, #tpu.memory_space<hbm>> -> memref<8x64xf32, #tpu.memory_space<hbm>>
          tpu.enqueue_dma source(%arg15 : memref<8x64xf32, #tpu.memory_space<vmem>>) target(%dma_start3A_1086 : memref<8x64xf32, #tpu.memory_space<hbm>>) target_semaphore(%run_scoped3A : memref<!tpu.dma_semaphore, #tpu.memory_space<semaphore_mem>>)
          %dma_wait3A_1087 = arith.constant 0 : i32
          %dma_wait3A_1088 = tpu.memref_slice %arg8[%add3A_1082, %dma_wait3A_1087] : memref<8192x64xf32, #tpu.memory_space<hbm>> -> memref<8x64xf32, #tpu.memory_space<hbm>>
          %dma_wait3A_1089 = arith.constant 0 : i32
          %dma_wait3A_1090 = tpu.memref_slice %arg8[%add3A_1082, %dma_wait3A_1089] : memref<8192x64xf32, #tpu.memory_space<hbm>> -> memref<8x64xf32, #tpu.memory_space<hbm>>
          tpu.wait_dma2 semaphore(%run_scoped3A : memref<!tpu.dma_semaphore, #tpu.memory_space<semaphore_mem>>) src(%arg15 : memref<8x64xf32, #tpu.memory_space<vmem>>) dst(%dma_wait3A_1090 : memref<8x64xf32, #tpu.memory_space<hbm>>)
          tpu.yield
        }) : () -> ()
      } else {
      }
    } else {
    }
    return
  }
}

</mosaic_0001>

<sc_bundles>
// kernel: kernel.3.cloned.1.call-start
scs
__scs_entry_jumppad:
0x0: {  	(pc) =	sbr.rel $0x88, $3  }
0x1: {  	(tag) =	ssettag $0x0;
	lr =	simm.s32 $0x1  }
0x2: {  	[smem:$0x3F9B] =	sst lr;
	_ =	strace $0xD0000000  }
0x3: {  	_ = 	snop  }
0x4: {  	_ = 	snop  }
0x5: {  	_ = 	snop  }
0x6: {  	_ = 	snop  }
0x7: {  	_ = 	snop  }
__scs_overlays_trampoline_lowered:
0x8: {  	[smem:$0x3FAA] =	sst s0  }
0x9: {  	[smem:$0x3FAB] =	sst s1  }
0xa: {  	[smem:$0x3FAC] =	sst s2  }
0xb: {  	[smem:$0x3FAD] =	sst s3  }
0xc: {  	[smem:$0x3FAE] =	sst s4  }
0xd: {  	[smem:$0x3FAF] =	sst s5  }
0xe: {  	[smem:$0x3FB0] =	sst s6  }
0xf: {  	[smem:$0x3FB1] =	sst s7  }
0x10: {  	[smem:$0x3FB2] =	sst s8  }
0x11: {  	[smem:$0x3FB3] =	sst s9;
	s0 =	simm.s32 @!p0 $0x0  }
0x12: {  	s1 =	sld [smem:$0x3F99];
	s0 =	simm.s32 @p0 $0x1  }
0x13: {  	[smem:$0x3FB4] =	sst s0;
	s0 =	simm.s32 @!p1 $0x0  }
0x14: {  	s2 =	sld [smem:$0x3F98];
	s0 =	simm.s32 @p1 $0x1  }
0x15: {  	[smem:$0x3FB5] =	sst s0;
	s0 =	simm.s32 @!p2 $0x0  }
0x16: {  	s3 =	sld [smem:$0x3FDB];
	s0 =	simm.s32 @p2 $0x1  }
0x17: {  	s4 =	simm.s32 $0x1BF5;
	[smem:$0x3FB7] =	sst s0  }
0x18: {  	s0 =	sld [smem:$0x3F9A];
	_ =	swait.ge [sflag:s4], $0x0  }
0x19: {  	s7 =	sld [smem:$0x3F9B]  }
0x1a: {  	s8 =	sadd.s32 $0xFFFFE003, lr  }
0x1b: {  	s9 =	sadd.s32 $0xFFFFFEF7, lr;
	s5 =	simm.s32 $0xFFFFFFFF;
	p2 =	slt.u32 s8, $0xFFFFF086  }
0x1c: {  	p1 =	slt.u32 s9, $0xF7A;
	s5 =	simm.s32 @!p2 $0x0  }
0x1d: {  	s5 =	simm.s32 @p1 $0x1;
	p0 =	seq.s32 s7, s2  }
0x1e: {  	s7 =	smul.u32 @!p0 $0xF7A, s2;
	p2 =	seq.s32 @!p0 s5, $0x0  }
0x1f: {  	s9 =	smul.u32 $0xF7A, s1;
	s8 =	simm.s32 @!p0 $0x1BF5;
	p2 =	por !p2, p0  }
0x20: {  	[sflag:s8] =	ssyncset.s32 @!p0 $0xFFFFF086;
	s6 =	sadd.s32 @!p0 s3, s7;
	s7 =	simm.s32 @!p0 $0x108  }
0x21: {  	s3 =	sadd.s32 s3, s9;
	s6 =	sadd.s32 @!p0 $0x88, s6;
	s7 =	simm.s32 @p2 $0x1082  }
0x22: {  	[simem:s7], [sflag:s8] =	dma.local @!p0 [hbm:s6], $0xF7A  }
0x23: {  	s9 =	sor.u32 $0xD0000000, s2;
	s6 =	simm.s32 $0x108;
	_ =	swait.ge @!p0 [sflag:s8], $0x0  }
0x24: {  	s3 =	sadd.s32 $0x88, s3;
	s6 =	simm.s32 @!p1 $0x1082;
	[sflag:s4] =	ssyncset.s32 $0xFFFFF086  }
0x25: {  	[simem:s6], [sflag:s4] =	dma.local [hbm:s3], $0xF7A  }
0x26: {  	[smem:$0x3F9B] =	sst s1;
	(tag) =	ssettag s2;
	_ =	strace s9  }
0x27: {  	s1 =	sld [smem:$0x3FAB]  }
0x28: {  	s2 =	sld [smem:$0x3FAC]  }
0x29: {  	s4 =	sld [smem:$0x3FAE]  }
0x2a: {  	p0 =	seq.s32 s5, $0x0;
	s5 =	sld [smem:$0x3FAF]  }
0x2b: {  	s6 =	sld [smem:$0x3FB0]  }
0x2c: {  	s7 =	sld [smem:$0x3FB1]  }
0x2d: {  	s3 =	simm.s32 $0x108;
	s8 =	sld [smem:$0x3FB2]  }
0x2e: {  	s3 =	simm.s32 @!p0 $0x1082;
	s9 =	sld [smem:$0x3FB3]  }
0x2f: {  	lr =	sadd.s32 s0, s3;
	s0 =	sld [smem:$0x3FAA]  }
0x30: {  	s3 =	sld [smem:$0x3FAD]  }
0x31: {  	[smem:$0x3FB6] =	sst s10  }
0x32: {  	s10 =	sld [smem:$0x3FB4];
	_ =	sdelay $0x3  }
0x33: {  	p0 =	seq.s32 s10, $0x1;
	s10 =	sld [smem:$0x3FB6];
	_ =	sdelay $0x3  }
0x34: {  	[smem:$0x3FB6] =	sst s10  }
0x35: {  	s10 =	sld [smem:$0x3FB5];
	_ =	sdelay $0x3  }
0x36: {  	p1 =	seq.s32 s10, $0x1;
	s10 =	sld [smem:$0x3FB6];
	_ =	sdelay $0x3  }
0x37: {  	[smem:$0x3FB6] =	sst s10  }
0x38: {  	s10 =	sld [smem:$0x3FB7]  }
0x39: {  	_ = 	snop;
	(pc) =	sbr.ind lr, $3  }
0x3a: {  	_ = 	snop  }
0x3b: {  	_ = 	snop  }
0x3c: {  	p2 =	seq.s32 s10, $0x1;
	s10 =	sld [smem:$0x3FB6]  }
0x3d: {  	_ =	shalt  }
0x3e: {  	_ =	shalt  }
0x3f: {  	_ =	shalt  }
0x40: {  	_ =	shalt  }
0x41: {  	_ =	shalt  }
0x42: {  	_ =	shalt  }
0x43: {  	_ =	shalt  }
0x44: {  	_ =	shalt  }
0x45: {  	_ =	shalt  }
0x46: {  	_ =	shalt  }
0x47: {  	_ =	shalt  }
0x48: {  	_ =	shalt  }
0x49: {  	_ =	shalt  }
0x4a: {  	_ =	shalt  }
0x4b: {  	_ =	shalt  }
0x4c: {  	_ =	shalt  }
0x4d: {  	_ =	shalt  }
0x4e: {  	_ =	shalt  }
0x4f: {  	_ =	shalt  }
0x50: {  	_ =	shalt  }
0x51: {  	_ =	shalt  }
0x52: {  	_ =	shalt  }
0x53: {  	_ =	shalt  }
0x54: {  	_ =	shalt  }
0x55: {  	_ =	shalt  }
0x56: {  	_ =	shalt  }
0x57: {  	_ =	shalt  }
0x58: {  	_ =	shalt  }
0x59: {  	_ =	shalt  }
0x5a: {  	_ =	shalt  }
0x5b: {  	_ =	shalt  }
0x5c: {  	_ =	shalt  }
0x5d: {  	_ =	shalt  }
0x5e: {  	_ =	shalt  }
0x5f: {  	_ =	shalt  }
0x60: {  	_ =	shalt  }
0x61: {  	_ =	shalt  }
0x62: {  	_ =	shalt  }
0x63: {  	_ =	shalt  }
0x64: {  	_ =	shalt  }
0x65: {  	_ =	shalt  }
0x66: {  	_ =	shalt  }
0x67: {  	_ =	shalt  }
0x68: {  	_ =	shalt  }
0x69: {  	_ =	shalt  }
0x6a: {  	_ =	shalt  }
0x6b: {  	_ =	shalt  }
0x6c: {  	_ =	shalt  }
0x6d: {  	_ =	shalt  }
0x6e: {  	_ =	shalt  }
0x6f: {  	_ =	shalt  }
0x70: {  	_ =	shalt  }
0x71: {  	_ =	shalt  }
0x72: {  	_ =	shalt  }
0x73: {  	_ =	shalt  }
0x74: {  	_ =	shalt  }
0x75: {  	_ =	shalt  }
0x76: {  	_ =	shalt  }
0x77: {  	_ =	shalt  }
0x78: {  	_ =	shalt  }
0x79: {  	_ =	shalt  }
0x7a: {  	_ =	shalt  }
0x7b: {  	_ =	shalt  }
0x7c: {  	_ =	shalt  }
0x7d: {  	_ =	shalt  }
0x7e: {  	_ =	shalt  }
0x7f: {  	_ =	shalt  }
0x80: {  	_ =	shalt  }
0x81: {  	_ =	shalt  }
0x82: {  	_ =	shalt  }
0x83: {  	_ =	shalt  }
0x84: {  	_ =	shalt  }
0x85: {  	_ =	shalt  }
0x86: {  	_ =	shalt  }
0x87: {  	_ =	shalt  }
.Lfunc_end0:
.L_simem_size_0:
called_computation_lowered:
.L_overlay_start_0:
0x88: {  	s2 =	sld [smem:$0x3FD9]  }
0x89: {  	s3 =	sld [smem:$0x3FFE];
	_ =	sdelay $0x1  }
0x8a: {  	s1 =	srdreg.scid  }
0x8b: {  	s0 =	sand.u32 $0x1, s1  }
0x8c: {  	s14 =	sshll.u32 s0, $0xA;
	s2 =	sadd.s32 s3, s2  }
0x8d: {  	s2 =	sadd.s32 s2, s14  }
0x8e: {  	[smem:$0x3FC2] =	sst s2  }
0x8f: {  	_ = 	snop  }
0x90: {  	s2 =	sld [smem:$0x3FD0];
	_ =	sdelay $0x1  }
0x91: {  	s15 =	sld [smem:$0x3FC6]  }
0x92: {  	s5 =	simm.s32 $0xA;
	s6 =	simm.s32 $0x10;
	s4 =	sld [smem:$0x3FC4]  }
0x93: {  	[smem:s6], [sflag:s5] =	dma.local [hbm:s2], $0x1  }
0x94: {  	_ =	swait.eq [sflag:s5], $0x1  }
0x95: {  	[sflag:s5] =	ssyncset.done $0x0  }
0x96: {  	s16 =	sld [smem:$0x10];
	[sflag:s5] =	ssyncadd.s32 $0xFFFFFFFF  }
0x97: {  	s17 =	sld [smem:$0x11];
	(tm) =	ssettm $0x1  }
0x98: {  	s18 =	sld [smem:$0x3FFB];
	_ =	sdelay $0x3  }
0x99: {  	_ =	strace s18  }
0x9a: {  	s6 =	sld [smem:$0x3FFC];
	_ =	sdelay $0x3  }
0x9b: {  	_ =	strace s6  }
0x9c: {  	s6 =	sld [smem:$0x3FFD];
	_ =	sdelay $0x3  }
0x9d: {  	_ =	strace s6  }
0x9e: {  	_ =	strace $0x8FFFFFFF  }
0x9f: {  	s19 =	sld [smem:$0x3FDB];
	_ =	sdelay $0x1  }
0xa0: {  	s7 =	simm.s32 $_scs_section_size  }
0xa1: {  	s8 =	simm.s32 $_size__tile_overlayer_lowered;
	s9 =	simm.s32 $_tile_overlayer_lowered  }
0xa2: {  	s22 =	simm.s32 $0x1BFF;
	s21 =	sshll.u32 s9, $0x1;
	s6 =	sadd.s32 s7, s19  }
0xa3: {  	s10 =	simm.s32 $0x0;
	s20 =	sshll.u32 s8, $0x1;
	s8 =	sadd.s32 s21, s6  }
0xa4: {  	[timem:s10], [sflag:s22] =	dma.local [hbm:s8], s20  }
0xa5: {  	_ =	swait.ge [sflag:s22], s20  }
0xa6: {  	s7 =	ssub.s32 $0x0, s20;
	[sflag:s22] =	ssyncset.done $0x0  }
0xa7: {  	[sflag:s22] =	ssyncadd.s32 s7;
	_ =	sdelay $0x1  }
0xa8: {  	s23 =	simm.s32 $0x1B8B  }
0xa9: {  	_ =	swait.ge [sflag:s23], $0x1  }
0xaa: {  	[sflag:s23] =	ssyncset.done $0x0  }
0xab: {  	s25 =	simm.s32 $0x1B8E;
	s24 =	sld [smem:$0x3FFE];
	[sflag:s23] =	ssyncadd.s32 $0xFFFFFFFF  }
0xac: {  	s26 =	simm.s32 $execute0_lowered;
	[smem:$0x3FD2] =	sst s25  }
0xad: {  	s8 =	sshll.u32 s26, $0x1;
	_ =	strace $0x80000046;
	[dreg:$0x1] =	wrdreg $0xFFFFFFFF  }
0xae: {  	s28 =	simm.s32 $_size_execute0_lowered;
	s6 =	sadd.s32 s6, s8;
	[dreg:$0x0] =	wrdreg $0x0  }
0xaf: {  	s8 =	sshll.u32 s28, $0x1;
	[dreg:$0x2] =	wrdreg s6  }
0xb0: {  	[dreg:$0x3] =	wrdreg s8  }
0xb1: {  	[dreg:$0x4] =	wrdreg $0xC0  }
0xb2: {  	_ =	task [dreg:s10], $0x5FFFF  }
0xb3: {  	[dreg:$0x1] =	wrdreg $0xFFFFFFFF  }
0xb4: {  	[dreg:$0x0] =	wrdreg $0x60  }
0xb5: {  	[dreg:$0x2] =	wrdreg s24  }
0xb6: {  	[dreg:$0x3] =	wrdreg s16  }
0xb7: {  	[dreg:$0x4] =	wrdreg s4  }
0xb8: {  	[dreg:$0x5] =	wrdreg s15  }
0xb9: {  	[dreg:$0x6] =	wrdreg s17  }
0xba: {  	[dreg:$0x7] =	wrdreg $0x9  }
0xbb: {  	_ =	task.clear_ibuf [dreg:s10], $0x8FFFF;
	_ =	strace $0x90000046  }
0xbc: {  	s29 =	simm.s32 $0x9;
	_ =	strace $0x80000048  }
0xbd: {  	_ =	swait.ge [sflag:s29], $0x1  }
0xbe: {  	[sflag:s29] =	ssyncadd.s32 $0xFFFFFFFF  }
0xbf: {  	_ =	strace $0x90000048  }
0xc0: {  	_ =	sfence  }
0xc1: {  	s30 =	sld [smem:$0x0];
	_ =	sdelay $0x2  }
0xc2: {  	s31 =	sshll.u32 s1, $0xD;
	s1 =	sshrl.u32 s1, $0x2  }
0xc3: {  	s3 =	sand.u32 $0x4000, s31;
	s1 =	sadd.s32 s1, s30  }
0xc4: {  	s0 =	sor.u32 s3, s0;
	s1 =	sshll.u32 s1, $0x11  }
0xc5: {  	s0 =	sor.u32 s1, s0  }
0xc6: {  	s0 =	sadd.s32 $0x8F2B, s0  }
0xc7: {  	[sflag:s0] =	ssyncadd.remote.s32 $0x1  }
0xc8: {  	_ =	sfence.sel $0xFFFF  }
0xc9: {  	[dreg:$0x0] =	wrdreg $0xFFFFFFFF;
	(pc) =	sbr.abs _section_cstart, $3  }
0xca: {  	[dreg:$0x1] =	wrdreg $0xFFFFFFFF  }
0xcb: {  	_ =	task.clear_ibuf [dreg:s10], $0x2FFFF;
	_ =	strace $0x9FFFFFFF  }
0xcc: {  	(tm) =	ssettm $0x7FFFFFFF  }
0xcd: {  	_ =	shalt  }
tec
execute0_lowered:
.L_overlay_start_1:
0x0: {  	(tag) =	ssettag $0x1  }
0x1: {  	s0 =	rddreg [dreg:$0x0]  }
0x2: {  	s26 =	rddreg [dreg:$0x3]  }
0x3: {  	s4 =	rddreg [dreg:$0x4]  }
0x4: {  	s5 =	simm.s32 $0x0;
	s12 =	srdreg.scid;
	s3 =	stileid.u32  }
0x5: {  	[smem:$0x7FF] =	sst s5;
	s1 =	sadd.s32 $0xA00, s0;
	s2 =	sadd.s32 $0x800, s0  }
0x6: {  	s6 =	sshll.u32 s3, $0x1;
	_ =	strace $0x80000047;
	[dreg:$0x6] =	wrdreg s1  }
0x7: {  	s7 =	sshrl.u32 s3, $0x3;
	s30 =	sor.u32 $0x280, s3;
	[dreg:$0x7] =	wrdreg s2  }
0x8: {  	s1 =	sand.u32 $0x1, s12;
	[dreg:$0x8] =	wrdreg s7;
	s15 =	sshll.u32 s7, $0x5  }
0x9: {  	[dreg:$0x19] =	wrdreg s30;
	s13 =	ssub.s32 $0x2, s1;
	s2 =	sor.u32 $0x100, s15  }
0xa: {  	s6 =	sor.u32 s1, s6;
	s1 =	sshll.u32 s1, $0x6;
	[dreg:$0xa] =	wrdreg s2  }
0xb: {  	[dreg:$0xb] =	wrdreg s1  }
0xc: {  	s9 =	sadd.s32 $0xC00, s0;
	s17 =	sor.u32 $0x20, s6;
	[dreg:$0x9] =	wrdreg s6  }
0xd: {  	s10 =	sadd.s32 $0x80C00, s0;
	s18 =	sor.u32 $0x40, s6;
	[dreg:$0xc] =	wrdreg s17  }
0xe: {  	s16 =	sand.u32 $0x7, s3;
	s6 =	sor.u32 $0x60, s6;
	[dreg:$0xd] =	wrdreg s18  }
0xf: {  	s14 =	sshrl.u32 s13, $0x1;
	s8 =	sshrl.u32 s17, $0x4;
	[dreg:$0xe] =	wrdreg s6  }
0x10: {  	s0 =	ssub.s32 s13, s14;
	s11 =	sshrl.u32 s18, $0x4;
	[dreg:$0xf] =	wrdreg s8  }
0x11: {  	s12 =	sshrl.u32 s6, $0x4;
	s1 =	sshll.u32 s8, $0x3;
	[dreg:$0x10] =	wrdreg s11  }
0x12: {  	s19 =	sshll.u32 s11, $0x3;
	[dreg:$0x11] =	wrdreg s12;
	s0 =	smax.u32 s0, $0x1  }
0x13: {  	s20 =	sshll.u32 s12, $0x3;
	s1 =	sor.u32 s16, s1;
	[dreg:$0x18] =	wrdreg s0  }
0x14: {  	s24 =	sshll.u32 s11, $0x5;
	s21 =	sor.u32 s16, s19;
	[dreg:$0x12] =	wrdreg s1  }
.Ltmp0:
0x15: {  	s22 =	sor.u32 s16, s20;
	[dreg:$0x13] =	wrdreg s21;
	(pc) =	sbr.rel .LBB2_1-.Ltmp0, $4  }
0x16: {  	s25 =	sshll.u32 s12, $0x5;
	s28 =	sor.u32 $0x100, s24;
	[dreg:$0x14] =	wrdreg s22  }
0x17: {  	s23 =	sshll.u32 s8, $0x5;
	s29 =	sor.u32 $0x100, s25;
	[dreg:$0x16] =	wrdreg s28  }
0x18: {  	s1 =	sor.u32 $0x100, s23;
	[dreg:$0x17] =	wrdreg s29  }
0x19: {  	v0 =	vimm.f32 $0.0e+00;
	s31 =	simm.s32 $0x6;
	s6 =	simm.s32 $0x0;
	[dreg:$0x15] =	wrdreg s1  }
.LBB2_18:
0x1a: {  	[tilespmem:s11+$0x13B0] =	vst v0  }
0x1b: {  	[tilespmem:s11+$0x380] =	vst v0  }
0x1c: {  	[tilespmem:s11+$0x390] =	vst v0  }
0x1d: {  	[tilespmem:s11+$0x3A0] =	vst v0  }
0x1e: {  	[tilespmem:s11+$0x3B0] =	vst v0  }
0x1f: {  	[tilespmem:s11+$0x3C0] =	vst v0  }
0x20: {  	[tilespmem:s11+$0x3D0] =	vst v0  }
0x21: {  	[tilespmem:s11+$0x3E0] =	vst v0  }
0x22: {  	[tilespmem:s11+$0x3F0] =	vst v0  }
0x23: {  	[tilespmem:s11+$0x780] =	vst v0  }
0x24: {  	[tilespmem:s11+$0x790] =	vst v0  }
0x25: {  	[tilespmem:s11+$0x7A0] =	vst v0  }
0x26: {  	[tilespmem:s11+$0x7B0] =	vst v0  }
0x27: {  	[tilespmem:s11+$0x7C0] =	vst v0  }
0x28: {  	[tilespmem:s11+$0x7D0] =	vst v0  }
0x29: {  	[tilespmem:s11+$0x7E0] =	vst v0  }
0x2a: {  	[tilespmem:s11+$0x7F0] =	vst v0  }
0x2b: {  	[tilespmem:s11+$0xB80] =	vst v0  }
0x2c: {  	[tilespmem:s11+$0xB90] =	vst v0  }
0x2d: {  	[tilespmem:s11+$0xBA0] =	vst v0  }
0x2e: {  	[tilespmem:s11+$0xBB0] =	vst v0  }
0x2f: {  	[tilespmem:s11+$0xBC0] =	vst v0  }
0x30: {  	[tilespmem:s11+$0xBD0] =	vst v0  }
0x31: {  	[tilespmem:s11+$0xBE0] =	vst v0  }
0x32: {  	[tilespmem:s11+$0xBF0] =	vst v0  }
0x33: {  	[tilespmem:s11+$0xF80] =	vst v0  }
0x34: {  	[tilespmem:s11+$0xF90] =	vst v0  }
0x35: {  	[tilespmem:s11+$0xFA0] =	vst v0  }
0x36: {  	[tilespmem:s11+$0xFB0] =	vst v0  }
0x37: {  	[tilespmem:s11+$0xFC0] =	vst v0  }
0x38: {  	[tilespmem:s11+$0xFD0] =	vst v0  }
0x39: {  	[tilespmem:s11+$0xFE0] =	vst v0  }
0x3a: {  	[tilespmem:s11+$0xFF0] =	vst v0;
	s0 =	sor.u32 s8, s1  }
0x3b: {  	[tilespmem:s11+$0x1380] =	vst v0;
	s3 =	sshll.u32 s0, $0x6  }
0x3c: {  	[tilespmem:s11+$0x1390] =	vst v0;
	s3 =	sand.u32 $0x1FFFFE00, s3  }
0x3d: {  	[tilespmem:s11+$0x13A0] =	vst v0;
	s3 =	sadd.s32 s4, s3  }
0x3e: {  	[hbm4b:s3+s5] =	stream.linear.scatter [tilespmem:s7], [sflag:$0x6], $0x1000, $0x38;
	[tilespmem:$0x1F780] =	vst v63  }
0x3f: {  	s0 =	sshll.u32 s0, $0x4;
	_ =	swait.ge [sflag:s31], $0x1000  }
0x40: {  	s0 =	sand.u32 $0x1FFFFF80, s0;
	[sflag:s31] =	ssyncset.done $0x0  }
0x41: {  	s0 =	sadd.s32 s10, s0;
	[sflag:s31] =	ssyncadd.s32 $0xFFFFF000  }
0x42: {  	[hbm4b:s0+s5] =	stream.linear.scatter [tilespmem:s21], [sflag:$0x6], $0x400, $0x38;
	[tilespmem:$0x1F780] =	vst v63  }
0x43: {  	_ =	swait.ge [sflag:s31], $0x400  }
0x44: {  	[sflag:s31] =	ssyncset.done $0x0  }
0x45: {  	[sflag:s31] =	ssyncadd.s32 $0xFFFFFC00  }
.LBB2_19:
0x46: {  	s6 =	sadd.s32 $0x1, s6;
	s0 =	rddreg [dreg:$0x18]  }
0x47: {  	p0 =	sne.s32 s6, s0  }
.Ltmp1:
0x48: {  	_ = 	snop;
	(pc) =	sbr.rel @!p0 .LBB2_20-.Ltmp1, $1  }
0x49: {  	_ =	sdelay $0x3  }
.LBB2_1:
0x4a: {  	s0 =	rddreg [dreg:$0x6]  }
0x4b: {  	[tilespmem:s5], [sflag:$0x3] =	stream.linear.gather [hbm4b:s0+s5], $0x80, $0x38;
	[tilespmem:$0x1F780] =	vst v63  }
0x4c: {  	s18 =	rddreg [dreg:$0x1];
	s1 =	simm.s32 $0x100  }
0x4d: {  	[tilespmem:s1], [sflag:$0x3] =	stream.linear.gather [hbm4b:s18+s5], $0x100, $0x38;
	[tilespmem:$0x1F780] =	vst v63  }
0x4e: {  	s19 =	rddreg [dreg:$0x7];
	s20 =	simm.s32 $0x280  }
0x4f: {  	[tilespmem:s20], [sflag:$0x3] =	stream.linear.gather [hbm4b:s19+s5], $0x40, $0x38;
	[tilespmem:$0x1F780] =	vst v63  }
0x50: {  	s21 =	rddreg [dreg:$0x2];
	s22 =	simm.s32 $0x300;
	s23 =	simm.s32 $0x3  }
0x51: {  	[tilespmem:s22], [sflag:$0x3] =	stream.linear.gather [hbm4b:s21+s5], $0x8, $0x38;
	[tilespmem:$0x1F780] =	vst v63  }
0x52: {  	_ =	swait.ge [sflag:s23], $0x80  }
0x53: {  	[sflag:s23] =	ssyncset.done $0x0  }
0x54: {  	[sflag:s23] =	ssyncadd.s32 $0xFFFFFF80  }
0x55: {  	_ =	swait.ge [sflag:s23], $0x100  }
0x56: {  	[sflag:s23] =	ssyncset.done $0x0  }
0x57: {  	[sflag:s23] =	ssyncadd.s32 $0xFFFFFF00  }
0x58: {  	_ =	swait.ge [sflag:s23], $0x40  }
0x59: {  	[sflag:s23] =	ssyncset.done $0x0  }
0x5a: {  	[sflag:s23] =	ssyncadd.s32 $0xFFFFFFC0  }
0x5b: {  	_ =	swait.ge [sflag:s23], $0x8  }
0x5c: {  	[sflag:s23] =	ssyncset.done $0x0  }
0x5d: {  	s24 =	rddreg [dreg:$0x9];
	[sflag:s23] =	ssyncadd.s32 $0xFFFFFFF8  }
0x5e: {  	v1 =	vld [tilespmem:s24+$0x0];
	_ =	sdelay $0x4  }
0x5f: {  	(v2sf) =	vpush v1, $0x0;
	_ =	sdelay $0xe  }
0x60: {  	s11 =	spop (v2sf)  }
0x61: {  	s25 =	sshrl.u32 s11, $0x1F  }
0x62: {  	s0 =	sadd.s32 s25, s11  }
0x63: {  	s8 =	sand.u32 $0xFFFFFFFE, s0  }
0x64: {  	p0 =	slt.s32 s11, $0x1;
	p1 =	sne.s32 s11, s8  }
0x65: {  	s3 =	rddreg [dreg:$0xa];
	p0 =	por !p0, !p1  }
0x66: {  	s0 =	sshra.s32 s0, $0x1;
	s8 =	simm.s32 $0x1;
	p0 =	por !p0, !p0  }
0x67: {  	s0 =	sadd.s32 s0, s3;
	s8 =	simm.s32 @!p0 $0x0  }
0x68: {  	s0 =	ssub.s32 s0, s8  }
0x69: {  	s1 =	rddreg [dreg:$0x19];
	v1 =	vld [tilespmem:s0+$0x0]  }
0x6a: {  	s2 =	rddreg [dreg:$0x8];
	v2 =	vld [tilespmem:s1+$0x0]  }
0x6b: {  	v3 =	vld [tilespmem:s2+$0x300];
	s3 =	rddreg [dreg:$0xc]  }
0x6c: {  	v4 =	vld [tilespmem:s3+$0x0];
	_ =	sdelay $0x1  }
0x6d: {  	(v2sf) =	vpush v1, $0x0  }
0x6e: {  	(v2sf) =	vpush v2, $0x0  }
0x6f: {  	(v2sf) =	vpush v3, $0x0  }
0x70: {  	(v2sf) =	vpush v4, $0x0;
	_ =	sdelay $0xb  }
0x71: {  	s7 =	spop (v2sf)  }
0x72: {  	s8 =	spop (v2sf)  }
0x73: {  	s12 =	spop (v2sf)  }
0x74: {  	s15 =	spop (v2sf)  }
0x75: {  	s13 =	sshrl.u32 s15, $0x1F  }
0x76: {  	s13 =	sadd.s32 s13, s15  }
0x77: {  	s16 =	sand.u32 $0xFFFFFFFE, s13  }
0x78: {  	p1 =	slt.s32 s15, $0x1;
	p2 =	sne.s32 s15, s16  }
0x79: {  	s14 =	rddreg [dreg:$0x15];
	p0 =	por !p1, !p2  }
0x7a: {  	s13 =	sshra.s32 s13, $0x1;
	s16 =	simm.s32 $0x1;
	p0 =	por !p0, !p0  }
0x7b: {  	s13 =	sadd.s32 s13, s14;
	s16 =	simm.s32 @!p0 $0x0  }
0x7c: {  	s13 =	ssub.s32 s13, s16  }
0x7d: {  	s17 =	rddreg [dreg:$0x12];
	v1 =	vld [tilespmem:s13+$0x0]  }
0x7e: {  	s18 =	rddreg [dreg:$0xf];
	v2 =	vld [tilespmem:s17+$0x280]  }
0x7f: {  	s19 =	rddreg [dreg:$0xd];
	v3 =	vld [tilespmem:s18+$0x300]  }
0x80: {  	v62 =	vld [tilespmem:s19+$0x0];
	_ =	sdelay $0x1  }
0x81: {  	(v2sf) =	vpush v1, $0x0  }
0x82: {  	(v2sf) =	vpush v2, $0x0  }
0x83: {  	(v2sf) =	vpush v3, $0x0  }
0x84: {  	(v2sf) =	vpush v62, $0x0;
	_ =	sdelay $0xb  }
0x85: {  	s22 =	spop (v2sf)  }
0x86: {  	s13 =	spop (v2sf)  }
0x87: {  	s23 =	spop (v2sf)  }
0x88: {  	s16 =	spop (v2sf)  }
0x89: {  	s17 =	sshrl.u32 s16, $0x1F  }
0x8a: {  	s17 =	sadd.s32 s17, s16  }
0x8b: {  	s18 =	sand.u32 $0xFFFFFFFE, s17  }
0x8c: {  	p3 =	slt.s32 s16, $0x1;
	p4 =	sne.s32 s16, s18  }
0x8d: {  	s20 =	rddreg [dreg:$0x16];
	p0 =	por !p3, !p4  }
0x8e: {  	s17 =	sshra.s32 s17, $0x1;
	s18 =	simm.s32 $0x1;
	p0 =	por !p0, !p0  }
0x8f: {  	s17 =	sadd.s32 s17, s20;
	s18 =	simm.s32 @!p0 $0x0  }
0x90: {  	s17 =	ssub.s32 s17, s18  }
0x91: {  	s21 =	rddreg [dreg:$0x13];
	v1 =	vld [tilespmem:s17+$0x0]  }
0x92: {  	s24 =	rddreg [dreg:$0x10];
	v2 =	vld [tilespmem:s21+$0x280]  }
0x93: {  	s25 =	rddreg [dreg:$0xe];
	v3 =	vld [tilespmem:s24+$0x300]  }
0x94: {  	v63 =	vld [tilespmem:s25+$0x0];
	_ =	sdelay $0x1  }
0x95: {  	(v2sf) =	vpush v1, $0x0  }
0x96: {  	(v2sf) =	vpush v2, $0x0  }
0x97: {  	(v2sf) =	vpush v3, $0x0  }
0x98: {  	(v2sf) =	vpush v63, $0x0;
	_ =	sdelay $0xb  }
0x99: {  	s20 =	spop (v2sf)  }
0x9a: {  	s19 =	spop (v2sf)  }
0x9b: {  	s17 =	spop (v2sf)  }
0x9c: {  	s11 =	sshll.u32 s11, $0x6;
	s21 =	spop (v2sf)  }
0x9d: {  	s25 =	sadd.s32 $0x80, s11;
	s1 =	sshrl.u32 s21, $0x1F  }
0x9e: {  	s2 =	rddreg [dreg:$0x17];
	s25 =	sand.u32 $0x40, s25;
	s18 =	sadd.s32 s1, s21  }
0x9f: {  	s0 =	sshll.u32 s7, $0x7;
	s7 =	sshll.u32 s15, $0x6;
	s24 =	sand.u32 $0xFFFFFFFE, s18  }
0xa0: {  	s14 =	sadd.s32 $0x80, s7;
	p5 =	slt.s32 s21, $0x1;
	p6 =	sne.s32 s21, s24  }
0xa1: {  	s12 =	ssub.s32 s12, s11;
	s11 =	sand.u32 $0x40, s14;
	p0 =	por !p5, !p6  }
0xa2: {  	s18 =	sshra.s32 s18, $0x1;
	s24 =	simm.s32 $0x1;
	p0 =	por !p0, !p0  }
0xa3: {  	s18 =	sadd.s32 s18, s2;
	s24 =	simm.s32 @!p0 $0x0;
	p0 =	slt.s32 s12, $0x1  }
0xa4: {  	s3 =	ssub.s32 s18, s24;
	s18 =	sor.u32 s0, s25;
	s24 =	rddreg [dreg:$0x14]  }
0xa5: {  	s22 =	sshll.u32 s22, $0x7;
	s25 =	rddreg [dreg:$0x11];
	v2 =	vld [tilespmem:s24+$0x280];
	s15 =	sshll.u32 @!p0 s18, $0x6  }
0xa6: {  	v3 =	vld [tilespmem:s25+$0x300];
	s24 =	simm.s32 @!p0 $0x0;
	s25 =	simm.s32 @!p0 $0x1780;
	s15 =	sadd.s32 @!p0 s26, s15  }
0xa7: {  	v1 =	vld [tilespmem:s3+$0x0];
	[tilespmem:s25], [sflag:$0x1] =	stream.linear.gather @!p0 [hbm4b:s15+s24], $0x8000, $0x38  }
0xa8: {  	s11 =	sor.u32 s22, s11;
	s25 =	sshll.u32 @!p0 s18, $0x4;
	s15 =	ssub.s32 s23, s7  }
0xa9: {  	s23 =	simm.s32 @!p0 $0x11780;
	s0 =	sadd.s32 @!p0 s9, s25;
	p1 =	slt.s32 s15, $0x1  }
0xaa: {  	[tilespmem:s23], [sflag:$0x1] =	stream.linear.gather @!p0 [hbm4b:s0+s24], $0x2000, $0x38;
	[tilespmem:$0x1F780] =	vst v63  }
0xab: {  	s0 =	sshll.u32 @!p1 s11, $0x6  }
0xac: {  	s22 =	simm.s32 @!p1 $0x0;
	s23 =	simm.s32 @!p1 $0x9780;
	s0 =	sadd.s32 @!p1 s26, s0  }
0xad: {  	[tilespmem:s23], [sflag:$0x2] =	stream.linear.gather @!p1 [hbm4b:s0+s22], $0x8000, $0x38;
	[tilespmem:$0x1F780] =	vst v63  }
0xae: {  	s1 =	sand.u32 $0x380, s5;
	s7 =	smov.u32 s26;
	s0 =	sshll.u32 @!p1 s11, $0x4  }
0xaf: {  	s26 =	sand.u32 $0x7000, s5;
	s23 =	simm.s32 @!p1 $0x13780;
	s0 =	sadd.s32 @!p1 s9, s0  }
0xb0: {  	[tilespmem:s23], [sflag:$0x2] =	stream.linear.gather @!p1 [hbm4b:s0+s22], $0x2000, $0x38;
	[tilespmem:$0x1F780] =	vst v63  }
0xb1: {  	s0 =	sor.u32 s1, s26  }
0xb2: {  	s24 =	sadd.s32 $0x15780, s0;
	[tilespmem:s0+$0x15780] =	vst v0  }
0xb3: {  	[tilespmem:s24+$0xC70] =	vst v0  }
0xb4: {  	[tilespmem:s24+$0xC60] =	vst v0  }
0xb5: {  	[tilespmem:s24+$0xC50] =	vst v0  }
0xb6: {  	[tilespmem:s24+$0xC40] =	vst v0  }
0xb7: {  	[tilespmem:s24+$0xC30] =	vst v0  }
0xb8: {  	[tilespmem:s24+$0xC20] =	vst v0  }
0xb9: {  	[tilespmem:s24+$0xC10] =	vst v0  }
0xba: {  	[tilespmem:s24+$0xC00] =	vst v0  }
0xbb: {  	[tilespmem:s24+$0x870] =	vst v0  }
0xbc: {  	[tilespmem:s24+$0x860] =	vst v0  }
0xbd: {  	(v2sf) =	vpush v1, $0x0;
	[tilespmem:s24+$0x850] =	vst v0  }
0xbe: {  	(v2sf) =	vpush v2, $0x0;
	[tilespmem:s24+$0x840] =	vst v0  }
0xbf: {  	(v2sf) =	vpush v3, $0x0;
	[tilespmem:s24+$0x830] =	vst v0  }
0xc0: {  	[tilespmem:s24+$0x820] =	vst v0  }
0xc1: {  	[tilespmem:s24+$0x810] =	vst v0  }
0xc2: {  	[tilespmem:s24+$0x800] =	vst v0  }
0xc3: {  	[tilespmem:s24+$0x470] =	vst v0  }
0xc4: {  	[tilespmem:s24+$0x460] =	vst v0  }
0xc5: {  	s8 =	sshll.u32 s8, $0x7;
	p2 =	sgt.s32 s12, $0x0;
	[tilespmem:s24+$0x450] =	vst v0  }
0xc6: {  	s19 =	sshll.u32 s19, $0x7;
	s2 =	sshll.u32 s16, $0x6;
	s21 =	sshll.u32 s21, $0x6;
	[tilespmem:s24+$0x440] =	vst v0  }
0xc7: {  	s3 =	ssub.s32 s17, s2;
	s29 =	smov.u32 s15;
	s25 =	sadd.s32 $0x80, s2;
	[tilespmem:s24+$0x430] =	vst v0  }
0xc8: {  	s2 =	sshll.u32 s20, $0x7;
	s20 =	sadd.s32 $0x80, s21;
	s23 =	smov.u32 s12;
	[tilespmem:s24+$0x410] =	vst v0  }
0xc9: {  	s26 =	smov.u32 s3;
	s1 =	rddreg [dreg:$0xb];
	s23 =	simm.s32 @!p2 $0x0;
	[tilespmem:s24+$0x420] =	vst v0  }
0xca: {  	p2 =	sgt.s32 s15, $0x0;
	s16 =	sor.u32 s1, s8;
	s8 =	sand.u32 $0x40, s20;
	[tilespmem:s24+$0x70] =	vst v0  }
0xcb: {  	s20 =	simm.s32 $0x80;
	s29 =	simm.s32 @!p2 $0x0;
	p2 =	sgt.s32 s3, $0x0;
	[tilespmem:s24+$0x400] =	vst v0  }
0xcc: {  	[tilespmem:s24+$0x50] =	vst v0;
	s17 =	smin.u32 s23, $0x40;
	s23 =	sshll.u32 s13, $0x7;
	s0 =	spop (v2sf)  }
0xcd: {  	[tilespmem:s24+$0x60] =	vst v0;
	s13 =	sand.u32 $0x40, s25;
	s26 =	simm.s32 @!p2 $0x0;
	s30 =	spop (v2sf)  }
0xce: {  	[tilespmem:s24+$0x30] =	vst v0;
	s28 =	sor.u32 s1, s23;
	s29 =	smin.u32 s29, $0x40;
	s22 =	spop (v2sf)  }
0xcf: {  	[tilespmem:s24+$0x20] =	vst v0;
	s25 =	sor.u32 s2, s13;
	s23 =	sor.u32 s1, s19;
	s14 =	ssub.s32 s22, s21  }
0xd0: {  	[tilespmem:s24+$0x10] =	vst v0;
	s19 =	simm.s32 $0x200;
	p3 =	sgt.s32 s14, $0x0;
	s22 =	smov.u32 s14  }
0xd1: {  	[tilespmem:s24+$0x40] =	vst v0;
	s21 =	sshll.u32 s30, $0x7;
	s30 =	simm.s32 $0x0;
	s22 =	simm.s32 @!p3 $0x0  }
0xd2: {  	s24 =	smin.u32 s26, $0x40;
	s0 =	sshll.u32 s0, $0x7;
	[tilespmem:s30+$0x1D7A0] =	vst v0;
	s26 =	smin.u32 s22, $0x40  }
0xd3: {  	s2 =	sor.u32 s0, s8;
	s8 =	sor.u32 s1, s21;
	[tilespmem:s30+$0x1D790] =	vst v0;
	[dreg:$0x1a] =	wrdreg s26  }
.LBB2_2:
0xd4: {  	s0 =	smov.u32 s20  }
0xd5: {  	s22 =	sand.u32 $0x7000, s19;
	s26 =	sand.u32 $0x380, s20;
	[tilespmem:s30+$0x1D780] =	vst v0;
	s0 =	sadd.s32 $0x80, s20  }
0xd6: {  	p2 =	sne.s32 s20, $0x1F80;
	s22 =	sor.u32 s26, s22;
	[tilespmem:s30+$0x1D7B0] =	vst v0  }
0xd7: {  	s30 =	sadd.s32 $0x15780, s22;
	[tilespmem:s22+$0x15780] =	vst v0  }
0xd8: {  	[tilespmem:s30+$0xC70] =	vst v0  }
0xd9: {  	[tilespmem:s30+$0xC60] =	vst v0  }
0xda: {  	[tilespmem:s30+$0xC50] =	vst v0  }
0xdb: {  	[tilespmem:s30+$0xC40] =	vst v0  }
0xdc: {  	[tilespmem:s30+$0xC30] =	vst v0  }
0xdd: {  	[tilespmem:s30+$0xC20] =	vst v0  }
0xde: {  	[tilespmem:s30+$0xC10] =	vst v0  }
0xdf: {  	[tilespmem:s30+$0xC00] =	vst v0  }
0xe0: {  	[tilespmem:s30+$0x870] =	vst v0  }
0xe1: {  	[tilespmem:s30+$0x860] =	vst v0  }
0xe2: {  	[tilespmem:s30+$0x850] =	vst v0  }
0xe3: {  	[tilespmem:s30+$0x840] =	vst v0  }
0xe4: {  	[tilespmem:s30+$0x830] =	vst v0  }
0xe5: {  	[tilespmem:s30+$0x820] =	vst v0  }
0xe6: {  	[tilespmem:s30+$0x810] =	vst v0  }
0xe7: {  	[tilespmem:s30+$0x800] =	vst v0  }
0xe8: {  	[tilespmem:s30+$0x470] =	vst v0  }
0xe9: {  	[tilespmem:s30+$0x460] =	vst v0  }
0xea: {  	[tilespmem:s30+$0x450] =	vst v0  }
0xeb: {  	[tilespmem:s30+$0x440] =	vst v0  }
0xec: {  	[tilespmem:s30+$0x430] =	vst v0  }
0xed: {  	[tilespmem:s30+$0x410] =	vst v0  }
0xee: {  	[tilespmem:s30+$0x420] =	vst v0  }
0xef: {  	[tilespmem:s30+$0x70] =	vst v0  }
0xf0: {  	[tilespmem:s30+$0x400] =	vst v0  }
0xf1: {  	[tilespmem:s30+$0x50] =	vst v0  }
0xf2: {  	[tilespmem:s30+$0x60] =	vst v0  }
0xf3: {  	[tilespmem:s30+$0x30] =	vst v0  }
.Ltmp2:
0xf4: {  	[tilespmem:s30+$0x20] =	vst v0;
	(pc) =	sbr.rel @p2 .LBB2_2-.Ltmp2, $4  }
0xf5: {  	[tilespmem:s30+$0x10] =	vst v0  }
0xf6: {  	[tilespmem:s30+$0x40] =	vst v0;
	s30 =	sshra.s32 s19, $0x2  }
0xf7: {  	[tilespmem:s30+$0x1D7A0] =	vst v0  }
0xf8: {  	s20 =	smov.u32 s0;
	s19 =	sadd.s32 $0x200, s19;
	[tilespmem:s30+$0x1D790] =	vst v0  }
0xf9: {  	[tilespmem:s30+$0x1D780] =	vst v0  }
0xfa: {  	[tilespmem:s30+$0x1D7B0] =	vst v0;
	s0 =	simm.s32 @!p0 $0x1  }
0xfb: {  	_ =	swait.ge @!p0 [sflag:s0], $0x8000  }
0xfc: {  	[sflag:s0] =	ssyncset.done @!p0 $0x0  }
0xfd: {  	[sflag:s0] =	ssyncadd.s32 @!p0 $0xFFFF8000  }
0xfe: {  	s19 =	simm.s32 @!p0 $0x1780;
	s20 =	sshll.u32 s16, $0x6;
	_ =	swait.ge @!p0 [sflag:s0], $0x2000  }
0xff: {  	s19 =	simm.s32 @p0 $0x15780;
	s13 =	sadd.s32 s4, s20;
	[sflag:s0] =	ssyncset.done @!p0 $0x0  }
0x100: {  	s20 =	sshll.u32 s16, $0x4;
	[sflag:s0] =	ssyncadd.s32 @!p0 $0xFFFFE000;
	s0 =	simm.s32 @!p0 $0x11780  }
0x101: {  	[hbm4b:s13+s5] =	stream.linear.scatter [tilespmem:s19], [sflag:$0x4], $0x8000, $0x38;
	[tilespmem:$0x1F780] =	vst v63  }
0x102: {  	s0 =	simm.s32 @p0 $0x1D780;
	s19 =	sadd.s32 s10, s20  }
0x103: {  	[hbm4b:s19+s5] =	stream.linear.scatter [tilespmem:s0], [sflag:$0x4], $0x2000, $0x38;
	[tilespmem:$0x1F780] =	vst v63  }
0x104: {  	s0 =	simm.s32 @!p1 $0x2  }
0x105: {  	_ =	swait.ge @!p1 [sflag:s0], $0x8000  }
0x106: {  	[sflag:s0] =	ssyncset.done @!p1 $0x0  }
0x107: {  	[sflag:s0] =	ssyncadd.s32 @!p1 $0xFFFF8000  }
0x108: {  	s21 =	sshll.u32 s28, $0x6;
	s26 =	sshll.u32 s28, $0x4;
	_ =	swait.ge @!p1 [sflag:s0], $0x2000  }
0x109: {  	s22 =	sadd.s32 s4, s21;
	s19 =	simm.s32 @!p1 $0x9780;
	[sflag:s0] =	ssyncset.done @!p1 $0x0  }
0x10a: {  	s19 =	simm.s32 @p1 $0x15780;
	[sflag:s0] =	ssyncadd.s32 @!p1 $0xFFFFE000;
	s0 =	simm.s32 @!p1 $0x13780  }
0x10b: {  	[hbm4b:s22+s5] =	stream.linear.scatter [tilespmem:s19], [sflag:$0x5], $0x8000, $0x38;
	[tilespmem:$0x1F780] =	vst v63  }
0x10c: {  	s1 =	simm.s32 $0x4;
	s0 =	simm.s32 @p1 $0x1D780;
	s19 =	sadd.s32 s10, s26  }
0x10d: {  	[hbm4b:s19+s5] =	stream.linear.scatter [tilespmem:s0], [sflag:$0x5], $0x2000, $0x38;
	[tilespmem:$0x1F780] =	vst v63  }
0x10e: {  	_ =	swait.ge [sflag:s1], $0x8000  }
0x10f: {  	[sflag:s1] =	ssyncset.done $0x0  }
0x110: {  	p0 =	slt.s32 s3, $0x1;
	[sflag:s1] =	ssyncadd.s32 $0xFFFF8000  }
0x111: {  	s30 =	sadd.s32 $0xFFFFFFFF, s12;
	s22 =	simm.s32 @!p0 $0x0;
	_ =	swait.ge [sflag:s1], $0x2000  }
0x112: {  	p1 =	sgt.u32 s30, $0x3E;
	s0 =	sshll.u32 @!p0 s25, $0x6;
	[sflag:s1] =	ssyncset.done $0x0  }
0x113: {  	s19 =	simm.s32 @!p0 $0x1780;
	s0 =	sadd.s32 @!p0 s7, s0;
	[sflag:s1] =	ssyncadd.s32 $0xFFFFE000  }
0x114: {  	[tilespmem:s19], [sflag:$0x1] =	stream.linear.gather @!p0 [hbm4b:s0+s22], $0x8000, $0x38;
	[tilespmem:$0x1F780] =	vst v63  }
0x115: {  	s12 =	sand.u32 @!p1 $0x7, s17;
	s0 =	sshll.u32 @!p0 s25, $0x4  }
0x116: {  	s20 =	simm.s32 @!p0 $0x11780;
	p2 =	seq.s32 @!p1 s12, $0x0;
	s0 =	sadd.s32 @!p0 s9, s0  }
0x117: {  	[tilespmem:s20], [sflag:$0x1] =	stream.linear.gather @!p0 [hbm4b:s0+s22], $0x2000, $0x38;
	[tilespmem:$0x1F780] =	vst v63  }
0x118: {  	p3 =	por !p2, p1;
	s0 =	simm.s32 @!p1 $0x0  }
0x119: {  	s22 =	sand.u32 @!p1 $0x38, s17;
	s0 =	simm.s32 @p3 $0x8  }
0x11a: {  	s0 =	sadd.s32 @!p1 s22, s0  }
0x11b: {  	s22 =	ssub.s32 @!p1 $0x40, s0  }
0x11c: {  	s26 =	sand.u32 @!p1 $0x18, s22  }
0x11d: {  	p4 =	sgt.u32 @!p1 s0, $0x3F;
	p3 =	sne.s32 @!p1 s26, $0x0  }
0x11e: {  	p3 =	por @!p1 !p4, !p3  }
0x11f: {  	p3 =	por @!p1 !p3, !p3  }
0x120: {  	s30 =	simm.s32 @!p1 $0x1;
	s26 =	sshrl.u32 @!p1 s22, $0x5;
	p3 =	por !p3, p1  }
0x121: {  	s26 =	sand.u32 @!p1 $0x1, s26;
	s30 =	simm.s32 @p3 $0x0  }
0x122: {  	p5 =	seq.s32 @!p1 s26, s30  }
0x123: {  	p3 =	por p5, p1  }
0x124: {  	s26 =	sadd.s32 @!p3 s16, s0  }
0x125: {  	s30 =	sshll.u32 @!p3 s26, $0x6  }
0x126: {  	s21 =	simm.s32 @!p3 $0x0;
	s13 =	simm.s32 @!p3 $0x15780;
	s30 =	sadd.s32 @!p3 s4, s30  }
0x127: {  	[hbm4b:s30+s21] =	stream.linear.scatter @!p3 [tilespmem:s13], [sflag:$0x6], $0x4000, $0x38;
	[tilespmem:$0x1F780] =	vst v63  }
0x128: {  	s13 =	sshrl.u32 @!p1 s22, $0x3  }
0x129: {  	s30 =	simm.s32 @!p3 $0x6;
	s13 =	sand.u32 @!p1 $0x1, s13  }
0x12a: {  	_ =	swait.ge @!p3 [sflag:s30], $0x4000;
	p6 =	seq.s32 @!p1 s13, $0x1  }
0x12b: {  	[sflag:s30] =	ssyncset.done @!p3 $0x0;
	s13 =	sshll.u32 @!p3 s26, $0x4;
	s26 =	simm.s32 @!p3 $0x1D780  }
0x12c: {  	p4 =	por @!p1 !p4, !p6;
	[sflag:s30] =	ssyncadd.s32 @!p3 $0xFFFFC000;
	s13 =	sadd.s32 @!p3 s10, s13  }
0x12d: {  	[hbm4b:s13+s21] =	stream.linear.scatter @!p3 [tilespmem:s26], [sflag:$0x6], $0x1000, $0x38;
	[tilespmem:$0x1F780] =	vst v63  }
0x12e: {  	p5 =	por !p5, p1;
	p4 =	por @!p1 !p4, !p4  }
0x12f: {  	s13 =	simm.s32 @!p1 $0x1;
	s21 =	sshrl.u32 @!p1 s22, $0x4;
	p4 =	por !p4, p1  }
0x130: {  	s26 =	simm.s32 @!p1 $0x0;
	s21 =	sand.u32 @!p1 $0x1, s21;
	s13 =	simm.s32 @p4 $0x0  }
0x131: {  	s26 =	simm.s32 @p5 $0x20;
	p5 =	seq.s32 @!p1 s21, s13  }
0x132: {  	_ =	swait.ge @!p3 [sflag:s30], $0x1000;
	s0 =	sadd.s32 @!p1 s0, s26;
	p4 =	por p5, p1  }
0x133: {  	[sflag:s30] =	ssyncset.done @!p3 $0x0;
	s13 =	sadd.s32 @!p4 s16, s0  }
0x134: {  	[sflag:s30] =	ssyncadd.s32 @!p3 $0xFFFFF000;
	s21 =	sshll.u32 @!p4 s13, $0x6  }
0x135: {  	s26 =	simm.s32 @!p4 $0x0;
	s30 =	simm.s32 @!p4 $0x15780;
	s21 =	sadd.s32 @!p4 s4, s21  }
0x136: {  	[hbm4b:s21+s26] =	stream.linear.scatter @!p4 [tilespmem:s30], [sflag:$0x6], $0x2000, $0x38;
	[tilespmem:$0x1F780] =	vst v63  }
0x137: {  	s21 =	simm.s32 @!p4 $0x6  }
0x138: {  	s22 =	sand.u32 @!p1 $0x8, s22;
	_ =	swait.ge @!p4 [sflag:s21], $0x2000  }
0x139: {  	p3 =	seq.s32 @!p1 s22, $0x0;
	s13 =	sshll.u32 @!p4 s13, $0x4;
	[sflag:s21] =	ssyncset.done @!p4 $0x0  }
0x13a: {  	s13 =	sadd.s32 @!p4 s10, s13;
	s30 =	simm.s32 @!p4 $0x1D780;
	[sflag:s21] =	ssyncadd.s32 @!p4 $0xFFFFE000  }
0x13b: {  	[hbm4b:s13+s26] =	stream.linear.scatter @!p4 [tilespmem:s30], [sflag:$0x6], $0x800, $0x38;
	[tilespmem:$0x1F780] =	vst v63  }
0x13c: {  	p5 =	por !p5, p1;
	p3 =	por p3, p1;
	s13 =	simm.s32 @!p1 $0x0  }
0x13d: {  	s0 =	sadd.s32 @!p3 s16, s0;
	s13 =	simm.s32 @p5 $0x10  }
0x13e: {  	_ =	swait.ge @!p4 [sflag:s21], $0x800;
	s0 =	sadd.s32 @!p3 s13, s0  }
0x13f: {  	s22 =	simm.s32 @!p3 $0x15780;
	[sflag:s21] =	ssyncset.done @!p4 $0x0;
	s13 =	sshll.u32 @!p3 s0, $0x6  }
0x140: {  	[sflag:s21] =	ssyncadd.s32 @!p4 $0xFFFFF800;
	s21 =	simm.s32 @!p3 $0x0;
	s13 =	sadd.s32 @!p3 s4, s13  }
0x141: {  	[hbm4b:s13+s21] =	stream.linear.scatter @!p3 [tilespmem:s22], [sflag:$0x6], $0x1000, $0x38;
	[tilespmem:$0x1F780] =	vst v63  }
0x142: {  	s13 =	simm.s32 @!p3 $0x6  }
0x143: {  	s0 =	sshll.u32 @!p3 s0, $0x4;
	_ =	swait.ge @!p3 [sflag:s13], $0x1000  }
0x144: {  	p1 =	por p1, p2;
	s0 =	sadd.s32 @!p3 s10, s0;
	[sflag:s13] =	ssyncset.done @!p3 $0x0  }
.Ltmp3:
0x145: {  	s22 =	simm.s32 @!p3 $0x1D780;
	[sflag:s13] =	ssyncadd.s32 @!p3 $0xFFFFF000;
	(pc) =	sbr.rel @p1 .LBB2_7-.Ltmp3, $4  }
0x146: {  	[hbm4b:s0+s21] =	stream.linear.scatter @!p3 [tilespmem:s22], [sflag:$0x6], $0x400, $0x38;
	[tilespmem:$0x1F780] =	vst v63  }
0x147: {  	s26 =	smov.u32 s7;
	_ =	swait.ge @!p3 [sflag:s13], $0x400  }
0x148: {  	s7 =	simm.s32 $0x380;
	s21 =	simm.s32 $0x1380;
	[sflag:s13] =	ssyncset.done @!p3 $0x0  }
0x149: {  	s22 =	smov.u32 s2;
	s2 =	simm.s32 $0x5;
	[sflag:s13] =	ssyncadd.s32 @!p3 $0xFFFFFC00  }
0x14a: {  	s0 =	sor.u32 s18, s17  }
0x14b: {  	s13 =	sshll.u32 s0, $0x6  }
0x14c: {  	s13 =	sand.u32 $0x1FFFFE00, s13  }
0x14d: {  	s13 =	sadd.s32 s26, s13  }
0x14e: {  	[tilespmem:s7], [sflag:$0x6] =	stream.linear.gather [hbm4b:s13+s5], $0x1000, $0x38;
	[tilespmem:$0x1F780] =	vst v63  }
0x14f: {  	s30 =	sshll.u32 s12, $0x9;
	s0 =	sshll.u32 s0, $0x4;
	_ =	swait.ge [sflag:s31], $0x1000  }
0x150: {  	p1 =	sne.s32 s30, $0xE00;
	s0 =	sand.u32 $0x1FFFFF80, s0;
	[sflag:s31] =	ssyncset.done $0x0  }
.Ltmp4:
0x151: {  	s0 =	sadd.s32 s9, s0;
	[sflag:s31] =	ssyncadd.s32 $0xFFFFF000;
	(pc) =	sbr.rel @!p1 .LBB2_6-.Ltmp4, $4  }
0x152: {  	[tilespmem:s21], [sflag:$0x6] =	stream.linear.gather [hbm4b:s0+s5], $0x400, $0x38;
	[tilespmem:$0x1F780] =	vst v63  }
0x153: {  	_ =	swait.ge [sflag:s31], $0x400  }
0x154: {  	[sflag:s31] =	ssyncset.done $0x0  }
0x155: {  	s12 =	sshra.s32 s30, $0x2;
	s18 =	sadd.s32 $0x200, s30;
	[sflag:s31] =	ssyncadd.s32 $0xFFFFFC00  }
.LBB2_5:
0x156: {  	p1 =	sne.s32 s18, $0xE00;
	[tilespmem:s12+$0x13B0] =	vst v0  }
0x157: {  	[tilespmem:s12+$0x380] =	vst v0  }
0x158: {  	[tilespmem:s12+$0x390] =	vst v0  }
0x159: {  	[tilespmem:s12+$0x3A0] =	vst v0  }
0x15a: {  	[tilespmem:s12+$0x3B0] =	vst v0  }
0x15b: {  	[tilespmem:s12+$0x3C0] =	vst v0  }
0x15c: {  	[tilespmem:s12+$0x3D0] =	vst v0  }
0x15d: {  	[tilespmem:s12+$0x3E0] =	vst v0  }
0x15e: {  	[tilespmem:s12+$0x3F0] =	vst v0  }
0x15f: {  	[tilespmem:s12+$0x780] =	vst v0  }
0x160: {  	[tilespmem:s12+$0x790] =	vst v0  }
0x161: {  	[tilespmem:s12+$0x7A0] =	vst v0  }
0x162: {  	[tilespmem:s12+$0x7B0] =	vst v0  }
0x163: {  	[tilespmem:s12+$0x7C0] =	vst v0  }
0x164: {  	[tilespmem:s12+$0x7D0] =	vst v0  }
0x165: {  	[tilespmem:s12+$0x7E0] =	vst v0  }
0x166: {  	[tilespmem:s12+$0x7F0] =	vst v0  }
0x167: {  	[tilespmem:s12+$0xB80] =	vst v0  }
0x168: {  	[tilespmem:s12+$0xB90] =	vst v0  }
0x169: {  	[tilespmem:s12+$0xBA0] =	vst v0  }
0x16a: {  	[tilespmem:s12+$0xBB0] =	vst v0  }
0x16b: {  	[tilespmem:s12+$0xBC0] =	vst v0  }
0x16c: {  	[tilespmem:s12+$0xBD0] =	vst v0  }
0x16d: {  	[tilespmem:s12+$0xBE0] =	vst v0  }
0x16e: {  	[tilespmem:s12+$0xBF0] =	vst v0  }
0x16f: {  	[tilespmem:s12+$0xF80] =	vst v0  }
0x170: {  	[tilespmem:s12+$0xF90] =	vst v0  }
0x171: {  	[tilespmem:s12+$0xFA0] =	vst v0  }
0x172: {  	[tilespmem:s12+$0xFB0] =	vst v0  }
0x173: {  	[tilespmem:s12+$0xFC0] =	vst v0  }
0x174: {  	[tilespmem:s12+$0xFD0] =	vst v0  }
.Ltmp5:
0x175: {  	[tilespmem:s12+$0xFE0] =	vst v0;
	(pc) =	sbr.rel @p1 .LBB2_5-.Ltmp5, $4  }
0x176: {  	[tilespmem:s12+$0xFF0] =	vst v0  }
0x177: {  	[tilespmem:s12+$0x1380] =	vst v0  }
0x178: {  	[tilespmem:s12+$0x1390] =	vst v0  }
0x179: {  	[tilespmem:s12+$0x13A0] =	vst v0;
	s12 =	sshra.s32 s18, $0x2;
	s18 =	sadd.s32 $0x200, s18  }
.LBB2_6:
0x17a: {  	[tilespmem:s12+$0x13B0] =	vst v0  }
0x17b: {  	[tilespmem:s12+$0x380] =	vst v0  }
0x17c: {  	[tilespmem:s12+$0x390] =	vst v0  }
0x17d: {  	[tilespmem:s12+$0x3A0] =	vst v0  }
0x17e: {  	[tilespmem:s12+$0x3B0] =	vst v0  }
0x17f: {  	[tilespmem:s12+$0x3C0] =	vst v0  }
0x180: {  	[tilespmem:s12+$0x3D0] =	vst v0  }
0x181: {  	[tilespmem:s12+$0x3E0] =	vst v0  }
0x182: {  	[tilespmem:s12+$0x3F0] =	vst v0  }
0x183: {  	[tilespmem:s12+$0x780] =	vst v0  }
0x184: {  	[tilespmem:s12+$0x790] =	vst v0  }
0x185: {  	[tilespmem:s12+$0x7A0] =	vst v0  }
0x186: {  	[tilespmem:s12+$0x7B0] =	vst v0  }
0x187: {  	[tilespmem:s12+$0x7C0] =	vst v0  }
0x188: {  	[tilespmem:s12+$0x7D0] =	vst v0  }
0x189: {  	[tilespmem:s12+$0x7E0] =	vst v0  }
0x18a: {  	[tilespmem:s12+$0x7F0] =	vst v0  }
0x18b: {  	[tilespmem:s12+$0xB80] =	vst v0  }
0x18c: {  	[tilespmem:s12+$0xB90] =	vst v0  }
0x18d: {  	[tilespmem:s12+$0xBA0] =	vst v0  }
0x18e: {  	[tilespmem:s12+$0xBB0] =	vst v0  }
0x18f: {  	[tilespmem:s12+$0xBC0] =	vst v0  }
0x190: {  	[tilespmem:s12+$0xBD0] =	vst v0  }
0x191: {  	[tilespmem:s12+$0xBE0] =	vst v0  }
0x192: {  	[tilespmem:s12+$0xBF0] =	vst v0  }
0x193: {  	[tilespmem:s12+$0xF80] =	vst v0  }
0x194: {  	[tilespmem:s12+$0xF90] =	vst v0  }
0x195: {  	[tilespmem:s12+$0xFA0] =	vst v0  }
0x196: {  	[tilespmem:s12+$0xFB0] =	vst v0  }
0x197: {  	[tilespmem:s12+$0xFC0] =	vst v0  }
0x198: {  	[tilespmem:s12+$0xFD0] =	vst v0  }
0x199: {  	[tilespmem:s12+$0xFE0] =	vst v0  }
0x19a: {  	[tilespmem:s12+$0xFF0] =	vst v0;
	s0 =	sor.u32 s16, s17  }
0x19b: {  	[tilespmem:s12+$0x1380] =	vst v0;
	s13 =	sshll.u32 s0, $0x6  }
0x19c: {  	[tilespmem:s12+$0x1390] =	vst v0;
	s13 =	sand.u32 $0x1FFFFE00, s13  }
0x19d: {  	[tilespmem:s12+$0x13A0] =	vst v0;
	s30 =	sadd.s32 s4, s13  }
0x19e: {  	[hbm4b:s30+s5] =	stream.linear.scatter [tilespmem:s7], [sflag:$0x6], $0x1000, $0x38;
	[tilespmem:$0x1F780] =	vst v63  }
0x19f: {  	s0 =	sshll.u32 s0, $0x4;
	_ =	swait.ge [sflag:s31], $0x1000  }
0x1a0: {  	s0 =	sand.u32 $0x1FFFFF80, s0;
	[sflag:s31] =	ssyncset.done $0x0  }
0x1a1: {  	s0 =	sadd.s32 s10, s0;
	[sflag:s31] =	ssyncadd.s32 $0xFFFFF000  }
0x1a2: {  	[hbm4b:s0+s5] =	stream.linear.scatter [tilespmem:s21], [sflag:$0x6], $0x400, $0x38;
	[tilespmem:$0x1F780] =	vst v63  }
0x1a3: {  	_ =	swait.ge [sflag:s31], $0x400  }
0x1a4: {  	[sflag:s31] =	ssyncset.done $0x0  }
0x1a5: {  	[sflag:s31] =	ssyncadd.s32 $0xFFFFFC00  }
.LBB2_7:
0x1a6: {  	s0 =	simm.s32 @!p0 $0x1  }
0x1a7: {  	_ =	swait.ge @!p0 [sflag:s0], $0x8000  }
0x1a8: {  	[sflag:s0] =	ssyncset.done @!p0 $0x0  }
0x1a9: {  	[sflag:s0] =	ssyncadd.s32 @!p0 $0xFFFF8000  }
0x1aa: {  	_ =	swait.ge @!p0 [sflag:s0], $0x2000  }
0x1ab: {  	s12 =	sshll.u32 s23, $0x6;
	[sflag:s0] =	ssyncset.done @!p0 $0x0  }
0x1ac: {  	s19 =	simm.s32 @p0 $0x15780;
	s18 =	sadd.s32 s4, s12;
	[sflag:s0] =	ssyncadd.s32 @!p0 $0xFFFFE000  }
0x1ad: {  	[hbm4b:s18+s5] =	stream.linear.scatter [tilespmem:s19], [sflag:$0x4], $0x8000, $0x38;
	[tilespmem:$0x1F780] =	vst v63  }
0x1ae: {  	s19 =	sshll.u32 s23, $0x4  }
0x1af: {  	s20 =	simm.s32 @p0 $0x1D780;
	s0 =	sadd.s32 s10, s19  }
0x1b0: {  	[hbm4b:s0+s5] =	stream.linear.scatter [tilespmem:s20], [sflag:$0x4], $0x2000, $0x38;
	[tilespmem:$0x1F780] =	vst v63  }
0x1b1: {  	_ =	swait.ge [sflag:s2], $0x8000  }
0x1b2: {  	[sflag:s2] =	ssyncset.done $0x0  }
0x1b3: {  	[sflag:s2] =	ssyncadd.s32 $0xFFFF8000  }
0x1b4: {  	p0 =	slt.s32 s14, $0x1;
	_ =	swait.ge [sflag:s2], $0x2000  }
0x1b5: {  	s12 =	simm.s32 @!p0 $0x0;
	s0 =	sshll.u32 @!p0 s22, $0x6;
	[sflag:s2] =	ssyncset.done $0x0  }
0x1b6: {  	s16 =	simm.s32 @!p0 $0x9780;
	s0 =	sadd.s32 @!p0 s26, s0;
	[sflag:s2] =	ssyncadd.s32 $0xFFFFE000  }
0x1b7: {  	[tilespmem:s16], [sflag:$0x2] =	stream.linear.gather @!p0 [hbm4b:s0+s12], $0x8000, $0x38;
	[tilespmem:$0x1F780] =	vst v63  }
0x1b8: {  	s30 =	sadd.s32 $0xFFFFFFFF, s15;
	s0 =	sshll.u32 @!p0 s22, $0x4  }
0x1b9: {  	p1 =	sgt.u32 s30, $0x3E;
	s17 =	simm.s32 @!p0 $0x13780;
	s0 =	sadd.s32 @!p0 s9, s0  }
0x1ba: {  	[tilespmem:s17], [sflag:$0x2] =	stream.linear.gather @!p0 [hbm4b:s0+s12], $0x2000, $0x38;
	[tilespmem:$0x1F780] =	vst v63  }
0x1bb: {  	s12 =	sand.u32 @!p1 $0x7, s29  }
0x1bc: {  	p2 =	seq.s32 @!p1 s12, $0x0  }
0x1bd: {  	s0 =	simm.s32 @!p1 $0x0;
	p3 =	por !p2, p1  }
0x1be: {  	s13 =	sand.u32 @!p1 $0x38, s29;
	s0 =	simm.s32 @p3 $0x8  }
0x1bf: {  	s0 =	sadd.s32 @!p1 s13, s0  }
0x1c0: {  	s13 =	ssub.s32 @!p1 $0x40, s0  }
0x1c1: {  	s15 =	sand.u32 @!p1 $0x18, s13  }
0x1c2: {  	p4 =	sgt.u32 @!p1 s0, $0x3F;
	p3 =	sne.s32 @!p1 s15, $0x0  }
0x1c3: {  	p3 =	por @!p1 !p4, !p3  }
0x1c4: {  	p3 =	por @!p1 !p3, !p3  }
0x1c5: {  	s18 =	simm.s32 @!p1 $0x1;
	s15 =	sshrl.u32 @!p1 s13, $0x5;
	p3 =	por !p3, p1  }
0x1c6: {  	s15 =	sand.u32 @!p1 $0x1, s15;
	s18 =	simm.s32 @p3 $0x0  }
0x1c7: {  	p5 =	seq.s32 @!p1 s15, s18  }
0x1c8: {  	p3 =	por p5, p1  }
0x1c9: {  	s15 =	sadd.s32 @!p3 s28, s0  }
0x1ca: {  	s18 =	sshll.u32 @!p3 s15, $0x6  }
0x1cb: {  	s19 =	simm.s32 @!p3 $0x0;
	s20 =	simm.s32 @!p3 $0x15780;
	s18 =	sadd.s32 @!p3 s4, s18  }
0x1cc: {  	[hbm4b:s18+s19] =	stream.linear.scatter @!p3 [tilespmem:s20], [sflag:$0x6], $0x4000, $0x38;
	[tilespmem:$0x1F780] =	vst v63  }
0x1cd: {  	s18 =	sshrl.u32 @!p1 s13, $0x3;
	s20 =	simm.s32 @!p3 $0x6  }
0x1ce: {  	s15 =	sshll.u32 @!p3 s15, $0x4;
	s18 =	sand.u32 @!p1 $0x1, s18;
	_ =	swait.ge @!p3 [sflag:s20], $0x4000  }
0x1cf: {  	s15 =	sadd.s32 @!p3 s10, s15;
	p6 =	seq.s32 @!p1 s18, $0x1;
	[sflag:s20] =	ssyncset.done @!p3 $0x0  }
0x1d0: {  	s18 =	simm.s32 @!p3 $0x1D780;
	p4 =	por @!p1 !p4, !p6;
	[sflag:s20] =	ssyncadd.s32 @!p3 $0xFFFFC000  }
0x1d1: {  	[hbm4b:s15+s19] =	stream.linear.scatter @!p3 [tilespmem:s18], [sflag:$0x6], $0x1000, $0x38;
	[tilespmem:$0x1F780] =	vst v63  }
0x1d2: {  	p5 =	por !p5, p1;
	p4 =	por @!p1 !p4, !p4  }
0x1d3: {  	s15 =	simm.s32 @!p1 $0x1;
	s18 =	sshrl.u32 @!p1 s13, $0x4;
	p4 =	por !p4, p1  }
0x1d4: {  	s19 =	simm.s32 @!p1 $0x0;
	s18 =	sand.u32 @!p1 $0x1, s18;
	s15 =	simm.s32 @p4 $0x0  }
0x1d5: {  	s19 =	simm.s32 @p5 $0x20;
	_ =	swait.ge @!p3 [sflag:s20], $0x1000;
	p5 =	seq.s32 @!p1 s18, s15  }
0x1d6: {  	s0 =	sadd.s32 @!p1 s0, s19;
	[sflag:s20] =	ssyncset.done @!p3 $0x0;
	p4 =	por p5, p1  }
0x1d7: {  	s13 =	sand.u32 @!p1 $0x8, s13;
	[sflag:s20] =	ssyncadd.s32 @!p3 $0xFFFFF000;
	s15 =	sadd.s32 @!p4 s28, s0  }
0x1d8: {  	p3 =	seq.s32 @!p1 s13, $0x0;
	s13 =	simm.s32 @!p1 $0x0;
	s18 =	sshll.u32 @!p4 s15, $0x6  }
0x1d9: {  	s19 =	simm.s32 @!p4 $0x0;
	s20 =	simm.s32 @!p4 $0x15780;
	s18 =	sadd.s32 @!p4 s4, s18  }
0x1da: {  	[hbm4b:s18+s19] =	stream.linear.scatter @!p4 [tilespmem:s20], [sflag:$0x6], $0x2000, $0x38;
	[tilespmem:$0x1F780] =	vst v63  }
0x1db: {  	p5 =	por !p5, p1;
	p3 =	por p3, p1;
	s18 =	simm.s32 @!p4 $0x6  }
0x1dc: {  	s13 =	simm.s32 @p5 $0x10;
	s0 =	sadd.s32 @!p3 s28, s0;
	_ =	swait.ge @!p4 [sflag:s18], $0x2000  }
0x1dd: {  	s15 =	sshll.u32 @!p4 s15, $0x4;
	s0 =	sadd.s32 @!p3 s13, s0;
	[sflag:s18] =	ssyncset.done @!p4 $0x0  }
0x1de: {  	s15 =	sadd.s32 @!p4 s10, s15;
	s20 =	simm.s32 @!p4 $0x1D780;
	[sflag:s18] =	ssyncadd.s32 @!p4 $0xFFFFE000  }
0x1df: {  	[hbm4b:s15+s19] =	stream.linear.scatter @!p4 [tilespmem:s20], [sflag:$0x6], $0x800, $0x38;
	[tilespmem:$0x1F780] =	vst v63  }
0x1e0: {  	s13 =	sshll.u32 @!p3 s0, $0x6;
	_ =	swait.ge @!p4 [sflag:s18], $0x800  }
0x1e1: {  	s13 =	sadd.s32 @!p3 s4, s13;
	[sflag:s18] =	ssyncset.done @!p4 $0x0  }
0x1e2: {  	s15 =	simm.s32 @!p3 $0x0;
	[sflag:s18] =	ssyncadd.s32 @!p4 $0xFFFFF800;
	s18 =	simm.s32 @!p3 $0x15780  }
0x1e3: {  	[hbm4b:s13+s15] =	stream.linear.scatter @!p3 [tilespmem:s18], [sflag:$0x6], $0x1000, $0x38;
	[tilespmem:$0x1F780] =	vst v63  }
0x1e4: {  	s13 =	simm.s32 @!p3 $0x6  }
0x1e5: {  	s0 =	sshll.u32 @!p3 s0, $0x4;
	_ =	swait.ge @!p3 [sflag:s13], $0x1000  }
0x1e6: {  	p1 =	por p1, p2;
	s0 =	sadd.s32 @!p3 s10, s0;
	[sflag:s13] =	ssyncset.done @!p3 $0x0  }
.Ltmp6:
0x1e7: {  	s18 =	simm.s32 @!p3 $0x1D780;
	[sflag:s13] =	ssyncadd.s32 @!p3 $0xFFFFF000;
	(pc) =	sbr.rel @p1 .LBB2_11-.Ltmp6, $4  }
0x1e8: {  	[hbm4b:s0+s15] =	stream.linear.scatter @!p3 [tilespmem:s18], [sflag:$0x6], $0x400, $0x38;
	[tilespmem:$0x1F780] =	vst v63  }
0x1e9: {  	_ =	swait.ge @!p3 [sflag:s13], $0x400  }
0x1ea: {  	[sflag:s13] =	ssyncset.done @!p3 $0x0  }
0x1eb: {  	[sflag:s13] =	ssyncadd.s32 @!p3 $0xFFFFFC00  }
0x1ec: {  	s0 =	sor.u32 s11, s29  }
0x1ed: {  	s11 =	sshll.u32 s0, $0x6  }
0x1ee: {  	s11 =	sand.u32 $0x1FFFFE00, s11  }
0x1ef: {  	s11 =	sadd.s32 s26, s11  }
0x1f0: {  	[tilespmem:s7], [sflag:$0x6] =	stream.linear.gather [hbm4b:s11+s5], $0x1000, $0x38;
	[tilespmem:$0x1F780] =	vst v63  }
0x1f1: {  	s30 =	sshll.u32 s12, $0x9;
	s0 =	sshll.u32 s0, $0x4;
	_ =	swait.ge [sflag:s31], $0x1000  }
0x1f2: {  	p1 =	sne.s32 s30, $0xE00;
	s0 =	sand.u32 $0x1FFFFF80, s0;
	[sflag:s31] =	ssyncset.done $0x0  }
.Ltmp7:
0x1f3: {  	s0 =	sadd.s32 s9, s0;
	[sflag:s31] =	ssyncadd.s32 $0xFFFFF000;
	(pc) =	sbr.rel @!p1 .LBB2_10-.Ltmp7, $4  }
0x1f4: {  	[tilespmem:s21], [sflag:$0x6] =	stream.linear.gather [hbm4b:s0+s5], $0x400, $0x38;
	[tilespmem:$0x1F780] =	vst v63  }
0x1f5: {  	_ =	swait.ge [sflag:s31], $0x400  }
0x1f6: {  	[sflag:s31] =	ssyncset.done $0x0  }
0x1f7: {  	s12 =	sadd.s32 $0x200, s30;
	s11 =	sshra.s32 s30, $0x2;
	[sflag:s31] =	ssyncadd.s32 $0xFFFFFC00  }
.LBB2_9:
0x1f8: {  	p1 =	sne.s32 s12, $0xE00;
	[tilespmem:s11+$0x13B0] =	vst v0  }
0x1f9: {  	[tilespmem:s11+$0x380] =	vst v0  }
0x1fa: {  	[tilespmem:s11+$0x390] =	vst v0  }
0x1fb: {  	[tilespmem:s11+$0x3A0] =	vst v0  }
0x1fc: {  	[tilespmem:s11+$0x3B0] =	vst v0  }
0x1fd: {  	[tilespmem:s11+$0x3C0] =	vst v0  }
0x1fe: {  	[tilespmem:s11+$0x3D0] =	vst v0  }
0x1ff: {  	[tilespmem:s11+$0x3E0] =	vst v0  }
0x200: {  	[tilespmem:s11+$0x3F0] =	vst v0  }
0x201: {  	[tilespmem:s11+$0x780] =	vst v0  }
0x202: {  	[tilespmem:s11+$0x790] =	vst v0  }
0x203: {  	[tilespmem:s11+$0x7A0] =	vst v0  }
0x204: {  	[tilespmem:s11+$0x7B0] =	vst v0  }
0x205: {  	[tilespmem:s11+$0x7C0] =	vst v0  }
0x206: {  	[tilespmem:s11+$0x7D0] =	vst v0  }
0x207: {  	[tilespmem:s11+$0x7E0] =	vst v0  }
0x208: {  	[tilespmem:s11+$0x7F0] =	vst v0  }
0x209: {  	[tilespmem:s11+$0xB80] =	vst v0  }
0x20a: {  	[tilespmem:s11+$0xB90] =	vst v0  }
0x20b: {  	[tilespmem:s11+$0xBA0] =	vst v0  }
0x20c: {  	[tilespmem:s11+$0xBB0] =	vst v0  }
0x20d: {  	[tilespmem:s11+$0xBC0] =	vst v0  }
0x20e: {  	[tilespmem:s11+$0xBD0] =	vst v0  }
0x20f: {  	[tilespmem:s11+$0xBE0] =	vst v0  }
0x210: {  	[tilespmem:s11+$0xBF0] =	vst v0  }
0x211: {  	[tilespmem:s11+$0xF80] =	vst v0  }
0x212: {  	[tilespmem:s11+$0xF90] =	vst v0  }
0x213: {  	[tilespmem:s11+$0xFA0] =	vst v0  }
0x214: {  	[tilespmem:s11+$0xFB0] =	vst v0  }
0x215: {  	[tilespmem:s11+$0xFC0] =	vst v0  }
0x216: {  	[tilespmem:s11+$0xFD0] =	vst v0  }
.Ltmp8:
0x217: {  	[tilespmem:s11+$0xFE0] =	vst v0;
	(pc) =	sbr.rel @p1 .LBB2_9-.Ltmp8, $4  }
0x218: {  	[tilespmem:s11+$0xFF0] =	vst v0  }
0x219: {  	[tilespmem:s11+$0x1380] =	vst v0  }
0x21a: {  	[tilespmem:s11+$0x1390] =	vst v0  }
0x21b: {  	[tilespmem:s11+$0x13A0] =	vst v0;
	s11 =	sshra.s32 s12, $0x2;
	s12 =	sadd.s32 $0x200, s12  }
.LBB2_10:
0x21c: {  	[tilespmem:s11+$0x13B0] =	vst v0  }
0x21d: {  	[tilespmem:s11+$0x380] =	vst v0  }
0x21e: {  	[tilespmem:s11+$0x390] =	vst v0  }
0x21f: {  	[tilespmem:s11+$0x3A0] =	vst v0  }
0x220: {  	[tilespmem:s11+$0x3B0] =	vst v0  }
0x221: {  	[tilespmem:s11+$0x3C0] =	vst v0  }
0x222: {  	[tilespmem:s11+$0x3D0] =	vst v0  }
0x223: {  	[tilespmem:s11+$0x3E0] =	vst v0  }
0x224: {  	[tilespmem:s11+$0x3F0] =	vst v0  }
0x225: {  	[tilespmem:s11+$0x780] =	vst v0  }
0x226: {  	[tilespmem:s11+$0x790] =	vst v0  }
0x227: {  	[tilespmem:s11+$0x7A0] =	vst v0  }
0x228: {  	[tilespmem:s11+$0x7B0] =	vst v0  }
0x229: {  	[tilespmem:s11+$0x7C0] =	vst v0  }
0x22a: {  	[tilespmem:s11+$0x7D0] =	vst v0  }
0x22b: {  	[tilespmem:s11+$0x7E0] =	vst v0  }
0x22c: {  	[tilespmem:s11+$0x7F0] =	vst v0  }
0x22d: {  	[tilespmem:s11+$0xB80] =	vst v0  }
0x22e: {  	[tilespmem:s11+$0xB90] =	vst v0  }
0x22f: {  	[tilespmem:s11+$0xBA0] =	vst v0  }
0x230: {  	[tilespmem:s11+$0xBB0] =	vst v0  }
0x231: {  	[tilespmem:s11+$0xBC0] =	vst v0  }
0x232: {  	[tilespmem:s11+$0xBD0] =	vst v0  }
0x233: {  	[tilespmem:s11+$0xBE0] =	vst v0  }
0x234: {  	[tilespmem:s11+$0xBF0] =	vst v0  }
0x235: {  	[tilespmem:s11+$0xF80] =	vst v0  }
0x236: {  	[tilespmem:s11+$0xF90] =	vst v0  }
0x237: {  	[tilespmem:s11+$0xFA0] =	vst v0  }
0x238: {  	[tilespmem:s11+$0xFB0] =	vst v0  }
0x239: {  	[tilespmem:s11+$0xFC0] =	vst v0  }
0x23a: {  	[tilespmem:s11+$0xFD0] =	vst v0  }
0x23b: {  	[tilespmem:s11+$0xFE0] =	vst v0  }
0x23c: {  	[tilespmem:s11+$0xFF0] =	vst v0;
	s0 =	sor.u32 s28, s29  }
0x23d: {  	[tilespmem:s11+$0x1380] =	vst v0;
	s12 =	sshll.u32 s0, $0x6  }
0x23e: {  	[tilespmem:s11+$0x1390] =	vst v0;
	s12 =	sand.u32 $0x1FFFFE00, s12  }
0x23f: {  	[tilespmem:s11+$0x13A0] =	vst v0;
	s30 =	sadd.s32 s4, s12  }
0x240: {  	[hbm4b:s30+s5] =	stream.linear.scatter [tilespmem:s7], [sflag:$0x6], $0x1000, $0x38;
	[tilespmem:$0x1F780] =	vst v63  }
0x241: {  	s0 =	sshll.u32 s0, $0x4;
	_ =	swait.ge [sflag:s31], $0x1000  }
0x242: {  	s0 =	sand.u32 $0x1FFFFF80, s0;
	[sflag:s31] =	ssyncset.done $0x0  }
0x243: {  	s0 =	sadd.s32 s10, s0;
	[sflag:s31] =	ssyncadd.s32 $0xFFFFF000  }
0x244: {  	[hbm4b:s0+s5] =	stream.linear.scatter [tilespmem:s21], [sflag:$0x6], $0x400, $0x38;
	[tilespmem:$0x1F780] =	vst v63  }
0x245: {  	_ =	swait.ge [sflag:s31], $0x400  }
0x246: {  	[sflag:s31] =	ssyncset.done $0x0  }
0x247: {  	[sflag:s31] =	ssyncadd.s32 $0xFFFFFC00  }
.LBB2_11:
0x248: {  	s0 =	simm.s32 @!p0 $0x2  }
0x249: {  	_ =	swait.ge @!p0 [sflag:s0], $0x8000  }
0x24a: {  	[sflag:s0] =	ssyncset.done @!p0 $0x0  }
0x24b: {  	[sflag:s0] =	ssyncadd.s32 @!p0 $0xFFFF8000  }
0x24c: {  	s11 =	sshll.u32 s8, $0x6;
	s16 =	simm.s32 @p0 $0x15780;
	_ =	swait.ge @!p0 [sflag:s0], $0x2000  }
0x24d: {  	s17 =	simm.s32 @p0 $0x1D780;
	s30 =	sadd.s32 $0xFFFFFFFF, s3;
	[sflag:s0] =	ssyncset.done @!p0 $0x0  }
0x24e: {  	s28 =	sadd.s32 s4, s11;
	[sflag:s0] =	ssyncadd.s32 @!p0 $0xFFFFE000;
	p0 =	sgt.u32 s30, $0x3E  }
0x24f: {  	[hbm4b:s28+s5] =	stream.linear.scatter [tilespmem:s16], [sflag:$0x5], $0x8000, $0x38;
	[tilespmem:$0x1F780] =	vst v63  }
0x250: {  	s29 =	sshll.u32 s8, $0x4;
	s11 =	sand.u32 @!p0 $0x7, s24  }
0x251: {  	s0 =	sadd.s32 s10, s29;
	p1 =	seq.s32 @!p0 s11, $0x0  }
0x252: {  	[hbm4b:s0+s5] =	stream.linear.scatter [tilespmem:s17], [sflag:$0x5], $0x2000, $0x38;
	[tilespmem:$0x1F780] =	vst v63  }
0x253: {  	p2 =	por !p1, p0;
	s0 =	simm.s32 @!p0 $0x0  }
0x254: {  	s3 =	sand.u32 @!p0 $0x38, s24;
	s0 =	simm.s32 @p2 $0x8  }
0x255: {  	s0 =	sadd.s32 @!p0 s3, s0  }
0x256: {  	s3 =	ssub.s32 @!p0 $0x40, s0  }
0x257: {  	s12 =	sand.u32 @!p0 $0x18, s3  }
0x258: {  	p3 =	sgt.u32 @!p0 s0, $0x3F;
	p2 =	sne.s32 @!p0 s12, $0x0  }
0x259: {  	p2 =	por @!p0 !p3, !p2  }
0x25a: {  	s13 =	simm.s32 @!p0 $0x1;
	p2 =	por @!p0 !p2, !p2  }
0x25b: {  	_ =	swait.ge [sflag:s1], $0x8000;
	s12 =	sshrl.u32 @!p0 s3, $0x5;
	p2 =	por !p2, p0  }
0x25c: {  	[sflag:s1] =	ssyncset.done $0x0;
	s12 =	sand.u32 @!p0 $0x1, s12;
	s13 =	simm.s32 @p2 $0x0  }
0x25d: {  	[sflag:s1] =	ssyncadd.s32 $0xFFFF8000;
	p4 =	seq.s32 @!p0 s12, s13  }
0x25e: {  	_ =	swait.ge [sflag:s1], $0x2000;
	p2 =	por p4, p0  }
0x25f: {  	[sflag:s1] =	ssyncset.done $0x0;
	s12 =	sadd.s32 @!p2 s23, s0  }
0x260: {  	[sflag:s1] =	ssyncadd.s32 $0xFFFFE000;
	s13 =	sshll.u32 @!p2 s12, $0x6  }
0x261: {  	s15 =	simm.s32 @!p2 $0x0;
	s16 =	simm.s32 @!p2 $0x15780;
	s13 =	sadd.s32 @!p2 s4, s13  }
0x262: {  	[hbm4b:s13+s15] =	stream.linear.scatter @!p2 [tilespmem:s16], [sflag:$0x6], $0x4000, $0x38;
	[tilespmem:$0x1F780] =	vst v63  }
0x263: {  	s13 =	sshrl.u32 @!p0 s3, $0x3;
	s16 =	simm.s32 @!p2 $0x6  }
0x264: {  	s12 =	sshll.u32 @!p2 s12, $0x4;
	s13 =	sand.u32 @!p0 $0x1, s13;
	_ =	swait.ge @!p2 [sflag:s16], $0x4000  }
0x265: {  	s12 =	sadd.s32 @!p2 s10, s12;
	p5 =	seq.s32 @!p0 s13, $0x1;
	[sflag:s16] =	ssyncset.done @!p2 $0x0  }
0x266: {  	s13 =	simm.s32 @!p2 $0x1D780;
	p3 =	por @!p0 !p3, !p5;
	[sflag:s16] =	ssyncadd.s32 @!p2 $0xFFFFC000  }
0x267: {  	[hbm4b:s12+s15] =	stream.linear.scatter @!p2 [tilespmem:s13], [sflag:$0x6], $0x1000, $0x38;
	[tilespmem:$0x1F780] =	vst v63  }
0x268: {  	p4 =	por !p4, p0;
	p3 =	por @!p0 !p3, !p3  }
0x269: {  	s12 =	simm.s32 @!p0 $0x1;
	s13 =	sshrl.u32 @!p0 s3, $0x4;
	p3 =	por !p3, p0  }
0x26a: {  	s15 =	simm.s32 @!p0 $0x0;
	s13 =	sand.u32 @!p0 $0x1, s13;
	s12 =	simm.s32 @p3 $0x0  }
0x26b: {  	s15 =	simm.s32 @p4 $0x20;
	_ =	swait.ge @!p2 [sflag:s16], $0x1000;
	p4 =	seq.s32 @!p0 s13, s12  }
0x26c: {  	s0 =	sadd.s32 @!p0 s0, s15;
	[sflag:s16] =	ssyncset.done @!p2 $0x0;
	p3 =	por p4, p0  }
0x26d: {  	s3 =	sand.u32 @!p0 $0x8, s3;
	[sflag:s16] =	ssyncadd.s32 @!p2 $0xFFFFF000;
	s12 =	sadd.s32 @!p3 s23, s0  }
0x26e: {  	p2 =	seq.s32 @!p0 s3, $0x0;
	s3 =	simm.s32 @!p0 $0x0;
	s13 =	sshll.u32 @!p3 s12, $0x6  }
0x26f: {  	s15 =	simm.s32 @!p3 $0x0;
	s16 =	simm.s32 @!p3 $0x15780;
	s13 =	sadd.s32 @!p3 s4, s13  }
0x270: {  	[hbm4b:s13+s15] =	stream.linear.scatter @!p3 [tilespmem:s16], [sflag:$0x6], $0x2000, $0x38;
	[tilespmem:$0x1F780] =	vst v63  }
0x271: {  	p4 =	por !p4, p0;
	p2 =	por p2, p0;
	s13 =	simm.s32 @!p3 $0x6  }
0x272: {  	s3 =	simm.s32 @p4 $0x10;
	s0 =	sadd.s32 @!p2 s23, s0;
	_ =	swait.ge @!p3 [sflag:s13], $0x2000  }
0x273: {  	s12 =	sshll.u32 @!p3 s12, $0x4;
	s0 =	sadd.s32 @!p2 s3, s0;
	[sflag:s13] =	ssyncset.done @!p3 $0x0  }
0x274: {  	s12 =	sadd.s32 @!p3 s10, s12;
	s16 =	simm.s32 @!p3 $0x1D780;
	[sflag:s13] =	ssyncadd.s32 @!p3 $0xFFFFE000  }
0x275: {  	[hbm4b:s12+s15] =	stream.linear.scatter @!p3 [tilespmem:s16], [sflag:$0x6], $0x800, $0x38;
	[tilespmem:$0x1F780] =	vst v63  }
0x276: {  	s3 =	sshll.u32 @!p2 s0, $0x6;
	_ =	swait.ge @!p3 [sflag:s13], $0x800  }
0x277: {  	s3 =	sadd.s32 @!p2 s4, s3;
	[sflag:s13] =	ssyncset.done @!p3 $0x0  }
0x278: {  	s12 =	simm.s32 @!p2 $0x0;
	[sflag:s13] =	ssyncadd.s32 @!p3 $0xFFFFF800;
	s13 =	simm.s32 @!p2 $0x15780  }
0x279: {  	[hbm4b:s3+s12] =	stream.linear.scatter @!p2 [tilespmem:s13], [sflag:$0x6], $0x1000, $0x38;
	[tilespmem:$0x1F780] =	vst v63  }
0x27a: {  	s3 =	simm.s32 @!p2 $0x6  }
0x27b: {  	s0 =	sshll.u32 @!p2 s0, $0x4;
	_ =	swait.ge @!p2 [sflag:s3], $0x1000  }
0x27c: {  	p0 =	por p0, p1;
	s0 =	sadd.s32 @!p2 s10, s0;
	[sflag:s3] =	ssyncset.done @!p2 $0x0  }
.Ltmp9:
0x27d: {  	s13 =	simm.s32 @!p2 $0x1D780;
	[sflag:s3] =	ssyncadd.s32 @!p2 $0xFFFFF000;
	(pc) =	sbr.rel @p0 .LBB2_15-.Ltmp9, $4  }
0x27e: {  	[hbm4b:s0+s12] =	stream.linear.scatter @!p2 [tilespmem:s13], [sflag:$0x6], $0x400, $0x38;
	[tilespmem:$0x1F780] =	vst v63  }
0x27f: {  	_ =	swait.ge @!p2 [sflag:s3], $0x400  }
0x280: {  	[sflag:s3] =	ssyncset.done @!p2 $0x0  }
0x281: {  	s1 =	rddreg [dreg:$0x1a];
	[sflag:s3] =	ssyncadd.s32 @!p2 $0xFFFFFC00  }
0x282: {  	s0 =	sor.u32 s25, s24  }
0x283: {  	s3 =	sshll.u32 s0, $0x6  }
0x284: {  	s3 =	sand.u32 $0x1FFFFE00, s3  }
0x285: {  	s3 =	sadd.s32 s26, s3  }
0x286: {  	[tilespmem:s7], [sflag:$0x6] =	stream.linear.gather [hbm4b:s3+s5], $0x1000, $0x38;
	[tilespmem:$0x1F780] =	vst v63  }
0x287: {  	s30 =	sshll.u32 s11, $0x9;
	s0 =	sshll.u32 s0, $0x4;
	_ =	swait.ge [sflag:s31], $0x1000  }
0x288: {  	p0 =	sne.s32 s30, $0xE00;
	s0 =	sand.u32 $0x1FFFFF80, s0;
	[sflag:s31] =	ssyncset.done $0x0  }
.Ltmp10:
0x289: {  	s0 =	sadd.s32 s9, s0;
	[sflag:s31] =	ssyncadd.s32 $0xFFFFF000;
	(pc) =	sbr.rel @!p0 .LBB2_14-.Ltmp10, $4  }
0x28a: {  	[tilespmem:s21], [sflag:$0x6] =	stream.linear.gather [hbm4b:s0+s5], $0x400, $0x38;
	[tilespmem:$0x1F780] =	vst v63  }
0x28b: {  	_ =	swait.ge [sflag:s31], $0x400  }
0x28c: {  	[sflag:s31] =	ssyncset.done $0x0  }
0x28d: {  	s11 =	sshra.s32 s30, $0x2;
	s12 =	sadd.s32 $0x200, s30;
	[sflag:s31] =	ssyncadd.s32 $0xFFFFFC00  }
.LBB2_13:
0x28e: {  	p0 =	sne.s32 s12, $0xE00;
	[tilespmem:s11+$0x13B0] =	vst v0  }
0x28f: {  	[tilespmem:s11+$0x380] =	vst v0  }
0x290: {  	[tilespmem:s11+$0x390] =	vst v0  }
0x291: {  	[tilespmem:s11+$0x3A0] =	vst v0  }
0x292: {  	[tilespmem:s11+$0x3B0] =	vst v0  }
0x293: {  	[tilespmem:s11+$0x3C0] =	vst v0  }
0x294: {  	[tilespmem:s11+$0x3D0] =	vst v0  }
0x295: {  	[tilespmem:s11+$0x3E0] =	vst v0  }
0x296: {  	[tilespmem:s11+$0x3F0] =	vst v0  }
0x297: {  	[tilespmem:s11+$0x780] =	vst v0  }
0x298: {  	[tilespmem:s11+$0x790] =	vst v0  }
0x299: {  	[tilespmem:s11+$0x7A0] =	vst v0  }
0x29a: {  	[tilespmem:s11+$0x7B0] =	vst v0  }
0x29b: {  	[tilespmem:s11+$0x7C0] =	vst v0  }
0x29c: {  	[tilespmem:s11+$0x7D0] =	vst v0  }
0x29d: {  	[tilespmem:s11+$0x7E0] =	vst v0  }
0x29e: {  	[tilespmem:s11+$0x7F0] =	vst v0  }
0x29f: {  	[tilespmem:s11+$0xB80] =	vst v0  }
0x2a0: {  	[tilespmem:s11+$0xB90] =	vst v0  }
0x2a1: {  	[tilespmem:s11+$0xBA0] =	vst v0  }
0x2a2: {  	[tilespmem:s11+$0xBB0] =	vst v0  }
0x2a3: {  	[tilespmem:s11+$0xBC0] =	vst v0  }
0x2a4: {  	[tilespmem:s11+$0xBD0] =	vst v0  }
0x2a5: {  	[tilespmem:s11+$0xBE0] =	vst v0  }
0x2a6: {  	[tilespmem:s11+$0xBF0] =	vst v0  }
0x2a7: {  	[tilespmem:s11+$0xF80] =	vst v0  }
0x2a8: {  	[tilespmem:s11+$0xF90] =	vst v0  }
0x2a9: {  	[tilespmem:s11+$0xFA0] =	vst v0  }
0x2aa: {  	[tilespmem:s11+$0xFB0] =	vst v0  }
0x2ab: {  	[tilespmem:s11+$0xFC0] =	vst v0  }
0x2ac: {  	[tilespmem:s11+$0xFD0] =	vst v0  }
.Ltmp11:
0x2ad: {  	[tilespmem:s11+$0xFE0] =	vst v0;
	(pc) =	sbr.rel @p0 .LBB2_13-.Ltmp11, $4  }
0x2ae: {  	[tilespmem:s11+$0xFF0] =	vst v0  }
0x2af: {  	[tilespmem:s11+$0x1380] =	vst v0  }
0x2b0: {  	[tilespmem:s11+$0x1390] =	vst v0  }
0x2b1: {  	[tilespmem:s11+$0x13A0] =	vst v0;
	s11 =	sshra.s32 s12, $0x2;
	s12 =	sadd.s32 $0x200, s12  }
.LBB2_14:
0x2b2: {  	[tilespmem:s11+$0x13B0] =	vst v0  }
0x2b3: {  	[tilespmem:s11+$0x380] =	vst v0  }
0x2b4: {  	[tilespmem:s11+$0x390] =	vst v0  }
0x2b5: {  	[tilespmem:s11+$0x3A0] =	vst v0  }
0x2b6: {  	[tilespmem:s11+$0x3B0] =	vst v0  }
0x2b7: {  	[tilespmem:s11+$0x3C0] =	vst v0  }
0x2b8: {  	[tilespmem:s11+$0x3D0] =	vst v0  }
0x2b9: {  	[tilespmem:s11+$0x3E0] =	vst v0  }
0x2ba: {  	[tilespmem:s11+$0x3F0] =	vst v0  }
0x2bb: {  	[tilespmem:s11+$0x780] =	vst v0  }
0x2bc: {  	[tilespmem:s11+$0x790] =	vst v0  }
0x2bd: {  	[tilespmem:s11+$0x7A0] =	vst v0  }
0x2be: {  	[tilespmem:s11+$0x7B0] =	vst v0  }
0x2bf: {  	[tilespmem:s11+$0x7C0] =	vst v0  }
0x2c0: {  	[tilespmem:s11+$0x7D0] =	vst v0  }
0x2c1: {  	[tilespmem:s11+$0x7E0] =	vst v0  }
0x2c2: {  	[tilespmem:s11+$0x7F0] =	vst v0  }
0x2c3: {  	[tilespmem:s11+$0xB80] =	vst v0  }
0x2c4: {  	[tilespmem:s11+$0xB90] =	vst v0  }
0x2c5: {  	[tilespmem:s11+$0xBA0] =	vst v0  }
0x2c6: {  	[tilespmem:s11+$0xBB0] =	vst v0  }
0x2c7: {  	[tilespmem:s11+$0xBC0] =	vst v0  }
0x2c8: {  	[tilespmem:s11+$0xBD0] =	vst v0  }
0x2c9: {  	[tilespmem:s11+$0xBE0] =	vst v0  }
0x2ca: {  	[tilespmem:s11+$0xBF0] =	vst v0  }
0x2cb: {  	[tilespmem:s11+$0xF80] =	vst v0  }
0x2cc: {  	[tilespmem:s11+$0xF90] =	vst v0  }
0x2cd: {  	[tilespmem:s11+$0xFA0] =	vst v0  }
0x2ce: {  	[tilespmem:s11+$0xFB0] =	vst v0  }
0x2cf: {  	[tilespmem:s11+$0xFC0] =	vst v0  }
0x2d0: {  	[tilespmem:s11+$0xFD0] =	vst v0  }
0x2d1: {  	[tilespmem:s11+$0xFE0] =	vst v0  }
0x2d2: {  	[tilespmem:s11+$0xFF0] =	vst v0;
	s0 =	sor.u32 s23, s24  }
0x2d3: {  	[tilespmem:s11+$0x1380] =	vst v0;
	s3 =	sshll.u32 s0, $0x6  }
0x2d4: {  	[tilespmem:s11+$0x1390] =	vst v0;
	s3 =	sand.u32 $0x1FFFFE00, s3  }
0x2d5: {  	[tilespmem:s11+$0x13A0] =	vst v0;
	s3 =	sadd.s32 s4, s3  }
0x2d6: {  	[hbm4b:s3+s5] =	stream.linear.scatter [tilespmem:s7], [sflag:$0x6], $0x1000, $0x38;
	[tilespmem:$0x1F780] =	vst v63  }
0x2d7: {  	s0 =	sshll.u32 s0, $0x4;
	_ =	swait.ge [sflag:s31], $0x1000  }
0x2d8: {  	s0 =	sand.u32 $0x1FFFFF80, s0;
	[sflag:s31] =	ssyncset.done $0x0  }
0x2d9: {  	s0 =	sadd.s32 s10, s0;
	[sflag:s31] =	ssyncadd.s32 $0xFFFFF000  }
0x2da: {  	[hbm4b:s0+s5] =	stream.linear.scatter [tilespmem:s21], [sflag:$0x6], $0x400, $0x38;
	[tilespmem:$0x1F780] =	vst v63  }
0x2db: {  	_ =	swait.ge [sflag:s31], $0x400  }
0x2dc: {  	[sflag:s31] =	ssyncset.done $0x0  }
0x2dd: {  	[sflag:s31] =	ssyncadd.s32 $0xFFFFFC00  }
.LBB2_15:
0x2de: {  	s0 =	sadd.s32 $0xFFFFFFFF, s14  }
0x2df: {  	p0 =	sgt.u32 s0, $0x3E  }
0x2e0: {  	s11 =	sand.u32 @!p0 $0x7, s1  }
0x2e1: {  	p1 =	seq.s32 @!p0 s11, $0x0  }
0x2e2: {  	s0 =	simm.s32 @!p0 $0x0;
	p2 =	por !p1, p0  }
0x2e3: {  	s3 =	sand.u32 @!p0 $0x38, s1;
	s0 =	simm.s32 @p2 $0x8  }
0x2e4: {  	s0 =	sadd.s32 @!p0 s3, s0  }
0x2e5: {  	s3 =	ssub.s32 @!p0 $0x40, s0  }
0x2e6: {  	s12 =	sand.u32 @!p0 $0x18, s3  }
0x2e7: {  	p3 =	sgt.u32 @!p0 s0, $0x3F;
	p2 =	sne.s32 @!p0 s12, $0x0  }
0x2e8: {  	p2 =	por @!p0 !p3, !p2  }
0x2e9: {  	_ =	swait.ge [sflag:s2], $0x8000;
	p2 =	por @!p0 !p2, !p2  }
0x2ea: {  	s13 =	simm.s32 @!p0 $0x1;
	s12 =	sshrl.u32 @!p0 s3, $0x5;
	p2 =	por !p2, p0  }
0x2eb: {  	[sflag:s2] =	ssyncset.done $0x0;
	s12 =	sand.u32 @!p0 $0x1, s12;
	s13 =	simm.s32 @p2 $0x0  }
0x2ec: {  	[sflag:s2] =	ssyncadd.s32 $0xFFFF8000;
	p4 =	seq.s32 @!p0 s12, s13  }
0x2ed: {  	_ =	swait.ge [sflag:s2], $0x2000;
	p2 =	por p4, p0  }
0x2ee: {  	[sflag:s2] =	ssyncset.done $0x0;
	s12 =	sadd.s32 @!p2 s8, s0  }
0x2ef: {  	[sflag:s2] =	ssyncadd.s32 $0xFFFFE000;
	s13 =	sshll.u32 @!p2 s12, $0x6  }
0x2f0: {  	s14 =	simm.s32 @!p2 $0x0;
	s15 =	simm.s32 @!p2 $0x15780;
	s13 =	sadd.s32 @!p2 s4, s13  }
0x2f1: {  	[hbm4b:s13+s14] =	stream.linear.scatter @!p2 [tilespmem:s15], [sflag:$0x6], $0x4000, $0x38;
	[tilespmem:$0x1F780] =	vst v63  }
0x2f2: {  	s13 =	sshrl.u32 @!p0 s3, $0x3;
	s15 =	simm.s32 @!p2 $0x6  }
0x2f3: {  	s12 =	sshll.u32 @!p2 s12, $0x4;
	s13 =	sand.u32 @!p0 $0x1, s13;
	_ =	swait.ge @!p2 [sflag:s15], $0x4000  }
0x2f4: {  	s12 =	sadd.s32 @!p2 s10, s12;
	p5 =	seq.s32 @!p0 s13, $0x1;
	[sflag:s15] =	ssyncset.done @!p2 $0x0  }
0x2f5: {  	s13 =	simm.s32 @!p2 $0x1D780;
	p3 =	por @!p0 !p3, !p5;
	[sflag:s15] =	ssyncadd.s32 @!p2 $0xFFFFC000  }
0x2f6: {  	[hbm4b:s12+s14] =	stream.linear.scatter @!p2 [tilespmem:s13], [sflag:$0x6], $0x1000, $0x38;
	[tilespmem:$0x1F780] =	vst v63  }
0x2f7: {  	p4 =	por !p4, p0;
	p3 =	por @!p0 !p3, !p3  }
0x2f8: {  	s12 =	simm.s32 @!p0 $0x1;
	s13 =	sshrl.u32 @!p0 s3, $0x4;
	p3 =	por !p3, p0  }
0x2f9: {  	s14 =	simm.s32 @!p0 $0x0;
	s13 =	sand.u32 @!p0 $0x1, s13;
	s12 =	simm.s32 @p3 $0x0  }
0x2fa: {  	s14 =	simm.s32 @p4 $0x20;
	_ =	swait.ge @!p2 [sflag:s15], $0x1000;
	p4 =	seq.s32 @!p0 s13, s12  }
0x2fb: {  	s0 =	sadd.s32 @!p0 s0, s14;
	[sflag:s15] =	ssyncset.done @!p2 $0x0;
	p3 =	por p4, p0  }
0x2fc: {  	s3 =	sand.u32 @!p0 $0x8, s3;
	[sflag:s15] =	ssyncadd.s32 @!p2 $0xFFFFF000;
	s12 =	sadd.s32 @!p3 s8, s0  }
0x2fd: {  	p2 =	seq.s32 @!p0 s3, $0x0;
	s3 =	simm.s32 @!p0 $0x0;
	s13 =	sshll.u32 @!p3 s12, $0x6  }
0x2fe: {  	s14 =	simm.s32 @!p3 $0x0;
	s15 =	simm.s32 @!p3 $0x15780;
	s13 =	sadd.s32 @!p3 s4, s13  }
0x2ff: {  	[hbm4b:s13+s14] =	stream.linear.scatter @!p3 [tilespmem:s15], [sflag:$0x6], $0x2000, $0x38;
	[tilespmem:$0x1F780] =	vst v63  }
0x300: {  	p4 =	por !p4, p0;
	p2 =	por p2, p0;
	s13 =	simm.s32 @!p3 $0x6  }
0x301: {  	s3 =	simm.s32 @p4 $0x10;
	s0 =	sadd.s32 @!p2 s8, s0;
	_ =	swait.ge @!p3 [sflag:s13], $0x2000  }
0x302: {  	s12 =	sshll.u32 @!p3 s12, $0x4;
	s0 =	sadd.s32 @!p2 s3, s0;
	[sflag:s13] =	ssyncset.done @!p3 $0x0  }
0x303: {  	s12 =	sadd.s32 @!p3 s10, s12;
	s15 =	simm.s32 @!p3 $0x1D780;
	[sflag:s13] =	ssyncadd.s32 @!p3 $0xFFFFE000  }
0x304: {  	[hbm4b:s12+s14] =	stream.linear.scatter @!p3 [tilespmem:s15], [sflag:$0x6], $0x800, $0x38;
	[tilespmem:$0x1F780] =	vst v63  }
0x305: {  	s3 =	sshll.u32 @!p2 s0, $0x6;
	_ =	swait.ge @!p3 [sflag:s13], $0x800  }
0x306: {  	s3 =	sadd.s32 @!p2 s4, s3;
	[sflag:s13] =	ssyncset.done @!p3 $0x0  }
0x307: {  	s12 =	simm.s32 @!p2 $0x0;
	[sflag:s13] =	ssyncadd.s32 @!p3 $0xFFFFF800;
	s13 =	simm.s32 @!p2 $0x15780  }
0x308: {  	[hbm4b:s3+s12] =	stream.linear.scatter @!p2 [tilespmem:s13], [sflag:$0x6], $0x1000, $0x38;
	[tilespmem:$0x1F780] =	vst v63  }
0x309: {  	s3 =	simm.s32 @!p2 $0x6  }
0x30a: {  	s0 =	sshll.u32 @!p2 s0, $0x4;
	_ =	swait.ge @!p2 [sflag:s3], $0x1000  }
0x30b: {  	p0 =	por p0, p1;
	s0 =	sadd.s32 @!p2 s10, s0;
	[sflag:s3] =	ssyncset.done @!p2 $0x0  }
.Ltmp12:
0x30c: {  	s13 =	simm.s32 @!p2 $0x1D780;
	[sflag:s3] =	ssyncadd.s32 @!p2 $0xFFFFF000;
	(pc) =	sbr.rel @p0 .LBB2_19-.Ltmp12, $4  }
0x30d: {  	[hbm4b:s0+s12] =	stream.linear.scatter @!p2 [tilespmem:s13], [sflag:$0x6], $0x400, $0x38;
	[tilespmem:$0x1F780] =	vst v63  }
0x30e: {  	_ =	swait.ge @!p2 [sflag:s3], $0x400  }
0x30f: {  	[sflag:s3] =	ssyncset.done @!p2 $0x0  }
0x310: {  	[sflag:s3] =	ssyncadd.s32 @!p2 $0xFFFFFC00  }
0x311: {  	s0 =	sor.u32 s22, s1  }
0x312: {  	s3 =	sshll.u32 s0, $0x6  }
0x313: {  	s3 =	sand.u32 $0x1FFFFE00, s3  }
0x314: {  	s3 =	sadd.s32 s26, s3  }
0x315: {  	[tilespmem:s7], [sflag:$0x6] =	stream.linear.gather [hbm4b:s3+s5], $0x1000, $0x38;
	[tilespmem:$0x1F780] =	vst v63  }
0x316: {  	s30 =	sshll.u32 s11, $0x9;
	s0 =	sshll.u32 s0, $0x4;
	_ =	swait.ge [sflag:s31], $0x1000  }
0x317: {  	p0 =	sne.s32 s30, $0xE00;
	s0 =	sand.u32 $0x1FFFFF80, s0;
	[sflag:s31] =	ssyncset.done $0x0  }
.Ltmp13:
0x318: {  	s0 =	sadd.s32 s9, s0;
	[sflag:s31] =	ssyncadd.s32 $0xFFFFF000;
	(pc) =	sbr.rel @!p0 .LBB2_18-.Ltmp13, $4  }
0x319: {  	[tilespmem:s21], [sflag:$0x6] =	stream.linear.gather [hbm4b:s0+s5], $0x400, $0x38;
	[tilespmem:$0x1F780] =	vst v63  }
0x31a: {  	_ =	swait.ge [sflag:s31], $0x400  }
0x31b: {  	[sflag:s31] =	ssyncset.done $0x0  }
0x31c: {  	s11 =	sshra.s32 s30, $0x2;
	s12 =	sadd.s32 $0x200, s30;
	[sflag:s31] =	ssyncadd.s32 $0xFFFFFC00  }
.LBB2_17:
0x31d: {  	p0 =	sne.s32 s12, $0xE00;
	[tilespmem:s11+$0x13B0] =	vst v0  }
0x31e: {  	[tilespmem:s11+$0x380] =	vst v0  }
0x31f: {  	[tilespmem:s11+$0x390] =	vst v0  }
0x320: {  	[tilespmem:s11+$0x3A0] =	vst v0  }
0x321: {  	[tilespmem:s11+$0x3B0] =	vst v0  }
0x322: {  	[tilespmem:s11+$0x3C0] =	vst v0  }
0x323: {  	[tilespmem:s11+$0x3D0] =	vst v0  }
0x324: {  	[tilespmem:s11+$0x3E0] =	vst v0  }
0x325: {  	[tilespmem:s11+$0x3F0] =	vst v0  }
0x326: {  	[tilespmem:s11+$0x780] =	vst v0  }
0x327: {  	[tilespmem:s11+$0x790] =	vst v0  }
0x328: {  	[tilespmem:s11+$0x7A0] =	vst v0  }
0x329: {  	[tilespmem:s11+$0x7B0] =	vst v0  }
0x32a: {  	[tilespmem:s11+$0x7C0] =	vst v0  }
0x32b: {  	[tilespmem:s11+$0x7D0] =	vst v0  }
0x32c: {  	[tilespmem:s11+$0x7E0] =	vst v0  }
0x32d: {  	[tilespmem:s11+$0x7F0] =	vst v0  }
0x32e: {  	[tilespmem:s11+$0xB80] =	vst v0  }
0x32f: {  	[tilespmem:s11+$0xB90] =	vst v0  }
0x330: {  	[tilespmem:s11+$0xBA0] =	vst v0  }
0x331: {  	[tilespmem:s11+$0xBB0] =	vst v0  }
0x332: {  	[tilespmem:s11+$0xBC0] =	vst v0  }
0x333: {  	[tilespmem:s11+$0xBD0] =	vst v0  }
0x334: {  	[tilespmem:s11+$0xBE0] =	vst v0  }
0x335: {  	[tilespmem:s11+$0xBF0] =	vst v0  }
0x336: {  	[tilespmem:s11+$0xF80] =	vst v0  }
0x337: {  	[tilespmem:s11+$0xF90] =	vst v0  }
0x338: {  	[tilespmem:s11+$0xFA0] =	vst v0  }
0x339: {  	[tilespmem:s11+$0xFB0] =	vst v0  }
0x33a: {  	[tilespmem:s11+$0xFC0] =	vst v0  }
0x33b: {  	[tilespmem:s11+$0xFD0] =	vst v0  }
.Ltmp14:
0x33c: {  	[tilespmem:s11+$0xFE0] =	vst v0;
	(pc) =	sbr.rel @p0 .LBB2_17-.Ltmp14, $4  }
0x33d: {  	[tilespmem:s11+$0xFF0] =	vst v0  }
0x33e: {  	[tilespmem:s11+$0x1380] =	vst v0  }
0x33f: {  	[tilespmem:s11+$0x1390] =	vst v0  }
0x340: {  	[tilespmem:s11+$0x13A0] =	vst v0;
	s11 =	sshra.s32 s12, $0x2;
	s12 =	sadd.s32 $0x200, s12  }
.Ltmp15:
0x341: {  	_ = 	snop;
	(pc) =	sbr.rel .LBB2_18-.Ltmp15, $1  }
0x342: {  	_ =	sdelay $0x3  }
.LBB2_20:
0x343: {  	_ =	sfence.sel $0x180000  }
0x344: {  	[bflag:$0x0] =	sbarrier.arrive $0xFFFF  }
0x345: {  	_ =	strace $0x90000047  }
0x346: {  	s0 =	stileid.u32;
	[bflag:$0x2] =	sbarrier.arrive $0xFFFF  }
0x347: {  	p0 =	sne.s32 s0, $0x0;
	s0 =	rddreg [dreg:$0x5]  }
0x348: {  	s0 =	sadd.s32 @!p0 $0x100000, s0  }
0x349: {  	[sflag:s0] =	ssyncadd.tile.s32 @!p0 $0x1;
	_ =	shalt  }
.Lfunc_end2:
_tile_overlayer_lowered:
.L_overlay_start_2:
0x34a: {  	(tag) =	ssettag $0x2  }
0x34b: {  	s0 =	rddreg [dreg:$0x0];
	s2 =	stileid.u32  }
0x34c: {  	s1 =	rddreg [dreg:$0x1];
	p0 =	sne.s32 s2, $0x0  }
0x34d: {  	s3 =	rddreg [dreg:$0x2];
	[bflag:$0x3] =	sbarrier.arrive $0xFFFF;
	s2 =	simm.s32 @!p0 $0x1C06  }
0x34e: {  	[timem:s3], [sflag:s2] =	dma.local @!p0 [hbm:s0], s1  }
0x34f: {  	s0 =	simm.s32 @!p0 $0x6  }
0x350: {  	_ =	swait.ge @!p0 [sflag:s0], s1  }
0x351: {  	s1 =	ssub.s32 @!p0 $0x0, s1;
	[sflag:s0] =	ssyncset.done @!p0 $0x0  }
0x352: {  	[sflag:s0] =	ssyncadd.s32 @!p0 s1  }
0x353: {  	[bflag:$0x3] =	sbarrier.arrive $0xFFFF  }
0x354: {  	_ =	shalt  }

</sc_bundles>
